<compile_context>
chip_gen: v7x
topology: tpu7x:2x2x1
jax: 0.10.2.dev20260603
libtpu: 0.0.44.dev20260713+nightly
codegen_flags: <defaults>
</compile_context>

<pallas_src>
import functools

import jax
import jax.numpy as jnp
from jax import lax
from jax.experimental import pallas as pl
from jax.experimental.pallas import tpu as pltpu
from jax.experimental.pallas import tpu_sc as plsc

SEQ = 200
EMB = 16
BATCH = 4096
FLAT = SEQ * EMB
NROWS = BATCH * SEQ
VOCAB = 1000000
NG = SEQ // 8
QB = BATCH // 16

BK = 32768
BLKS = 31
RSH = (BK // 8).bit_length() - 1
VPAD = BLKS * BK

NUM_CORES = 2
NUM_SUBCORES = 16
NW = NUM_CORES * NUM_SUBCORES

CHUNK = 128
K = 8
G = NROWS // (NW * K * CHUNK)
NCHUNKS = NROWS // CHUNK
CH_PER_W = NCHUNKS // NW


def _repack_body(tt_ref, out_ref):
    x = tt_ref[...]
    y = jnp.concatenate(
        [x[:, (BK // 8) * k:(BK // 8) * (k + 1)] for k in range(8)], axis=0)
    out_ref[...] = jnp.swapaxes(y, 0, 1)


def _repack(table_t):
    return pl.pallas_call(
        _repack_body,
        out_shape=jax.ShapeDtypeStruct((VPAD // 8, 128), jnp.float32),
        grid=(BLKS,),
        in_specs=[pl.BlockSpec((EMB, BK), lambda j: (0, j))],
        out_specs=pl.BlockSpec((BK // 8, 128), lambda j: (j, 0)),
    )(table_t)


def _sc_idx_body(xt_hbm, out_hbm, xloc, idx_v):
    wid = lax.axis_index("s") * NUM_CORES + lax.axis_index("c")
    pltpu.sync_copy(xt_hbm.at[:, pl.ds(wid * 128, 128)], xloc)
    lane = lax.iota(jnp.int32, 16)
    rowpat = lane >> 3
    colpat = lane & 7

    def body(c, carry):
        for j in range(K):
            for v in range(8):
                rvec = 8 * c + colpat
                cvec = (16 * j + 2 * v) + rowpat
                vals = plsc.load_gather(xloc, [rvec, cvec])
                sw = ((vals & ~jnp.int32(BK - 1))
                      | ((vals & (BK // 8 - 1)) << 3)
                      | ((vals >> RSH) & 7))
                idx_v[c, j, pl.ds(16 * v, 16)] = sw
        return carry

    lax.fori_loop(0, NG, body, 0)
    pltpu.sync_copy(idx_v, out_hbm.at[wid])


_sc_idx = pl.kernel(
    _sc_idx_body,
    out_type=jax.ShapeDtypeStruct((NW, NG, K, CHUNK), jnp.int32),
    mesh=plsc.VectorSubcoreMesh(
        core_axis_name="c", subcore_axis_name="s",
        num_cores=NUM_CORES, num_subcores=NUM_SUBCORES),
    scratch_types=[
        pltpu.VMEM((SEQ, 128), jnp.int32),
        pltpu.VMEM((NG, K, CHUNK), jnp.int32),
    ],
    compiler_params=pltpu.CompilerParams(use_tc_tiling_on_sc=False,
                                         needs_layout_passes=False),
)


def _make_sc_gather(c0, nc):
    def body_fn(table_hbm, idx_hbm, out_hbm, idx_v, rows_v,
                gsem0, gsem1, wsem0, wsem1):
        wid = lax.axis_index("s") * NUM_CORES + lax.axis_index("c")
        q0 = wid * K
        gsem = (gsem0, gsem1)
        wsem = (wsem0, wsem1)
        pltpu.sync_copy(idx_hbm.at[wid, pl.ds(c0, nc)], idx_v)

        def fire(c, h):
            for j in range(K):
                pltpu.async_copy(table_hbm.at[idx_v.at[c, j]],
                                 rows_v.at[h, j], gsem[h])

        def wait_gather(h):
            for j in range(K):
                pltpu.make_async_copy(table_hbm.at[idx_v.at[0, j]],
                                      rows_v.at[h, j], gsem[h]).wait()

        def write(c, h):
            pltpu.async_copy(rows_v.at[h], out_hbm.at[c, pl.ds(q0, K)],
                             wsem[h])

        def wait_write(h):
            pltpu.make_async_copy(rows_v.at[h], out_hbm.at[0, pl.ds(q0, K)],
                                  wsem[h]).wait()

        fire(0, 0)
        fire(1, 1)

        def body(p, carry):
            for h in range(2):
                cc = 2 * p + h
                wait_gather(h)
                write(cc, h)

                @pl.when(cc <= nc - 3)
                def _():
                    wait_write(h)
                    fire(cc + 2, h)
            return carry

        lax.fori_loop(0, nc // 2, body, 0)
        if nc % 2:
            wait_gather(0)
            write(nc - 1, 0)
        wait_write((nc - 2) % 2)
        wait_write((nc - 1) % 2)

    return pl.kernel(
        body_fn,
        out_type=jax.ShapeDtypeStruct((nc, QB, CHUNK, EMB), jnp.float32),
        mesh=plsc.VectorSubcoreMesh(
            core_axis_name="c", subcore_axis_name="s",
            num_cores=NUM_CORES, num_subcores=NUM_SUBCORES),
        scratch_types=[
            pltpu.VMEM((nc, K, CHUNK), jnp.int32),
            pltpu.VMEM((2, K, CHUNK, EMB), jnp.float32),
            pltpu.SemaphoreType.DMA,
            pltpu.SemaphoreType.DMA,
            pltpu.SemaphoreType.DMA,
            pltpu.SemaphoreType.DMA,
        ],
        compiler_params=pltpu.CompilerParams(use_tc_tiling_on_sc=False,
                                             needs_layout_passes=False),
    )


_sc_gather = _make_sc_gather(0, NG)


BM = 512


def _tc_matmul_body(g_ref, pos_ref, w_ref, b_ref, out_ref):
    accp = jnp.dot(pos_ref[...], w_ref[...],
                   preferred_element_type=jnp.float32)
    acc = jnp.zeros((BM, 16), jnp.float32)
    for c in range(NG):
        acc = acc + jnp.dot(g_ref[c], w_ref[128 * c:128 * (c + 1), :],
                            preferred_element_type=jnp.float32)
    res = acc + accp + b_ref[...]
    out_ref[...] = jnp.swapaxes(res, 0, 1)


def _tc_matmul(g3, pos_flat, W, b2):
    return pl.pallas_call(
        _tc_matmul_body,
        out_shape=jax.ShapeDtypeStruct((16, BATCH), jnp.float32),
        grid=(BATCH // BM,),
        in_specs=[
            pl.BlockSpec((NG, BM, 128), lambda i: (0, i, 0)),
            pl.BlockSpec((1, FLAT), lambda i: (0, 0)),
            pl.BlockSpec((FLAT, 16), lambda i: (0, 0)),
            pl.BlockSpec((1, 16), lambda i: (0, 0)),
        ],
        out_specs=pl.BlockSpec((16, BM), lambda i: (0, i)),
    )(g3, pos_flat, W, b2)


def kernel(x, embed_table, pos_emb, W, b):
    xi = jnp.asarray(x, dtype=jnp.int32)
    idxall = _sc_idx(xi.T)
    packed = _repack(embed_table.T)
    table_lin = packed.reshape(VPAD, EMB)
    gathered = _sc_gather(table_lin, idxall)
    g3 = gathered.reshape(NG, BATCH, 128)
    out = _tc_matmul(g3, pos_emb.reshape(1, FLAT), W, b.reshape(1, 16))
    return out.T

# --- scband reference (transcript-rebuilt; emitter-appended) ---
"""Pipeline reference for scband-encoder-20074677142095 (READ-ONLY COPY).

The authoritative reference and input builder live on the scoring server;
editing this copy changes nothing except your own understanding.
"""

import jax, jax.numpy as jnp
import numpy as np

TRANSFORMER_LENGTH = 200
TRANSFORMER_VOCABULARY = 1000000
EMBED_WIDTH = 16
LATENT_DIM = 16
BATCH = 4096


def setup_inputs(seed: int = 0) -> dict:
    key = jax.random.key(seed)
    k_x, k_tab, k_pos, k_w, k_b = jax.random.split(key, 5)
    x = jax.random.randint(k_x, (BATCH, TRANSFORMER_LENGTH), 0, TRANSFORMER_VOCABULARY, dtype=jnp.int64 if jax.config.jax_enable_x64 else jnp.int32)
    embed_table = jax.random.normal(k_tab, (TRANSFORMER_VOCABULARY, EMBED_WIDTH), dtype=jnp.float32) * 0.02
    pos_emb = jax.random.normal(k_pos, (1, TRANSFORMER_LENGTH, EMBED_WIDTH), dtype=jnp.float32) * 0.02
    W = jax.random.normal(k_w, (TRANSFORMER_LENGTH * EMBED_WIDTH, LATENT_DIM), dtype=jnp.float32) * (1.0 / np.sqrt(TRANSFORMER_LENGTH * EMBED_WIDTH))
    b = jnp.zeros((LATENT_DIM,), dtype=jnp.float32)
    return {"x": x, "embed_table": embed_table, "pos_emb": pos_emb, "W": W, "b": b}


def reference(x, embed_table, pos_emb, W, b):
    # cast indices to int32 (mirrors the int64 -> int32 cast in the module)
    xi = jnp.asarray(x, dtype=jnp.int32)
    # embedding lookup: gather rows of the table (SparseCore-friendly)
    emb = jnp.take(embed_table, xi, axis=0)  # [B, L, E]
    emb = emb + pos_emb                      # broadcast positional embedding
    flat = emb.reshape((emb.shape[0], -1))   # [B, L*E]
    out = flat @ W + b                       # Dense 'encoding'
    return out

if __name__ == "__main__":
    import jax
    _d = setup_inputs()
    print(jax.jit(kernel)(*tuple(_d.values())))

</pallas_src>

<mosaic_0001>
#map = affine_map<(d0, d1) -> (0, 0)>
#map1 = affine_map<(d0, d1) -> (0, 0, 0, 0)>
module attributes {stable_mosaic.version = 14 : i64} {
  func.func @_sc_idx_body(%arg0: i32, %arg1: i32, %arg2: memref<200x4096xi32, #tpu.memory_space<hbm>>, %arg3: memref<32x25x8x128xi32, #tpu.memory_space<hbm>>, %arg4: memref<200x128xi32, #tpu.memory_space<vmem>>, %arg5: memref<25x8x128xi32, #tpu.memory_space<vmem>>) attributes {dimension_semantics = [#tpu.dimension_semantics<core_parallel>, #tpu.dimension_semantics<subcore_parallel>], iteration_bounds = array<i64: 2, 16>, scalar_prefetch = 0 : i64, scratch_operands = 2 : i64, tpu.core_type = #tpu.core_type<sc_vector_subcore>, window_params = [{transform_indices = #map}, {transform_indices = #map1}]} {
    %mul3A = arith.constant 2 : i32
    %mul3A_0 = arith.muli %arg1, %mul3A : i32
    %add3A = arith.addi %mul3A_0, %arg0 : i32
    %mul3A_1 = arith.constant 128 : i32
    %mul3A_2 = arith.muli %add3A, %mul3A_1 : i32
    "tpu.region"() ({
      %run_scoped3A = tpu.sem_alloc : memref<!tpu.dma_semaphore, #tpu.memory_space<semaphore_mem>>
      %dma_start3A = arith.constant 0 : i32
      %dma_start3A_12 = tpu.memref_slice %arg2[%dma_start3A, %mul3A_2] : memref<200x4096xi32, #tpu.memory_space<hbm>> -> memref<200x128xi32, #tpu.memory_space<hbm>>
      %dma_start3A_13 = arith.constant 0 : i32
      %dma_start3A_14 = tpu.memref_slice %arg2[%dma_start3A_13, %mul3A_2] : memref<200x4096xi32, #tpu.memory_space<hbm>> -> memref<200x128xi32, #tpu.memory_space<hbm>>
      tpu.enqueue_dma source(%dma_start3A_14 : memref<200x128xi32, #tpu.memory_space<hbm>>) target(%arg4 : memref<200x128xi32, #tpu.memory_space<vmem>>) target_semaphore(%run_scoped3A : memref<!tpu.dma_semaphore, #tpu.memory_space<semaphore_mem>>)
      %dma_wait3A = arith.constant 0 : i32
      %dma_wait3A_15 = tpu.memref_slice %arg2[%dma_wait3A, %mul3A_2] : memref<200x4096xi32, #tpu.memory_space<hbm>> -> memref<200x128xi32, #tpu.memory_space<hbm>>
      %dma_wait3A_16 = arith.constant 0 : i32
      %dma_wait3A_17 = tpu.memref_slice %arg2[%dma_wait3A_16, %mul3A_2] : memref<200x4096xi32, #tpu.memory_space<hbm>> -> memref<200x128xi32, #tpu.memory_space<hbm>>
      tpu.wait_dma2 semaphore(%run_scoped3A : memref<!tpu.dma_semaphore, #tpu.memory_space<semaphore_mem>>) src(%dma_wait3A_17 : memref<200x128xi32, #tpu.memory_space<hbm>>) dst(%arg4 : memref<200x128xi32, #tpu.memory_space<vmem>>)
      tpu.yield
    }) : () -> ()
    %iota3A = tpu.iota {dimensions = array<i32: 0>} : vector<16xi32>
    %shift_right_arithmetic3A = arith.constant 3 : i32
    %shift_right_arithmetic3A_3 = vector.broadcast %shift_right_arithmetic3A : i32 to vector<16xi32>
    %shift_right_arithmetic3A_4 = arith.shrsi %iota3A, %shift_right_arithmetic3A_3 : vector<16xi32>
    %and3A = arith.constant 7 : i32
    %and3A_5 = vector.broadcast %and3A : i32 to vector<16xi32>
    %and3A_6 = arith.andi %iota3A, %and3A_5 : vector<16xi32>
    %scan3A = arith.constant 0 : i32
    %scan3A_7 = arith.constant 0 : i32
    %scan3A_8 = arith.constant 25 : i32
    %scan3A_9 = arith.addi %scan3A_7, %scan3A_8 : i32
    %scan3A_10 = arith.constant 1 : i32
    scf.for %scan3A_12 = %scan3A_7 to %scan3A_9 step %scan3A_10  : i32 {
      %mul3A_13 = arith.constant 8 : i32
      %mul3A_14 = arith.muli %mul3A_13, %scan3A_12 : i32
      %add3A_15 = vector.broadcast %mul3A_14 : i32 to vector<16xi32>
      %add3A_16 = arith.addi %add3A_15, %and3A_6 : vector<16xi32>
      %add3A_17 = arith.constant 0 : i32
      %add3A_18 = vector.broadcast %add3A_17 : i32 to vector<16xi32>
      %add3A_19 = arith.addi %add3A_18, %shift_right_arithmetic3A_4 : vector<16xi32>
      %gather3A = tpu.vector_load_idx %arg4[%add3A_16, %add3A_19] : memref<200x128xi32, #tpu.memory_space<vmem>>[vector<16xi32>, vector<16xi32>], vector<16xi32>,
      %not3A = arith.constant 32767 : i32
      %not3A_20 = arith.constant -1 : i32
      %not3A_21 = arith.xori %not3A, %not3A_20 : i32
      %and3A_22 = vector.broadcast %not3A_21 : i32 to vector<16xi32>
      %and3A_23 = arith.andi %gather3A, %and3A_22 : vector<16xi32>
      %and3A_24 = arith.constant 4095 : i32
      %and3A_25 = vector.broadcast %and3A_24 : i32 to vector<16xi32>
      %and3A_26 = arith.andi %gather3A, %and3A_25 : vector<16xi32>
      %shift_left3A = arith.constant 3 : i32
      %shift_left3A_27 = vector.broadcast %shift_left3A : i32 to vector<16xi32>
      %shift_left3A_28 = arith.shli %and3A_26, %shift_left3A_27 : vector<16xi32>
      %or3A = arith.ori %and3A_23, %shift_left3A_28 : vector<16xi32>
      %shift_right_arithmetic3A_29 = arith.constant 12 : i32
      %shift_right_arithmetic3A_30 = vector.broadcast %shift_right_arithmetic3A_29 : i32 to vector<16xi32>
      %shift_right_arithmetic3A_31 = arith.shrsi %gather3A, %shift_right_arithmetic3A_30 : vector<16xi32>
      %and3A_32 = arith.constant 7 : i32
      %and3A_33 = vector.broadcast %and3A_32 : i32 to vector<16xi32>
      %and3A_34 = arith.andi %shift_right_arithmetic3A_31, %and3A_33 : vector<16xi32>
      %or3A_35 = arith.ori %or3A, %and3A_34 : vector<16xi32>
      %swap3A = arith.constant 0 : i32
      %swap3A_36 = arith.index_cast %scan3A_12 : i32 to index
      %swap3A_37 = arith.index_cast %swap3A : i32 to index
      %swap3A_38 = arith.constant 0 : index
      %swap3A_39 = tpu.vector_load %arg5[%swap3A_36, %swap3A_37, %swap3A_38] {strides = array<i32>} : memref<25x8x128xi32, #tpu.memory_space<vmem>>, vector<16xi32>,
      tpu.vector_store %arg5[%swap3A_36, %swap3A_37, %swap3A_38], %or3A_35 {strides = array<i32>} : memref<25x8x128xi32, #tpu.memory_space<vmem>>, vector<16xi32>,
      %mul3A_40 = arith.constant 8 : i32
      %mul3A_41 = arith.muli %mul3A_40, %scan3A_12 : i32
      %add3A_42 = vector.broadcast %mul3A_41 : i32 to vector<16xi32>
      %add3A_43 = arith.addi %add3A_42, %and3A_6 : vector<16xi32>
      %add3A_44 = arith.constant 2 : i32
      %add3A_45 = vector.broadcast %add3A_44 : i32 to vector<16xi32>
      %add3A_46 = arith.addi %add3A_45, %shift_right_arithmetic3A_4 : vector<16xi32>
      %gather3A_47 = tpu.vector_load_idx %arg4[%add3A_43, %add3A_46] : memref<200x128xi32, #tpu.memory_space<vmem>>[vector<16xi32>, vector<16xi32>], vector<16xi32>,
      %not3A_48 = arith.constant 32767 : i32
      %not3A_49 = arith.constant -1 : i32
      %not3A_50 = arith.xori %not3A_48, %not3A_49 : i32
      %and3A_51 = vector.broadcast %not3A_50 : i32 to vector<16xi32>
      %and3A_52 = arith.andi %gather3A_47, %and3A_51 : vector<16xi32>
      %and3A_53 = arith.constant 4095 : i32
      %and3A_54 = vector.broadcast %and3A_53 : i32 to vector<16xi32>
      %and3A_55 = arith.andi %gather3A_47, %and3A_54 : vector<16xi32>
      %shift_left3A_56 = arith.constant 3 : i32
      %shift_left3A_57 = vector.broadcast %shift_left3A_56 : i32 to vector<16xi32>
      %shift_left3A_58 = arith.shli %and3A_55, %shift_left3A_57 : vector<16xi32>
      %or3A_59 = arith.ori %and3A_52, %shift_left3A_58 : vector<16xi32>
      %shift_right_arithmetic3A_60 = arith.constant 12 : i32
      %shift_right_arithmetic3A_61 = vector.broadcast %shift_right_arithmetic3A_60 : i32 to vector<16xi32>
      %shift_right_arithmetic3A_62 = arith.shrsi %gather3A_47, %shift_right_arithmetic3A_61 : vector<16xi32>
      %and3A_63 = arith.constant 7 : i32
      %and3A_64 = vector.broadcast %and3A_63 : i32 to vector<16xi32>
      %and3A_65 = arith.andi %shift_right_arithmetic3A_62, %and3A_64 : vector<16xi32>
      %or3A_66 = arith.ori %or3A_59, %and3A_65 : vector<16xi32>
      %swap3A_67 = arith.constant 0 : i32
      %swap3A_68 = arith.index_cast %scan3A_12 : i32 to index
      %swap3A_69 = arith.index_cast %swap3A_67 : i32 to index
      %swap3A_70 = arith.constant 16 : index
      %swap3A_71 = tpu.vector_load %arg5[%swap3A_68, %swap3A_69, %swap3A_70] {strides = array<i32>} : memref<25x8x128xi32, #tpu.memory_space<vmem>>, vector<16xi32>,
      tpu.vector_store %arg5[%swap3A_68, %swap3A_69, %swap3A_70], %or3A_66 {strides = array<i32>} : memref<25x8x128xi32, #tpu.memory_space<vmem>>, vector<16xi32>,
      %mul3A_72 = arith.constant 8 : i32
      %mul3A_73 = arith.muli %mul3A_72, %scan3A_12 : i32
      %add3A_74 = vector.broadcast %mul3A_73 : i32 to vector<16xi32>
      %add3A_75 = arith.addi %add3A_74, %and3A_6 : vector<16xi32>
      %add3A_76 = arith.constant 4 : i32
      %add3A_77 = vector.broadcast %add3A_76 : i32 to vector<16xi32>
      %add3A_78 = arith.addi %add3A_77, %shift_right_arithmetic3A_4 : vector<16xi32>
      %gather3A_79 = tpu.vector_load_idx %arg4[%add3A_75, %add3A_78] : memref<200x128xi32, #tpu.memory_space<vmem>>[vector<16xi32>, vector<16xi32>], vector<16xi32>,
      %not3A_80 = arith.constant 32767 : i32
      %not3A_81 = arith.constant -1 : i32
      %not3A_82 = arith.xori %not3A_80, %not3A_81 : i32
      %and3A_83 = vector.broadcast %not3A_82 : i32 to vector<16xi32>
      %and3A_84 = arith.andi %gather3A_79, %and3A_83 : vector<16xi32>
      %and3A_85 = arith.constant 4095 : i32
      %and3A_86 = vector.broadcast %and3A_85 : i32 to vector<16xi32>
      %and3A_87 = arith.andi %gather3A_79, %and3A_86 : vector<16xi32>
      %shift_left3A_88 = arith.constant 3 : i32
      %shift_left3A_89 = vector.broadcast %shift_left3A_88 : i32 to vector<16xi32>
      %shift_left3A_90 = arith.shli %and3A_87, %shift_left3A_89 : vector<16xi32>
      %or3A_91 = arith.ori %and3A_84, %shift_left3A_90 : vector<16xi32>
      %shift_right_arithmetic3A_92 = arith.constant 12 : i32
      %shift_right_arithmetic3A_93 = vector.broadcast %shift_right_arithmetic3A_92 : i32 to vector<16xi32>
      %shift_right_arithmetic3A_94 = arith.shrsi %gather3A_79, %shift_right_arithmetic3A_93 : vector<16xi32>
      %and3A_95 = arith.constant 7 : i32
      %and3A_96 = vector.broadcast %and3A_95 : i32 to vector<16xi32>
      %and3A_97 = arith.andi %shift_right_arithmetic3A_94, %and3A_96 : vector<16xi32>
      %or3A_98 = arith.ori %or3A_91, %and3A_97 : vector<16xi32>
      %swap3A_99 = arith.constant 0 : i32
      %swap3A_100 = arith.index_cast %scan3A_12 : i32 to index
      %swap3A_101 = arith.index_cast %swap3A_99 : i32 to index
      %swap3A_102 = arith.constant 32 : index
      %swap3A_103 = tpu.vector_load %arg5[%swap3A_100, %swap3A_101, %swap3A_102] {strides = array<i32>} : memref<25x8x128xi32, #tpu.memory_space<vmem>>, vector<16xi32>,
      tpu.vector_store %arg5[%swap3A_100, %swap3A_101, %swap3A_102], %or3A_98 {strides = array<i32>} : memref<25x8x128xi32, #tpu.memory_space<vmem>>, vector<16xi32>,
      %mul3A_104 = arith.constant 8 : i32
      %mul3A_105 = arith.muli %mul3A_104, %scan3A_12 : i32
      %add3A_106 = vector.broadcast %mul3A_105 : i32 to vector<16xi32>
      %add3A_107 = arith.addi %add3A_106, %and3A_6 : vector<16xi32>
      %add3A_108 = arith.constant 6 : i32
      %add3A_109 = vector.broadcast %add3A_108 : i32 to vector<16xi32>
      %add3A_110 = arith.addi %add3A_109, %shift_right_arithmetic3A_4 : vector<16xi32>
      %gather3A_111 = tpu.vector_load_idx %arg4[%add3A_107, %add3A_110] : memref<200x128xi32, #tpu.memory_space<vmem>>[vector<16xi32>, vector<16xi32>], vector<16xi32>,
      %not3A_112 = arith.constant 32767 : i32
      %not3A_113 = arith.constant -1 : i32
      %not3A_114 = arith.xori %not3A_112, %not3A_113 : i32
      %and3A_115 = vector.broadcast %not3A_114 : i32 to vector<16xi32>
      %and3A_116 = arith.andi %gather3A_111, %and3A_115 : vector<16xi32>
      %and3A_117 = arith.constant 4095 : i32
      %and3A_118 = vector.broadcast %and3A_117 : i32 to vector<16xi32>
      %and3A_119 = arith.andi %gather3A_111, %and3A_118 : vector<16xi32>
      %shift_left3A_120 = arith.constant 3 : i32
      %shift_left3A_121 = vector.broadcast %shift_left3A_120 : i32 to vector<16xi32>
      %shift_left3A_122 = arith.shli %and3A_119, %shift_left3A_121 : vector<16xi32>
      %or3A_123 = arith.ori %and3A_116, %shift_left3A_122 : vector<16xi32>
      %shift_right_arithmetic3A_124 = arith.constant 12 : i32
      %shift_right_arithmetic3A_125 = vector.broadcast %shift_right_arithmetic3A_124 : i32 to vector<16xi32>
      %shift_right_arithmetic3A_126 = arith.shrsi %gather3A_111, %shift_right_arithmetic3A_125 : vector<16xi32>
      %and3A_127 = arith.constant 7 : i32
      %and3A_128 = vector.broadcast %and3A_127 : i32 to vector<16xi32>
      %and3A_129 = arith.andi %shift_right_arithmetic3A_126, %and3A_128 : vector<16xi32>
      %or3A_130 = arith.ori %or3A_123, %and3A_129 : vector<16xi32>
      %swap3A_131 = arith.constant 0 : i32
      %swap3A_132 = arith.index_cast %scan3A_12 : i32 to index
      %swap3A_133 = arith.index_cast %swap3A_131 : i32 to index
      %swap3A_134 = arith.constant 48 : index
      %swap3A_135 = tpu.vector_load %arg5[%swap3A_132, %swap3A_133, %swap3A_134] {strides = array<i32>} : memref<25x8x128xi32, #tpu.memory_space<vmem>>, vector<16xi32>,
      tpu.vector_store %arg5[%swap3A_132, %swap3A_133, %swap3A_134], %or3A_130 {strides = array<i32>} : memref<25x8x128xi32, #tpu.memory_space<vmem>>, vector<16xi32>,
      %mul3A_136 = arith.constant 8 : i32
      %mul3A_137 = arith.muli %mul3A_136, %scan3A_12 : i32
      %add3A_138 = vector.broadcast %mul3A_137 : i32 to vector<16xi32>
      %add3A_139 = arith.addi %add3A_138, %and3A_6 : vector<16xi32>
      %add3A_140 = arith.constant 8 : i32
      %add3A_141 = vector.broadcast %add3A_140 : i32 to vector<16xi32>
      %add3A_142 = arith.addi %add3A_141, %shift_right_arithmetic3A_4 : vector<16xi32>
      %gather3A_143 = tpu.vector_load_idx %arg4[%add3A_139, %add3A_142] : memref<200x128xi32, #tpu.memory_space<vmem>>[vector<16xi32>, vector<16xi32>], vector<16xi32>,
      %not3A_144 = arith.constant 32767 : i32
      %not3A_145 = arith.constant -1 : i32
      %not3A_146 = arith.xori %not3A_144, %not3A_145 : i32
      %and3A_147 = vector.broadcast %not3A_146 : i32 to vector<16xi32>
      %and3A_148 = arith.andi %gather3A_143, %and3A_147 : vector<16xi32>
      %and3A_149 = arith.constant 4095 : i32
      %and3A_150 = vector.broadcast %and3A_149 : i32 to vector<16xi32>
      %and3A_151 = arith.andi %gather3A_143, %and3A_150 : vector<16xi32>
      %shift_left3A_152 = arith.constant 3 : i32
      %shift_left3A_153 = vector.broadcast %shift_left3A_152 : i32 to vector<16xi32>
      %shift_left3A_154 = arith.shli %and3A_151, %shift_left3A_153 : vector<16xi32>
      %or3A_155 = arith.ori %and3A_148, %shift_left3A_154 : vector<16xi32>
      %shift_right_arithmetic3A_156 = arith.constant 12 : i32
      %shift_right_arithmetic3A_157 = vector.broadcast %shift_right_arithmetic3A_156 : i32 to vector<16xi32>
      %shift_right_arithmetic3A_158 = arith.shrsi %gather3A_143, %shift_right_arithmetic3A_157 : vector<16xi32>
      %and3A_159 = arith.constant 7 : i32
      %and3A_160 = vector.broadcast %and3A_159 : i32 to vector<16xi32>
      %and3A_161 = arith.andi %shift_right_arithmetic3A_158, %and3A_160 : vector<16xi32>
      %or3A_162 = arith.ori %or3A_155, %and3A_161 : vector<16xi32>
      %swap3A_163 = arith.constant 0 : i32
      %swap3A_164 = arith.index_cast %scan3A_12 : i32 to index
      %swap3A_165 = arith.index_cast %swap3A_163 : i32 to index
      %swap3A_166 = arith.constant 64 : index
      %swap3A_167 = tpu.vector_load %arg5[%swap3A_164, %swap3A_165, %swap3A_166] {strides = array<i32>} : memref<25x8x128xi32, #tpu.memory_space<vmem>>, vector<16xi32>,
      tpu.vector_store %arg5[%swap3A_164, %swap3A_165, %swap3A_166], %or3A_162 {strides = array<i32>} : memref<25x8x128xi32, #tpu.memory_space<vmem>>, vector<16xi32>,
      %mul3A_168 = arith.constant 8 : i32
      %mul3A_169 = arith.muli %mul3A_168, %scan3A_12 : i32
      %add3A_170 = vector.broadcast %mul3A_169 : i32 to vector<16xi32>
      %add3A_171 = arith.addi %add3A_170, %and3A_6 : vector<16xi32>
      %add3A_172 = arith.constant 10 : i32
      %add3A_173 = vector.broadcast %add3A_172 : i32 to vector<16xi32>
      %add3A_174 = arith.addi %add3A_173, %shift_right_arithmetic3A_4 : vector<16xi32>
      %gather3A_175 = tpu.vector_load_idx %arg4[%add3A_171, %add3A_174] : memref<200x128xi32, #tpu.memory_space<vmem>>[vector<16xi32>, vector<16xi32>], vector<16xi32>,
      %not3A_176 = arith.constant 32767 : i32
      %not3A_177 = arith.constant -1 : i32
      %not3A_178 = arith.xori %not3A_176, %not3A_177 : i32
      %and3A_179 = vector.broadcast %not3A_178 : i32 to vector<16xi32>
      %and3A_180 = arith.andi %gather3A_175, %and3A_179 : vector<16xi32>
      %and3A_181 = arith.constant 4095 : i32
      %and3A_182 = vector.broadcast %and3A_181 : i32 to vector<16xi32>
      %and3A_183 = arith.andi %gather3A_175, %and3A_182 : vector<16xi32>
      %shift_left3A_184 = arith.constant 3 : i32
      %shift_left3A_185 = vector.broadcast %shift_left3A_184 : i32 to vector<16xi32>
      %shift_left3A_186 = arith.shli %and3A_183, %shift_left3A_185 : vector<16xi32>
      %or3A_187 = arith.ori %and3A_180, %shift_left3A_186 : vector<16xi32>
      %shift_right_arithmetic3A_188 = arith.constant 12 : i32
      %shift_right_arithmetic3A_189 = vector.broadcast %shift_right_arithmetic3A_188 : i32 to vector<16xi32>
      %shift_right_arithmetic3A_190 = arith.shrsi %gather3A_175, %shift_right_arithmetic3A_189 : vector<16xi32>
      %and3A_191 = arith.constant 7 : i32
      %and3A_192 = vector.broadcast %and3A_191 : i32 to vector<16xi32>
      %and3A_193 = arith.andi %shift_right_arithmetic3A_190, %and3A_192 : vector<16xi32>
      %or3A_194 = arith.ori %or3A_187, %and3A_193 : vector<16xi32>
      %swap3A_195 = arith.constant 0 : i32
      %swap3A_196 = arith.index_cast %scan3A_12 : i32 to index
      %swap3A_197 = arith.index_cast %swap3A_195 : i32 to index
      %swap3A_198 = arith.constant 80 : index
      %swap3A_199 = tpu.vector_load %arg5[%swap3A_196, %swap3A_197, %swap3A_198] {strides = array<i32>} : memref<25x8x128xi32, #tpu.memory_space<vmem>>, vector<16xi32>,
      tpu.vector_store %arg5[%swap3A_196, %swap3A_197, %swap3A_198], %or3A_194 {strides = array<i32>} : memref<25x8x128xi32, #tpu.memory_space<vmem>>, vector<16xi32>,
      %mul3A_200 = arith.constant 8 : i32
      %mul3A_201 = arith.muli %mul3A_200, %scan3A_12 : i32
      %add3A_202 = vector.broadcast %mul3A_201 : i32 to vector<16xi32>
      %add3A_203 = arith.addi %add3A_202, %and3A_6 : vector<16xi32>
      %add3A_204 = arith.constant 12 : i32
      %add3A_205 = vector.broadcast %add3A_204 : i32 to vector<16xi32>
      %add3A_206 = arith.addi %add3A_205, %shift_right_arithmetic3A_4 : vector<16xi32>
      %gather3A_207 = tpu.vector_load_idx %arg4[%add3A_203, %add3A_206] : memref<200x128xi32, #tpu.memory_space<vmem>>[vector<16xi32>, vector<16xi32>], vector<16xi32>,
      %not3A_208 = arith.constant 32767 : i32
      %not3A_209 = arith.constant -1 : i32
      %not3A_210 = arith.xori %not3A_208, %not3A_209 : i32
      %and3A_211 = vector.broadcast %not3A_210 : i32 to vector<16xi32>
      %and3A_212 = arith.andi %gather3A_207, %and3A_211 : vector<16xi32>
      %and3A_213 = arith.constant 4095 : i32
      %and3A_214 = vector.broadcast %and3A_213 : i32 to vector<16xi32>
      %and3A_215 = arith.andi %gather3A_207, %and3A_214 : vector<16xi32>
      %shift_left3A_216 = arith.constant 3 : i32
      %shift_left3A_217 = vector.broadcast %shift_left3A_216 : i32 to vector<16xi32>
      %shift_left3A_218 = arith.shli %and3A_215, %shift_left3A_217 : vector<16xi32>
      %or3A_219 = arith.ori %and3A_212, %shift_left3A_218 : vector<16xi32>
      %shift_right_arithmetic3A_220 = arith.constant 12 : i32
      %shift_right_arithmetic3A_221 = vector.broadcast %shift_right_arithmetic3A_220 : i32 to vector<16xi32>
      %shift_right_arithmetic3A_222 = arith.shrsi %gather3A_207, %shift_right_arithmetic3A_221 : vector<16xi32>
      %and3A_223 = arith.constant 7 : i32
      %and3A_224 = vector.broadcast %and3A_223 : i32 to vector<16xi32>
      %and3A_225 = arith.andi %shift_right_arithmetic3A_222, %and3A_224 : vector<16xi32>
      %or3A_226 = arith.ori %or3A_219, %and3A_225 : vector<16xi32>
      %swap3A_227 = arith.constant 0 : i32
      %swap3A_228 = arith.index_cast %scan3A_12 : i32 to index
      %swap3A_229 = arith.index_cast %swap3A_227 : i32 to index
      %swap3A_230 = arith.constant 96 : index
      %swap3A_231 = tpu.vector_load %arg5[%swap3A_228, %swap3A_229, %swap3A_230] {strides = array<i32>} : memref<25x8x128xi32, #tpu.memory_space<vmem>>, vector<16xi32>,
      tpu.vector_store %arg5[%swap3A_228, %swap3A_229, %swap3A_230], %or3A_226 {strides = array<i32>} : memref<25x8x128xi32, #tpu.memory_space<vmem>>, vector<16xi32>,
      %mul3A_232 = arith.constant 8 : i32
      %mul3A_233 = arith.muli %mul3A_232, %scan3A_12 : i32
      %add3A_234 = vector.broadcast %mul3A_233 : i32 to vector<16xi32>
      %add3A_235 = arith.addi %add3A_234, %and3A_6 : vector<16xi32>
      %add3A_236 = arith.constant 14 : i32
      %add3A_237 = vector.broadcast %add3A_236 : i32 to vector<16xi32>
      %add3A_238 = arith.addi %add3A_237, %shift_right_arithmetic3A_4 : vector<16xi32>
      %gather3A_239 = tpu.vector_load_idx %arg4[%add3A_235, %add3A_238] : memref<200x128xi32, #tpu.memory_space<vmem>>[vector<16xi32>, vector<16xi32>], vector<16xi32>,
      %not3A_240 = arith.constant 32767 : i32
      %not3A_241 = arith.constant -1 : i32
      %not3A_242 = arith.xori %not3A_240, %not3A_241 : i32
      %and3A_243 = vector.broadcast %not3A_242 : i32 to vector<16xi32>
      %and3A_244 = arith.andi %gather3A_239, %and3A_243 : vector<16xi32>
      %and3A_245 = arith.constant 4095 : i32
      %and3A_246 = vector.broadcast %and3A_245 : i32 to vector<16xi32>
      %and3A_247 = arith.andi %gather3A_239, %and3A_246 : vector<16xi32>
      %shift_left3A_248 = arith.constant 3 : i32
      %shift_left3A_249 = vector.broadcast %shift_left3A_248 : i32 to vector<16xi32>
      %shift_left3A_250 = arith.shli %and3A_247, %shift_left3A_249 : vector<16xi32>
      %or3A_251 = arith.ori %and3A_244, %shift_left3A_250 : vector<16xi32>
      %shift_right_arithmetic3A_252 = arith.constant 12 : i32
      %shift_right_arithmetic3A_253 = vector.broadcast %shift_right_arithmetic3A_252 : i32 to vector<16xi32>
      %shift_right_arithmetic3A_254 = arith.shrsi %gather3A_239, %shift_right_arithmetic3A_253 : vector<16xi32>
      %and3A_255 = arith.constant 7 : i32
      %and3A_256 = vector.broadcast %and3A_255 : i32 to vector<16xi32>
      %and3A_257 = arith.andi %shift_right_arithmetic3A_254, %and3A_256 : vector<16xi32>
      %or3A_258 = arith.ori %or3A_251, %and3A_257 : vector<16xi32>
      %swap3A_259 = arith.constant 0 : i32
      %swap3A_260 = arith.index_cast %scan3A_12 : i32 to index
      %swap3A_261 = arith.index_cast %swap3A_259 : i32 to index
      %swap3A_262 = arith.constant 112 : index
      %swap3A_263 = tpu.vector_load %arg5[%swap3A_260, %swap3A_261, %swap3A_262] {strides = array<i32>} : memref<25x8x128xi32, #tpu.memory_space<vmem>>, vector<16xi32>,
      tpu.vector_store %arg5[%swap3A_260, %swap3A_261, %swap3A_262], %or3A_258 {strides = array<i32>} : memref<25x8x128xi32, #tpu.memory_space<vmem>>, vector<16xi32>,
      %mul3A_264 = arith.constant 8 : i32
      %mul3A_265 = arith.muli %mul3A_264, %scan3A_12 : i32
      %add3A_266 = vector.broadcast %mul3A_265 : i32 to vector<16xi32>
      %add3A_267 = arith.addi %add3A_266, %and3A_6 : vector<16xi32>
      %add3A_268 = arith.constant 16 : i32
      %add3A_269 = vector.broadcast %add3A_268 : i32 to vector<16xi32>
      %add3A_270 = arith.addi %add3A_269, %shift_right_arithmetic3A_4 : vector<16xi32>
      %gather3A_271 = tpu.vector_load_idx %arg4[%add3A_267, %add3A_270] : memref<200x128xi32, #tpu.memory_space<vmem>>[vector<16xi32>, vector<16xi32>], vector<16xi32>,
      %not3A_272 = arith.constant 32767 : i32
      %not3A_273 = arith.constant -1 : i32
      %not3A_274 = arith.xori %not3A_272, %not3A_273 : i32
      %and3A_275 = vector.broadcast %not3A_274 : i32 to vector<16xi32>
      %and3A_276 = arith.andi %gather3A_271, %and3A_275 : vector<16xi32>
      %and3A_277 = arith.constant 4095 : i32
      %and3A_278 = vector.broadcast %and3A_277 : i32 to vector<16xi32>
      %and3A_279 = arith.andi %gather3A_271, %and3A_278 : vector<16xi32>
      %shift_left3A_280 = arith.constant 3 : i32
      %shift_left3A_281 = vector.broadcast %shift_left3A_280 : i32 to vector<16xi32>
      %shift_left3A_282 = arith.shli %and3A_279, %shift_left3A_281 : vector<16xi32>
      %or3A_283 = arith.ori %and3A_276, %shift_left3A_282 : vector<16xi32>
      %shift_right_arithmetic3A_284 = arith.constant 12 : i32
      %shift_right_arithmetic3A_285 = vector.broadcast %shift_right_arithmetic3A_284 : i32 to vector<16xi32>
      %shift_right_arithmetic3A_286 = arith.shrsi %gather3A_271, %shift_right_arithmetic3A_285 : vector<16xi32>
      %and3A_287 = arith.constant 7 : i32
      %and3A_288 = vector.broadcast %and3A_287 : i32 to vector<16xi32>
      %and3A_289 = arith.andi %shift_right_arithmetic3A_286, %and3A_288 : vector<16xi32>
      %or3A_290 = arith.ori %or3A_283, %and3A_289 : vector<16xi32>
      %swap3A_291 = arith.constant 1 : i32
      %swap3A_292 = arith.index_cast %scan3A_12 : i32 to index
      %swap3A_293 = arith.index_cast %swap3A_291 : i32 to index
      %swap3A_294 = arith.constant 0 : index
      %swap3A_295 = tpu.vector_load %arg5[%swap3A_292, %swap3A_293, %swap3A_294] {strides = array<i32>} : memref<25x8x128xi32, #tpu.memory_space<vmem>>, vector<16xi32>,
      tpu.vector_store %arg5[%swap3A_292, %swap3A_293, %swap3A_294], %or3A_290 {strides = array<i32>} : memref<25x8x128xi32, #tpu.memory_space<vmem>>, vector<16xi32>,
      %mul3A_296 = arith.constant 8 : i32
      %mul3A_297 = arith.muli %mul3A_296, %scan3A_12 : i32
      %add3A_298 = vector.broadcast %mul3A_297 : i32 to vector<16xi32>
      %add3A_299 = arith.addi %add3A_298, %and3A_6 : vector<16xi32>
      %add3A_300 = arith.constant 18 : i32
      %add3A_301 = vector.broadcast %add3A_300 : i32 to vector<16xi32>
      %add3A_302 = arith.addi %add3A_301, %shift_right_arithmetic3A_4 : vector<16xi32>
      %gather3A_303 = tpu.vector_load_idx %arg4[%add3A_299, %add3A_302] : memref<200x128xi32, #tpu.memory_space<vmem>>[vector<16xi32>, vector<16xi32>], vector<16xi32>,
      %not3A_304 = arith.constant 32767 : i32
      %not3A_305 = arith.constant -1 : i32
      %not3A_306 = arith.xori %not3A_304, %not3A_305 : i32
      %and3A_307 = vector.broadcast %not3A_306 : i32 to vector<16xi32>
      %and3A_308 = arith.andi %gather3A_303, %and3A_307 : vector<16xi32>
      %and3A_309 = arith.constant 4095 : i32
      %and3A_310 = vector.broadcast %and3A_309 : i32 to vector<16xi32>
      %and3A_311 = arith.andi %gather3A_303, %and3A_310 : vector<16xi32>
      %shift_left3A_312 = arith.constant 3 : i32
      %shift_left3A_313 = vector.broadcast %shift_left3A_312 : i32 to vector<16xi32>
      %shift_left3A_314 = arith.shli %and3A_311, %shift_left3A_313 : vector<16xi32>
      %or3A_315 = arith.ori %and3A_308, %shift_left3A_314 : vector<16xi32>
      %shift_right_arithmetic3A_316 = arith.constant 12 : i32
      %shift_right_arithmetic3A_317 = vector.broadcast %shift_right_arithmetic3A_316 : i32 to vector<16xi32>
      %shift_right_arithmetic3A_318 = arith.shrsi %gather3A_303, %shift_right_arithmetic3A_317 : vector<16xi32>
      %and3A_319 = arith.constant 7 : i32
      %and3A_320 = vector.broadcast %and3A_319 : i32 to vector<16xi32>
      %and3A_321 = arith.andi %shift_right_arithmetic3A_318, %and3A_320 : vector<16xi32>
      %or3A_322 = arith.ori %or3A_315, %and3A_321 : vector<16xi32>
      %swap3A_323 = arith.constant 1 : i32
      %swap3A_324 = arith.index_cast %scan3A_12 : i32 to index
      %swap3A_325 = arith.index_cast %swap3A_323 : i32 to index
      %swap3A_326 = arith.constant 16 : index
      %swap3A_327 = tpu.vector_load %arg5[%swap3A_324, %swap3A_325, %swap3A_326] {strides = array<i32>} : memref<25x8x128xi32, #tpu.memory_space<vmem>>, vector<16xi32>,
      tpu.vector_store %arg5[%swap3A_324, %swap3A_325, %swap3A_326], %or3A_322 {strides = array<i32>} : memref<25x8x128xi32, #tpu.memory_space<vmem>>, vector<16xi32>,
      %mul3A_328 = arith.constant 8 : i32
      %mul3A_329 = arith.muli %mul3A_328, %scan3A_12 : i32
      %add3A_330 = vector.broadcast %mul3A_329 : i32 to vector<16xi32>
      %add3A_331 = arith.addi %add3A_330, %and3A_6 : vector<16xi32>
      %add3A_332 = arith.constant 20 : i32
      %add3A_333 = vector.broadcast %add3A_332 : i32 to vector<16xi32>
      %add3A_334 = arith.addi %add3A_333, %shift_right_arithmetic3A_4 : vector<16xi32>
      %gather3A_335 = tpu.vector_load_idx %arg4[%add3A_331, %add3A_334] : memref<200x128xi32, #tpu.memory_space<vmem>>[vector<16xi32>, vector<16xi32>], vector<16xi32>,
      %not3A_336 = arith.constant 32767 : i32
      %not3A_337 = arith.constant -1 : i32
      %not3A_338 = arith.xori %not3A_336, %not3A_337 : i32
      %and3A_339 = vector.broadcast %not3A_338 : i32 to vector<16xi32>
      %and3A_340 = arith.andi %gather3A_335, %and3A_339 : vector<16xi32>
      %and3A_341 = arith.constant 4095 : i32
      %and3A_342 = vector.broadcast %and3A_341 : i32 to vector<16xi32>
      %and3A_343 = arith.andi %gather3A_335, %and3A_342 : vector<16xi32>
      %shift_left3A_344 = arith.constant 3 : i32
      %shift_left3A_345 = vector.broadcast %shift_left3A_344 : i32 to vector<16xi32>
      %shift_left3A_346 = arith.shli %and3A_343, %shift_left3A_345 : vector<16xi32>
      %or3A_347 = arith.ori %and3A_340, %shift_left3A_346 : vector<16xi32>
      %shift_right_arithmetic3A_348 = arith.constant 12 : i32
      %shift_right_arithmetic3A_349 = vector.broadcast %shift_right_arithmetic3A_348 : i32 to vector<16xi32>
      %shift_right_arithmetic3A_350 = arith.shrsi %gather3A_335, %shift_right_arithmetic3A_349 : vector<16xi32>
      %and3A_351 = arith.constant 7 : i32
      %and3A_352 = vector.broadcast %and3A_351 : i32 to vector<16xi32>
      %and3A_353 = arith.andi %shift_right_arithmetic3A_350, %and3A_352 : vector<16xi32>
      %or3A_354 = arith.ori %or3A_347, %and3A_353 : vector<16xi32>
      %swap3A_355 = arith.constant 1 : i32
      %swap3A_356 = arith.index_cast %scan3A_12 : i32 to index
      %swap3A_357 = arith.index_cast %swap3A_355 : i32 to index
      %swap3A_358 = arith.constant 32 : index
      %swap3A_359 = tpu.vector_load %arg5[%swap3A_356, %swap3A_357, %swap3A_358] {strides = array<i32>} : memref<25x8x128xi32, #tpu.memory_space<vmem>>, vector<16xi32>,
      tpu.vector_store %arg5[%swap3A_356, %swap3A_357, %swap3A_358], %or3A_354 {strides = array<i32>} : memref<25x8x128xi32, #tpu.memory_space<vmem>>, vector<16xi32>,
      %mul3A_360 = arith.constant 8 : i32
      %mul3A_361 = arith.muli %mul3A_360, %scan3A_12 : i32
      %add3A_362 = vector.broadcast %mul3A_361 : i32 to vector<16xi32>
      %add3A_363 = arith.addi %add3A_362, %and3A_6 : vector<16xi32>
      %add3A_364 = arith.constant 22 : i32
      %add3A_365 = vector.broadcast %add3A_364 : i32 to vector<16xi32>
      %add3A_366 = arith.addi %add3A_365, %shift_right_arithmetic3A_4 : vector<16xi32>
      %gather3A_367 = tpu.vector_load_idx %arg4[%add3A_363, %add3A_366] : memref<200x128xi32, #tpu.memory_space<vmem>>[vector<16xi32>, vector<16xi32>], vector<16xi32>,
      %not3A_368 = arith.constant 32767 : i32
      %not3A_369 = arith.constant -1 : i32
      %not3A_370 = arith.xori %not3A_368, %not3A_369 : i32
      %and3A_371 = vector.broadcast %not3A_370 : i32 to vector<16xi32>
      %and3A_372 = arith.andi %gather3A_367, %and3A_371 : vector<16xi32>
      %and3A_373 = arith.constant 4095 : i32
      %and3A_374 = vector.broadcast %and3A_373 : i32 to vector<16xi32>
      %and3A_375 = arith.andi %gather3A_367, %and3A_374 : vector<16xi32>
      %shift_left3A_376 = arith.constant 3 : i32
      %shift_left3A_377 = vector.broadcast %shift_left3A_376 : i32 to vector<16xi32>
      %shift_left3A_378 = arith.shli %and3A_375, %shift_left3A_377 : vector<16xi32>
      %or3A_379 = arith.ori %and3A_372, %shift_left3A_378 : vector<16xi32>
      %shift_right_arithmetic3A_380 = arith.constant 12 : i32
      %shift_right_arithmetic3A_381 = vector.broadcast %shift_right_arithmetic3A_380 : i32 to vector<16xi32>
      %shift_right_arithmetic3A_382 = arith.shrsi %gather3A_367, %shift_right_arithmetic3A_381 : vector<16xi32>
      %and3A_383 = arith.constant 7 : i32
      %and3A_384 = vector.broadcast %and3A_383 : i32 to vector<16xi32>
      %and3A_385 = arith.andi %shift_right_arithmetic3A_382, %and3A_384 : vector<16xi32>
      %or3A_386 = arith.ori %or3A_379, %and3A_385 : vector<16xi32>
      %swap3A_387 = arith.constant 1 : i32
      %swap3A_388 = arith.index_cast %scan3A_12 : i32 to index
      %swap3A_389 = arith.index_cast %swap3A_387 : i32 to index
      %swap3A_390 = arith.constant 48 : index
      %swap3A_391 = tpu.vector_load %arg5[%swap3A_388, %swap3A_389, %swap3A_390] {strides = array<i32>} : memref<25x8x128xi32, #tpu.memory_space<vmem>>, vector<16xi32>,
      tpu.vector_store %arg5[%swap3A_388, %swap3A_389, %swap3A_390], %or3A_386 {strides = array<i32>} : memref<25x8x128xi32, #tpu.memory_space<vmem>>, vector<16xi32>,
      %mul3A_392 = arith.constant 8 : i32
      %mul3A_393 = arith.muli %mul3A_392, %scan3A_12 : i32
      %add3A_394 = vector.broadcast %mul3A_393 : i32 to vector<16xi32>
      %add3A_395 = arith.addi %add3A_394, %and3A_6 : vector<16xi32>
      %add3A_396 = arith.constant 24 : i32
      %add3A_397 = vector.broadcast %add3A_396 : i32 to vector<16xi32>
      %add3A_398 = arith.addi %add3A_397, %shift_right_arithmetic3A_4 : vector<16xi32>
      %gather3A_399 = tpu.vector_load_idx %arg4[%add3A_395, %add3A_398] : memref<200x128xi32, #tpu.memory_space<vmem>>[vector<16xi32>, vector<16xi32>], vector<16xi32>,
      %not3A_400 = arith.constant 32767 : i32
      %not3A_401 = arith.constant -1 : i32
      %not3A_402 = arith.xori %not3A_400, %not3A_401 : i32
      %and3A_403 = vector.broadcast %not3A_402 : i32 to vector<16xi32>
      %and3A_404 = arith.andi %gather3A_399, %and3A_403 : vector<16xi32>
      %and3A_405 = arith.constant 4095 : i32
      %and3A_406 = vector.broadcast %and3A_405 : i32 to vector<16xi32>
      %and3A_407 = arith.andi %gather3A_399, %and3A_406 : vector<16xi32>
      %shift_left3A_408 = arith.constant 3 : i32
      %shift_left3A_409 = vector.broadcast %shift_left3A_408 : i32 to vector<16xi32>
      %shift_left3A_410 = arith.shli %and3A_407, %shift_left3A_409 : vector<16xi32>
      %or3A_411 = arith.ori %and3A_404, %shift_left3A_410 : vector<16xi32>
      %shift_right_arithmetic3A_412 = arith.constant 12 : i32
      %shift_right_arithmetic3A_413 = vector.broadcast %shift_right_arithmetic3A_412 : i32 to vector<16xi32>
      %shift_right_arithmetic3A_414 = arith.shrsi %gather3A_399, %shift_right_arithmetic3A_413 : vector<16xi32>
      %and3A_415 = arith.constant 7 : i32
      %and3A_416 = vector.broadcast %and3A_415 : i32 to vector<16xi32>
      %and3A_417 = arith.andi %shift_right_arithmetic3A_414, %and3A_416 : vector<16xi32>
      %or3A_418 = arith.ori %or3A_411, %and3A_417 : vector<16xi32>
      %swap3A_419 = arith.constant 1 : i32
      %swap3A_420 = arith.index_cast %scan3A_12 : i32 to index
      %swap3A_421 = arith.index_cast %swap3A_419 : i32 to index
      %swap3A_422 = arith.constant 64 : index
      %swap3A_423 = tpu.vector_load %arg5[%swap3A_420, %swap3A_421, %swap3A_422] {strides = array<i32>} : memref<25x8x128xi32, #tpu.memory_space<vmem>>, vector<16xi32>,
      tpu.vector_store %arg5[%swap3A_420, %swap3A_421, %swap3A_422], %or3A_418 {strides = array<i32>} : memref<25x8x128xi32, #tpu.memory_space<vmem>>, vector<16xi32>,
      %mul3A_424 = arith.constant 8 : i32
      %mul3A_425 = arith.muli %mul3A_424, %scan3A_12 : i32
      %add3A_426 = vector.broadcast %mul3A_425 : i32 to vector<16xi32>
      %add3A_427 = arith.addi %add3A_426, %and3A_6 : vector<16xi32>
      %add3A_428 = arith.constant 26 : i32
      %add3A_429 = vector.broadcast %add3A_428 : i32 to vector<16xi32>
      %add3A_430 = arith.addi %add3A_429, %shift_right_arithmetic3A_4 : vector<16xi32>
      %gather3A_431 = tpu.vector_load_idx %arg4[%add3A_427, %add3A_430] : memref<200x128xi32, #tpu.memory_space<vmem>>[vector<16xi32>, vector<16xi32>], vector<16xi32>,
      %not3A_432 = arith.constant 32767 : i32
      %not3A_433 = arith.constant -1 : i32
      %not3A_434 = arith.xori %not3A_432, %not3A_433 : i32
      %and3A_435 = vector.broadcast %not3A_434 : i32 to vector<16xi32>
      %and3A_436 = arith.andi %gather3A_431, %and3A_435 : vector<16xi32>
      %and3A_437 = arith.constant 4095 : i32
      %and3A_438 = vector.broadcast %and3A_437 : i32 to vector<16xi32>
      %and3A_439 = arith.andi %gather3A_431, %and3A_438 : vector<16xi32>
      %shift_left3A_440 = arith.constant 3 : i32
      %shift_left3A_441 = vector.broadcast %shift_left3A_440 : i32 to vector<16xi32>
      %shift_left3A_442 = arith.shli %and3A_439, %shift_left3A_441 : vector<16xi32>
      %or3A_443 = arith.ori %and3A_436, %shift_left3A_442 : vector<16xi32>
      %shift_right_arithmetic3A_444 = arith.constant 12 : i32
      %shift_right_arithmetic3A_445 = vector.broadcast %shift_right_arithmetic3A_444 : i32 to vector<16xi32>
      %shift_right_arithmetic3A_446 = arith.shrsi %gather3A_431, %shift_right_arithmetic3A_445 : vector<16xi32>
      %and3A_447 = arith.constant 7 : i32
      %and3A_448 = vector.broadcast %and3A_447 : i32 to vector<16xi32>
      %and3A_449 = arith.andi %shift_right_arithmetic3A_446, %and3A_448 : vector<16xi32>
      %or3A_450 = arith.ori %or3A_443, %and3A_449 : vector<16xi32>
      %swap3A_451 = arith.constant 1 : i32
      %swap3A_452 = arith.index_cast %scan3A_12 : i32 to index
      %swap3A_453 = arith.index_cast %swap3A_451 : i32 to index
      %swap3A_454 = arith.constant 80 : index
      %swap3A_455 = tpu.vector_load %arg5[%swap3A_452, %swap3A_453, %swap3A_454] {strides = array<i32>} : memref<25x8x128xi32, #tpu.memory_space<vmem>>, vector<16xi32>,
      tpu.vector_store %arg5[%swap3A_452, %swap3A_453, %swap3A_454], %or3A_450 {strides = array<i32>} : memref<25x8x128xi32, #tpu.memory_space<vmem>>, vector<16xi32>,
      %mul3A_456 = arith.constant 8 : i32
      %mul3A_457 = arith.muli %mul3A_456, %scan3A_12 : i32
      %add3A_458 = vector.broadcast %mul3A_457 : i32 to vector<16xi32>
      %add3A_459 = arith.addi %add3A_458, %and3A_6 : vector<16xi32>
      %add3A_460 = arith.constant 28 : i32
      %add3A_461 = vector.broadcast %add3A_460 : i32 to vector<16xi32>
      %add3A_462 = arith.addi %add3A_461, %shift_right_arithmetic3A_4 : vector<16xi32>
      %gather3A_463 = tpu.vector_load_idx %arg4[%add3A_459, %add3A_462] : memref<200x128xi32, #tpu.memory_space<vmem>>[vector<16xi32>, vector<16xi32>], vector<16xi32>,
      %not3A_464 = arith.constant 32767 : i32
      %not3A_465 = arith.constant -1 : i32
      %not3A_466 = arith.xori %not3A_464, %not3A_465 : i32
      %and3A_467 = vector.broadcast %not3A_466 : i32 to vector<16xi32>
      %and3A_468 = arith.andi %gather3A_463, %and3A_467 : vector<16xi32>
      %and3A_469 = arith.constant 4095 : i32
      %and3A_470 = vector.broadcast %and3A_469 : i32 to vector<16xi32>
      %and3A_471 = arith.andi %gather3A_463, %and3A_470 : vector<16xi32>
      %shift_left3A_472 = arith.constant 3 : i32
      %shift_left3A_473 = vector.broadcast %shift_left3A_472 : i32 to vector<16xi32>
      %shift_left3A_474 = arith.shli %and3A_471, %shift_left3A_473 : vector<16xi32>
      %or3A_475 = arith.ori %and3A_468, %shift_left3A_474 : vector<16xi32>
      %shift_right_arithmetic3A_476 = arith.constant 12 : i32
      %shift_right_arithmetic3A_477 = vector.broadcast %shift_right_arithmetic3A_476 : i32 to vector<16xi32>
      %shift_right_arithmetic3A_478 = arith.shrsi %gather3A_463, %shift_right_arithmetic3A_477 : vector<16xi32>
      %and3A_479 = arith.constant 7 : i32
      %and3A_480 = vector.broadcast %and3A_479 : i32 to vector<16xi32>
      %and3A_481 = arith.andi %shift_right_arithmetic3A_478, %and3A_480 : vector<16xi32>
      %or3A_482 = arith.ori %or3A_475, %and3A_481 : vector<16xi32>
      %swap3A_483 = arith.constant 1 : i32
      %swap3A_484 = arith.index_cast %scan3A_12 : i32 to index
      %swap3A_485 = arith.index_cast %swap3A_483 : i32 to index
      %swap3A_486 = arith.constant 96 : index
      %swap3A_487 = tpu.vector_load %arg5[%swap3A_484, %swap3A_485, %swap3A_486] {strides = array<i32>} : memref<25x8x128xi32, #tpu.memory_space<vmem>>, vector<16xi32>,
      tpu.vector_store %arg5[%swap3A_484, %swap3A_485, %swap3A_486], %or3A_482 {strides = array<i32>} : memref<25x8x128xi32, #tpu.memory_space<vmem>>, vector<16xi32>,
      %mul3A_488 = arith.constant 8 : i32
      %mul3A_489 = arith.muli %mul3A_488, %scan3A_12 : i32
      %add3A_490 = vector.broadcast %mul3A_489 : i32 to vector<16xi32>
      %add3A_491 = arith.addi %add3A_490, %and3A_6 : vector<16xi32>
      %add3A_492 = arith.constant 30 : i32
      %add3A_493 = vector.broadcast %add3A_492 : i32 to vector<16xi32>
      %add3A_494 = arith.addi %add3A_493, %shift_right_arithmetic3A_4 : vector<16xi32>
      %gather3A_495 = tpu.vector_load_idx %arg4[%add3A_491, %add3A_494] : memref<200x128xi32, #tpu.memory_space<vmem>>[vector<16xi32>, vector<16xi32>], vector<16xi32>,
      %not3A_496 = arith.constant 32767 : i32
      %not3A_497 = arith.constant -1 : i32
      %not3A_498 = arith.xori %not3A_496, %not3A_497 : i32
      %and3A_499 = vector.broadcast %not3A_498 : i32 to vector<16xi32>
      %and3A_500 = arith.andi %gather3A_495, %and3A_499 : vector<16xi32>
      %and3A_501 = arith.constant 4095 : i32
      %and3A_502 = vector.broadcast %and3A_501 : i32 to vector<16xi32>
      %and3A_503 = arith.andi %gather3A_495, %and3A_502 : vector<16xi32>
      %shift_left3A_504 = arith.constant 3 : i32
      %shift_left3A_505 = vector.broadcast %shift_left3A_504 : i32 to vector<16xi32>
      %shift_left3A_506 = arith.shli %and3A_503, %shift_left3A_505 : vector<16xi32>
      %or3A_507 = arith.ori %and3A_500, %shift_left3A_506 : vector<16xi32>
      %shift_right_arithmetic3A_508 = arith.constant 12 : i32
      %shift_right_arithmetic3A_509 = vector.broadcast %shift_right_arithmetic3A_508 : i32 to vector<16xi32>
      %shift_right_arithmetic3A_510 = arith.shrsi %gather3A_495, %shift_right_arithmetic3A_509 : vector<16xi32>
      %and3A_511 = arith.constant 7 : i32
      %and3A_512 = vector.broadcast %and3A_511 : i32 to vector<16xi32>
      %and3A_513 = arith.andi %shift_right_arithmetic3A_510, %and3A_512 : vector<16xi32>
      %or3A_514 = arith.ori %or3A_507, %and3A_513 : vector<16xi32>
      %swap3A_515 = arith.constant 1 : i32
      %swap3A_516 = arith.index_cast %scan3A_12 : i32 to index
      %swap3A_517 = arith.index_cast %swap3A_515 : i32 to index
      %swap3A_518 = arith.constant 112 : index
      %swap3A_519 = tpu.vector_load %arg5[%swap3A_516, %swap3A_517, %swap3A_518] {strides = array<i32>} : memref<25x8x128xi32, #tpu.memory_space<vmem>>, vector<16xi32>,
      tpu.vector_store %arg5[%swap3A_516, %swap3A_517, %swap3A_518], %or3A_514 {strides = array<i32>} : memref<25x8x128xi32, #tpu.memory_space<vmem>>, vector<16xi32>,
      %mul3A_520 = arith.constant 8 : i32
      %mul3A_521 = arith.muli %mul3A_520, %scan3A_12 : i32
      %add3A_522 = vector.broadcast %mul3A_521 : i32 to vector<16xi32>
      %add3A_523 = arith.addi %add3A_522, %and3A_6 : vector<16xi32>
      %add3A_524 = arith.constant 32 : i32
      %add3A_525 = vector.broadcast %add3A_524 : i32 to vector<16xi32>
      %add3A_526 = arith.addi %add3A_525, %shift_right_arithmetic3A_4 : vector<16xi32>
      %gather3A_527 = tpu.vector_load_idx %arg4[%add3A_523, %add3A_526] : memref<200x128xi32, #tpu.memory_space<vmem>>[vector<16xi32>, vector<16xi32>], vector<16xi32>,
      %not3A_528 = arith.constant 32767 : i32
      %not3A_529 = arith.constant -1 : i32
      %not3A_530 = arith.xori %not3A_528, %not3A_529 : i32
      %and3A_531 = vector.broadcast %not3A_530 : i32 to vector<16xi32>
      %and3A_532 = arith.andi %gather3A_527, %and3A_531 : vector<16xi32>
      %and3A_533 = arith.constant 4095 : i32
      %and3A_534 = vector.broadcast %and3A_533 : i32 to vector<16xi32>
      %and3A_535 = arith.andi %gather3A_527, %and3A_534 : vector<16xi32>
      %shift_left3A_536 = arith.constant 3 : i32
      %shift_left3A_537 = vector.broadcast %shift_left3A_536 : i32 to vector<16xi32>
      %shift_left3A_538 = arith.shli %and3A_535, %shift_left3A_537 : vector<16xi32>
      %or3A_539 = arith.ori %and3A_532, %shift_left3A_538 : vector<16xi32>
      %shift_right_arithmetic3A_540 = arith.constant 12 : i32
      %shift_right_arithmetic3A_541 = vector.broadcast %shift_right_arithmetic3A_540 : i32 to vector<16xi32>
      %shift_right_arithmetic3A_542 = arith.shrsi %gather3A_527, %shift_right_arithmetic3A_541 : vector<16xi32>
      %and3A_543 = arith.constant 7 : i32
      %and3A_544 = vector.broadcast %and3A_543 : i32 to vector<16xi32>
      %and3A_545 = arith.andi %shift_right_arithmetic3A_542, %and3A_544 : vector<16xi32>
      %or3A_546 = arith.ori %or3A_539, %and3A_545 : vector<16xi32>
      %swap3A_547 = arith.constant 2 : i32
      %swap3A_548 = arith.index_cast %scan3A_12 : i32 to index
      %swap3A_549 = arith.index_cast %swap3A_547 : i32 to index
      %swap3A_550 = arith.constant 0 : index
      %swap3A_551 = tpu.vector_load %arg5[%swap3A_548, %swap3A_549, %swap3A_550] {strides = array<i32>} : memref<25x8x128xi32, #tpu.memory_space<vmem>>, vector<16xi32>,
      tpu.vector_store %arg5[%swap3A_548, %swap3A_549, %swap3A_550], %or3A_546 {strides = array<i32>} : memref<25x8x128xi32, #tpu.memory_space<vmem>>, vector<16xi32>,
      %mul3A_552 = arith.constant 8 : i32
      %mul3A_553 = arith.muli %mul3A_552, %scan3A_12 : i32
      %add3A_554 = vector.broadcast %mul3A_553 : i32 to vector<16xi32>
      %add3A_555 = arith.addi %add3A_554, %and3A_6 : vector<16xi32>
      %add3A_556 = arith.constant 34 : i32
      %add3A_557 = vector.broadcast %add3A_556 : i32 to vector<16xi32>
      %add3A_558 = arith.addi %add3A_557, %shift_right_arithmetic3A_4 : vector<16xi32>
      %gather3A_559 = tpu.vector_load_idx %arg4[%add3A_555, %add3A_558] : memref<200x128xi32, #tpu.memory_space<vmem>>[vector<16xi32>, vector<16xi32>], vector<16xi32>,
      %not3A_560 = arith.constant 32767 : i32
      %not3A_561 = arith.constant -1 : i32
      %not3A_562 = arith.xori %not3A_560, %not3A_561 : i32
      %and3A_563 = vector.broadcast %not3A_562 : i32 to vector<16xi32>
      %and3A_564 = arith.andi %gather3A_559, %and3A_563 : vector<16xi32>
      %and3A_565 = arith.constant 4095 : i32
      %and3A_566 = vector.broadcast %and3A_565 : i32 to vector<16xi32>
      %and3A_567 = arith.andi %gather3A_559, %and3A_566 : vector<16xi32>
      %shift_left3A_568 = arith.constant 3 : i32
      %shift_left3A_569 = vector.broadcast %shift_left3A_568 : i32 to vector<16xi32>
      %shift_left3A_570 = arith.shli %and3A_567, %shift_left3A_569 : vector<16xi32>
      %or3A_571 = arith.ori %and3A_564, %shift_left3A_570 : vector<16xi32>
      %shift_right_arithmetic3A_572 = arith.constant 12 : i32
      %shift_right_arithmetic3A_573 = vector.broadcast %shift_right_arithmetic3A_572 : i32 to vector<16xi32>
      %shift_right_arithmetic3A_574 = arith.shrsi %gather3A_559, %shift_right_arithmetic3A_573 : vector<16xi32>
      %and3A_575 = arith.constant 7 : i32
      %and3A_576 = vector.broadcast %and3A_575 : i32 to vector<16xi32>
      %and3A_577 = arith.andi %shift_right_arithmetic3A_574, %and3A_576 : vector<16xi32>
      %or3A_578 = arith.ori %or3A_571, %and3A_577 : vector<16xi32>
      %swap3A_579 = arith.constant 2 : i32
      %swap3A_580 = arith.index_cast %scan3A_12 : i32 to index
      %swap3A_581 = arith.index_cast %swap3A_579 : i32 to index
      %swap3A_582 = arith.constant 16 : index
      %swap3A_583 = tpu.vector_load %arg5[%swap3A_580, %swap3A_581, %swap3A_582] {strides = array<i32>} : memref<25x8x128xi32, #tpu.memory_space<vmem>>, vector<16xi32>,
      tpu.vector_store %arg5[%swap3A_580, %swap3A_581, %swap3A_582], %or3A_578 {strides = array<i32>} : memref<25x8x128xi32, #tpu.memory_space<vmem>>, vector<16xi32>,
      %mul3A_584 = arith.constant 8 : i32
      %mul3A_585 = arith.muli %mul3A_584, %scan3A_12 : i32
      %add3A_586 = vector.broadcast %mul3A_585 : i32 to vector<16xi32>
      %add3A_587 = arith.addi %add3A_586, %and3A_6 : vector<16xi32>
      %add3A_588 = arith.constant 36 : i32
      %add3A_589 = vector.broadcast %add3A_588 : i32 to vector<16xi32>
      %add3A_590 = arith.addi %add3A_589, %shift_right_arithmetic3A_4 : vector<16xi32>
      %gather3A_591 = tpu.vector_load_idx %arg4[%add3A_587, %add3A_590] : memref<200x128xi32, #tpu.memory_space<vmem>>[vector<16xi32>, vector<16xi32>], vector<16xi32>,
      %not3A_592 = arith.constant 32767 : i32
      %not3A_593 = arith.constant -1 : i32
      %not3A_594 = arith.xori %not3A_592, %not3A_593 : i32
      %and3A_595 = vector.broadcast %not3A_594 : i32 to vector<16xi32>
      %and3A_596 = arith.andi %gather3A_591, %and3A_595 : vector<16xi32>
      %and3A_597 = arith.constant 4095 : i32
      %and3A_598 = vector.broadcast %and3A_597 : i32 to vector<16xi32>
      %and3A_599 = arith.andi %gather3A_591, %and3A_598 : vector<16xi32>
      %shift_left3A_600 = arith.constant 3 : i32
      %shift_left3A_601 = vector.broadcast %shift_left3A_600 : i32 to vector<16xi32>
      %shift_left3A_602 = arith.shli %and3A_599, %shift_left3A_601 : vector<16xi32>
      %or3A_603 = arith.ori %and3A_596, %shift_left3A_602 : vector<16xi32>
      %shift_right_arithmetic3A_604 = arith.constant 12 : i32
      %shift_right_arithmetic3A_605 = vector.broadcast %shift_right_arithmetic3A_604 : i32 to vector<16xi32>
      %shift_right_arithmetic3A_606 = arith.shrsi %gather3A_591, %shift_right_arithmetic3A_605 : vector<16xi32>
      %and3A_607 = arith.constant 7 : i32
      %and3A_608 = vector.broadcast %and3A_607 : i32 to vector<16xi32>
      %and3A_609 = arith.andi %shift_right_arithmetic3A_606, %and3A_608 : vector<16xi32>
      %or3A_610 = arith.ori %or3A_603, %and3A_609 : vector<16xi32>
      %swap3A_611 = arith.constant 2 : i32
      %swap3A_612 = arith.index_cast %scan3A_12 : i32 to index
      %swap3A_613 = arith.index_cast %swap3A_611 : i32 to index
      %swap3A_614 = arith.constant 32 : index
      %swap3A_615 = tpu.vector_load %arg5[%swap3A_612, %swap3A_613, %swap3A_614] {strides = array<i32>} : memref<25x8x128xi32, #tpu.memory_space<vmem>>, vector<16xi32>,
      tpu.vector_store %arg5[%swap3A_612, %swap3A_613, %swap3A_614], %or3A_610 {strides = array<i32>} : memref<25x8x128xi32, #tpu.memory_space<vmem>>, vector<16xi32>,
      %mul3A_616 = arith.constant 8 : i32
      %mul3A_617 = arith.muli %mul3A_616, %scan3A_12 : i32
      %add3A_618 = vector.broadcast %mul3A_617 : i32 to vector<16xi32>
      %add3A_619 = arith.addi %add3A_618, %and3A_6 : vector<16xi32>
      %add3A_620 = arith.constant 38 : i32
      %add3A_621 = vector.broadcast %add3A_620 : i32 to vector<16xi32>
      %add3A_622 = arith.addi %add3A_621, %shift_right_arithmetic3A_4 : vector<16xi32>
      %gather3A_623 = tpu.vector_load_idx %arg4[%add3A_619, %add3A_622] : memref<200x128xi32, #tpu.memory_space<vmem>>[vector<16xi32>, vector<16xi32>], vector<16xi32>,
      %not3A_624 = arith.constant 32767 : i32
      %not3A_625 = arith.constant -1 : i32
      %not3A_626 = arith.xori %not3A_624, %not3A_625 : i32
      %and3A_627 = vector.broadcast %not3A_626 : i32 to vector<16xi32>
      %and3A_628 = arith.andi %gather3A_623, %and3A_627 : vector<16xi32>
      %and3A_629 = arith.constant 4095 : i32
      %and3A_630 = vector.broadcast %and3A_629 : i32 to vector<16xi32>
      %and3A_631 = arith.andi %gather3A_623, %and3A_630 : vector<16xi32>
      %shift_left3A_632 = arith.constant 3 : i32
      %shift_left3A_633 = vector.broadcast %shift_left3A_632 : i32 to vector<16xi32>
      %shift_left3A_634 = arith.shli %and3A_631, %shift_left3A_633 : vector<16xi32>
      %or3A_635 = arith.ori %and3A_628, %shift_left3A_634 : vector<16xi32>
      %shift_right_arithmetic3A_636 = arith.constant 12 : i32
      %shift_right_arithmetic3A_637 = vector.broadcast %shift_right_arithmetic3A_636 : i32 to vector<16xi32>
      %shift_right_arithmetic3A_638 = arith.shrsi %gather3A_623, %shift_right_arithmetic3A_637 : vector<16xi32>
      %and3A_639 = arith.constant 7 : i32
      %and3A_640 = vector.broadcast %and3A_639 : i32 to vector<16xi32>
      %and3A_641 = arith.andi %shift_right_arithmetic3A_638, %and3A_640 : vector<16xi32>
      %or3A_642 = arith.ori %or3A_635, %and3A_641 : vector<16xi32>
      %swap3A_643 = arith.constant 2 : i32
      %swap3A_644 = arith.index_cast %scan3A_12 : i32 to index
      %swap3A_645 = arith.index_cast %swap3A_643 : i32 to index
      %swap3A_646 = arith.constant 48 : index
      %swap3A_647 = tpu.vector_load %arg5[%swap3A_644, %swap3A_645, %swap3A_646] {strides = array<i32>} : memref<25x8x128xi32, #tpu.memory_space<vmem>>, vector<16xi32>,
      tpu.vector_store %arg5[%swap3A_644, %swap3A_645, %swap3A_646], %or3A_642 {strides = array<i32>} : memref<25x8x128xi32, #tpu.memory_space<vmem>>, vector<16xi32>,
      %mul3A_648 = arith.constant 8 : i32
      %mul3A_649 = arith.muli %mul3A_648, %scan3A_12 : i32
      %add3A_650 = vector.broadcast %mul3A_649 : i32 to vector<16xi32>
      %add3A_651 = arith.addi %add3A_650, %and3A_6 : vector<16xi32>
      %add3A_652 = arith.constant 40 : i32
      %add3A_653 = vector.broadcast %add3A_652 : i32 to vector<16xi32>
      %add3A_654 = arith.addi %add3A_653, %shift_right_arithmetic3A_4 : vector<16xi32>
      %gather3A_655 = tpu.vector_load_idx %arg4[%add3A_651, %add3A_654] : memref<200x128xi32, #tpu.memory_space<vmem>>[vector<16xi32>, vector<16xi32>], vector<16xi32>,
      %not3A_656 = arith.constant 32767 : i32
      %not3A_657 = arith.constant -1 : i32
      %not3A_658 = arith.xori %not3A_656, %not3A_657 : i32
      %and3A_659 = vector.broadcast %not3A_658 : i32 to vector<16xi32>
      %and3A_660 = arith.andi %gather3A_655, %and3A_659 : vector<16xi32>
      %and3A_661 = arith.constant 4095 : i32
      %and3A_662 = vector.broadcast %and3A_661 : i32 to vector<16xi32>
      %and3A_663 = arith.andi %gather3A_655, %and3A_662 : vector<16xi32>
      %shift_left3A_664 = arith.constant 3 : i32
      %shift_left3A_665 = vector.broadcast %shift_left3A_664 : i32 to vector<16xi32>
      %shift_left3A_666 = arith.shli %and3A_663, %shift_left3A_665 : vector<16xi32>
      %or3A_667 = arith.ori %and3A_660, %shift_left3A_666 : vector<16xi32>
      %shift_right_arithmetic3A_668 = arith.constant 12 : i32
      %shift_right_arithmetic3A_669 = vector.broadcast %shift_right_arithmetic3A_668 : i32 to vector<16xi32>
      %shift_right_arithmetic3A_670 = arith.shrsi %gather3A_655, %shift_right_arithmetic3A_669 : vector<16xi32>
      %and3A_671 = arith.constant 7 : i32
      %and3A_672 = vector.broadcast %and3A_671 : i32 to vector<16xi32>
      %and3A_673 = arith.andi %shift_right_arithmetic3A_670, %and3A_672 : vector<16xi32>
      %or3A_674 = arith.ori %or3A_667, %and3A_673 : vector<16xi32>
      %swap3A_675 = arith.constant 2 : i32
      %swap3A_676 = arith.index_cast %scan3A_12 : i32 to index
      %swap3A_677 = arith.index_cast %swap3A_675 : i32 to index
      %swap3A_678 = arith.constant 64 : index
      %swap3A_679 = tpu.vector_load %arg5[%swap3A_676, %swap3A_677, %swap3A_678] {strides = array<i32>} : memref<25x8x128xi32, #tpu.memory_space<vmem>>, vector<16xi32>,
      tpu.vector_store %arg5[%swap3A_676, %swap3A_677, %swap3A_678], %or3A_674 {strides = array<i32>} : memref<25x8x128xi32, #tpu.memory_space<vmem>>, vector<16xi32>,
      %mul3A_680 = arith.constant 8 : i32
      %mul3A_681 = arith.muli %mul3A_680, %scan3A_12 : i32
      %add3A_682 = vector.broadcast %mul3A_681 : i32 to vector<16xi32>
      %add3A_683 = arith.addi %add3A_682, %and3A_6 : vector<16xi32>
      %add3A_684 = arith.constant 42 : i32
      %add3A_685 = vector.broadcast %add3A_684 : i32 to vector<16xi32>
      %add3A_686 = arith.addi %add3A_685, %shift_right_arithmetic3A_4 : vector<16xi32>
      %gather3A_687 = tpu.vector_load_idx %arg4[%add3A_683, %add3A_686] : memref<200x128xi32, #tpu.memory_space<vmem>>[vector<16xi32>, vector<16xi32>], vector<16xi32>,
      %not3A_688 = arith.constant 32767 : i32
      %not3A_689 = arith.constant -1 : i32
      %not3A_690 = arith.xori %not3A_688, %not3A_689 : i32
      %and3A_691 = vector.broadcast %not3A_690 : i32 to vector<16xi32>
      %and3A_692 = arith.andi %gather3A_687, %and3A_691 : vector<16xi32>
      %and3A_693 = arith.constant 4095 : i32
      %and3A_694 = vector.broadcast %and3A_693 : i32 to vector<16xi32>
      %and3A_695 = arith.andi %gather3A_687, %and3A_694 : vector<16xi32>
      %shift_left3A_696 = arith.constant 3 : i32
      %shift_left3A_697 = vector.broadcast %shift_left3A_696 : i32 to vector<16xi32>
      %shift_left3A_698 = arith.shli %and3A_695, %shift_left3A_697 : vector<16xi32>
      %or3A_699 = arith.ori %and3A_692, %shift_left3A_698 : vector<16xi32>
      %shift_right_arithmetic3A_700 = arith.constant 12 : i32
      %shift_right_arithmetic3A_701 = vector.broadcast %shift_right_arithmetic3A_700 : i32 to vector<16xi32>
      %shift_right_arithmetic3A_702 = arith.shrsi %gather3A_687, %shift_right_arithmetic3A_701 : vector<16xi32>
      %and3A_703 = arith.constant 7 : i32
      %and3A_704 = vector.broadcast %and3A_703 : i32 to vector<16xi32>
      %and3A_705 = arith.andi %shift_right_arithmetic3A_702, %and3A_704 : vector<16xi32>
      %or3A_706 = arith.ori %or3A_699, %and3A_705 : vector<16xi32>
      %swap3A_707 = arith.constant 2 : i32
      %swap3A_708 = arith.index_cast %scan3A_12 : i32 to index
      %swap3A_709 = arith.index_cast %swap3A_707 : i32 to index
      %swap3A_710 = arith.constant 80 : index
      %swap3A_711 = tpu.vector_load %arg5[%swap3A_708, %swap3A_709, %swap3A_710] {strides = array<i32>} : memref<25x8x128xi32, #tpu.memory_space<vmem>>, vector<16xi32>,
      tpu.vector_store %arg5[%swap3A_708, %swap3A_709, %swap3A_710], %or3A_706 {strides = array<i32>} : memref<25x8x128xi32, #tpu.memory_space<vmem>>, vector<16xi32>,
      %mul3A_712 = arith.constant 8 : i32
      %mul3A_713 = arith.muli %mul3A_712, %scan3A_12 : i32
      %add3A_714 = vector.broadcast %mul3A_713 : i32 to vector<16xi32>
      %add3A_715 = arith.addi %add3A_714, %and3A_6 : vector<16xi32>
      %add3A_716 = arith.constant 44 : i32
      %add3A_717 = vector.broadcast %add3A_716 : i32 to vector<16xi32>
      %add3A_718 = arith.addi %add3A_717, %shift_right_arithmetic3A_4 : vector<16xi32>
      %gather3A_719 = tpu.vector_load_idx %arg4[%add3A_715, %add3A_718] : memref<200x128xi32, #tpu.memory_space<vmem>>[vector<16xi32>, vector<16xi32>], vector<16xi32>,
      %not3A_720 = arith.constant 32767 : i32
      %not3A_721 = arith.constant -1 : i32
      %not3A_722 = arith.xori %not3A_720, %not3A_721 : i32
      %and3A_723 = vector.broadcast %not3A_722 : i32 to vector<16xi32>
      %and3A_724 = arith.andi %gather3A_719, %and3A_723 : vector<16xi32>
      %and3A_725 = arith.constant 4095 : i32
      %and3A_726 = vector.broadcast %and3A_725 : i32 to vector<16xi32>
      %and3A_727 = arith.andi %gather3A_719, %and3A_726 : vector<16xi32>
      %shift_left3A_728 = arith.constant 3 : i32
      %shift_left3A_729 = vector.broadcast %shift_left3A_728 : i32 to vector<16xi32>
      %shift_left3A_730 = arith.shli %and3A_727, %shift_left3A_729 : vector<16xi32>
      %or3A_731 = arith.ori %and3A_724, %shift_left3A_730 : vector<16xi32>
      %shift_right_arithmetic3A_732 = arith.constant 12 : i32
      %shift_right_arithmetic3A_733 = vector.broadcast %shift_right_arithmetic3A_732 : i32 to vector<16xi32>
      %shift_right_arithmetic3A_734 = arith.shrsi %gather3A_719, %shift_right_arithmetic3A_733 : vector<16xi32>
      %and3A_735 = arith.constant 7 : i32
      %and3A_736 = vector.broadcast %and3A_735 : i32 to vector<16xi32>
      %and3A_737 = arith.andi %shift_right_arithmetic3A_734, %and3A_736 : vector<16xi32>
      %or3A_738 = arith.ori %or3A_731, %and3A_737 : vector<16xi32>
      %swap3A_739 = arith.constant 2 : i32
      %swap3A_740 = arith.index_cast %scan3A_12 : i32 to index
      %swap3A_741 = arith.index_cast %swap3A_739 : i32 to index
      %swap3A_742 = arith.constant 96 : index
      %swap3A_743 = tpu.vector_load %arg5[%swap3A_740, %swap3A_741, %swap3A_742] {strides = array<i32>} : memref<25x8x128xi32, #tpu.memory_space<vmem>>, vector<16xi32>,
      tpu.vector_store %arg5[%swap3A_740, %swap3A_741, %swap3A_742], %or3A_738 {strides = array<i32>} : memref<25x8x128xi32, #tpu.memory_space<vmem>>, vector<16xi32>,
      %mul3A_744 = arith.constant 8 : i32
      %mul3A_745 = arith.muli %mul3A_744, %scan3A_12 : i32
      %add3A_746 = vector.broadcast %mul3A_745 : i32 to vector<16xi32>
      %add3A_747 = arith.addi %add3A_746, %and3A_6 : vector<16xi32>
      %add3A_748 = arith.constant 46 : i32
      %add3A_749 = vector.broadcast %add3A_748 : i32 to vector<16xi32>
      %add3A_750 = arith.addi %add3A_749, %shift_right_arithmetic3A_4 : vector<16xi32>
      %gather3A_751 = tpu.vector_load_idx %arg4[%add3A_747, %add3A_750] : memref<200x128xi32, #tpu.memory_space<vmem>>[vector<16xi32>, vector<16xi32>], vector<16xi32>,
      %not3A_752 = arith.constant 32767 : i32
      %not3A_753 = arith.constant -1 : i32
      %not3A_754 = arith.xori %not3A_752, %not3A_753 : i32
      %and3A_755 = vector.broadcast %not3A_754 : i32 to vector<16xi32>
      %and3A_756 = arith.andi %gather3A_751, %and3A_755 : vector<16xi32>
      %and3A_757 = arith.constant 4095 : i32
      %and3A_758 = vector.broadcast %and3A_757 : i32 to vector<16xi32>
      %and3A_759 = arith.andi %gather3A_751, %and3A_758 : vector<16xi32>
      %shift_left3A_760 = arith.constant 3 : i32
      %shift_left3A_761 = vector.broadcast %shift_left3A_760 : i32 to vector<16xi32>
      %shift_left3A_762 = arith.shli %and3A_759, %shift_left3A_761 : vector<16xi32>
      %or3A_763 = arith.ori %and3A_756, %shift_left3A_762 : vector<16xi32>
      %shift_right_arithmetic3A_764 = arith.constant 12 : i32
      %shift_right_arithmetic3A_765 = vector.broadcast %shift_right_arithmetic3A_764 : i32 to vector<16xi32>
      %shift_right_arithmetic3A_766 = arith.shrsi %gather3A_751, %shift_right_arithmetic3A_765 : vector<16xi32>
      %and3A_767 = arith.constant 7 : i32
      %and3A_768 = vector.broadcast %and3A_767 : i32 to vector<16xi32>
      %and3A_769 = arith.andi %shift_right_arithmetic3A_766, %and3A_768 : vector<16xi32>
      %or3A_770 = arith.ori %or3A_763, %and3A_769 : vector<16xi32>
      %swap3A_771 = arith.constant 2 : i32
      %swap3A_772 = arith.index_cast %scan3A_12 : i32 to index
      %swap3A_773 = arith.index_cast %swap3A_771 : i32 to index
      %swap3A_774 = arith.constant 112 : index
      %swap3A_775 = tpu.vector_load %arg5[%swap3A_772, %swap3A_773, %swap3A_774] {strides = array<i32>} : memref<25x8x128xi32, #tpu.memory_space<vmem>>, vector<16xi32>,
      tpu.vector_store %arg5[%swap3A_772, %swap3A_773, %swap3A_774], %or3A_770 {strides = array<i32>} : memref<25x8x128xi32, #tpu.memory_space<vmem>>, vector<16xi32>,
      %mul3A_776 = arith.constant 8 : i32
      %mul3A_777 = arith.muli %mul3A_776, %scan3A_12 : i32
      %add3A_778 = vector.broadcast %mul3A_777 : i32 to vector<16xi32>
      %add3A_779 = arith.addi %add3A_778, %and3A_6 : vector<16xi32>
      %add3A_780 = arith.constant 48 : i32
      %add3A_781 = vector.broadcast %add3A_780 : i32 to vector<16xi32>
      %add3A_782 = arith.addi %add3A_781, %shift_right_arithmetic3A_4 : vector<16xi32>
      %gather3A_783 = tpu.vector_load_idx %arg4[%add3A_779, %add3A_782] : memref<200x128xi32, #tpu.memory_space<vmem>>[vector<16xi32>, vector<16xi32>], vector<16xi32>,
      %not3A_784 = arith.constant 32767 : i32
      %not3A_785 = arith.constant -1 : i32
      %not3A_786 = arith.xori %not3A_784, %not3A_785 : i32
      %and3A_787 = vector.broadcast %not3A_786 : i32 to vector<16xi32>
      %and3A_788 = arith.andi %gather3A_783, %and3A_787 : vector<16xi32>
      %and3A_789 = arith.constant 4095 : i32
      %and3A_790 = vector.broadcast %and3A_789 : i32 to vector<16xi32>
      %and3A_791 = arith.andi %gather3A_783, %and3A_790 : vector<16xi32>
      %shift_left3A_792 = arith.constant 3 : i32
      %shift_left3A_793 = vector.broadcast %shift_left3A_792 : i32 to vector<16xi32>
      %shift_left3A_794 = arith.shli %and3A_791, %shift_left3A_793 : vector<16xi32>
      %or3A_795 = arith.ori %and3A_788, %shift_left3A_794 : vector<16xi32>
      %shift_right_arithmetic3A_796 = arith.constant 12 : i32
      %shift_right_arithmetic3A_797 = vector.broadcast %shift_right_arithmetic3A_796 : i32 to vector<16xi32>
      %shift_right_arithmetic3A_798 = arith.shrsi %gather3A_783, %shift_right_arithmetic3A_797 : vector<16xi32>
      %and3A_799 = arith.constant 7 : i32
      %and3A_800 = vector.broadcast %and3A_799 : i32 to vector<16xi32>
      %and3A_801 = arith.andi %shift_right_arithmetic3A_798, %and3A_800 : vector<16xi32>
      %or3A_802 = arith.ori %or3A_795, %and3A_801 : vector<16xi32>
      %swap3A_803 = arith.constant 3 : i32
      %swap3A_804 = arith.index_cast %scan3A_12 : i32 to index
      %swap3A_805 = arith.index_cast %swap3A_803 : i32 to index
      %swap3A_806 = arith.constant 0 : index
      %swap3A_807 = tpu.vector_load %arg5[%swap3A_804, %swap3A_805, %swap3A_806] {strides = array<i32>} : memref<25x8x128xi32, #tpu.memory_space<vmem>>, vector<16xi32>,
      tpu.vector_store %arg5[%swap3A_804, %swap3A_805, %swap3A_806], %or3A_802 {strides = array<i32>} : memref<25x8x128xi32, #tpu.memory_space<vmem>>, vector<16xi32>,
      %mul3A_808 = arith.constant 8 : i32
      %mul3A_809 = arith.muli %mul3A_808, %scan3A_12 : i32
      %add3A_810 = vector.broadcast %mul3A_809 : i32 to vector<16xi32>
      %add3A_811 = arith.addi %add3A_810, %and3A_6 : vector<16xi32>
      %add3A_812 = arith.constant 50 : i32
      %add3A_813 = vector.broadcast %add3A_812 : i32 to vector<16xi32>
      %add3A_814 = arith.addi %add3A_813, %shift_right_arithmetic3A_4 : vector<16xi32>
      %gather3A_815 = tpu.vector_load_idx %arg4[%add3A_811, %add3A_814] : memref<200x128xi32, #tpu.memory_space<vmem>>[vector<16xi32>, vector<16xi32>], vector<16xi32>,
      %not3A_816 = arith.constant 32767 : i32
      %not3A_817 = arith.constant -1 : i32
      %not3A_818 = arith.xori %not3A_816, %not3A_817 : i32
      %and3A_819 = vector.broadcast %not3A_818 : i32 to vector<16xi32>
      %and3A_820 = arith.andi %gather3A_815, %and3A_819 : vector<16xi32>
      %and3A_821 = arith.constant 4095 : i32
      %and3A_822 = vector.broadcast %and3A_821 : i32 to vector<16xi32>
      %and3A_823 = arith.andi %gather3A_815, %and3A_822 : vector<16xi32>
      %shift_left3A_824 = arith.constant 3 : i32
      %shift_left3A_825 = vector.broadcast %shift_left3A_824 : i32 to vector<16xi32>
      %shift_left3A_826 = arith.shli %and3A_823, %shift_left3A_825 : vector<16xi32>
      %or3A_827 = arith.ori %and3A_820, %shift_left3A_826 : vector<16xi32>
      %shift_right_arithmetic3A_828 = arith.constant 12 : i32
      %shift_right_arithmetic3A_829 = vector.broadcast %shift_right_arithmetic3A_828 : i32 to vector<16xi32>
      %shift_right_arithmetic3A_830 = arith.shrsi %gather3A_815, %shift_right_arithmetic3A_829 : vector<16xi32>
      %and3A_831 = arith.constant 7 : i32
      %and3A_832 = vector.broadcast %and3A_831 : i32 to vector<16xi32>
      %and3A_833 = arith.andi %shift_right_arithmetic3A_830, %and3A_832 : vector<16xi32>
      %or3A_834 = arith.ori %or3A_827, %and3A_833 : vector<16xi32>
      %swap3A_835 = arith.constant 3 : i32
      %swap3A_836 = arith.index_cast %scan3A_12 : i32 to index
      %swap3A_837 = arith.index_cast %swap3A_835 : i32 to index
      %swap3A_838 = arith.constant 16 : index
      %swap3A_839 = tpu.vector_load %arg5[%swap3A_836, %swap3A_837, %swap3A_838] {strides = array<i32>} : memref<25x8x128xi32, #tpu.memory_space<vmem>>, vector<16xi32>,
      tpu.vector_store %arg5[%swap3A_836, %swap3A_837, %swap3A_838], %or3A_834 {strides = array<i32>} : memref<25x8x128xi32, #tpu.memory_space<vmem>>, vector<16xi32>,
      %mul3A_840 = arith.constant 8 : i32
      %mul3A_841 = arith.muli %mul3A_840, %scan3A_12 : i32
      %add3A_842 = vector.broadcast %mul3A_841 : i32 to vector<16xi32>
      %add3A_843 = arith.addi %add3A_842, %and3A_6 : vector<16xi32>
      %add3A_844 = arith.constant 52 : i32
      %add3A_845 = vector.broadcast %add3A_844 : i32 to vector<16xi32>
      %add3A_846 = arith.addi %add3A_845, %shift_right_arithmetic3A_4 : vector<16xi32>
      %gather3A_847 = tpu.vector_load_idx %arg4[%add3A_843, %add3A_846] : memref<200x128xi32, #tpu.memory_space<vmem>>[vector<16xi32>, vector<16xi32>], vector<16xi32>,
      %not3A_848 = arith.constant 32767 : i32
      %not3A_849 = arith.constant -1 : i32
      %not3A_850 = arith.xori %not3A_848, %not3A_849 : i32
      %and3A_851 = vector.broadcast %not3A_850 : i32 to vector<16xi32>
      %and3A_852 = arith.andi %gather3A_847, %and3A_851 : vector<16xi32>
      %and3A_853 = arith.constant 4095 : i32
      %and3A_854 = vector.broadcast %and3A_853 : i32 to vector<16xi32>
      %and3A_855 = arith.andi %gather3A_847, %and3A_854 : vector<16xi32>
      %shift_left3A_856 = arith.constant 3 : i32
      %shift_left3A_857 = vector.broadcast %shift_left3A_856 : i32 to vector<16xi32>
      %shift_left3A_858 = arith.shli %and3A_855, %shift_left3A_857 : vector<16xi32>
      %or3A_859 = arith.ori %and3A_852, %shift_left3A_858 : vector<16xi32>
      %shift_right_arithmetic3A_860 = arith.constant 12 : i32
      %shift_right_arithmetic3A_861 = vector.broadcast %shift_right_arithmetic3A_860 : i32 to vector<16xi32>
      %shift_right_arithmetic3A_862 = arith.shrsi %gather3A_847, %shift_right_arithmetic3A_861 : vector<16xi32>
      %and3A_863 = arith.constant 7 : i32
      %and3A_864 = vector.broadcast %and3A_863 : i32 to vector<16xi32>
      %and3A_865 = arith.andi %shift_right_arithmetic3A_862, %and3A_864 : vector<16xi32>
      %or3A_866 = arith.ori %or3A_859, %and3A_865 : vector<16xi32>
      %swap3A_867 = arith.constant 3 : i32
      %swap3A_868 = arith.index_cast %scan3A_12 : i32 to index
      %swap3A_869 = arith.index_cast %swap3A_867 : i32 to index
      %swap3A_870 = arith.constant 32 : index
      %swap3A_871 = tpu.vector_load %arg5[%swap3A_868, %swap3A_869, %swap3A_870] {strides = array<i32>} : memref<25x8x128xi32, #tpu.memory_space<vmem>>, vector<16xi32>,
      tpu.vector_store %arg5[%swap3A_868, %swap3A_869, %swap3A_870], %or3A_866 {strides = array<i32>} : memref<25x8x128xi32, #tpu.memory_space<vmem>>, vector<16xi32>,
      %mul3A_872 = arith.constant 8 : i32
      %mul3A_873 = arith.muli %mul3A_872, %scan3A_12 : i32
      %add3A_874 = vector.broadcast %mul3A_873 : i32 to vector<16xi32>
      %add3A_875 = arith.addi %add3A_874, %and3A_6 : vector<16xi32>
      %add3A_876 = arith.constant 54 : i32
      %add3A_877 = vector.broadcast %add3A_876 : i32 to vector<16xi32>
      %add3A_878 = arith.addi %add3A_877, %shift_right_arithmetic3A_4 : vector<16xi32>
      %gather3A_879 = tpu.vector_load_idx %arg4[%add3A_875, %add3A_878] : memref<200x128xi32, #tpu.memory_space<vmem>>[vector<16xi32>, vector<16xi32>], vector<16xi32>,
      %not3A_880 = arith.constant 32767 : i32
      %not3A_881 = arith.constant -1 : i32
      %not3A_882 = arith.xori %not3A_880, %not3A_881 : i32
      %and3A_883 = vector.broadcast %not3A_882 : i32 to vector<16xi32>
      %and3A_884 = arith.andi %gather3A_879, %and3A_883 : vector<16xi32>
      %and3A_885 = arith.constant 4095 : i32
      %and3A_886 = vector.broadcast %and3A_885 : i32 to vector<16xi32>
      %and3A_887 = arith.andi %gather3A_879, %and3A_886 : vector<16xi32>
      %shift_left3A_888 = arith.constant 3 : i32
      %shift_left3A_889 = vector.broadcast %shift_left3A_888 : i32 to vector<16xi32>
      %shift_left3A_890 = arith.shli %and3A_887, %shift_left3A_889 : vector<16xi32>
      %or3A_891 = arith.ori %and3A_884, %shift_left3A_890 : vector<16xi32>
      %shift_right_arithmetic3A_892 = arith.constant 12 : i32
      %shift_right_arithmetic3A_893 = vector.broadcast %shift_right_arithmetic3A_892 : i32 to vector<16xi32>
      %shift_right_arithmetic3A_894 = arith.shrsi %gather3A_879, %shift_right_arithmetic3A_893 : vector<16xi32>
      %and3A_895 = arith.constant 7 : i32
      %and3A_896 = vector.broadcast %and3A_895 : i32 to vector<16xi32>
      %and3A_897 = arith.andi %shift_right_arithmetic3A_894, %and3A_896 : vector<16xi32>
      %or3A_898 = arith.ori %or3A_891, %and3A_897 : vector<16xi32>
      %swap3A_899 = arith.constant 3 : i32
      %swap3A_900 = arith.index_cast %scan3A_12 : i32 to index
      %swap3A_901 = arith.index_cast %swap3A_899 : i32 to index
      %swap3A_902 = arith.constant 48 : index
      %swap3A_903 = tpu.vector_load %arg5[%swap3A_900, %swap3A_901, %swap3A_902] {strides = array<i32>} : memref<25x8x128xi32, #tpu.memory_space<vmem>>, vector<16xi32>,
      tpu.vector_store %arg5[%swap3A_900, %swap3A_901, %swap3A_902], %or3A_898 {strides = array<i32>} : memref<25x8x128xi32, #tpu.memory_space<vmem>>, vector<16xi32>,
      %mul3A_904 = arith.constant 8 : i32
      %mul3A_905 = arith.muli %mul3A_904, %scan3A_12 : i32
      %add3A_906 = vector.broadcast %mul3A_905 : i32 to vector<16xi32>
      %add3A_907 = arith.addi %add3A_906, %and3A_6 : vector<16xi32>
      %add3A_908 = arith.constant 56 : i32
      %add3A_909 = vector.broadcast %add3A_908 : i32 to vector<16xi32>
      %add3A_910 = arith.addi %add3A_909, %shift_right_arithmetic3A_4 : vector<16xi32>
      %gather3A_911 = tpu.vector_load_idx %arg4[%add3A_907, %add3A_910] : memref<200x128xi32, #tpu.memory_space<vmem>>[vector<16xi32>, vector<16xi32>], vector<16xi32>,
      %not3A_912 = arith.constant 32767 : i32
      %not3A_913 = arith.constant -1 : i32
      %not3A_914 = arith.xori %not3A_912, %not3A_913 : i32
      %and3A_915 = vector.broadcast %not3A_914 : i32 to vector<16xi32>
      %and3A_916 = arith.andi %gather3A_911, %and3A_915 : vector<16xi32>
      %and3A_917 = arith.constant 4095 : i32
      %and3A_918 = vector.broadcast %and3A_917 : i32 to vector<16xi32>
      %and3A_919 = arith.andi %gather3A_911, %and3A_918 : vector<16xi32>
      %shift_left3A_920 = arith.constant 3 : i32
      %shift_left3A_921 = vector.broadcast %shift_left3A_920 : i32 to vector<16xi32>
      %shift_left3A_922 = arith.shli %and3A_919, %shift_left3A_921 : vector<16xi32>
      %or3A_923 = arith.ori %and3A_916, %shift_left3A_922 : vector<16xi32>
      %shift_right_arithmetic3A_924 = arith.constant 12 : i32
      %shift_right_arithmetic3A_925 = vector.broadcast %shift_right_arithmetic3A_924 : i32 to vector<16xi32>
      %shift_right_arithmetic3A_926 = arith.shrsi %gather3A_911, %shift_right_arithmetic3A_925 : vector<16xi32>
      %and3A_927 = arith.constant 7 : i32
      %and3A_928 = vector.broadcast %and3A_927 : i32 to vector<16xi32>
      %and3A_929 = arith.andi %shift_right_arithmetic3A_926, %and3A_928 : vector<16xi32>
      %or3A_930 = arith.ori %or3A_923, %and3A_929 : vector<16xi32>
      %swap3A_931 = arith.constant 3 : i32
      %swap3A_932 = arith.index_cast %scan3A_12 : i32 to index
      %swap3A_933 = arith.index_cast %swap3A_931 : i32 to index
      %swap3A_934 = arith.constant 64 : index
      %swap3A_935 = tpu.vector_load %arg5[%swap3A_932, %swap3A_933, %swap3A_934] {strides = array<i32>} : memref<25x8x128xi32, #tpu.memory_space<vmem>>, vector<16xi32>,
      tpu.vector_store %arg5[%swap3A_932, %swap3A_933, %swap3A_934], %or3A_930 {strides = array<i32>} : memref<25x8x128xi32, #tpu.memory_space<vmem>>, vector<16xi32>,
      %mul3A_936 = arith.constant 8 : i32
      %mul3A_937 = arith.muli %mul3A_936, %scan3A_12 : i32
      %add3A_938 = vector.broadcast %mul3A_937 : i32 to vector<16xi32>
      %add3A_939 = arith.addi %add3A_938, %and3A_6 : vector<16xi32>
      %add3A_940 = arith.constant 58 : i32
      %add3A_941 = vector.broadcast %add3A_940 : i32 to vector<16xi32>
      %add3A_942 = arith.addi %add3A_941, %shift_right_arithmetic3A_4 : vector<16xi32>
      %gather3A_943 = tpu.vector_load_idx %arg4[%add3A_939, %add3A_942] : memref<200x128xi32, #tpu.memory_space<vmem>>[vector<16xi32>, vector<16xi32>], vector<16xi32>,
      %not3A_944 = arith.constant 32767 : i32
      %not3A_945 = arith.constant -1 : i32
      %not3A_946 = arith.xori %not3A_944, %not3A_945 : i32
      %and3A_947 = vector.broadcast %not3A_946 : i32 to vector<16xi32>
      %and3A_948 = arith.andi %gather3A_943, %and3A_947 : vector<16xi32>
      %and3A_949 = arith.constant 4095 : i32
      %and3A_950 = vector.broadcast %and3A_949 : i32 to vector<16xi32>
      %and3A_951 = arith.andi %gather3A_943, %and3A_950 : vector<16xi32>
      %shift_left3A_952 = arith.constant 3 : i32
      %shift_left3A_953 = vector.broadcast %shift_left3A_952 : i32 to vector<16xi32>
      %shift_left3A_954 = arith.shli %and3A_951, %shift_left3A_953 : vector<16xi32>
      %or3A_955 = arith.ori %and3A_948, %shift_left3A_954 : vector<16xi32>
      %shift_right_arithmetic3A_956 = arith.constant 12 : i32
      %shift_right_arithmetic3A_957 = vector.broadcast %shift_right_arithmetic3A_956 : i32 to vector<16xi32>
      %shift_right_arithmetic3A_958 = arith.shrsi %gather3A_943, %shift_right_arithmetic3A_957 : vector<16xi32>
      %and3A_959 = arith.constant 7 : i32
      %and3A_960 = vector.broadcast %and3A_959 : i32 to vector<16xi32>
      %and3A_961 = arith.andi %shift_right_arithmetic3A_958, %and3A_960 : vector<16xi32>
      %or3A_962 = arith.ori %or3A_955, %and3A_961 : vector<16xi32>
      %swap3A_963 = arith.constant 3 : i32
      %swap3A_964 = arith.index_cast %scan3A_12 : i32 to index
      %swap3A_965 = arith.index_cast %swap3A_963 : i32 to index
      %swap3A_966 = arith.constant 80 : index
      %swap3A_967 = tpu.vector_load %arg5[%swap3A_964, %swap3A_965, %swap3A_966] {strides = array<i32>} : memref<25x8x128xi32, #tpu.memory_space<vmem>>, vector<16xi32>,
      tpu.vector_store %arg5[%swap3A_964, %swap3A_965, %swap3A_966], %or3A_962 {strides = array<i32>} : memref<25x8x128xi32, #tpu.memory_space<vmem>>, vector<16xi32>,
      %mul3A_968 = arith.constant 8 : i32
      %mul3A_969 = arith.muli %mul3A_968, %scan3A_12 : i32
      %add3A_970 = vector.broadcast %mul3A_969 : i32 to vector<16xi32>
      %add3A_971 = arith.addi %add3A_970, %and3A_6 : vector<16xi32>
      %add3A_972 = arith.constant 60 : i32
      %add3A_973 = vector.broadcast %add3A_972 : i32 to vector<16xi32>
      %add3A_974 = arith.addi %add3A_973, %shift_right_arithmetic3A_4 : vector<16xi32>
      %gather3A_975 = tpu.vector_load_idx %arg4[%add3A_971, %add3A_974] : memref<200x128xi32, #tpu.memory_space<vmem>>[vector<16xi32>, vector<16xi32>], vector<16xi32>,
      %not3A_976 = arith.constant 32767 : i32
      %not3A_977 = arith.constant -1 : i32
      %not3A_978 = arith.xori %not3A_976, %not3A_977 : i32
      %and3A_979 = vector.broadcast %not3A_978 : i32 to vector<16xi32>
      %and3A_980 = arith.andi %gather3A_975, %and3A_979 : vector<16xi32>
      %and3A_981 = arith.constant 4095 : i32
      %and3A_982 = vector.broadcast %and3A_981 : i32 to vector<16xi32>
      %and3A_983 = arith.andi %gather3A_975, %and3A_982 : vector<16xi32>
      %shift_left3A_984 = arith.constant 3 : i32
      %shift_left3A_985 = vector.broadcast %shift_left3A_984 : i32 to vector<16xi32>
      %shift_left3A_986 = arith.shli %and3A_983, %shift_left3A_985 : vector<16xi32>
      %or3A_987 = arith.ori %and3A_980, %shift_left3A_986 : vector<16xi32>
      %shift_right_arithmetic3A_988 = arith.constant 12 : i32
      %shift_right_arithmetic3A_989 = vector.broadcast %shift_right_arithmetic3A_988 : i32 to vector<16xi32>
      %shift_right_arithmetic3A_990 = arith.shrsi %gather3A_975, %shift_right_arithmetic3A_989 : vector<16xi32>
      %and3A_991 = arith.constant 7 : i32
      %and3A_992 = vector.broadcast %and3A_991 : i32 to vector<16xi32>
      %and3A_993 = arith.andi %shift_right_arithmetic3A_990, %and3A_992 : vector<16xi32>
      %or3A_994 = arith.ori %or3A_987, %and3A_993 : vector<16xi32>
      %swap3A_995 = arith.constant 3 : i32
      %swap3A_996 = arith.index_cast %scan3A_12 : i32 to index
      %swap3A_997 = arith.index_cast %swap3A_995 : i32 to index
      %swap3A_998 = arith.constant 96 : index
      %swap3A_999 = tpu.vector_load %arg5[%swap3A_996, %swap3A_997, %swap3A_998] {strides = array<i32>} : memref<25x8x128xi32, #tpu.memory_space<vmem>>, vector<16xi32>,
      tpu.vector_store %arg5[%swap3A_996, %swap3A_997, %swap3A_998], %or3A_994 {strides = array<i32>} : memref<25x8x128xi32, #tpu.memory_space<vmem>>, vector<16xi32>,
      %mul3A_1000 = arith.constant 8 : i32
      %mul3A_1001 = arith.muli %mul3A_1000, %scan3A_12 : i32
      %add3A_1002 = vector.broadcast %mul3A_1001 : i32 to vector<16xi32>
      %add3A_1003 = arith.addi %add3A_1002, %and3A_6 : vector<16xi32>
      %add3A_1004 = arith.constant 62 : i32
      %add3A_1005 = vector.broadcast %add3A_1004 : i32 to vector<16xi32>
      %add3A_1006 = arith.addi %add3A_1005, %shift_right_arithmetic3A_4 : vector<16xi32>
      %gather3A_1007 = tpu.vector_load_idx %arg4[%add3A_1003, %add3A_1006] : memref<200x128xi32, #tpu.memory_space<vmem>>[vector<16xi32>, vector<16xi32>], vector<16xi32>,
      %not3A_1008 = arith.constant 32767 : i32
      %not3A_1009 = arith.constant -1 : i32
      %not3A_1010 = arith.xori %not3A_1008, %not3A_1009 : i32
      %and3A_1011 = vector.broadcast %not3A_1010 : i32 to vector<16xi32>
      %and3A_1012 = arith.andi %gather3A_1007, %and3A_1011 : vector<16xi32>
      %and3A_1013 = arith.constant 4095 : i32
      %and3A_1014 = vector.broadcast %and3A_1013 : i32 to vector<16xi32>
      %and3A_1015 = arith.andi %gather3A_1007, %and3A_1014 : vector<16xi32>
      %shift_left3A_1016 = arith.constant 3 : i32
      %shift_left3A_1017 = vector.broadcast %shift_left3A_1016 : i32 to vector<16xi32>
      %shift_left3A_1018 = arith.shli %and3A_1015, %shift_left3A_1017 : vector<16xi32>
      %or3A_1019 = arith.ori %and3A_1012, %shift_left3A_1018 : vector<16xi32>
      %shift_right_arithmetic3A_1020 = arith.constant 12 : i32
      %shift_right_arithmetic3A_1021 = vector.broadcast %shift_right_arithmetic3A_1020 : i32 to vector<16xi32>
      %shift_right_arithmetic3A_1022 = arith.shrsi %gather3A_1007, %shift_right_arithmetic3A_1021 : vector<16xi32>
      %and3A_1023 = arith.constant 7 : i32
      %and3A_1024 = vector.broadcast %and3A_1023 : i32 to vector<16xi32>
      %and3A_1025 = arith.andi %shift_right_arithmetic3A_1022, %and3A_1024 : vector<16xi32>
      %or3A_1026 = arith.ori %or3A_1019, %and3A_1025 : vector<16xi32>
      %swap3A_1027 = arith.constant 3 : i32
      %swap3A_1028 = arith.index_cast %scan3A_12 : i32 to index
      %swap3A_1029 = arith.index_cast %swap3A_1027 : i32 to index
      %swap3A_1030 = arith.constant 112 : index
      %swap3A_1031 = tpu.vector_load %arg5[%swap3A_1028, %swap3A_1029, %swap3A_1030] {strides = array<i32>} : memref<25x8x128xi32, #tpu.memory_space<vmem>>, vector<16xi32>,
      tpu.vector_store %arg5[%swap3A_1028, %swap3A_1029, %swap3A_1030], %or3A_1026 {strides = array<i32>} : memref<25x8x128xi32, #tpu.memory_space<vmem>>, vector<16xi32>,
      %mul3A_1032 = arith.constant 8 : i32
      %mul3A_1033 = arith.muli %mul3A_1032, %scan3A_12 : i32
      %add3A_1034 = vector.broadcast %mul3A_1033 : i32 to vector<16xi32>
      %add3A_1035 = arith.addi %add3A_1034, %and3A_6 : vector<16xi32>
      %add3A_1036 = arith.constant 64 : i32
      %add3A_1037 = vector.broadcast %add3A_1036 : i32 to vector<16xi32>
      %add3A_1038 = arith.addi %add3A_1037, %shift_right_arithmetic3A_4 : vector<16xi32>
      %gather3A_1039 = tpu.vector_load_idx %arg4[%add3A_1035, %add3A_1038] : memref<200x128xi32, #tpu.memory_space<vmem>>[vector<16xi32>, vector<16xi32>], vector<16xi32>,
      %not3A_1040 = arith.constant 32767 : i32
      %not3A_1041 = arith.constant -1 : i32
      %not3A_1042 = arith.xori %not3A_1040, %not3A_1041 : i32
      %and3A_1043 = vector.broadcast %not3A_1042 : i32 to vector<16xi32>
      %and3A_1044 = arith.andi %gather3A_1039, %and3A_1043 : vector<16xi32>
      %and3A_1045 = arith.constant 4095 : i32
      %and3A_1046 = vector.broadcast %and3A_1045 : i32 to vector<16xi32>
      %and3A_1047 = arith.andi %gather3A_1039, %and3A_1046 : vector<16xi32>
      %shift_left3A_1048 = arith.constant 3 : i32
      %shift_left3A_1049 = vector.broadcast %shift_left3A_1048 : i32 to vector<16xi32>
      %shift_left3A_1050 = arith.shli %and3A_1047, %shift_left3A_1049 : vector<16xi32>
      %or3A_1051 = arith.ori %and3A_1044, %shift_left3A_1050 : vector<16xi32>
      %shift_right_arithmetic3A_1052 = arith.constant 12 : i32
      %shift_right_arithmetic3A_1053 = vector.broadcast %shift_right_arithmetic3A_1052 : i32 to vector<16xi32>
      %shift_right_arithmetic3A_1054 = arith.shrsi %gather3A_1039, %shift_right_arithmetic3A_1053 : vector<16xi32>
      %and3A_1055 = arith.constant 7 : i32
      %and3A_1056 = vector.broadcast %and3A_1055 : i32 to vector<16xi32>
      %and3A_1057 = arith.andi %shift_right_arithmetic3A_1054, %and3A_1056 : vector<16xi32>
      %or3A_1058 = arith.ori %or3A_1051, %and3A_1057 : vector<16xi32>
      %swap3A_1059 = arith.constant 4 : i32
      %swap3A_1060 = arith.index_cast %scan3A_12 : i32 to index
      %swap3A_1061 = arith.index_cast %swap3A_1059 : i32 to index
      %swap3A_1062 = arith.constant 0 : index
      %swap3A_1063 = tpu.vector_load %arg5[%swap3A_1060, %swap3A_1061, %swap3A_1062] {strides = array<i32>} : memref<25x8x128xi32, #tpu.memory_space<vmem>>, vector<16xi32>,
      tpu.vector_store %arg5[%swap3A_1060, %swap3A_1061, %swap3A_1062], %or3A_1058 {strides = array<i32>} : memref<25x8x128xi32, #tpu.memory_space<vmem>>, vector<16xi32>,
      %mul3A_1064 = arith.constant 8 : i32
      %mul3A_1065 = arith.muli %mul3A_1064, %scan3A_12 : i32
      %add3A_1066 = vector.broadcast %mul3A_1065 : i32 to vector<16xi32>
      %add3A_1067 = arith.addi %add3A_1066, %and3A_6 : vector<16xi32>
      %add3A_1068 = arith.constant 66 : i32
      %add3A_1069 = vector.broadcast %add3A_1068 : i32 to vector<16xi32>
      %add3A_1070 = arith.addi %add3A_1069, %shift_right_arithmetic3A_4 : vector<16xi32>
      %gather3A_1071 = tpu.vector_load_idx %arg4[%add3A_1067, %add3A_1070] : memref<200x128xi32, #tpu.memory_space<vmem>>[vector<16xi32>, vector<16xi32>], vector<16xi32>,
      %not3A_1072 = arith.constant 32767 : i32
      %not3A_1073 = arith.constant -1 : i32
      %not3A_1074 = arith.xori %not3A_1072, %not3A_1073 : i32
      %and3A_1075 = vector.broadcast %not3A_1074 : i32 to vector<16xi32>
      %and3A_1076 = arith.andi %gather3A_1071, %and3A_1075 : vector<16xi32>
      %and3A_1077 = arith.constant 4095 : i32
      %and3A_1078 = vector.broadcast %and3A_1077 : i32 to vector<16xi32>
      %and3A_1079 = arith.andi %gather3A_1071, %and3A_1078 : vector<16xi32>
      %shift_left3A_1080 = arith.constant 3 : i32
      %shift_left3A_1081 = vector.broadcast %shift_left3A_1080 : i32 to vector<16xi32>
      %shift_left3A_1082 = arith.shli %and3A_1079, %shift_left3A_1081 : vector<16xi32>
      %or3A_1083 = arith.ori %and3A_1076, %shift_left3A_1082 : vector<16xi32>
      %shift_right_arithmetic3A_1084 = arith.constant 12 : i32
      %shift_right_arithmetic3A_1085 = vector.broadcast %shift_right_arithmetic3A_1084 : i32 to vector<16xi32>
      %shift_right_arithmetic3A_1086 = arith.shrsi %gather3A_1071, %shift_right_arithmetic3A_1085 : vector<16xi32>
      %and3A_1087 = arith.constant 7 : i32
      %and3A_1088 = vector.broadcast %and3A_1087 : i32 to vector<16xi32>
      %and3A_1089 = arith.andi %shift_right_arithmetic3A_1086, %and3A_1088 : vector<16xi32>
      %or3A_1090 = arith.ori %or3A_1083, %and3A_1089 : vector<16xi32>
      %swap3A_1091 = arith.constant 4 : i32
      %swap3A_1092 = arith.index_cast %scan3A_12 : i32 to index
      %swap3A_1093 = arith.index_cast %swap3A_1091 : i32 to index
      %swap3A_1094 = arith.constant 16 : index
      %swap3A_1095 = tpu.vector_load %arg5[%swap3A_1092, %swap3A_1093, %swap3A_1094] {strides = array<i32>} : memref<25x8x128xi32, #tpu.memory_space<vmem>>, vector<16xi32>,
      tpu.vector_store %arg5[%swap3A_1092, %swap3A_1093, %swap3A_1094], %or3A_1090 {strides = array<i32>} : memref<25x8x128xi32, #tpu.memory_space<vmem>>, vector<16xi32>,
      %mul3A_1096 = arith.constant 8 : i32
      %mul3A_1097 = arith.muli %mul3A_1096, %scan3A_12 : i32
      %add3A_1098 = vector.broadcast %mul3A_1097 : i32 to vector<16xi32>
      %add3A_1099 = arith.addi %add3A_1098, %and3A_6 : vector<16xi32>
      %add3A_1100 = arith.constant 68 : i32
      %add3A_1101 = vector.broadcast %add3A_1100 : i32 to vector<16xi32>
      %add3A_1102 = arith.addi %add3A_1101, %shift_right_arithmetic3A_4 : vector<16xi32>
      %gather3A_1103 = tpu.vector_load_idx %arg4[%add3A_1099, %add3A_1102] : memref<200x128xi32, #tpu.memory_space<vmem>>[vector<16xi32>, vector<16xi32>], vector<16xi32>,
      %not3A_1104 = arith.constant 32767 : i32
      %not3A_1105 = arith.constant -1 : i32
      %not3A_1106 = arith.xori %not3A_1104, %not3A_1105 : i32
      %and3A_1107 = vector.broadcast %not3A_1106 : i32 to vector<16xi32>
      %and3A_1108 = arith.andi %gather3A_1103, %and3A_1107 : vector<16xi32>
      %and3A_1109 = arith.constant 4095 : i32
      %and3A_1110 = vector.broadcast %and3A_1109 : i32 to vector<16xi32>
      %and3A_1111 = arith.andi %gather3A_1103, %and3A_1110 : vector<16xi32>
      %shift_left3A_1112 = arith.constant 3 : i32
      %shift_left3A_1113 = vector.broadcast %shift_left3A_1112 : i32 to vector<16xi32>
      %shift_left3A_1114 = arith.shli %and3A_1111, %shift_left3A_1113 : vector<16xi32>
      %or3A_1115 = arith.ori %and3A_1108, %shift_left3A_1114 : vector<16xi32>
      %shift_right_arithmetic3A_1116 = arith.constant 12 : i32
      %shift_right_arithmetic3A_1117 = vector.broadcast %shift_right_arithmetic3A_1116 : i32 to vector<16xi32>
      %shift_right_arithmetic3A_1118 = arith.shrsi %gather3A_1103, %shift_right_arithmetic3A_1117 : vector<16xi32>
      %and3A_1119 = arith.constant 7 : i32
      %and3A_1120 = vector.broadcast %and3A_1119 : i32 to vector<16xi32>
      %and3A_1121 = arith.andi %shift_right_arithmetic3A_1118, %and3A_1120 : vector<16xi32>
      %or3A_1122 = arith.ori %or3A_1115, %and3A_1121 : vector<16xi32>
      %swap3A_1123 = arith.constant 4 : i32
      %swap3A_1124 = arith.index_cast %scan3A_12 : i32 to index
      %swap3A_1125 = arith.index_cast %swap3A_1123 : i32 to index
      %swap3A_1126 = arith.constant 32 : index
      %swap3A_1127 = tpu.vector_load %arg5[%swap3A_1124, %swap3A_1125, %swap3A_1126] {strides = array<i32>} : memref<25x8x128xi32, #tpu.memory_space<vmem>>, vector<16xi32>,
      tpu.vector_store %arg5[%swap3A_1124, %swap3A_1125, %swap3A_1126], %or3A_1122 {strides = array<i32>} : memref<25x8x128xi32, #tpu.memory_space<vmem>>, vector<16xi32>,
      %mul3A_1128 = arith.constant 8 : i32
      %mul3A_1129 = arith.muli %mul3A_1128, %scan3A_12 : i32
      %add3A_1130 = vector.broadcast %mul3A_1129 : i32 to vector<16xi32>
      %add3A_1131 = arith.addi %add3A_1130, %and3A_6 : vector<16xi32>
      %add3A_1132 = arith.constant 70 : i32
      %add3A_1133 = vector.broadcast %add3A_1132 : i32 to vector<16xi32>
      %add3A_1134 = arith.addi %add3A_1133, %shift_right_arithmetic3A_4 : vector<16xi32>
      %gather3A_1135 = tpu.vector_load_idx %arg4[%add3A_1131, %add3A_1134] : memref<200x128xi32, #tpu.memory_space<vmem>>[vector<16xi32>, vector<16xi32>], vector<16xi32>,
      %not3A_1136 = arith.constant 32767 : i32
      %not3A_1137 = arith.constant -1 : i32
      %not3A_1138 = arith.xori %not3A_1136, %not3A_1137 : i32
      %and3A_1139 = vector.broadcast %not3A_1138 : i32 to vector<16xi32>
      %and3A_1140 = arith.andi %gather3A_1135, %and3A_1139 : vector<16xi32>
      %and3A_1141 = arith.constant 4095 : i32
      %and3A_1142 = vector.broadcast %and3A_1141 : i32 to vector<16xi32>
      %and3A_1143 = arith.andi %gather3A_1135, %and3A_1142 : vector<16xi32>
      %shift_left3A_1144 = arith.constant 3 : i32
      %shift_left3A_1145 = vector.broadcast %shift_left3A_1144 : i32 to vector<16xi32>
      %shift_left3A_1146 = arith.shli %and3A_1143, %shift_left3A_1145 : vector<16xi32>
      %or3A_1147 = arith.ori %and3A_1140, %shift_left3A_1146 : vector<16xi32>
      %shift_right_arithmetic3A_1148 = arith.constant 12 : i32
      %shift_right_arithmetic3A_1149 = vector.broadcast %shift_right_arithmetic3A_1148 : i32 to vector<16xi32>
      %shift_right_arithmetic3A_1150 = arith.shrsi %gather3A_1135, %shift_right_arithmetic3A_1149 : vector<16xi32>
      %and3A_1151 = arith.constant 7 : i32
      %and3A_1152 = vector.broadcast %and3A_1151 : i32 to vector<16xi32>
      %and3A_1153 = arith.andi %shift_right_arithmetic3A_1150, %and3A_1152 : vector<16xi32>
      %or3A_1154 = arith.ori %or3A_1147, %and3A_1153 : vector<16xi32>
      %swap3A_1155 = arith.constant 4 : i32
      %swap3A_1156 = arith.index_cast %scan3A_12 : i32 to index
      %swap3A_1157 = arith.index_cast %swap3A_1155 : i32 to index
      %swap3A_1158 = arith.constant 48 : index
      %swap3A_1159 = tpu.vector_load %arg5[%swap3A_1156, %swap3A_1157, %swap3A_1158] {strides = array<i32>} : memref<25x8x128xi32, #tpu.memory_space<vmem>>, vector<16xi32>,
      tpu.vector_store %arg5[%swap3A_1156, %swap3A_1157, %swap3A_1158], %or3A_1154 {strides = array<i32>} : memref<25x8x128xi32, #tpu.memory_space<vmem>>, vector<16xi32>,
      %mul3A_1160 = arith.constant 8 : i32
      %mul3A_1161 = arith.muli %mul3A_1160, %scan3A_12 : i32
      %add3A_1162 = vector.broadcast %mul3A_1161 : i32 to vector<16xi32>
      %add3A_1163 = arith.addi %add3A_1162, %and3A_6 : vector<16xi32>
      %add3A_1164 = arith.constant 72 : i32
      %add3A_1165 = vector.broadcast %add3A_1164 : i32 to vector<16xi32>
      %add3A_1166 = arith.addi %add3A_1165, %shift_right_arithmetic3A_4 : vector<16xi32>
      %gather3A_1167 = tpu.vector_load_idx %arg4[%add3A_1163, %add3A_1166] : memref<200x128xi32, #tpu.memory_space<vmem>>[vector<16xi32>, vector<16xi32>], vector<16xi32>,
      %not3A_1168 = arith.constant 32767 : i32
      %not3A_1169 = arith.constant -1 : i32
      %not3A_1170 = arith.xori %not3A_1168, %not3A_1169 : i32
      %and3A_1171 = vector.broadcast %not3A_1170 : i32 to vector<16xi32>
      %and3A_1172 = arith.andi %gather3A_1167, %and3A_1171 : vector<16xi32>
      %and3A_1173 = arith.constant 4095 : i32
      %and3A_1174 = vector.broadcast %and3A_1173 : i32 to vector<16xi32>
      %and3A_1175 = arith.andi %gather3A_1167, %and3A_1174 : vector<16xi32>
      %shift_left3A_1176 = arith.constant 3 : i32
      %shift_left3A_1177 = vector.broadcast %shift_left3A_1176 : i32 to vector<16xi32>
      %shift_left3A_1178 = arith.shli %and3A_1175, %shift_left3A_1177 : vector<16xi32>
      %or3A_1179 = arith.ori %and3A_1172, %shift_left3A_1178 : vector<16xi32>
      %shift_right_arithmetic3A_1180 = arith.constant 12 : i32
      %shift_right_arithmetic3A_1181 = vector.broadcast %shift_right_arithmetic3A_1180 : i32 to vector<16xi32>
      %shift_right_arithmetic3A_1182 = arith.shrsi %gather3A_1167, %shift_right_arithmetic3A_1181 : vector<16xi32>
      %and3A_1183 = arith.constant 7 : i32
      %and3A_1184 = vector.broadcast %and3A_1183 : i32 to vector<16xi32>
      %and3A_1185 = arith.andi %shift_right_arithmetic3A_1182, %and3A_1184 : vector<16xi32>
      %or3A_1186 = arith.ori %or3A_1179, %and3A_1185 : vector<16xi32>
      %swap3A_1187 = arith.constant 4 : i32
      %swap3A_1188 = arith.index_cast %scan3A_12 : i32 to index
      %swap3A_1189 = arith.index_cast %swap3A_1187 : i32 to index
      %swap3A_1190 = arith.constant 64 : index
      %swap3A_1191 = tpu.vector_load %arg5[%swap3A_1188, %swap3A_1189, %swap3A_1190] {strides = array<i32>} : memref<25x8x128xi32, #tpu.memory_space<vmem>>, vector<16xi32>,
      tpu.vector_store %arg5[%swap3A_1188, %swap3A_1189, %swap3A_1190], %or3A_1186 {strides = array<i32>} : memref<25x8x128xi32, #tpu.memory_space<vmem>>, vector<16xi32>,
      %mul3A_1192 = arith.constant 8 : i32
      %mul3A_1193 = arith.muli %mul3A_1192, %scan3A_12 : i32
      %add3A_1194 = vector.broadcast %mul3A_1193 : i32 to vector<16xi32>
      %add3A_1195 = arith.addi %add3A_1194, %and3A_6 : vector<16xi32>
      %add3A_1196 = arith.constant 74 : i32
      %add3A_1197 = vector.broadcast %add3A_1196 : i32 to vector<16xi32>
      %add3A_1198 = arith.addi %add3A_1197, %shift_right_arithmetic3A_4 : vector<16xi32>
      %gather3A_1199 = tpu.vector_load_idx %arg4[%add3A_1195, %add3A_1198] : memref<200x128xi32, #tpu.memory_space<vmem>>[vector<16xi32>, vector<16xi32>], vector<16xi32>,
      %not3A_1200 = arith.constant 32767 : i32
      %not3A_1201 = arith.constant -1 : i32
      %not3A_1202 = arith.xori %not3A_1200, %not3A_1201 : i32
      %and3A_1203 = vector.broadcast %not3A_1202 : i32 to vector<16xi32>
      %and3A_1204 = arith.andi %gather3A_1199, %and3A_1203 : vector<16xi32>
      %and3A_1205 = arith.constant 4095 : i32
      %and3A_1206 = vector.broadcast %and3A_1205 : i32 to vector<16xi32>
      %and3A_1207 = arith.andi %gather3A_1199, %and3A_1206 : vector<16xi32>
      %shift_left3A_1208 = arith.constant 3 : i32
      %shift_left3A_1209 = vector.broadcast %shift_left3A_1208 : i32 to vector<16xi32>
      %shift_left3A_1210 = arith.shli %and3A_1207, %shift_left3A_1209 : vector<16xi32>
      %or3A_1211 = arith.ori %and3A_1204, %shift_left3A_1210 : vector<16xi32>
      %shift_right_arithmetic3A_1212 = arith.constant 12 : i32
      %shift_right_arithmetic3A_1213 = vector.broadcast %shift_right_arithmetic3A_1212 : i32 to vector<16xi32>
      %shift_right_arithmetic3A_1214 = arith.shrsi %gather3A_1199, %shift_right_arithmetic3A_1213 : vector<16xi32>
      %and3A_1215 = arith.constant 7 : i32
      %and3A_1216 = vector.broadcast %and3A_1215 : i32 to vector<16xi32>
      %and3A_1217 = arith.andi %shift_right_arithmetic3A_1214, %and3A_1216 : vector<16xi32>
      %or3A_1218 = arith.ori %or3A_1211, %and3A_1217 : vector<16xi32>
      %swap3A_1219 = arith.constant 4 : i32
      %swap3A_1220 = arith.index_cast %scan3A_12 : i32 to index
      %swap3A_1221 = arith.index_cast %swap3A_1219 : i32 to index
      %swap3A_1222 = arith.constant 80 : index
      %swap3A_1223 = tpu.vector_load %arg5[%swap3A_1220, %swap3A_1221, %swap3A_1222] {strides = array<i32>} : memref<25x8x128xi32, #tpu.memory_space<vmem>>, vector<16xi32>,
      tpu.vector_store %arg5[%swap3A_1220, %swap3A_1221, %swap3A_1222], %or3A_1218 {strides = array<i32>} : memref<25x8x128xi32, #tpu.memory_space<vmem>>, vector<16xi32>,
      %mul3A_1224 = arith.constant 8 : i32
      %mul3A_1225 = arith.muli %mul3A_1224, %scan3A_12 : i32
      %add3A_1226 = vector.broadcast %mul3A_1225 : i32 to vector<16xi32>
      %add3A_1227 = arith.addi %add3A_1226, %and3A_6 : vector<16xi32>
      %add3A_1228 = arith.constant 76 : i32
      %add3A_1229 = vector.broadcast %add3A_1228 : i32 to vector<16xi32>
      %add3A_1230 = arith.addi %add3A_1229, %shift_right_arithmetic3A_4 : vector<16xi32>
      %gather3A_1231 = tpu.vector_load_idx %arg4[%add3A_1227, %add3A_1230] : memref<200x128xi32, #tpu.memory_space<vmem>>[vector<16xi32>, vector<16xi32>], vector<16xi32>,
      %not3A_1232 = arith.constant 32767 : i32
      %not3A_1233 = arith.constant -1 : i32
      %not3A_1234 = arith.xori %not3A_1232, %not3A_1233 : i32
      %and3A_1235 = vector.broadcast %not3A_1234 : i32 to vector<16xi32>
      %and3A_1236 = arith.andi %gather3A_1231, %and3A_1235 : vector<16xi32>
      %and3A_1237 = arith.constant 4095 : i32
      %and3A_1238 = vector.broadcast %and3A_1237 : i32 to vector<16xi32>
      %and3A_1239 = arith.andi %gather3A_1231, %and3A_1238 : vector<16xi32>
      %shift_left3A_1240 = arith.constant 3 : i32
      %shift_left3A_1241 = vector.broadcast %shift_left3A_1240 : i32 to vector<16xi32>
      %shift_left3A_1242 = arith.shli %and3A_1239, %shift_left3A_1241 : vector<16xi32>
      %or3A_1243 = arith.ori %and3A_1236, %shift_left3A_1242 : vector<16xi32>
      %shift_right_arithmetic3A_1244 = arith.constant 12 : i32
      %shift_right_arithmetic3A_1245 = vector.broadcast %shift_right_arithmetic3A_1244 : i32 to vector<16xi32>
      %shift_right_arithmetic3A_1246 = arith.shrsi %gather3A_1231, %shift_right_arithmetic3A_1245 : vector<16xi32>
      %and3A_1247 = arith.constant 7 : i32
      %and3A_1248 = vector.broadcast %and3A_1247 : i32 to vector<16xi32>
      %and3A_1249 = arith.andi %shift_right_arithmetic3A_1246, %and3A_1248 : vector<16xi32>
      %or3A_1250 = arith.ori %or3A_1243, %and3A_1249 : vector<16xi32>
      %swap3A_1251 = arith.constant 4 : i32
      %swap3A_1252 = arith.index_cast %scan3A_12 : i32 to index
      %swap3A_1253 = arith.index_cast %swap3A_1251 : i32 to index
      %swap3A_1254 = arith.constant 96 : index
      %swap3A_1255 = tpu.vector_load %arg5[%swap3A_1252, %swap3A_1253, %swap3A_1254] {strides = array<i32>} : memref<25x8x128xi32, #tpu.memory_space<vmem>>, vector<16xi32>,
      tpu.vector_store %arg5[%swap3A_1252, %swap3A_1253, %swap3A_1254], %or3A_1250 {strides = array<i32>} : memref<25x8x128xi32, #tpu.memory_space<vmem>>, vector<16xi32>,
      %mul3A_1256 = arith.constant 8 : i32
      %mul3A_1257 = arith.muli %mul3A_1256, %scan3A_12 : i32
      %add3A_1258 = vector.broadcast %mul3A_1257 : i32 to vector<16xi32>
      %add3A_1259 = arith.addi %add3A_1258, %and3A_6 : vector<16xi32>
      %add3A_1260 = arith.constant 78 : i32
      %add3A_1261 = vector.broadcast %add3A_1260 : i32 to vector<16xi32>
      %add3A_1262 = arith.addi %add3A_1261, %shift_right_arithmetic3A_4 : vector<16xi32>
      %gather3A_1263 = tpu.vector_load_idx %arg4[%add3A_1259, %add3A_1262] : memref<200x128xi32, #tpu.memory_space<vmem>>[vector<16xi32>, vector<16xi32>], vector<16xi32>,
      %not3A_1264 = arith.constant 32767 : i32
      %not3A_1265 = arith.constant -1 : i32
      %not3A_1266 = arith.xori %not3A_1264, %not3A_1265 : i32
      %and3A_1267 = vector.broadcast %not3A_1266 : i32 to vector<16xi32>
      %and3A_1268 = arith.andi %gather3A_1263, %and3A_1267 : vector<16xi32>
      %and3A_1269 = arith.constant 4095 : i32
      %and3A_1270 = vector.broadcast %and3A_1269 : i32 to vector<16xi32>
      %and3A_1271 = arith.andi %gather3A_1263, %and3A_1270 : vector<16xi32>
      %shift_left3A_1272 = arith.constant 3 : i32
      %shift_left3A_1273 = vector.broadcast %shift_left3A_1272 : i32 to vector<16xi32>
      %shift_left3A_1274 = arith.shli %and3A_1271, %shift_left3A_1273 : vector<16xi32>
      %or3A_1275 = arith.ori %and3A_1268, %shift_left3A_1274 : vector<16xi32>
      %shift_right_arithmetic3A_1276 = arith.constant 12 : i32
      %shift_right_arithmetic3A_1277 = vector.broadcast %shift_right_arithmetic3A_1276 : i32 to vector<16xi32>
      %shift_right_arithmetic3A_1278 = arith.shrsi %gather3A_1263, %shift_right_arithmetic3A_1277 : vector<16xi32>
      %and3A_1279 = arith.constant 7 : i32
      %and3A_1280 = vector.broadcast %and3A_1279 : i32 to vector<16xi32>
      %and3A_1281 = arith.andi %shift_right_arithmetic3A_1278, %and3A_1280 : vector<16xi32>
      %or3A_1282 = arith.ori %or3A_1275, %and3A_1281 : vector<16xi32>
      %swap3A_1283 = arith.constant 4 : i32
      %swap3A_1284 = arith.index_cast %scan3A_12 : i32 to index
      %swap3A_1285 = arith.index_cast %swap3A_1283 : i32 to index
      %swap3A_1286 = arith.constant 112 : index
      %swap3A_1287 = tpu.vector_load %arg5[%swap3A_1284, %swap3A_1285, %swap3A_1286] {strides = array<i32>} : memref<25x8x128xi32, #tpu.memory_space<vmem>>, vector<16xi32>,
      tpu.vector_store %arg5[%swap3A_1284, %swap3A_1285, %swap3A_1286], %or3A_1282 {strides = array<i32>} : memref<25x8x128xi32, #tpu.memory_space<vmem>>, vector<16xi32>,
      %mul3A_1288 = arith.constant 8 : i32
      %mul3A_1289 = arith.muli %mul3A_1288, %scan3A_12 : i32
      %add3A_1290 = vector.broadcast %mul3A_1289 : i32 to vector<16xi32>
      %add3A_1291 = arith.addi %add3A_1290, %and3A_6 : vector<16xi32>
      %add3A_1292 = arith.constant 80 : i32
      %add3A_1293 = vector.broadcast %add3A_1292 : i32 to vector<16xi32>
      %add3A_1294 = arith.addi %add3A_1293, %shift_right_arithmetic3A_4 : vector<16xi32>
      %gather3A_1295 = tpu.vector_load_idx %arg4[%add3A_1291, %add3A_1294] : memref<200x128xi32, #tpu.memory_space<vmem>>[vector<16xi32>, vector<16xi32>], vector<16xi32>,
      %not3A_1296 = arith.constant 32767 : i32
      %not3A_1297 = arith.constant -1 : i32
      %not3A_1298 = arith.xori %not3A_1296, %not3A_1297 : i32
      %and3A_1299 = vector.broadcast %not3A_1298 : i32 to vector<16xi32>
      %and3A_1300 = arith.andi %gather3A_1295, %and3A_1299 : vector<16xi32>
      %and3A_1301 = arith.constant 4095 : i32
      %and3A_1302 = vector.broadcast %and3A_1301 : i32 to vector<16xi32>
      %and3A_1303 = arith.andi %gather3A_1295, %and3A_1302 : vector<16xi32>
      %shift_left3A_1304 = arith.constant 3 : i32
      %shift_left3A_1305 = vector.broadcast %shift_left3A_1304 : i32 to vector<16xi32>
      %shift_left3A_1306 = arith.shli %and3A_1303, %shift_left3A_1305 : vector<16xi32>
      %or3A_1307 = arith.ori %and3A_1300, %shift_left3A_1306 : vector<16xi32>
      %shift_right_arithmetic3A_1308 = arith.constant 12 : i32
      %shift_right_arithmetic3A_1309 = vector.broadcast %shift_right_arithmetic3A_1308 : i32 to vector<16xi32>
      %shift_right_arithmetic3A_1310 = arith.shrsi %gather3A_1295, %shift_right_arithmetic3A_1309 : vector<16xi32>
      %and3A_1311 = arith.constant 7 : i32
      %and3A_1312 = vector.broadcast %and3A_1311 : i32 to vector<16xi32>
      %and3A_1313 = arith.andi %shift_right_arithmetic3A_1310, %and3A_1312 : vector<16xi32>
      %or3A_1314 = arith.ori %or3A_1307, %and3A_1313 : vector<16xi32>
      %swap3A_1315 = arith.constant 5 : i32
      %swap3A_1316 = arith.index_cast %scan3A_12 : i32 to index
      %swap3A_1317 = arith.index_cast %swap3A_1315 : i32 to index
      %swap3A_1318 = arith.constant 0 : index
      %swap3A_1319 = tpu.vector_load %arg5[%swap3A_1316, %swap3A_1317, %swap3A_1318] {strides = array<i32>} : memref<25x8x128xi32, #tpu.memory_space<vmem>>, vector<16xi32>,
      tpu.vector_store %arg5[%swap3A_1316, %swap3A_1317, %swap3A_1318], %or3A_1314 {strides = array<i32>} : memref<25x8x128xi32, #tpu.memory_space<vmem>>, vector<16xi32>,
      %mul3A_1320 = arith.constant 8 : i32
      %mul3A_1321 = arith.muli %mul3A_1320, %scan3A_12 : i32
      %add3A_1322 = vector.broadcast %mul3A_1321 : i32 to vector<16xi32>
      %add3A_1323 = arith.addi %add3A_1322, %and3A_6 : vector<16xi32>
      %add3A_1324 = arith.constant 82 : i32
      %add3A_1325 = vector.broadcast %add3A_1324 : i32 to vector<16xi32>
      %add3A_1326 = arith.addi %add3A_1325, %shift_right_arithmetic3A_4 : vector<16xi32>
      %gather3A_1327 = tpu.vector_load_idx %arg4[%add3A_1323, %add3A_1326] : memref<200x128xi32, #tpu.memory_space<vmem>>[vector<16xi32>, vector<16xi32>], vector<16xi32>,
      %not3A_1328 = arith.constant 32767 : i32
      %not3A_1329 = arith.constant -1 : i32
      %not3A_1330 = arith.xori %not3A_1328, %not3A_1329 : i32
      %and3A_1331 = vector.broadcast %not3A_1330 : i32 to vector<16xi32>
      %and3A_1332 = arith.andi %gather3A_1327, %and3A_1331 : vector<16xi32>
      %and3A_1333 = arith.constant 4095 : i32
      %and3A_1334 = vector.broadcast %and3A_1333 : i32 to vector<16xi32>
      %and3A_1335 = arith.andi %gather3A_1327, %and3A_1334 : vector<16xi32>
      %shift_left3A_1336 = arith.constant 3 : i32
      %shift_left3A_1337 = vector.broadcast %shift_left3A_1336 : i32 to vector<16xi32>
      %shift_left3A_1338 = arith.shli %and3A_1335, %shift_left3A_1337 : vector<16xi32>
      %or3A_1339 = arith.ori %and3A_1332, %shift_left3A_1338 : vector<16xi32>
      %shift_right_arithmetic3A_1340 = arith.constant 12 : i32
      %shift_right_arithmetic3A_1341 = vector.broadcast %shift_right_arithmetic3A_1340 : i32 to vector<16xi32>
      %shift_right_arithmetic3A_1342 = arith.shrsi %gather3A_1327, %shift_right_arithmetic3A_1341 : vector<16xi32>
      %and3A_1343 = arith.constant 7 : i32
      %and3A_1344 = vector.broadcast %and3A_1343 : i32 to vector<16xi32>
      %and3A_1345 = arith.andi %shift_right_arithmetic3A_1342, %and3A_1344 : vector<16xi32>
      %or3A_1346 = arith.ori %or3A_1339, %and3A_1345 : vector<16xi32>
      %swap3A_1347 = arith.constant 5 : i32
      %swap3A_1348 = arith.index_cast %scan3A_12 : i32 to index
      %swap3A_1349 = arith.index_cast %swap3A_1347 : i32 to index
      %swap3A_1350 = arith.constant 16 : index
      %swap3A_1351 = tpu.vector_load %arg5[%swap3A_1348, %swap3A_1349, %swap3A_1350] {strides = array<i32>} : memref<25x8x128xi32, #tpu.memory_space<vmem>>, vector<16xi32>,
      tpu.vector_store %arg5[%swap3A_1348, %swap3A_1349, %swap3A_1350], %or3A_1346 {strides = array<i32>} : memref<25x8x128xi32, #tpu.memory_space<vmem>>, vector<16xi32>,
      %mul3A_1352 = arith.constant 8 : i32
      %mul3A_1353 = arith.muli %mul3A_1352, %scan3A_12 : i32
      %add3A_1354 = vector.broadcast %mul3A_1353 : i32 to vector<16xi32>
      %add3A_1355 = arith.addi %add3A_1354, %and3A_6 : vector<16xi32>
      %add3A_1356 = arith.constant 84 : i32
      %add3A_1357 = vector.broadcast %add3A_1356 : i32 to vector<16xi32>
      %add3A_1358 = arith.addi %add3A_1357, %shift_right_arithmetic3A_4 : vector<16xi32>
      %gather3A_1359 = tpu.vector_load_idx %arg4[%add3A_1355, %add3A_1358] : memref<200x128xi32, #tpu.memory_space<vmem>>[vector<16xi32>, vector<16xi32>], vector<16xi32>,
      %not3A_1360 = arith.constant 32767 : i32
      %not3A_1361 = arith.constant -1 : i32
      %not3A_1362 = arith.xori %not3A_1360, %not3A_1361 : i32
      %and3A_1363 = vector.broadcast %not3A_1362 : i32 to vector<16xi32>
      %and3A_1364 = arith.andi %gather3A_1359, %and3A_1363 : vector<16xi32>
      %and3A_1365 = arith.constant 4095 : i32
      %and3A_1366 = vector.broadcast %and3A_1365 : i32 to vector<16xi32>
      %and3A_1367 = arith.andi %gather3A_1359, %and3A_1366 : vector<16xi32>
      %shift_left3A_1368 = arith.constant 3 : i32
      %shift_left3A_1369 = vector.broadcast %shift_left3A_1368 : i32 to vector<16xi32>
      %shift_left3A_1370 = arith.shli %and3A_1367, %shift_left3A_1369 : vector<16xi32>
      %or3A_1371 = arith.ori %and3A_1364, %shift_left3A_1370 : vector<16xi32>
      %shift_right_arithmetic3A_1372 = arith.constant 12 : i32
      %shift_right_arithmetic3A_1373 = vector.broadcast %shift_right_arithmetic3A_1372 : i32 to vector<16xi32>
      %shift_right_arithmetic3A_1374 = arith.shrsi %gather3A_1359, %shift_right_arithmetic3A_1373 : vector<16xi32>
      %and3A_1375 = arith.constant 7 : i32
      %and3A_1376 = vector.broadcast %and3A_1375 : i32 to vector<16xi32>
      %and3A_1377 = arith.andi %shift_right_arithmetic3A_1374, %and3A_1376 : vector<16xi32>
      %or3A_1378 = arith.ori %or3A_1371, %and3A_1377 : vector<16xi32>
      %swap3A_1379 = arith.constant 5 : i32
      %swap3A_1380 = arith.index_cast %scan3A_12 : i32 to index
      %swap3A_1381 = arith.index_cast %swap3A_1379 : i32 to index
      %swap3A_1382 = arith.constant 32 : index
      %swap3A_1383 = tpu.vector_load %arg5[%swap3A_1380, %swap3A_1381, %swap3A_1382] {strides = array<i32>} : memref<25x8x128xi32, #tpu.memory_space<vmem>>, vector<16xi32>,
      tpu.vector_store %arg5[%swap3A_1380, %swap3A_1381, %swap3A_1382], %or3A_1378 {strides = array<i32>} : memref<25x8x128xi32, #tpu.memory_space<vmem>>, vector<16xi32>,
      %mul3A_1384 = arith.constant 8 : i32
      %mul3A_1385 = arith.muli %mul3A_1384, %scan3A_12 : i32
      %add3A_1386 = vector.broadcast %mul3A_1385 : i32 to vector<16xi32>
      %add3A_1387 = arith.addi %add3A_1386, %and3A_6 : vector<16xi32>
      %add3A_1388 = arith.constant 86 : i32
      %add3A_1389 = vector.broadcast %add3A_1388 : i32 to vector<16xi32>
      %add3A_1390 = arith.addi %add3A_1389, %shift_right_arithmetic3A_4 : vector<16xi32>
      %gather3A_1391 = tpu.vector_load_idx %arg4[%add3A_1387, %add3A_1390] : memref<200x128xi32, #tpu.memory_space<vmem>>[vector<16xi32>, vector<16xi32>], vector<16xi32>,
      %not3A_1392 = arith.constant 32767 : i32
      %not3A_1393 = arith.constant -1 : i32
      %not3A_1394 = arith.xori %not3A_1392, %not3A_1393 : i32
      %and3A_1395 = vector.broadcast %not3A_1394 : i32 to vector<16xi32>
      %and3A_1396 = arith.andi %gather3A_1391, %and3A_1395 : vector<16xi32>
      %and3A_1397 = arith.constant 4095 : i32
      %and3A_1398 = vector.broadcast %and3A_1397 : i32 to vector<16xi32>
      %and3A_1399 = arith.andi %gather3A_1391, %and3A_1398 : vector<16xi32>
      %shift_left3A_1400 = arith.constant 3 : i32
      %shift_left3A_1401 = vector.broadcast %shift_left3A_1400 : i32 to vector<16xi32>
      %shift_left3A_1402 = arith.shli %and3A_1399, %shift_left3A_1401 : vector<16xi32>
      %or3A_1403 = arith.ori %and3A_1396, %shift_left3A_1402 : vector<16xi32>
      %shift_right_arithmetic3A_1404 = arith.constant 12 : i32
      %shift_right_arithmetic3A_1405 = vector.broadcast %shift_right_arithmetic3A_1404 : i32 to vector<16xi32>
      %shift_right_arithmetic3A_1406 = arith.shrsi %gather3A_1391, %shift_right_arithmetic3A_1405 : vector<16xi32>
      %and3A_1407 = arith.constant 7 : i32
      %and3A_1408 = vector.broadcast %and3A_1407 : i32 to vector<16xi32>
      %and3A_1409 = arith.andi %shift_right_arithmetic3A_1406, %and3A_1408 : vector<16xi32>
      %or3A_1410 = arith.ori %or3A_1403, %and3A_1409 : vector<16xi32>
      %swap3A_1411 = arith.constant 5 : i32
      %swap3A_1412 = arith.index_cast %scan3A_12 : i32 to index
      %swap3A_1413 = arith.index_cast %swap3A_1411 : i32 to index
      %swap3A_1414 = arith.constant 48 : index
      %swap3A_1415 = tpu.vector_load %arg5[%swap3A_1412, %swap3A_1413, %swap3A_1414] {strides = array<i32>} : memref<25x8x128xi32, #tpu.memory_space<vmem>>, vector<16xi32>,
      tpu.vector_store %arg5[%swap3A_1412, %swap3A_1413, %swap3A_1414], %or3A_1410 {strides = array<i32>} : memref<25x8x128xi32, #tpu.memory_space<vmem>>, vector<16xi32>,
      %mul3A_1416 = arith.constant 8 : i32
      %mul3A_1417 = arith.muli %mul3A_1416, %scan3A_12 : i32
      %add3A_1418 = vector.broadcast %mul3A_1417 : i32 to vector<16xi32>
      %add3A_1419 = arith.addi %add3A_1418, %and3A_6 : vector<16xi32>
      %add3A_1420 = arith.constant 88 : i32
      %add3A_1421 = vector.broadcast %add3A_1420 : i32 to vector<16xi32>
      %add3A_1422 = arith.addi %add3A_1421, %shift_right_arithmetic3A_4 : vector<16xi32>
      %gather3A_1423 = tpu.vector_load_idx %arg4[%add3A_1419, %add3A_1422] : memref<200x128xi32, #tpu.memory_space<vmem>>[vector<16xi32>, vector<16xi32>], vector<16xi32>,
      %not3A_1424 = arith.constant 32767 : i32
      %not3A_1425 = arith.constant -1 : i32
      %not3A_1426 = arith.xori %not3A_1424, %not3A_1425 : i32
      %and3A_1427 = vector.broadcast %not3A_1426 : i32 to vector<16xi32>
      %and3A_1428 = arith.andi %gather3A_1423, %and3A_1427 : vector<16xi32>
      %and3A_1429 = arith.constant 4095 : i32
      %and3A_1430 = vector.broadcast %and3A_1429 : i32 to vector<16xi32>
      %and3A_1431 = arith.andi %gather3A_1423, %and3A_1430 : vector<16xi32>
      %shift_left3A_1432 = arith.constant 3 : i32
      %shift_left3A_1433 = vector.broadcast %shift_left3A_1432 : i32 to vector<16xi32>
      %shift_left3A_1434 = arith.shli %and3A_1431, %shift_left3A_1433 : vector<16xi32>
      %or3A_1435 = arith.ori %and3A_1428, %shift_left3A_1434 : vector<16xi32>
      %shift_right_arithmetic3A_1436 = arith.constant 12 : i32
      %shift_right_arithmetic3A_1437 = vector.broadcast %shift_right_arithmetic3A_1436 : i32 to vector<16xi32>
      %shift_right_arithmetic3A_1438 = arith.shrsi %gather3A_1423, %shift_right_arithmetic3A_1437 : vector<16xi32>
      %and3A_1439 = arith.constant 7 : i32
      %and3A_1440 = vector.broadcast %and3A_1439 : i32 to vector<16xi32>
      %and3A_1441 = arith.andi %shift_right_arithmetic3A_1438, %and3A_1440 : vector<16xi32>
      %or3A_1442 = arith.ori %or3A_1435, %and3A_1441 : vector<16xi32>
      %swap3A_1443 = arith.constant 5 : i32
      %swap3A_1444 = arith.index_cast %scan3A_12 : i32 to index
      %swap3A_1445 = arith.index_cast %swap3A_1443 : i32 to index
      %swap3A_1446 = arith.constant 64 : index
      %swap3A_1447 = tpu.vector_load %arg5[%swap3A_1444, %swap3A_1445, %swap3A_1446] {strides = array<i32>} : memref<25x8x128xi32, #tpu.memory_space<vmem>>, vector<16xi32>,
      tpu.vector_store %arg5[%swap3A_1444, %swap3A_1445, %swap3A_1446], %or3A_1442 {strides = array<i32>} : memref<25x8x128xi32, #tpu.memory_space<vmem>>, vector<16xi32>,
      %mul3A_1448 = arith.constant 8 : i32
      %mul3A_1449 = arith.muli %mul3A_1448, %scan3A_12 : i32
      %add3A_1450 = vector.broadcast %mul3A_1449 : i32 to vector<16xi32>
      %add3A_1451 = arith.addi %add3A_1450, %and3A_6 : vector<16xi32>
      %add3A_1452 = arith.constant 90 : i32
      %add3A_1453 = vector.broadcast %add3A_1452 : i32 to vector<16xi32>
      %add3A_1454 = arith.addi %add3A_1453, %shift_right_arithmetic3A_4 : vector<16xi32>
      %gather3A_1455 = tpu.vector_load_idx %arg4[%add3A_1451, %add3A_1454] : memref<200x128xi32, #tpu.memory_space<vmem>>[vector<16xi32>, vector<16xi32>], vector<16xi32>,
      %not3A_1456 = arith.constant 32767 : i32
      %not3A_1457 = arith.constant -1 : i32
      %not3A_1458 = arith.xori %not3A_1456, %not3A_1457 : i32
      %and3A_1459 = vector.broadcast %not3A_1458 : i32 to vector<16xi32>
      %and3A_1460 = arith.andi %gather3A_1455, %and3A_1459 : vector<16xi32>
      %and3A_1461 = arith.constant 4095 : i32
      %and3A_1462 = vector.broadcast %and3A_1461 : i32 to vector<16xi32>
      %and3A_1463 = arith.andi %gather3A_1455, %and3A_1462 : vector<16xi32>
      %shift_left3A_1464 = arith.constant 3 : i32
      %shift_left3A_1465 = vector.broadcast %shift_left3A_1464 : i32 to vector<16xi32>
      %shift_left3A_1466 = arith.shli %and3A_1463, %shift_left3A_1465 : vector<16xi32>
      %or3A_1467 = arith.ori %and3A_1460, %shift_left3A_1466 : vector<16xi32>
      %shift_right_arithmetic3A_1468 = arith.constant 12 : i32
      %shift_right_arithmetic3A_1469 = vector.broadcast %shift_right_arithmetic3A_1468 : i32 to vector<16xi32>
      %shift_right_arithmetic3A_1470 = arith.shrsi %gather3A_1455, %shift_right_arithmetic3A_1469 : vector<16xi32>
      %and3A_1471 = arith.constant 7 : i32
      %and3A_1472 = vector.broadcast %and3A_1471 : i32 to vector<16xi32>
      %and3A_1473 = arith.andi %shift_right_arithmetic3A_1470, %and3A_1472 : vector<16xi32>
      %or3A_1474 = arith.ori %or3A_1467, %and3A_1473 : vector<16xi32>
      %swap3A_1475 = arith.constant 5 : i32
      %swap3A_1476 = arith.index_cast %scan3A_12 : i32 to index
      %swap3A_1477 = arith.index_cast %swap3A_1475 : i32 to index
      %swap3A_1478 = arith.constant 80 : index
      %swap3A_1479 = tpu.vector_load %arg5[%swap3A_1476, %swap3A_1477, %swap3A_1478] {strides = array<i32>} : memref<25x8x128xi32, #tpu.memory_space<vmem>>, vector<16xi32>,
      tpu.vector_store %arg5[%swap3A_1476, %swap3A_1477, %swap3A_1478], %or3A_1474 {strides = array<i32>} : memref<25x8x128xi32, #tpu.memory_space<vmem>>, vector<16xi32>,
      %mul3A_1480 = arith.constant 8 : i32
      %mul3A_1481 = arith.muli %mul3A_1480, %scan3A_12 : i32
      %add3A_1482 = vector.broadcast %mul3A_1481 : i32 to vector<16xi32>
      %add3A_1483 = arith.addi %add3A_1482, %and3A_6 : vector<16xi32>
      %add3A_1484 = arith.constant 92 : i32
      %add3A_1485 = vector.broadcast %add3A_1484 : i32 to vector<16xi32>
      %add3A_1486 = arith.addi %add3A_1485, %shift_right_arithmetic3A_4 : vector<16xi32>
      %gather3A_1487 = tpu.vector_load_idx %arg4[%add3A_1483, %add3A_1486] : memref<200x128xi32, #tpu.memory_space<vmem>>[vector<16xi32>, vector<16xi32>], vector<16xi32>,
      %not3A_1488 = arith.constant 32767 : i32
      %not3A_1489 = arith.constant -1 : i32
      %not3A_1490 = arith.xori %not3A_1488, %not3A_1489 : i32
      %and3A_1491 = vector.broadcast %not3A_1490 : i32 to vector<16xi32>
      %and3A_1492 = arith.andi %gather3A_1487, %and3A_1491 : vector<16xi32>
      %and3A_1493 = arith.constant 4095 : i32
      %and3A_1494 = vector.broadcast %and3A_1493 : i32 to vector<16xi32>
      %and3A_1495 = arith.andi %gather3A_1487, %and3A_1494 : vector<16xi32>
      %shift_left3A_1496 = arith.constant 3 : i32
      %shift_left3A_1497 = vector.broadcast %shift_left3A_1496 : i32 to vector<16xi32>
      %shift_left3A_1498 = arith.shli %and3A_1495, %shift_left3A_1497 : vector<16xi32>
      %or3A_1499 = arith.ori %and3A_1492, %shift_left3A_1498 : vector<16xi32>
      %shift_right_arithmetic3A_1500 = arith.constant 12 : i32
      %shift_right_arithmetic3A_1501 = vector.broadcast %shift_right_arithmetic3A_1500 : i32 to vector<16xi32>
      %shift_right_arithmetic3A_1502 = arith.shrsi %gather3A_1487, %shift_right_arithmetic3A_1501 : vector<16xi32>
      %and3A_1503 = arith.constant 7 : i32
      %and3A_1504 = vector.broadcast %and3A_1503 : i32 to vector<16xi32>
      %and3A_1505 = arith.andi %shift_right_arithmetic3A_1502, %and3A_1504 : vector<16xi32>
      %or3A_1506 = arith.ori %or3A_1499, %and3A_1505 : vector<16xi32>
      %swap3A_1507 = arith.constant 5 : i32
      %swap3A_1508 = arith.index_cast %scan3A_12 : i32 to index
      %swap3A_1509 = arith.index_cast %swap3A_1507 : i32 to index
      %swap3A_1510 = arith.constant 96 : index
      %swap3A_1511 = tpu.vector_load %arg5[%swap3A_1508, %swap3A_1509, %swap3A_1510] {strides = array<i32>} : memref<25x8x128xi32, #tpu.memory_space<vmem>>, vector<16xi32>,
      tpu.vector_store %arg5[%swap3A_1508, %swap3A_1509, %swap3A_1510], %or3A_1506 {strides = array<i32>} : memref<25x8x128xi32, #tpu.memory_space<vmem>>, vector<16xi32>,
      %mul3A_1512 = arith.constant 8 : i32
      %mul3A_1513 = arith.muli %mul3A_1512, %scan3A_12 : i32
      %add3A_1514 = vector.broadcast %mul3A_1513 : i32 to vector<16xi32>
      %add3A_1515 = arith.addi %add3A_1514, %and3A_6 : vector<16xi32>
      %add3A_1516 = arith.constant 94 : i32
      %add3A_1517 = vector.broadcast %add3A_1516 : i32 to vector<16xi32>
      %add3A_1518 = arith.addi %add3A_1517, %shift_right_arithmetic3A_4 : vector<16xi32>
      %gather3A_1519 = tpu.vector_load_idx %arg4[%add3A_1515, %add3A_1518] : memref<200x128xi32, #tpu.memory_space<vmem>>[vector<16xi32>, vector<16xi32>], vector<16xi32>,
      %not3A_1520 = arith.constant 32767 : i32
      %not3A_1521 = arith.constant -1 : i32
      %not3A_1522 = arith.xori %not3A_1520, %not3A_1521 : i32
      %and3A_1523 = vector.broadcast %not3A_1522 : i32 to vector<16xi32>
      %and3A_1524 = arith.andi %gather3A_1519, %and3A_1523 : vector<16xi32>
      %and3A_1525 = arith.constant 4095 : i32
      %and3A_1526 = vector.broadcast %and3A_1525 : i32 to vector<16xi32>
      %and3A_1527 = arith.andi %gather3A_1519, %and3A_1526 : vector<16xi32>
      %shift_left3A_1528 = arith.constant 3 : i32
      %shift_left3A_1529 = vector.broadcast %shift_left3A_1528 : i32 to vector<16xi32>
      %shift_left3A_1530 = arith.shli %and3A_1527, %shift_left3A_1529 : vector<16xi32>
      %or3A_1531 = arith.ori %and3A_1524, %shift_left3A_1530 : vector<16xi32>
      %shift_right_arithmetic3A_1532 = arith.constant 12 : i32
      %shift_right_arithmetic3A_1533 = vector.broadcast %shift_right_arithmetic3A_1532 : i32 to vector<16xi32>
      %shift_right_arithmetic3A_1534 = arith.shrsi %gather3A_1519, %shift_right_arithmetic3A_1533 : vector<16xi32>
      %and3A_1535 = arith.constant 7 : i32
      %and3A_1536 = vector.broadcast %and3A_1535 : i32 to vector<16xi32>
      %and3A_1537 = arith.andi %shift_right_arithmetic3A_1534, %and3A_1536 : vector<16xi32>
      %or3A_1538 = arith.ori %or3A_1531, %and3A_1537 : vector<16xi32>
      %swap3A_1539 = arith.constant 5 : i32
      %swap3A_1540 = arith.index_cast %scan3A_12 : i32 to index
      %swap3A_1541 = arith.index_cast %swap3A_1539 : i32 to index
      %swap3A_1542 = arith.constant 112 : index
      %swap3A_1543 = tpu.vector_load %arg5[%swap3A_1540, %swap3A_1541, %swap3A_1542] {strides = array<i32>} : memref<25x8x128xi32, #tpu.memory_space<vmem>>, vector<16xi32>,
      tpu.vector_store %arg5[%swap3A_1540, %swap3A_1541, %swap3A_1542], %or3A_1538 {strides = array<i32>} : memref<25x8x128xi32, #tpu.memory_space<vmem>>, vector<16xi32>,
      %mul3A_1544 = arith.constant 8 : i32
      %mul3A_1545 = arith.muli %mul3A_1544, %scan3A_12 : i32
      %add3A_1546 = vector.broadcast %mul3A_1545 : i32 to vector<16xi32>
      %add3A_1547 = arith.addi %add3A_1546, %and3A_6 : vector<16xi32>
      %add3A_1548 = arith.constant 96 : i32
      %add3A_1549 = vector.broadcast %add3A_1548 : i32 to vector<16xi32>
      %add3A_1550 = arith.addi %add3A_1549, %shift_right_arithmetic3A_4 : vector<16xi32>
      %gather3A_1551 = tpu.vector_load_idx %arg4[%add3A_1547, %add3A_1550] : memref<200x128xi32, #tpu.memory_space<vmem>>[vector<16xi32>, vector<16xi32>], vector<16xi32>,
      %not3A_1552 = arith.constant 32767 : i32
      %not3A_1553 = arith.constant -1 : i32
      %not3A_1554 = arith.xori %not3A_1552, %not3A_1553 : i32
      %and3A_1555 = vector.broadcast %not3A_1554 : i32 to vector<16xi32>
      %and3A_1556 = arith.andi %gather3A_1551, %and3A_1555 : vector<16xi32>
      %and3A_1557 = arith.constant 4095 : i32
      %and3A_1558 = vector.broadcast %and3A_1557 : i32 to vector<16xi32>
      %and3A_1559 = arith.andi %gather3A_1551, %and3A_1558 : vector<16xi32>
      %shift_left3A_1560 = arith.constant 3 : i32
      %shift_left3A_1561 = vector.broadcast %shift_left3A_1560 : i32 to vector<16xi32>
      %shift_left3A_1562 = arith.shli %and3A_1559, %shift_left3A_1561 : vector<16xi32>
      %or3A_1563 = arith.ori %and3A_1556, %shift_left3A_1562 : vector<16xi32>
      %shift_right_arithmetic3A_1564 = arith.constant 12 : i32
      %shift_right_arithmetic3A_1565 = vector.broadcast %shift_right_arithmetic3A_1564 : i32 to vector<16xi32>
      %shift_right_arithmetic3A_1566 = arith.shrsi %gather3A_1551, %shift_right_arithmetic3A_1565 : vector<16xi32>
      %and3A_1567 = arith.constant 7 : i32
      %and3A_1568 = vector.broadcast %and3A_1567 : i32 to vector<16xi32>
      %and3A_1569 = arith.andi %shift_right_arithmetic3A_1566, %and3A_1568 : vector<16xi32>
      %or3A_1570 = arith.ori %or3A_1563, %and3A_1569 : vector<16xi32>
      %swap3A_1571 = arith.constant 6 : i32
      %swap3A_1572 = arith.index_cast %scan3A_12 : i32 to index
      %swap3A_1573 = arith.index_cast %swap3A_1571 : i32 to index
      %swap3A_1574 = arith.constant 0 : index
      %swap3A_1575 = tpu.vector_load %arg5[%swap3A_1572, %swap3A_1573, %swap3A_1574] {strides = array<i32>} : memref<25x8x128xi32, #tpu.memory_space<vmem>>, vector<16xi32>,
      tpu.vector_store %arg5[%swap3A_1572, %swap3A_1573, %swap3A_1574], %or3A_1570 {strides = array<i32>} : memref<25x8x128xi32, #tpu.memory_space<vmem>>, vector<16xi32>,
      %mul3A_1576 = arith.constant 8 : i32
      %mul3A_1577 = arith.muli %mul3A_1576, %scan3A_12 : i32
      %add3A_1578 = vector.broadcast %mul3A_1577 : i32 to vector<16xi32>
      %add3A_1579 = arith.addi %add3A_1578, %and3A_6 : vector<16xi32>
      %add3A_1580 = arith.constant 98 : i32
      %add3A_1581 = vector.broadcast %add3A_1580 : i32 to vector<16xi32>
      %add3A_1582 = arith.addi %add3A_1581, %shift_right_arithmetic3A_4 : vector<16xi32>
      %gather3A_1583 = tpu.vector_load_idx %arg4[%add3A_1579, %add3A_1582] : memref<200x128xi32, #tpu.memory_space<vmem>>[vector<16xi32>, vector<16xi32>], vector<16xi32>,
      %not3A_1584 = arith.constant 32767 : i32
      %not3A_1585 = arith.constant -1 : i32
      %not3A_1586 = arith.xori %not3A_1584, %not3A_1585 : i32
      %and3A_1587 = vector.broadcast %not3A_1586 : i32 to vector<16xi32>
      %and3A_1588 = arith.andi %gather3A_1583, %and3A_1587 : vector<16xi32>
      %and3A_1589 = arith.constant 4095 : i32
      %and3A_1590 = vector.broadcast %and3A_1589 : i32 to vector<16xi32>
      %and3A_1591 = arith.andi %gather3A_1583, %and3A_1590 : vector<16xi32>
      %shift_left3A_1592 = arith.constant 3 : i32
      %shift_left3A_1593 = vector.broadcast %shift_left3A_1592 : i32 to vector<16xi32>
      %shift_left3A_1594 = arith.shli %and3A_1591, %shift_left3A_1593 : vector<16xi32>
      %or3A_1595 = arith.ori %and3A_1588, %shift_left3A_1594 : vector<16xi32>
      %shift_right_arithmetic3A_1596 = arith.constant 12 : i32
      %shift_right_arithmetic3A_1597 = vector.broadcast %shift_right_arithmetic3A_1596 : i32 to vector<16xi32>
      %shift_right_arithmetic3A_1598 = arith.shrsi %gather3A_1583, %shift_right_arithmetic3A_1597 : vector<16xi32>
      %and3A_1599 = arith.constant 7 : i32
      %and3A_1600 = vector.broadcast %and3A_1599 : i32 to vector<16xi32>
      %and3A_1601 = arith.andi %shift_right_arithmetic3A_1598, %and3A_1600 : vector<16xi32>
      %or3A_1602 = arith.ori %or3A_1595, %and3A_1601 : vector<16xi32>
      %swap3A_1603 = arith.constant 6 : i32
      %swap3A_1604 = arith.index_cast %scan3A_12 : i32 to index
      %swap3A_1605 = arith.index_cast %swap3A_1603 : i32 to index
      %swap3A_1606 = arith.constant 16 : index
      %swap3A_1607 = tpu.vector_load %arg5[%swap3A_1604, %swap3A_1605, %swap3A_1606] {strides = array<i32>} : memref<25x8x128xi32, #tpu.memory_space<vmem>>, vector<16xi32>,
      tpu.vector_store %arg5[%swap3A_1604, %swap3A_1605, %swap3A_1606], %or3A_1602 {strides = array<i32>} : memref<25x8x128xi32, #tpu.memory_space<vmem>>, vector<16xi32>,
      %mul3A_1608 = arith.constant 8 : i32
      %mul3A_1609 = arith.muli %mul3A_1608, %scan3A_12 : i32
      %add3A_1610 = vector.broadcast %mul3A_1609 : i32 to vector<16xi32>
      %add3A_1611 = arith.addi %add3A_1610, %and3A_6 : vector<16xi32>
      %add3A_1612 = arith.constant 100 : i32
      %add3A_1613 = vector.broadcast %add3A_1612 : i32 to vector<16xi32>
      %add3A_1614 = arith.addi %add3A_1613, %shift_right_arithmetic3A_4 : vector<16xi32>
      %gather3A_1615 = tpu.vector_load_idx %arg4[%add3A_1611, %add3A_1614] : memref<200x128xi32, #tpu.memory_space<vmem>>[vector<16xi32>, vector<16xi32>], vector<16xi32>,
      %not3A_1616 = arith.constant 32767 : i32
      %not3A_1617 = arith.constant -1 : i32
      %not3A_1618 = arith.xori %not3A_1616, %not3A_1617 : i32
      %and3A_1619 = vector.broadcast %not3A_1618 : i32 to vector<16xi32>
      %and3A_1620 = arith.andi %gather3A_1615, %and3A_1619 : vector<16xi32>
      %and3A_1621 = arith.constant 4095 : i32
      %and3A_1622 = vector.broadcast %and3A_1621 : i32 to vector<16xi32>
      %and3A_1623 = arith.andi %gather3A_1615, %and3A_1622 : vector<16xi32>
      %shift_left3A_1624 = arith.constant 3 : i32
      %shift_left3A_1625 = vector.broadcast %shift_left3A_1624 : i32 to vector<16xi32>
      %shift_left3A_1626 = arith.shli %and3A_1623, %shift_left3A_1625 : vector<16xi32>
      %or3A_1627 = arith.ori %and3A_1620, %shift_left3A_1626 : vector<16xi32>
      %shift_right_arithmetic3A_1628 = arith.constant 12 : i32
      %shift_right_arithmetic3A_1629 = vector.broadcast %shift_right_arithmetic3A_1628 : i32 to vector<16xi32>
      %shift_right_arithmetic3A_1630 = arith.shrsi %gather3A_1615, %shift_right_arithmetic3A_1629 : vector<16xi32>
      %and3A_1631 = arith.constant 7 : i32
      %and3A_1632 = vector.broadcast %and3A_1631 : i32 to vector<16xi32>
      %and3A_1633 = arith.andi %shift_right_arithmetic3A_1630, %and3A_1632 : vector<16xi32>
      %or3A_1634 = arith.ori %or3A_1627, %and3A_1633 : vector<16xi32>
      %swap3A_1635 = arith.constant 6 : i32
      %swap3A_1636 = arith.index_cast %scan3A_12 : i32 to index
      %swap3A_1637 = arith.index_cast %swap3A_1635 : i32 to index
      %swap3A_1638 = arith.constant 32 : index
      %swap3A_1639 = tpu.vector_load %arg5[%swap3A_1636, %swap3A_1637, %swap3A_1638] {strides = array<i32>} : memref<25x8x128xi32, #tpu.memory_space<vmem>>, vector<16xi32>,
      tpu.vector_store %arg5[%swap3A_1636, %swap3A_1637, %swap3A_1638], %or3A_1634 {strides = array<i32>} : memref<25x8x128xi32, #tpu.memory_space<vmem>>, vector<16xi32>,
      %mul3A_1640 = arith.constant 8 : i32
      %mul3A_1641 = arith.muli %mul3A_1640, %scan3A_12 : i32
      %add3A_1642 = vector.broadcast %mul3A_1641 : i32 to vector<16xi32>
      %add3A_1643 = arith.addi %add3A_1642, %and3A_6 : vector<16xi32>
      %add3A_1644 = arith.constant 102 : i32
      %add3A_1645 = vector.broadcast %add3A_1644 : i32 to vector<16xi32>
      %add3A_1646 = arith.addi %add3A_1645, %shift_right_arithmetic3A_4 : vector<16xi32>
      %gather3A_1647 = tpu.vector_load_idx %arg4[%add3A_1643, %add3A_1646] : memref<200x128xi32, #tpu.memory_space<vmem>>[vector<16xi32>, vector<16xi32>], vector<16xi32>,
      %not3A_1648 = arith.constant 32767 : i32
      %not3A_1649 = arith.constant -1 : i32
      %not3A_1650 = arith.xori %not3A_1648, %not3A_1649 : i32
      %and3A_1651 = vector.broadcast %not3A_1650 : i32 to vector<16xi32>
      %and3A_1652 = arith.andi %gather3A_1647, %and3A_1651 : vector<16xi32>
      %and3A_1653 = arith.constant 4095 : i32
      %and3A_1654 = vector.broadcast %and3A_1653 : i32 to vector<16xi32>
      %and3A_1655 = arith.andi %gather3A_1647, %and3A_1654 : vector<16xi32>
      %shift_left3A_1656 = arith.constant 3 : i32
      %shift_left3A_1657 = vector.broadcast %shift_left3A_1656 : i32 to vector<16xi32>
      %shift_left3A_1658 = arith.shli %and3A_1655, %shift_left3A_1657 : vector<16xi32>
      %or3A_1659 = arith.ori %and3A_1652, %shift_left3A_1658 : vector<16xi32>
      %shift_right_arithmetic3A_1660 = arith.constant 12 : i32
      %shift_right_arithmetic3A_1661 = vector.broadcast %shift_right_arithmetic3A_1660 : i32 to vector<16xi32>
      %shift_right_arithmetic3A_1662 = arith.shrsi %gather3A_1647, %shift_right_arithmetic3A_1661 : vector<16xi32>
      %and3A_1663 = arith.constant 7 : i32
      %and3A_1664 = vector.broadcast %and3A_1663 : i32 to vector<16xi32>
      %and3A_1665 = arith.andi %shift_right_arithmetic3A_1662, %and3A_1664 : vector<16xi32>
      %or3A_1666 = arith.ori %or3A_1659, %and3A_1665 : vector<16xi32>
      %swap3A_1667 = arith.constant 6 : i32
      %swap3A_1668 = arith.index_cast %scan3A_12 : i32 to index
      %swap3A_1669 = arith.index_cast %swap3A_1667 : i32 to index
      %swap3A_1670 = arith.constant 48 : index
      %swap3A_1671 = tpu.vector_load %arg5[%swap3A_1668, %swap3A_1669, %swap3A_1670] {strides = array<i32>} : memref<25x8x128xi32, #tpu.memory_space<vmem>>, vector<16xi32>,
      tpu.vector_store %arg5[%swap3A_1668, %swap3A_1669, %swap3A_1670], %or3A_1666 {strides = array<i32>} : memref<25x8x128xi32, #tpu.memory_space<vmem>>, vector<16xi32>,
      %mul3A_1672 = arith.constant 8 : i32
      %mul3A_1673 = arith.muli %mul3A_1672, %scan3A_12 : i32
      %add3A_1674 = vector.broadcast %mul3A_1673 : i32 to vector<16xi32>
      %add3A_1675 = arith.addi %add3A_1674, %and3A_6 : vector<16xi32>
      %add3A_1676 = arith.constant 104 : i32
      %add3A_1677 = vector.broadcast %add3A_1676 : i32 to vector<16xi32>
      %add3A_1678 = arith.addi %add3A_1677, %shift_right_arithmetic3A_4 : vector<16xi32>
      %gather3A_1679 = tpu.vector_load_idx %arg4[%add3A_1675, %add3A_1678] : memref<200x128xi32, #tpu.memory_space<vmem>>[vector<16xi32>, vector<16xi32>], vector<16xi32>,
      %not3A_1680 = arith.constant 32767 : i32
      %not3A_1681 = arith.constant -1 : i32
      %not3A_1682 = arith.xori %not3A_1680, %not3A_1681 : i32
      %and3A_1683 = vector.broadcast %not3A_1682 : i32 to vector<16xi32>
      %and3A_1684 = arith.andi %gather3A_1679, %and3A_1683 : vector<16xi32>
      %and3A_1685 = arith.constant 4095 : i32
      %and3A_1686 = vector.broadcast %and3A_1685 : i32 to vector<16xi32>
      %and3A_1687 = arith.andi %gather3A_1679, %and3A_1686 : vector<16xi32>
      %shift_left3A_1688 = arith.constant 3 : i32
      %shift_left3A_1689 = vector.broadcast %shift_left3A_1688 : i32 to vector<16xi32>
      %shift_left3A_1690 = arith.shli %and3A_1687, %shift_left3A_1689 : vector<16xi32>
      %or3A_1691 = arith.ori %and3A_1684, %shift_left3A_1690 : vector<16xi32>
      %shift_right_arithmetic3A_1692 = arith.constant 12 : i32
      %shift_right_arithmetic3A_1693 = vector.broadcast %shift_right_arithmetic3A_1692 : i32 to vector<16xi32>
      %shift_right_arithmetic3A_1694 = arith.shrsi %gather3A_1679, %shift_right_arithmetic3A_1693 : vector<16xi32>
      %and3A_1695 = arith.constant 7 : i32
      %and3A_1696 = vector.broadcast %and3A_1695 : i32 to vector<16xi32>
      %and3A_1697 = arith.andi %shift_right_arithmetic3A_1694, %and3A_1696 : vector<16xi32>
      %or3A_1698 = arith.ori %or3A_1691, %and3A_1697 : vector<16xi32>
      %swap3A_1699 = arith.constant 6 : i32
      %swap3A_1700 = arith.index_cast %scan3A_12 : i32 to index
      %swap3A_1701 = arith.index_cast %swap3A_1699 : i32 to index
      %swap3A_1702 = arith.constant 64 : index
      %swap3A_1703 = tpu.vector_load %arg5[%swap3A_1700, %swap3A_1701, %swap3A_1702] {strides = array<i32>} : memref<25x8x128xi32, #tpu.memory_space<vmem>>, vector<16xi32>,
      tpu.vector_store %arg5[%swap3A_1700, %swap3A_1701, %swap3A_1702], %or3A_1698 {strides = array<i32>} : memref<25x8x128xi32, #tpu.memory_space<vmem>>, vector<16xi32>,
      %mul3A_1704 = arith.constant 8 : i32
      %mul3A_1705 = arith.muli %mul3A_1704, %scan3A_12 : i32
      %add3A_1706 = vector.broadcast %mul3A_1705 : i32 to vector<16xi32>
      %add3A_1707 = arith.addi %add3A_1706, %and3A_6 : vector<16xi32>
      %add3A_1708 = arith.constant 106 : i32
      %add3A_1709 = vector.broadcast %add3A_1708 : i32 to vector<16xi32>
      %add3A_1710 = arith.addi %add3A_1709, %shift_right_arithmetic3A_4 : vector<16xi32>
      %gather3A_1711 = tpu.vector_load_idx %arg4[%add3A_1707, %add3A_1710] : memref<200x128xi32, #tpu.memory_space<vmem>>[vector<16xi32>, vector<16xi32>], vector<16xi32>,
      %not3A_1712 = arith.constant 32767 : i32
      %not3A_1713 = arith.constant -1 : i32
      %not3A_1714 = arith.xori %not3A_1712, %not3A_1713 : i32
      %and3A_1715 = vector.broadcast %not3A_1714 : i32 to vector<16xi32>
      %and3A_1716 = arith.andi %gather3A_1711, %and3A_1715 : vector<16xi32>
      %and3A_1717 = arith.constant 4095 : i32
      %and3A_1718 = vector.broadcast %and3A_1717 : i32 to vector<16xi32>
      %and3A_1719 = arith.andi %gather3A_1711, %and3A_1718 : vector<16xi32>
      %shift_left3A_1720 = arith.constant 3 : i32
      %shift_left3A_1721 = vector.broadcast %shift_left3A_1720 : i32 to vector<16xi32>
      %shift_left3A_1722 = arith.shli %and3A_1719, %shift_left3A_1721 : vector<16xi32>
      %or3A_1723 = arith.ori %and3A_1716, %shift_left3A_1722 : vector<16xi32>
      %shift_right_arithmetic3A_1724 = arith.constant 12 : i32
      %shift_right_arithmetic3A_1725 = vector.broadcast %shift_right_arithmetic3A_1724 : i32 to vector<16xi32>
      %shift_right_arithmetic3A_1726 = arith.shrsi %gather3A_1711, %shift_right_arithmetic3A_1725 : vector<16xi32>
      %and3A_1727 = arith.constant 7 : i32
      %and3A_1728 = vector.broadcast %and3A_1727 : i32 to vector<16xi32>
      %and3A_1729 = arith.andi %shift_right_arithmetic3A_1726, %and3A_1728 : vector<16xi32>
      %or3A_1730 = arith.ori %or3A_1723, %and3A_1729 : vector<16xi32>
      %swap3A_1731 = arith.constant 6 : i32
      %swap3A_1732 = arith.index_cast %scan3A_12 : i32 to index
      %swap3A_1733 = arith.index_cast %swap3A_1731 : i32 to index
      %swap3A_1734 = arith.constant 80 : index
      %swap3A_1735 = tpu.vector_load %arg5[%swap3A_1732, %swap3A_1733, %swap3A_1734] {strides = array<i32>} : memref<25x8x128xi32, #tpu.memory_space<vmem>>, vector<16xi32>,
      tpu.vector_store %arg5[%swap3A_1732, %swap3A_1733, %swap3A_1734], %or3A_1730 {strides = array<i32>} : memref<25x8x128xi32, #tpu.memory_space<vmem>>, vector<16xi32>,
      %mul3A_1736 = arith.constant 8 : i32
      %mul3A_1737 = arith.muli %mul3A_1736, %scan3A_12 : i32
      %add3A_1738 = vector.broadcast %mul3A_1737 : i32 to vector<16xi32>
      %add3A_1739 = arith.addi %add3A_1738, %and3A_6 : vector<16xi32>
      %add3A_1740 = arith.constant 108 : i32
      %add3A_1741 = vector.broadcast %add3A_1740 : i32 to vector<16xi32>
      %add3A_1742 = arith.addi %add3A_1741, %shift_right_arithmetic3A_4 : vector<16xi32>
      %gather3A_1743 = tpu.vector_load_idx %arg4[%add3A_1739, %add3A_1742] : memref<200x128xi32, #tpu.memory_space<vmem>>[vector<16xi32>, vector<16xi32>], vector<16xi32>,
      %not3A_1744 = arith.constant 32767 : i32
      %not3A_1745 = arith.constant -1 : i32
      %not3A_1746 = arith.xori %not3A_1744, %not3A_1745 : i32
      %and3A_1747 = vector.broadcast %not3A_1746 : i32 to vector<16xi32>
      %and3A_1748 = arith.andi %gather3A_1743, %and3A_1747 : vector<16xi32>
      %and3A_1749 = arith.constant 4095 : i32
      %and3A_1750 = vector.broadcast %and3A_1749 : i32 to vector<16xi32>
      %and3A_1751 = arith.andi %gather3A_1743, %and3A_1750 : vector<16xi32>
      %shift_left3A_1752 = arith.constant 3 : i32
      %shift_left3A_1753 = vector.broadcast %shift_left3A_1752 : i32 to vector<16xi32>
      %shift_left3A_1754 = arith.shli %and3A_1751, %shift_left3A_1753 : vector<16xi32>
      %or3A_1755 = arith.ori %and3A_1748, %shift_left3A_1754 : vector<16xi32>
      %shift_right_arithmetic3A_1756 = arith.constant 12 : i32
      %shift_right_arithmetic3A_1757 = vector.broadcast %shift_right_arithmetic3A_1756 : i32 to vector<16xi32>
      %shift_right_arithmetic3A_1758 = arith.shrsi %gather3A_1743, %shift_right_arithmetic3A_1757 : vector<16xi32>
      %and3A_1759 = arith.constant 7 : i32
      %and3A_1760 = vector.broadcast %and3A_1759 : i32 to vector<16xi32>
      %and3A_1761 = arith.andi %shift_right_arithmetic3A_1758, %and3A_1760 : vector<16xi32>
      %or3A_1762 = arith.ori %or3A_1755, %and3A_1761 : vector<16xi32>
      %swap3A_1763 = arith.constant 6 : i32
      %swap3A_1764 = arith.index_cast %scan3A_12 : i32 to index
      %swap3A_1765 = arith.index_cast %swap3A_1763 : i32 to index
      %swap3A_1766 = arith.constant 96 : index
      %swap3A_1767 = tpu.vector_load %arg5[%swap3A_1764, %swap3A_1765, %swap3A_1766] {strides = array<i32>} : memref<25x8x128xi32, #tpu.memory_space<vmem>>, vector<16xi32>,
      tpu.vector_store %arg5[%swap3A_1764, %swap3A_1765, %swap3A_1766], %or3A_1762 {strides = array<i32>} : memref<25x8x128xi32, #tpu.memory_space<vmem>>, vector<16xi32>,
      %mul3A_1768 = arith.constant 8 : i32
      %mul3A_1769 = arith.muli %mul3A_1768, %scan3A_12 : i32
      %add3A_1770 = vector.broadcast %mul3A_1769 : i32 to vector<16xi32>
      %add3A_1771 = arith.addi %add3A_1770, %and3A_6 : vector<16xi32>
      %add3A_1772 = arith.constant 110 : i32
      %add3A_1773 = vector.broadcast %add3A_1772 : i32 to vector<16xi32>
      %add3A_1774 = arith.addi %add3A_1773, %shift_right_arithmetic3A_4 : vector<16xi32>
      %gather3A_1775 = tpu.vector_load_idx %arg4[%add3A_1771, %add3A_1774] : memref<200x128xi32, #tpu.memory_space<vmem>>[vector<16xi32>, vector<16xi32>], vector<16xi32>,
      %not3A_1776 = arith.constant 32767 : i32
      %not3A_1777 = arith.constant -1 : i32
      %not3A_1778 = arith.xori %not3A_1776, %not3A_1777 : i32
      %and3A_1779 = vector.broadcast %not3A_1778 : i32 to vector<16xi32>
      %and3A_1780 = arith.andi %gather3A_1775, %and3A_1779 : vector<16xi32>
      %and3A_1781 = arith.constant 4095 : i32
      %and3A_1782 = vector.broadcast %and3A_1781 : i32 to vector<16xi32>
      %and3A_1783 = arith.andi %gather3A_1775, %and3A_1782 : vector<16xi32>
      %shift_left3A_1784 = arith.constant 3 : i32
      %shift_left3A_1785 = vector.broadcast %shift_left3A_1784 : i32 to vector<16xi32>
      %shift_left3A_1786 = arith.shli %and3A_1783, %shift_left3A_1785 : vector<16xi32>
      %or3A_1787 = arith.ori %and3A_1780, %shift_left3A_1786 : vector<16xi32>
      %shift_right_arithmetic3A_1788 = arith.constant 12 : i32
      %shift_right_arithmetic3A_1789 = vector.broadcast %shift_right_arithmetic3A_1788 : i32 to vector<16xi32>
      %shift_right_arithmetic3A_1790 = arith.shrsi %gather3A_1775, %shift_right_arithmetic3A_1789 : vector<16xi32>
      %and3A_1791 = arith.constant 7 : i32
      %and3A_1792 = vector.broadcast %and3A_1791 : i32 to vector<16xi32>
      %and3A_1793 = arith.andi %shift_right_arithmetic3A_1790, %and3A_1792 : vector<16xi32>
      %or3A_1794 = arith.ori %or3A_1787, %and3A_1793 : vector<16xi32>
      %swap3A_1795 = arith.constant 6 : i32
      %swap3A_1796 = arith.index_cast %scan3A_12 : i32 to index
      %swap3A_1797 = arith.index_cast %swap3A_1795 : i32 to index
      %swap3A_1798 = arith.constant 112 : index
      %swap3A_1799 = tpu.vector_load %arg5[%swap3A_1796, %swap3A_1797, %swap3A_1798] {strides = array<i32>} : memref<25x8x128xi32, #tpu.memory_space<vmem>>, vector<16xi32>,
      tpu.vector_store %arg5[%swap3A_1796, %swap3A_1797, %swap3A_1798], %or3A_1794 {strides = array<i32>} : memref<25x8x128xi32, #tpu.memory_space<vmem>>, vector<16xi32>,
      %mul3A_1800 = arith.constant 8 : i32
      %mul3A_1801 = arith.muli %mul3A_1800, %scan3A_12 : i32
      %add3A_1802 = vector.broadcast %mul3A_1801 : i32 to vector<16xi32>
      %add3A_1803 = arith.addi %add3A_1802, %and3A_6 : vector<16xi32>
      %add3A_1804 = arith.constant 112 : i32
      %add3A_1805 = vector.broadcast %add3A_1804 : i32 to vector<16xi32>
      %add3A_1806 = arith.addi %add3A_1805, %shift_right_arithmetic3A_4 : vector<16xi32>
      %gather3A_1807 = tpu.vector_load_idx %arg4[%add3A_1803, %add3A_1806] : memref<200x128xi32, #tpu.memory_space<vmem>>[vector<16xi32>, vector<16xi32>], vector<16xi32>,
      %not3A_1808 = arith.constant 32767 : i32
      %not3A_1809 = arith.constant -1 : i32
      %not3A_1810 = arith.xori %not3A_1808, %not3A_1809 : i32
      %and3A_1811 = vector.broadcast %not3A_1810 : i32 to vector<16xi32>
      %and3A_1812 = arith.andi %gather3A_1807, %and3A_1811 : vector<16xi32>
      %and3A_1813 = arith.constant 4095 : i32
      %and3A_1814 = vector.broadcast %and3A_1813 : i32 to vector<16xi32>
      %and3A_1815 = arith.andi %gather3A_1807, %and3A_1814 : vector<16xi32>
      %shift_left3A_1816 = arith.constant 3 : i32
      %shift_left3A_1817 = vector.broadcast %shift_left3A_1816 : i32 to vector<16xi32>
      %shift_left3A_1818 = arith.shli %and3A_1815, %shift_left3A_1817 : vector<16xi32>
      %or3A_1819 = arith.ori %and3A_1812, %shift_left3A_1818 : vector<16xi32>
      %shift_right_arithmetic3A_1820 = arith.constant 12 : i32
      %shift_right_arithmetic3A_1821 = vector.broadcast %shift_right_arithmetic3A_1820 : i32 to vector<16xi32>
      %shift_right_arithmetic3A_1822 = arith.shrsi %gather3A_1807, %shift_right_arithmetic3A_1821 : vector<16xi32>
      %and3A_1823 = arith.constant 7 : i32
      %and3A_1824 = vector.broadcast %and3A_1823 : i32 to vector<16xi32>
      %and3A_1825 = arith.andi %shift_right_arithmetic3A_1822, %and3A_1824 : vector<16xi32>
      %or3A_1826 = arith.ori %or3A_1819, %and3A_1825 : vector<16xi32>
      %swap3A_1827 = arith.constant 7 : i32
      %swap3A_1828 = arith.index_cast %scan3A_12 : i32 to index
      %swap3A_1829 = arith.index_cast %swap3A_1827 : i32 to index
      %swap3A_1830 = arith.constant 0 : index
      %swap3A_1831 = tpu.vector_load %arg5[%swap3A_1828, %swap3A_1829, %swap3A_1830] {strides = array<i32>} : memref<25x8x128xi32, #tpu.memory_space<vmem>>, vector<16xi32>,
      tpu.vector_store %arg5[%swap3A_1828, %swap3A_1829, %swap3A_1830], %or3A_1826 {strides = array<i32>} : memref<25x8x128xi32, #tpu.memory_space<vmem>>, vector<16xi32>,
      %mul3A_1832 = arith.constant 8 : i32
      %mul3A_1833 = arith.muli %mul3A_1832, %scan3A_12 : i32
      %add3A_1834 = vector.broadcast %mul3A_1833 : i32 to vector<16xi32>
      %add3A_1835 = arith.addi %add3A_1834, %and3A_6 : vector<16xi32>
      %add3A_1836 = arith.constant 114 : i32
      %add3A_1837 = vector.broadcast %add3A_1836 : i32 to vector<16xi32>
      %add3A_1838 = arith.addi %add3A_1837, %shift_right_arithmetic3A_4 : vector<16xi32>
      %gather3A_1839 = tpu.vector_load_idx %arg4[%add3A_1835, %add3A_1838] : memref<200x128xi32, #tpu.memory_space<vmem>>[vector<16xi32>, vector<16xi32>], vector<16xi32>,
      %not3A_1840 = arith.constant 32767 : i32
      %not3A_1841 = arith.constant -1 : i32
      %not3A_1842 = arith.xori %not3A_1840, %not3A_1841 : i32
      %and3A_1843 = vector.broadcast %not3A_1842 : i32 to vector<16xi32>
      %and3A_1844 = arith.andi %gather3A_1839, %and3A_1843 : vector<16xi32>
      %and3A_1845 = arith.constant 4095 : i32
      %and3A_1846 = vector.broadcast %and3A_1845 : i32 to vector<16xi32>
      %and3A_1847 = arith.andi %gather3A_1839, %and3A_1846 : vector<16xi32>
      %shift_left3A_1848 = arith.constant 3 : i32
      %shift_left3A_1849 = vector.broadcast %shift_left3A_1848 : i32 to vector<16xi32>
      %shift_left3A_1850 = arith.shli %and3A_1847, %shift_left3A_1849 : vector<16xi32>
      %or3A_1851 = arith.ori %and3A_1844, %shift_left3A_1850 : vector<16xi32>
      %shift_right_arithmetic3A_1852 = arith.constant 12 : i32
      %shift_right_arithmetic3A_1853 = vector.broadcast %shift_right_arithmetic3A_1852 : i32 to vector<16xi32>
      %shift_right_arithmetic3A_1854 = arith.shrsi %gather3A_1839, %shift_right_arithmetic3A_1853 : vector<16xi32>
      %and3A_1855 = arith.constant 7 : i32
      %and3A_1856 = vector.broadcast %and3A_1855 : i32 to vector<16xi32>
      %and3A_1857 = arith.andi %shift_right_arithmetic3A_1854, %and3A_1856 : vector<16xi32>
      %or3A_1858 = arith.ori %or3A_1851, %and3A_1857 : vector<16xi32>
      %swap3A_1859 = arith.constant 7 : i32
      %swap3A_1860 = arith.index_cast %scan3A_12 : i32 to index
      %swap3A_1861 = arith.index_cast %swap3A_1859 : i32 to index
      %swap3A_1862 = arith.constant 16 : index
      %swap3A_1863 = tpu.vector_load %arg5[%swap3A_1860, %swap3A_1861, %swap3A_1862] {strides = array<i32>} : memref<25x8x128xi32, #tpu.memory_space<vmem>>, vector<16xi32>,
      tpu.vector_store %arg5[%swap3A_1860, %swap3A_1861, %swap3A_1862], %or3A_1858 {strides = array<i32>} : memref<25x8x128xi32, #tpu.memory_space<vmem>>, vector<16xi32>,
      %mul3A_1864 = arith.constant 8 : i32
      %mul3A_1865 = arith.muli %mul3A_1864, %scan3A_12 : i32
      %add3A_1866 = vector.broadcast %mul3A_1865 : i32 to vector<16xi32>
      %add3A_1867 = arith.addi %add3A_1866, %and3A_6 : vector<16xi32>
      %add3A_1868 = arith.constant 116 : i32
      %add3A_1869 = vector.broadcast %add3A_1868 : i32 to vector<16xi32>
      %add3A_1870 = arith.addi %add3A_1869, %shift_right_arithmetic3A_4 : vector<16xi32>
      %gather3A_1871 = tpu.vector_load_idx %arg4[%add3A_1867, %add3A_1870] : memref<200x128xi32, #tpu.memory_space<vmem>>[vector<16xi32>, vector<16xi32>], vector<16xi32>,
      %not3A_1872 = arith.constant 32767 : i32
      %not3A_1873 = arith.constant -1 : i32
      %not3A_1874 = arith.xori %not3A_1872, %not3A_1873 : i32
      %and3A_1875 = vector.broadcast %not3A_1874 : i32 to vector<16xi32>
      %and3A_1876 = arith.andi %gather3A_1871, %and3A_1875 : vector<16xi32>
      %and3A_1877 = arith.constant 4095 : i32
      %and3A_1878 = vector.broadcast %and3A_1877 : i32 to vector<16xi32>
      %and3A_1879 = arith.andi %gather3A_1871, %and3A_1878 : vector<16xi32>
      %shift_left3A_1880 = arith.constant 3 : i32
      %shift_left3A_1881 = vector.broadcast %shift_left3A_1880 : i32 to vector<16xi32>
      %shift_left3A_1882 = arith.shli %and3A_1879, %shift_left3A_1881 : vector<16xi32>
      %or3A_1883 = arith.ori %and3A_1876, %shift_left3A_1882 : vector<16xi32>
      %shift_right_arithmetic3A_1884 = arith.constant 12 : i32
      %shift_right_arithmetic3A_1885 = vector.broadcast %shift_right_arithmetic3A_1884 : i32 to vector<16xi32>
      %shift_right_arithmetic3A_1886 = arith.shrsi %gather3A_1871, %shift_right_arithmetic3A_1885 : vector<16xi32>
      %and3A_1887 = arith.constant 7 : i32
      %and3A_1888 = vector.broadcast %and3A_1887 : i32 to vector<16xi32>
      %and3A_1889 = arith.andi %shift_right_arithmetic3A_1886, %and3A_1888 : vector<16xi32>
      %or3A_1890 = arith.ori %or3A_1883, %and3A_1889 : vector<16xi32>
      %swap3A_1891 = arith.constant 7 : i32
      %swap3A_1892 = arith.index_cast %scan3A_12 : i32 to index
      %swap3A_1893 = arith.index_cast %swap3A_1891 : i32 to index
      %swap3A_1894 = arith.constant 32 : index
      %swap3A_1895 = tpu.vector_load %arg5[%swap3A_1892, %swap3A_1893, %swap3A_1894] {strides = array<i32>} : memref<25x8x128xi32, #tpu.memory_space<vmem>>, vector<16xi32>,
      tpu.vector_store %arg5[%swap3A_1892, %swap3A_1893, %swap3A_1894], %or3A_1890 {strides = array<i32>} : memref<25x8x128xi32, #tpu.memory_space<vmem>>, vector<16xi32>,
      %mul3A_1896 = arith.constant 8 : i32
      %mul3A_1897 = arith.muli %mul3A_1896, %scan3A_12 : i32
      %add3A_1898 = vector.broadcast %mul3A_1897 : i32 to vector<16xi32>
      %add3A_1899 = arith.addi %add3A_1898, %and3A_6 : vector<16xi32>
      %add3A_1900 = arith.constant 118 : i32
      %add3A_1901 = vector.broadcast %add3A_1900 : i32 to vector<16xi32>
      %add3A_1902 = arith.addi %add3A_1901, %shift_right_arithmetic3A_4 : vector<16xi32>
      %gather3A_1903 = tpu.vector_load_idx %arg4[%add3A_1899, %add3A_1902] : memref<200x128xi32, #tpu.memory_space<vmem>>[vector<16xi32>, vector<16xi32>], vector<16xi32>,
      %not3A_1904 = arith.constant 32767 : i32
      %not3A_1905 = arith.constant -1 : i32
      %not3A_1906 = arith.xori %not3A_1904, %not3A_1905 : i32
      %and3A_1907 = vector.broadcast %not3A_1906 : i32 to vector<16xi32>
      %and3A_1908 = arith.andi %gather3A_1903, %and3A_1907 : vector<16xi32>
      %and3A_1909 = arith.constant 4095 : i32
      %and3A_1910 = vector.broadcast %and3A_1909 : i32 to vector<16xi32>
      %and3A_1911 = arith.andi %gather3A_1903, %and3A_1910 : vector<16xi32>
      %shift_left3A_1912 = arith.constant 3 : i32
      %shift_left3A_1913 = vector.broadcast %shift_left3A_1912 : i32 to vector<16xi32>
      %shift_left3A_1914 = arith.shli %and3A_1911, %shift_left3A_1913 : vector<16xi32>
      %or3A_1915 = arith.ori %and3A_1908, %shift_left3A_1914 : vector<16xi32>
      %shift_right_arithmetic3A_1916 = arith.constant 12 : i32
      %shift_right_arithmetic3A_1917 = vector.broadcast %shift_right_arithmetic3A_1916 : i32 to vector<16xi32>
      %shift_right_arithmetic3A_1918 = arith.shrsi %gather3A_1903, %shift_right_arithmetic3A_1917 : vector<16xi32>
      %and3A_1919 = arith.constant 7 : i32
      %and3A_1920 = vector.broadcast %and3A_1919 : i32 to vector<16xi32>
      %and3A_1921 = arith.andi %shift_right_arithmetic3A_1918, %and3A_1920 : vector<16xi32>
      %or3A_1922 = arith.ori %or3A_1915, %and3A_1921 : vector<16xi32>
      %swap3A_1923 = arith.constant 7 : i32
      %swap3A_1924 = arith.index_cast %scan3A_12 : i32 to index
      %swap3A_1925 = arith.index_cast %swap3A_1923 : i32 to index
      %swap3A_1926 = arith.constant 48 : index
      %swap3A_1927 = tpu.vector_load %arg5[%swap3A_1924, %swap3A_1925, %swap3A_1926] {strides = array<i32>} : memref<25x8x128xi32, #tpu.memory_space<vmem>>, vector<16xi32>,
      tpu.vector_store %arg5[%swap3A_1924, %swap3A_1925, %swap3A_1926], %or3A_1922 {strides = array<i32>} : memref<25x8x128xi32, #tpu.memory_space<vmem>>, vector<16xi32>,
      %mul3A_1928 = arith.constant 8 : i32
      %mul3A_1929 = arith.muli %mul3A_1928, %scan3A_12 : i32
      %add3A_1930 = vector.broadcast %mul3A_1929 : i32 to vector<16xi32>
      %add3A_1931 = arith.addi %add3A_1930, %and3A_6 : vector<16xi32>
      %add3A_1932 = arith.constant 120 : i32
      %add3A_1933 = vector.broadcast %add3A_1932 : i32 to vector<16xi32>
      %add3A_1934 = arith.addi %add3A_1933, %shift_right_arithmetic3A_4 : vector<16xi32>
      %gather3A_1935 = tpu.vector_load_idx %arg4[%add3A_1931, %add3A_1934] : memref<200x128xi32, #tpu.memory_space<vmem>>[vector<16xi32>, vector<16xi32>], vector<16xi32>,
      %not3A_1936 = arith.constant 32767 : i32
      %not3A_1937 = arith.constant -1 : i32
      %not3A_1938 = arith.xori %not3A_1936, %not3A_1937 : i32
      %and3A_1939 = vector.broadcast %not3A_1938 : i32 to vector<16xi32>
      %and3A_1940 = arith.andi %gather3A_1935, %and3A_1939 : vector<16xi32>
      %and3A_1941 = arith.constant 4095 : i32
      %and3A_1942 = vector.broadcast %and3A_1941 : i32 to vector<16xi32>
      %and3A_1943 = arith.andi %gather3A_1935, %and3A_1942 : vector<16xi32>
      %shift_left3A_1944 = arith.constant 3 : i32
      %shift_left3A_1945 = vector.broadcast %shift_left3A_1944 : i32 to vector<16xi32>
      %shift_left3A_1946 = arith.shli %and3A_1943, %shift_left3A_1945 : vector<16xi32>
      %or3A_1947 = arith.ori %and3A_1940, %shift_left3A_1946 : vector<16xi32>
      %shift_right_arithmetic3A_1948 = arith.constant 12 : i32
      %shift_right_arithmetic3A_1949 = vector.broadcast %shift_right_arithmetic3A_1948 : i32 to vector<16xi32>
      %shift_right_arithmetic3A_1950 = arith.shrsi %gather3A_1935, %shift_right_arithmetic3A_1949 : vector<16xi32>
      %and3A_1951 = arith.constant 7 : i32
      %and3A_1952 = vector.broadcast %and3A_1951 : i32 to vector<16xi32>
      %and3A_1953 = arith.andi %shift_right_arithmetic3A_1950, %and3A_1952 : vector<16xi32>
      %or3A_1954 = arith.ori %or3A_1947, %and3A_1953 : vector<16xi32>
      %swap3A_1955 = arith.constant 7 : i32
      %swap3A_1956 = arith.index_cast %scan3A_12 : i32 to index
      %swap3A_1957 = arith.index_cast %swap3A_1955 : i32 to index
      %swap3A_1958 = arith.constant 64 : index
      %swap3A_1959 = tpu.vector_load %arg5[%swap3A_1956, %swap3A_1957, %swap3A_1958] {strides = array<i32>} : memref<25x8x128xi32, #tpu.memory_space<vmem>>, vector<16xi32>,
      tpu.vector_store %arg5[%swap3A_1956, %swap3A_1957, %swap3A_1958], %or3A_1954 {strides = array<i32>} : memref<25x8x128xi32, #tpu.memory_space<vmem>>, vector<16xi32>,
      %mul3A_1960 = arith.constant 8 : i32
      %mul3A_1961 = arith.muli %mul3A_1960, %scan3A_12 : i32
      %add3A_1962 = vector.broadcast %mul3A_1961 : i32 to vector<16xi32>
      %add3A_1963 = arith.addi %add3A_1962, %and3A_6 : vector<16xi32>
      %add3A_1964 = arith.constant 122 : i32
      %add3A_1965 = vector.broadcast %add3A_1964 : i32 to vector<16xi32>
      %add3A_1966 = arith.addi %add3A_1965, %shift_right_arithmetic3A_4 : vector<16xi32>
      %gather3A_1967 = tpu.vector_load_idx %arg4[%add3A_1963, %add3A_1966] : memref<200x128xi32, #tpu.memory_space<vmem>>[vector<16xi32>, vector<16xi32>], vector<16xi32>,
      %not3A_1968 = arith.constant 32767 : i32
      %not3A_1969 = arith.constant -1 : i32
      %not3A_1970 = arith.xori %not3A_1968, %not3A_1969 : i32
      %and3A_1971 = vector.broadcast %not3A_1970 : i32 to vector<16xi32>
      %and3A_1972 = arith.andi %gather3A_1967, %and3A_1971 : vector<16xi32>
      %and3A_1973 = arith.constant 4095 : i32
      %and3A_1974 = vector.broadcast %and3A_1973 : i32 to vector<16xi32>
      %and3A_1975 = arith.andi %gather3A_1967, %and3A_1974 : vector<16xi32>
      %shift_left3A_1976 = arith.constant 3 : i32
      %shift_left3A_1977 = vector.broadcast %shift_left3A_1976 : i32 to vector<16xi32>
      %shift_left3A_1978 = arith.shli %and3A_1975, %shift_left3A_1977 : vector<16xi32>
      %or3A_1979 = arith.ori %and3A_1972, %shift_left3A_1978 : vector<16xi32>
      %shift_right_arithmetic3A_1980 = arith.constant 12 : i32
      %shift_right_arithmetic3A_1981 = vector.broadcast %shift_right_arithmetic3A_1980 : i32 to vector<16xi32>
      %shift_right_arithmetic3A_1982 = arith.shrsi %gather3A_1967, %shift_right_arithmetic3A_1981 : vector<16xi32>
      %and3A_1983 = arith.constant 7 : i32
      %and3A_1984 = vector.broadcast %and3A_1983 : i32 to vector<16xi32>
      %and3A_1985 = arith.andi %shift_right_arithmetic3A_1982, %and3A_1984 : vector<16xi32>
      %or3A_1986 = arith.ori %or3A_1979, %and3A_1985 : vector<16xi32>
      %swap3A_1987 = arith.constant 7 : i32
      %swap3A_1988 = arith.index_cast %scan3A_12 : i32 to index
      %swap3A_1989 = arith.index_cast %swap3A_1987 : i32 to index
      %swap3A_1990 = arith.constant 80 : index
      %swap3A_1991 = tpu.vector_load %arg5[%swap3A_1988, %swap3A_1989, %swap3A_1990] {strides = array<i32>} : memref<25x8x128xi32, #tpu.memory_space<vmem>>, vector<16xi32>,
      tpu.vector_store %arg5[%swap3A_1988, %swap3A_1989, %swap3A_1990], %or3A_1986 {strides = array<i32>} : memref<25x8x128xi32, #tpu.memory_space<vmem>>, vector<16xi32>,
      %mul3A_1992 = arith.constant 8 : i32
      %mul3A_1993 = arith.muli %mul3A_1992, %scan3A_12 : i32
      %add3A_1994 = vector.broadcast %mul3A_1993 : i32 to vector<16xi32>
      %add3A_1995 = arith.addi %add3A_1994, %and3A_6 : vector<16xi32>
      %add3A_1996 = arith.constant 124 : i32
      %add3A_1997 = vector.broadcast %add3A_1996 : i32 to vector<16xi32>
      %add3A_1998 = arith.addi %add3A_1997, %shift_right_arithmetic3A_4 : vector<16xi32>
      %gather3A_1999 = tpu.vector_load_idx %arg4[%add3A_1995, %add3A_1998] : memref<200x128xi32, #tpu.memory_space<vmem>>[vector<16xi32>, vector<16xi32>], vector<16xi32>,
      %not3A_2000 = arith.constant 32767 : i32
      %not3A_2001 = arith.constant -1 : i32
      %not3A_2002 = arith.xori %not3A_2000, %not3A_2001 : i32
      %and3A_2003 = vector.broadcast %not3A_2002 : i32 to vector<16xi32>
      %and3A_2004 = arith.andi %gather3A_1999, %and3A_2003 : vector<16xi32>
      %and3A_2005 = arith.constant 4095 : i32
      %and3A_2006 = vector.broadcast %and3A_2005 : i32 to vector<16xi32>
      %and3A_2007 = arith.andi %gather3A_1999, %and3A_2006 : vector<16xi32>
      %shift_left3A_2008 = arith.constant 3 : i32
      %shift_left3A_2009 = vector.broadcast %shift_left3A_2008 : i32 to vector<16xi32>
      %shift_left3A_2010 = arith.shli %and3A_2007, %shift_left3A_2009 : vector<16xi32>
      %or3A_2011 = arith.ori %and3A_2004, %shift_left3A_2010 : vector<16xi32>
      %shift_right_arithmetic3A_2012 = arith.constant 12 : i32
      %shift_right_arithmetic3A_2013 = vector.broadcast %shift_right_arithmetic3A_2012 : i32 to vector<16xi32>
      %shift_right_arithmetic3A_2014 = arith.shrsi %gather3A_1999, %shift_right_arithmetic3A_2013 : vector<16xi32>
      %and3A_2015 = arith.constant 7 : i32
      %and3A_2016 = vector.broadcast %and3A_2015 : i32 to vector<16xi32>
      %and3A_2017 = arith.andi %shift_right_arithmetic3A_2014, %and3A_2016 : vector<16xi32>
      %or3A_2018 = arith.ori %or3A_2011, %and3A_2017 : vector<16xi32>
      %swap3A_2019 = arith.constant 7 : i32
      %swap3A_2020 = arith.index_cast %scan3A_12 : i32 to index
      %swap3A_2021 = arith.index_cast %swap3A_2019 : i32 to index
      %swap3A_2022 = arith.constant 96 : index
      %swap3A_2023 = tpu.vector_load %arg5[%swap3A_2020, %swap3A_2021, %swap3A_2022] {strides = array<i32>} : memref<25x8x128xi32, #tpu.memory_space<vmem>>, vector<16xi32>,
      tpu.vector_store %arg5[%swap3A_2020, %swap3A_2021, %swap3A_2022], %or3A_2018 {strides = array<i32>} : memref<25x8x128xi32, #tpu.memory_space<vmem>>, vector<16xi32>,
      %mul3A_2024 = arith.constant 8 : i32
      %mul3A_2025 = arith.muli %mul3A_2024, %scan3A_12 : i32
      %add3A_2026 = vector.broadcast %mul3A_2025 : i32 to vector<16xi32>
      %add3A_2027 = arith.addi %add3A_2026, %and3A_6 : vector<16xi32>
      %add3A_2028 = arith.constant 126 : i32
      %add3A_2029 = vector.broadcast %add3A_2028 : i32 to vector<16xi32>
      %add3A_2030 = arith.addi %add3A_2029, %shift_right_arithmetic3A_4 : vector<16xi32>
      %gather3A_2031 = tpu.vector_load_idx %arg4[%add3A_2027, %add3A_2030] : memref<200x128xi32, #tpu.memory_space<vmem>>[vector<16xi32>, vector<16xi32>], vector<16xi32>,
      %not3A_2032 = arith.constant 32767 : i32
      %not3A_2033 = arith.constant -1 : i32
      %not3A_2034 = arith.xori %not3A_2032, %not3A_2033 : i32
      %and3A_2035 = vector.broadcast %not3A_2034 : i32 to vector<16xi32>
      %and3A_2036 = arith.andi %gather3A_2031, %and3A_2035 : vector<16xi32>
      %and3A_2037 = arith.constant 4095 : i32
      %and3A_2038 = vector.broadcast %and3A_2037 : i32 to vector<16xi32>
      %and3A_2039 = arith.andi %gather3A_2031, %and3A_2038 : vector<16xi32>
      %shift_left3A_2040 = arith.constant 3 : i32
      %shift_left3A_2041 = vector.broadcast %shift_left3A_2040 : i32 to vector<16xi32>
      %shift_left3A_2042 = arith.shli %and3A_2039, %shift_left3A_2041 : vector<16xi32>
      %or3A_2043 = arith.ori %and3A_2036, %shift_left3A_2042 : vector<16xi32>
      %shift_right_arithmetic3A_2044 = arith.constant 12 : i32
      %shift_right_arithmetic3A_2045 = vector.broadcast %shift_right_arithmetic3A_2044 : i32 to vector<16xi32>
      %shift_right_arithmetic3A_2046 = arith.shrsi %gather3A_2031, %shift_right_arithmetic3A_2045 : vector<16xi32>
      %and3A_2047 = arith.constant 7 : i32
      %and3A_2048 = vector.broadcast %and3A_2047 : i32 to vector<16xi32>
      %and3A_2049 = arith.andi %shift_right_arithmetic3A_2046, %and3A_2048 : vector<16xi32>
      %or3A_2050 = arith.ori %or3A_2043, %and3A_2049 : vector<16xi32>
      %swap3A_2051 = arith.constant 7 : i32
      %swap3A_2052 = arith.index_cast %scan3A_12 : i32 to index
      %swap3A_2053 = arith.index_cast %swap3A_2051 : i32 to index
      %swap3A_2054 = arith.constant 112 : index
      %swap3A_2055 = tpu.vector_load %arg5[%swap3A_2052, %swap3A_2053, %swap3A_2054] {strides = array<i32>} : memref<25x8x128xi32, #tpu.memory_space<vmem>>, vector<16xi32>,
      tpu.vector_store %arg5[%swap3A_2052, %swap3A_2053, %swap3A_2054], %or3A_2050 {strides = array<i32>} : memref<25x8x128xi32, #tpu.memory_space<vmem>>, vector<16xi32>,
    }
    %scan3A_11 = arith.constant 25 : i32
    "tpu.region"() ({
      %run_scoped3A = tpu.sem_alloc : memref<!tpu.dma_semaphore, #tpu.memory_space<semaphore_mem>>
      %dma_start3A = arith.constant 0 : i32
      %dma_start3A_12 = arith.constant 0 : i32
      %dma_start3A_13 = arith.constant 0 : i32
      %dma_start3A_14 = tpu.memref_slice %arg3[%add3A, %dma_start3A, %dma_start3A_12, %dma_start3A_13] : memref<32x25x8x128xi32, #tpu.memory_space<hbm>> -> memref<1x25x8x128xi32, #tpu.memory_space<hbm>>
      %dma_start3A_15 = tpu.memref_squeeze %dma_start3A_14 : memref<1x25x8x128xi32, #tpu.memory_space<hbm>> -> memref<25x8x128xi32, #tpu.memory_space<hbm>>
      %dma_start3A_16 = arith.constant 0 : i32
      %dma_start3A_17 = arith.constant 0 : i32
      %dma_start3A_18 = arith.constant 0 : i32
      %dma_start3A_19 = tpu.memref_slice %arg3[%add3A, %dma_start3A_16, %dma_start3A_17, %dma_start3A_18] : memref<32x25x8x128xi32, #tpu.memory_space<hbm>> -> memref<1x25x8x128xi32, #tpu.memory_space<hbm>>
      %dma_start3A_20 = tpu.memref_squeeze %dma_start3A_19 : memref<1x25x8x128xi32, #tpu.memory_space<hbm>> -> memref<25x8x128xi32, #tpu.memory_space<hbm>>
      tpu.enqueue_dma source(%arg5 : memref<25x8x128xi32, #tpu.memory_space<vmem>>) target(%dma_start3A_20 : memref<25x8x128xi32, #tpu.memory_space<hbm>>) target_semaphore(%run_scoped3A : memref<!tpu.dma_semaphore, #tpu.memory_space<semaphore_mem>>)
      %dma_wait3A = arith.constant 0 : i32
      %dma_wait3A_21 = arith.constant 0 : i32
      %dma_wait3A_22 = arith.constant 0 : i32
      %dma_wait3A_23 = tpu.memref_slice %arg3[%add3A, %dma_wait3A, %dma_wait3A_21, %dma_wait3A_22] : memref<32x25x8x128xi32, #tpu.memory_space<hbm>> -> memref<1x25x8x128xi32, #tpu.memory_space<hbm>>
      %dma_wait3A_24 = tpu.memref_squeeze %dma_wait3A_23 : memref<1x25x8x128xi32, #tpu.memory_space<hbm>> -> memref<25x8x128xi32, #tpu.memory_space<hbm>>
      %dma_wait3A_25 = arith.constant 0 : i32
      %dma_wait3A_26 = arith.constant 0 : i32
      %dma_wait3A_27 = arith.constant 0 : i32
      %dma_wait3A_28 = tpu.memref_slice %arg3[%add3A, %dma_wait3A_25, %dma_wait3A_26, %dma_wait3A_27] : memref<32x25x8x128xi32, #tpu.memory_space<hbm>> -> memref<1x25x8x128xi32, #tpu.memory_space<hbm>>
      %dma_wait3A_29 = tpu.memref_squeeze %dma_wait3A_28 : memref<1x25x8x128xi32, #tpu.memory_space<hbm>> -> memref<25x8x128xi32, #tpu.memory_space<hbm>>
      tpu.wait_dma2 semaphore(%run_scoped3A : memref<!tpu.dma_semaphore, #tpu.memory_space<semaphore_mem>>) src(%arg5 : memref<25x8x128xi32, #tpu.memory_space<vmem>>) dst(%dma_wait3A_29 : memref<25x8x128xi32, #tpu.memory_space<hbm>>)
      tpu.yield
    }) : () -> ()
    return
  }
}

#map = affine_map<(d0, d1) -> (0, 0)>
#map1 = affine_map<(d0, d1) -> (0, 0, 0, 0)>
module attributes {stable_mosaic.version = 14 : i64} {
  func.func @body_fn(%arg0: i32, %arg1: i32, %arg2: memref<1015808x16xf32, #tpu.memory_space<hbm>>, %arg3: memref<32x25x8x128xi32, #tpu.memory_space<hbm>>, %arg4: memref<25x256x128x16xf32, #tpu.memory_space<hbm>>, %arg5: memref<25x8x128xi32, #tpu.memory_space<vmem>>, %arg6: memref<2x8x128x16xf32, #tpu.memory_space<vmem>>, %arg7: memref<!tpu.dma_semaphore, #tpu.memory_space<semaphore_mem>>, %arg8: memref<!tpu.dma_semaphore, #tpu.memory_space<semaphore_mem>>, %arg9: memref<!tpu.dma_semaphore, #tpu.memory_space<semaphore_mem>>, %arg10: memref<!tpu.dma_semaphore, #tpu.memory_space<semaphore_mem>>) attributes {dimension_semantics = [#tpu.dimension_semantics<core_parallel>, #tpu.dimension_semantics<subcore_parallel>], iteration_bounds = array<i64: 2, 16>, scalar_prefetch = 0 : i64, scratch_operands = 6 : i64, tpu.core_type = #tpu.core_type<sc_vector_subcore>, window_params = [{transform_indices = #map}, {transform_indices = #map1}, {transform_indices = #map1}]} {
    %mul3A = arith.constant 2 : i32
    %mul3A_0 = arith.muli %arg1, %mul3A : i32
    %add3A = arith.addi %mul3A_0, %arg0 : i32
    %mul3A_1 = arith.constant 8 : i32
    %mul3A_2 = arith.muli %add3A, %mul3A_1 : i32
    "tpu.region"() ({
      %run_scoped3A = tpu.sem_alloc : memref<!tpu.dma_semaphore, #tpu.memory_space<semaphore_mem>>
      %dma_start3A_402 = arith.constant 0 : i32
      %dma_start3A_403 = arith.constant 0 : i32
      %dma_start3A_404 = arith.constant 0 : i32
      %dma_start3A_405 = tpu.memref_slice %arg3[%add3A, %dma_start3A_402, %dma_start3A_403, %dma_start3A_404] : memref<32x25x8x128xi32, #tpu.memory_space<hbm>> -> memref<1x25x8x128xi32, #tpu.memory_space<hbm>>
      %dma_start3A_406 = tpu.memref_squeeze %dma_start3A_405 : memref<1x25x8x128xi32, #tpu.memory_space<hbm>> -> memref<25x8x128xi32, #tpu.memory_space<hbm>>
      %dma_start3A_407 = arith.constant 0 : i32
      %dma_start3A_408 = arith.constant 0 : i32
      %dma_start3A_409 = arith.constant 0 : i32
      %dma_start3A_410 = tpu.memref_slice %arg3[%add3A, %dma_start3A_407, %dma_start3A_408, %dma_start3A_409] : memref<32x25x8x128xi32, #tpu.memory_space<hbm>> -> memref<1x25x8x128xi32, #tpu.memory_space<hbm>>
      %dma_start3A_411 = tpu.memref_squeeze %dma_start3A_410 : memref<1x25x8x128xi32, #tpu.memory_space<hbm>> -> memref<25x8x128xi32, #tpu.memory_space<hbm>>
      tpu.enqueue_dma source(%dma_start3A_411 : memref<25x8x128xi32, #tpu.memory_space<hbm>>) target(%arg5 : memref<25x8x128xi32, #tpu.memory_space<vmem>>) target_semaphore(%run_scoped3A : memref<!tpu.dma_semaphore, #tpu.memory_space<semaphore_mem>>)
      %dma_wait3A_412 = arith.constant 0 : i32
      %dma_wait3A_413 = arith.constant 0 : i32
      %dma_wait3A_414 = arith.constant 0 : i32
      %dma_wait3A_415 = tpu.memref_slice %arg3[%add3A, %dma_wait3A_412, %dma_wait3A_413, %dma_wait3A_414] : memref<32x25x8x128xi32, #tpu.memory_space<hbm>> -> memref<1x25x8x128xi32, #tpu.memory_space<hbm>>
      %dma_wait3A_416 = tpu.memref_squeeze %dma_wait3A_415 : memref<1x25x8x128xi32, #tpu.memory_space<hbm>> -> memref<25x8x128xi32, #tpu.memory_space<hbm>>
      %dma_wait3A_417 = arith.constant 0 : i32
      %dma_wait3A_418 = arith.constant 0 : i32
      %dma_wait3A_419 = arith.constant 0 : i32
      %dma_wait3A_420 = tpu.memref_slice %arg3[%add3A, %dma_wait3A_417, %dma_wait3A_418, %dma_wait3A_419] : memref<32x25x8x128xi32, #tpu.memory_space<hbm>> -> memref<1x25x8x128xi32, #tpu.memory_space<hbm>>
      %dma_wait3A_421 = tpu.memref_squeeze %dma_wait3A_420 : memref<1x25x8x128xi32, #tpu.memory_space<hbm>> -> memref<25x8x128xi32, #tpu.memory_space<hbm>>
      tpu.wait_dma2 semaphore(%run_scoped3A : memref<!tpu.dma_semaphore, #tpu.memory_space<semaphore_mem>>) src(%dma_wait3A_421 : memref<25x8x128xi32, #tpu.memory_space<hbm>>) dst(%arg5 : memref<25x8x128xi32, #tpu.memory_space<vmem>>)
      tpu.yield
    }) : () -> ()
    %dma_start3A = arith.constant 0 : i32
    %dma_start3A_3 = arith.constant 0 : i32
    %dma_start3A_4 = arith.constant 0 : i32
    %dma_start3A_5 = arith.constant 0 : i32
    %dma_start3A_6 = arith.constant 0 : i32
    %dma_start3A_7 = arith.constant 0 : i32
    %dma_start3A_8 = tpu.memref_slice %arg6[%dma_start3A_4, %dma_start3A_5, %dma_start3A_6, %dma_start3A_7] : memref<2x8x128x16xf32, #tpu.memory_space<vmem>> -> memref<1x1x128x16xf32, #tpu.memory_space<vmem>>
    %dma_start3A_9 = tpu.memref_squeeze %dma_start3A_8 : memref<1x1x128x16xf32, #tpu.memory_space<vmem>> -> memref<128x16xf32, #tpu.memory_space<vmem>>
    %dma_start3A_10 = arith.constant 0 : i32
    %dma_start3A_11 = tpu.memref_slice %arg5[%dma_start3A, %dma_start3A_3, %dma_start3A_10] : memref<25x8x128xi32, #tpu.memory_space<vmem>> -> memref<1x1x128xi32, #tpu.memory_space<vmem>>
    %dma_start3A_12 = tpu.memref_squeeze %dma_start3A_11 : memref<1x1x128xi32, #tpu.memory_space<vmem>> -> memref<128xi32, #tpu.memory_space<vmem>>
    %dma_start3A_13 = arith.constant 0 : i32
    %dma_start3A_14 = arith.constant 0 : i32
    %dma_start3A_15 = tpu.memref_slice %arg2[%dma_start3A_13, %dma_start3A_14] : memref<1015808x16xf32, #tpu.memory_space<hbm>> -> memref<1015808x16xf32, #tpu.memory_space<hbm>>
    tpu.enqueue_indirect_dma source(%dma_start3A_15 : memref<1015808x16xf32, #tpu.memory_space<hbm>>) target(%dma_start3A_9 : memref<128x16xf32, #tpu.memory_space<vmem>>) offsets(%dma_start3A_12 : memref<128xi32, #tpu.memory_space<vmem>>) semaphore(%arg7 : memref<!tpu.dma_semaphore, #tpu.memory_space<semaphore_mem>>)
    %dma_start3A_16 = arith.constant 0 : i32
    %dma_start3A_17 = arith.constant 1 : i32
    %dma_start3A_18 = arith.constant 0 : i32
    %dma_start3A_19 = arith.constant 1 : i32
    %dma_start3A_20 = arith.constant 0 : i32
    %dma_start3A_21 = arith.constant 0 : i32
    %dma_start3A_22 = tpu.memref_slice %arg6[%dma_start3A_18, %dma_start3A_19, %dma_start3A_20, %dma_start3A_21] : memref<2x8x128x16xf32, #tpu.memory_space<vmem>> -> memref<1x1x128x16xf32, #tpu.memory_space<vmem>>
    %dma_start3A_23 = tpu.memref_squeeze %dma_start3A_22 : memref<1x1x128x16xf32, #tpu.memory_space<vmem>> -> memref<128x16xf32, #tpu.memory_space<vmem>>
    %dma_start3A_24 = arith.constant 0 : i32
    %dma_start3A_25 = tpu.memref_slice %arg5[%dma_start3A_16, %dma_start3A_17, %dma_start3A_24] : memref<25x8x128xi32, #tpu.memory_space<vmem>> -> memref<1x1x128xi32, #tpu.memory_space<vmem>>
    %dma_start3A_26 = tpu.memref_squeeze %dma_start3A_25 : memref<1x1x128xi32, #tpu.memory_space<vmem>> -> memref<128xi32, #tpu.memory_space<vmem>>
    %dma_start3A_27 = arith.constant 0 : i32
    %dma_start3A_28 = arith.constant 0 : i32
    %dma_start3A_29 = tpu.memref_slice %arg2[%dma_start3A_27, %dma_start3A_28] : memref<1015808x16xf32, #tpu.memory_space<hbm>> -> memref<1015808x16xf32, #tpu.memory_space<hbm>>
    tpu.enqueue_indirect_dma source(%dma_start3A_29 : memref<1015808x16xf32, #tpu.memory_space<hbm>>) target(%dma_start3A_23 : memref<128x16xf32, #tpu.memory_space<vmem>>) offsets(%dma_start3A_26 : memref<128xi32, #tpu.memory_space<vmem>>) semaphore(%arg7 : memref<!tpu.dma_semaphore, #tpu.memory_space<semaphore_mem>>)
    %dma_start3A_30 = arith.constant 0 : i32
    %dma_start3A_31 = arith.constant 2 : i32
    %dma_start3A_32 = arith.constant 0 : i32
    %dma_start3A_33 = arith.constant 2 : i32
    %dma_start3A_34 = arith.constant 0 : i32
    %dma_start3A_35 = arith.constant 0 : i32
    %dma_start3A_36 = tpu.memref_slice %arg6[%dma_start3A_32, %dma_start3A_33, %dma_start3A_34, %dma_start3A_35] : memref<2x8x128x16xf32, #tpu.memory_space<vmem>> -> memref<1x1x128x16xf32, #tpu.memory_space<vmem>>
    %dma_start3A_37 = tpu.memref_squeeze %dma_start3A_36 : memref<1x1x128x16xf32, #tpu.memory_space<vmem>> -> memref<128x16xf32, #tpu.memory_space<vmem>>
    %dma_start3A_38 = arith.constant 0 : i32
    %dma_start3A_39 = tpu.memref_slice %arg5[%dma_start3A_30, %dma_start3A_31, %dma_start3A_38] : memref<25x8x128xi32, #tpu.memory_space<vmem>> -> memref<1x1x128xi32, #tpu.memory_space<vmem>>
    %dma_start3A_40 = tpu.memref_squeeze %dma_start3A_39 : memref<1x1x128xi32, #tpu.memory_space<vmem>> -> memref<128xi32, #tpu.memory_space<vmem>>
    %dma_start3A_41 = arith.constant 0 : i32
    %dma_start3A_42 = arith.constant 0 : i32
    %dma_start3A_43 = tpu.memref_slice %arg2[%dma_start3A_41, %dma_start3A_42] : memref<1015808x16xf32, #tpu.memory_space<hbm>> -> memref<1015808x16xf32, #tpu.memory_space<hbm>>
    tpu.enqueue_indirect_dma source(%dma_start3A_43 : memref<1015808x16xf32, #tpu.memory_space<hbm>>) target(%dma_start3A_37 : memref<128x16xf32, #tpu.memory_space<vmem>>) offsets(%dma_start3A_40 : memref<128xi32, #tpu.memory_space<vmem>>) semaphore(%arg7 : memref<!tpu.dma_semaphore, #tpu.memory_space<semaphore_mem>>)
    %dma_start3A_44 = arith.constant 0 : i32
    %dma_start3A_45 = arith.constant 3 : i32
    %dma_start3A_46 = arith.constant 0 : i32
    %dma_start3A_47 = arith.constant 3 : i32
    %dma_start3A_48 = arith.constant 0 : i32
    %dma_start3A_49 = arith.constant 0 : i32
    %dma_start3A_50 = tpu.memref_slice %arg6[%dma_start3A_46, %dma_start3A_47, %dma_start3A_48, %dma_start3A_49] : memref<2x8x128x16xf32, #tpu.memory_space<vmem>> -> memref<1x1x128x16xf32, #tpu.memory_space<vmem>>
    %dma_start3A_51 = tpu.memref_squeeze %dma_start3A_50 : memref<1x1x128x16xf32, #tpu.memory_space<vmem>> -> memref<128x16xf32, #tpu.memory_space<vmem>>
    %dma_start3A_52 = arith.constant 0 : i32
    %dma_start3A_53 = tpu.memref_slice %arg5[%dma_start3A_44, %dma_start3A_45, %dma_start3A_52] : memref<25x8x128xi32, #tpu.memory_space<vmem>> -> memref<1x1x128xi32, #tpu.memory_space<vmem>>
    %dma_start3A_54 = tpu.memref_squeeze %dma_start3A_53 : memref<1x1x128xi32, #tpu.memory_space<vmem>> -> memref<128xi32, #tpu.memory_space<vmem>>
    %dma_start3A_55 = arith.constant 0 : i32
    %dma_start3A_56 = arith.constant 0 : i32
    %dma_start3A_57 = tpu.memref_slice %arg2[%dma_start3A_55, %dma_start3A_56] : memref<1015808x16xf32, #tpu.memory_space<hbm>> -> memref<1015808x16xf32, #tpu.memory_space<hbm>>
    tpu.enqueue_indirect_dma source(%dma_start3A_57 : memref<1015808x16xf32, #tpu.memory_space<hbm>>) target(%dma_start3A_51 : memref<128x16xf32, #tpu.memory_space<vmem>>) offsets(%dma_start3A_54 : memref<128xi32, #tpu.memory_space<vmem>>) semaphore(%arg7 : memref<!tpu.dma_semaphore, #tpu.memory_space<semaphore_mem>>)
    %dma_start3A_58 = arith.constant 0 : i32
    %dma_start3A_59 = arith.constant 4 : i32
    %dma_start3A_60 = arith.constant 0 : i32
    %dma_start3A_61 = arith.constant 4 : i32
    %dma_start3A_62 = arith.constant 0 : i32
    %dma_start3A_63 = arith.constant 0 : i32
    %dma_start3A_64 = tpu.memref_slice %arg6[%dma_start3A_60, %dma_start3A_61, %dma_start3A_62, %dma_start3A_63] : memref<2x8x128x16xf32, #tpu.memory_space<vmem>> -> memref<1x1x128x16xf32, #tpu.memory_space<vmem>>
    %dma_start3A_65 = tpu.memref_squeeze %dma_start3A_64 : memref<1x1x128x16xf32, #tpu.memory_space<vmem>> -> memref<128x16xf32, #tpu.memory_space<vmem>>
    %dma_start3A_66 = arith.constant 0 : i32
    %dma_start3A_67 = tpu.memref_slice %arg5[%dma_start3A_58, %dma_start3A_59, %dma_start3A_66] : memref<25x8x128xi32, #tpu.memory_space<vmem>> -> memref<1x1x128xi32, #tpu.memory_space<vmem>>
    %dma_start3A_68 = tpu.memref_squeeze %dma_start3A_67 : memref<1x1x128xi32, #tpu.memory_space<vmem>> -> memref<128xi32, #tpu.memory_space<vmem>>
    %dma_start3A_69 = arith.constant 0 : i32
    %dma_start3A_70 = arith.constant 0 : i32
    %dma_start3A_71 = tpu.memref_slice %arg2[%dma_start3A_69, %dma_start3A_70] : memref<1015808x16xf32, #tpu.memory_space<hbm>> -> memref<1015808x16xf32, #tpu.memory_space<hbm>>
    tpu.enqueue_indirect_dma source(%dma_start3A_71 : memref<1015808x16xf32, #tpu.memory_space<hbm>>) target(%dma_start3A_65 : memref<128x16xf32, #tpu.memory_space<vmem>>) offsets(%dma_start3A_68 : memref<128xi32, #tpu.memory_space<vmem>>) semaphore(%arg7 : memref<!tpu.dma_semaphore, #tpu.memory_space<semaphore_mem>>)
    %dma_start3A_72 = arith.constant 0 : i32
    %dma_start3A_73 = arith.constant 5 : i32
    %dma_start3A_74 = arith.constant 0 : i32
    %dma_start3A_75 = arith.constant 5 : i32
    %dma_start3A_76 = arith.constant 0 : i32
    %dma_start3A_77 = arith.constant 0 : i32
    %dma_start3A_78 = tpu.memref_slice %arg6[%dma_start3A_74, %dma_start3A_75, %dma_start3A_76, %dma_start3A_77] : memref<2x8x128x16xf32, #tpu.memory_space<vmem>> -> memref<1x1x128x16xf32, #tpu.memory_space<vmem>>
    %dma_start3A_79 = tpu.memref_squeeze %dma_start3A_78 : memref<1x1x128x16xf32, #tpu.memory_space<vmem>> -> memref<128x16xf32, #tpu.memory_space<vmem>>
    %dma_start3A_80 = arith.constant 0 : i32
    %dma_start3A_81 = tpu.memref_slice %arg5[%dma_start3A_72, %dma_start3A_73, %dma_start3A_80] : memref<25x8x128xi32, #tpu.memory_space<vmem>> -> memref<1x1x128xi32, #tpu.memory_space<vmem>>
    %dma_start3A_82 = tpu.memref_squeeze %dma_start3A_81 : memref<1x1x128xi32, #tpu.memory_space<vmem>> -> memref<128xi32, #tpu.memory_space<vmem>>
    %dma_start3A_83 = arith.constant 0 : i32
    %dma_start3A_84 = arith.constant 0 : i32
    %dma_start3A_85 = tpu.memref_slice %arg2[%dma_start3A_83, %dma_start3A_84] : memref<1015808x16xf32, #tpu.memory_space<hbm>> -> memref<1015808x16xf32, #tpu.memory_space<hbm>>
    tpu.enqueue_indirect_dma source(%dma_start3A_85 : memref<1015808x16xf32, #tpu.memory_space<hbm>>) target(%dma_start3A_79 : memref<128x16xf32, #tpu.memory_space<vmem>>) offsets(%dma_start3A_82 : memref<128xi32, #tpu.memory_space<vmem>>) semaphore(%arg7 : memref<!tpu.dma_semaphore, #tpu.memory_space<semaphore_mem>>)
    %dma_start3A_86 = arith.constant 0 : i32
    %dma_start3A_87 = arith.constant 6 : i32
    %dma_start3A_88 = arith.constant 0 : i32
    %dma_start3A_89 = arith.constant 6 : i32
    %dma_start3A_90 = arith.constant 0 : i32
    %dma_start3A_91 = arith.constant 0 : i32
    %dma_start3A_92 = tpu.memref_slice %arg6[%dma_start3A_88, %dma_start3A_89, %dma_start3A_90, %dma_start3A_91] : memref<2x8x128x16xf32, #tpu.memory_space<vmem>> -> memref<1x1x128x16xf32, #tpu.memory_space<vmem>>
    %dma_start3A_93 = tpu.memref_squeeze %dma_start3A_92 : memref<1x1x128x16xf32, #tpu.memory_space<vmem>> -> memref<128x16xf32, #tpu.memory_space<vmem>>
    %dma_start3A_94 = arith.constant 0 : i32
    %dma_start3A_95 = tpu.memref_slice %arg5[%dma_start3A_86, %dma_start3A_87, %dma_start3A_94] : memref<25x8x128xi32, #tpu.memory_space<vmem>> -> memref<1x1x128xi32, #tpu.memory_space<vmem>>
    %dma_start3A_96 = tpu.memref_squeeze %dma_start3A_95 : memref<1x1x128xi32, #tpu.memory_space<vmem>> -> memref<128xi32, #tpu.memory_space<vmem>>
    %dma_start3A_97 = arith.constant 0 : i32
    %dma_start3A_98 = arith.constant 0 : i32
    %dma_start3A_99 = tpu.memref_slice %arg2[%dma_start3A_97, %dma_start3A_98] : memref<1015808x16xf32, #tpu.memory_space<hbm>> -> memref<1015808x16xf32, #tpu.memory_space<hbm>>
    tpu.enqueue_indirect_dma source(%dma_start3A_99 : memref<1015808x16xf32, #tpu.memory_space<hbm>>) target(%dma_start3A_93 : memref<128x16xf32, #tpu.memory_space<vmem>>) offsets(%dma_start3A_96 : memref<128xi32, #tpu.memory_space<vmem>>) semaphore(%arg7 : memref<!tpu.dma_semaphore, #tpu.memory_space<semaphore_mem>>)
    %dma_start3A_100 = arith.constant 0 : i32
    %dma_start3A_101 = arith.constant 7 : i32
    %dma_start3A_102 = arith.constant 0 : i32
    %dma_start3A_103 = arith.constant 7 : i32
    %dma_start3A_104 = arith.constant 0 : i32
    %dma_start3A_105 = arith.constant 0 : i32
    %dma_start3A_106 = tpu.memref_slice %arg6[%dma_start3A_102, %dma_start3A_103, %dma_start3A_104, %dma_start3A_105] : memref<2x8x128x16xf32, #tpu.memory_space<vmem>> -> memref<1x1x128x16xf32, #tpu.memory_space<vmem>>
    %dma_start3A_107 = tpu.memref_squeeze %dma_start3A_106 : memref<1x1x128x16xf32, #tpu.memory_space<vmem>> -> memref<128x16xf32, #tpu.memory_space<vmem>>
    %dma_start3A_108 = arith.constant 0 : i32
    %dma_start3A_109 = tpu.memref_slice %arg5[%dma_start3A_100, %dma_start3A_101, %dma_start3A_108] : memref<25x8x128xi32, #tpu.memory_space<vmem>> -> memref<1x1x128xi32, #tpu.memory_space<vmem>>
    %dma_start3A_110 = tpu.memref_squeeze %dma_start3A_109 : memref<1x1x128xi32, #tpu.memory_space<vmem>> -> memref<128xi32, #tpu.memory_space<vmem>>
    %dma_start3A_111 = arith.constant 0 : i32
    %dma_start3A_112 = arith.constant 0 : i32
    %dma_start3A_113 = tpu.memref_slice %arg2[%dma_start3A_111, %dma_start3A_112] : memref<1015808x16xf32, #tpu.memory_space<hbm>> -> memref<1015808x16xf32, #tpu.memory_space<hbm>>
    tpu.enqueue_indirect_dma source(%dma_start3A_113 : memref<1015808x16xf32, #tpu.memory_space<hbm>>) target(%dma_start3A_107 : memref<128x16xf32, #tpu.memory_space<vmem>>) offsets(%dma_start3A_110 : memref<128xi32, #tpu.memory_space<vmem>>) semaphore(%arg7 : memref<!tpu.dma_semaphore, #tpu.memory_space<semaphore_mem>>)
    %dma_start3A_114 = arith.constant 1 : i32
    %dma_start3A_115 = arith.constant 0 : i32
    %dma_start3A_116 = arith.constant 1 : i32
    %dma_start3A_117 = arith.constant 0 : i32
    %dma_start3A_118 = arith.constant 0 : i32
    %dma_start3A_119 = arith.constant 0 : i32
    %dma_start3A_120 = tpu.memref_slice %arg6[%dma_start3A_116, %dma_start3A_117, %dma_start3A_118, %dma_start3A_119] : memref<2x8x128x16xf32, #tpu.memory_space<vmem>> -> memref<1x1x128x16xf32, #tpu.memory_space<vmem>>
    %dma_start3A_121 = tpu.memref_squeeze %dma_start3A_120 : memref<1x1x128x16xf32, #tpu.memory_space<vmem>> -> memref<128x16xf32, #tpu.memory_space<vmem>>
    %dma_start3A_122 = arith.constant 0 : i32
    %dma_start3A_123 = tpu.memref_slice %arg5[%dma_start3A_114, %dma_start3A_115, %dma_start3A_122] : memref<25x8x128xi32, #tpu.memory_space<vmem>> -> memref<1x1x128xi32, #tpu.memory_space<vmem>>
    %dma_start3A_124 = tpu.memref_squeeze %dma_start3A_123 : memref<1x1x128xi32, #tpu.memory_space<vmem>> -> memref<128xi32, #tpu.memory_space<vmem>>
    %dma_start3A_125 = arith.constant 0 : i32
    %dma_start3A_126 = arith.constant 0 : i32
    %dma_start3A_127 = tpu.memref_slice %arg2[%dma_start3A_125, %dma_start3A_126] : memref<1015808x16xf32, #tpu.memory_space<hbm>> -> memref<1015808x16xf32, #tpu.memory_space<hbm>>
    tpu.enqueue_indirect_dma source(%dma_start3A_127 : memref<1015808x16xf32, #tpu.memory_space<hbm>>) target(%dma_start3A_121 : memref<128x16xf32, #tpu.memory_space<vmem>>) offsets(%dma_start3A_124 : memref<128xi32, #tpu.memory_space<vmem>>) semaphore(%arg8 : memref<!tpu.dma_semaphore, #tpu.memory_space<semaphore_mem>>)
    %dma_start3A_128 = arith.constant 1 : i32
    %dma_start3A_129 = arith.constant 1 : i32
    %dma_start3A_130 = arith.constant 1 : i32
    %dma_start3A_131 = arith.constant 1 : i32
    %dma_start3A_132 = arith.constant 0 : i32
    %dma_start3A_133 = arith.constant 0 : i32
    %dma_start3A_134 = tpu.memref_slice %arg6[%dma_start3A_130, %dma_start3A_131, %dma_start3A_132, %dma_start3A_133] : memref<2x8x128x16xf32, #tpu.memory_space<vmem>> -> memref<1x1x128x16xf32, #tpu.memory_space<vmem>>
    %dma_start3A_135 = tpu.memref_squeeze %dma_start3A_134 : memref<1x1x128x16xf32, #tpu.memory_space<vmem>> -> memref<128x16xf32, #tpu.memory_space<vmem>>
    %dma_start3A_136 = arith.constant 0 : i32
    %dma_start3A_137 = tpu.memref_slice %arg5[%dma_start3A_128, %dma_start3A_129, %dma_start3A_136] : memref<25x8x128xi32, #tpu.memory_space<vmem>> -> memref<1x1x128xi32, #tpu.memory_space<vmem>>
    %dma_start3A_138 = tpu.memref_squeeze %dma_start3A_137 : memref<1x1x128xi32, #tpu.memory_space<vmem>> -> memref<128xi32, #tpu.memory_space<vmem>>
    %dma_start3A_139 = arith.constant 0 : i32
    %dma_start3A_140 = arith.constant 0 : i32
    %dma_start3A_141 = tpu.memref_slice %arg2[%dma_start3A_139, %dma_start3A_140] : memref<1015808x16xf32, #tpu.memory_space<hbm>> -> memref<1015808x16xf32, #tpu.memory_space<hbm>>
    tpu.enqueue_indirect_dma source(%dma_start3A_141 : memref<1015808x16xf32, #tpu.memory_space<hbm>>) target(%dma_start3A_135 : memref<128x16xf32, #tpu.memory_space<vmem>>) offsets(%dma_start3A_138 : memref<128xi32, #tpu.memory_space<vmem>>) semaphore(%arg8 : memref<!tpu.dma_semaphore, #tpu.memory_space<semaphore_mem>>)
    %dma_start3A_142 = arith.constant 1 : i32
    %dma_start3A_143 = arith.constant 2 : i32
    %dma_start3A_144 = arith.constant 1 : i32
    %dma_start3A_145 = arith.constant 2 : i32
    %dma_start3A_146 = arith.constant 0 : i32
    %dma_start3A_147 = arith.constant 0 : i32
    %dma_start3A_148 = tpu.memref_slice %arg6[%dma_start3A_144, %dma_start3A_145, %dma_start3A_146, %dma_start3A_147] : memref<2x8x128x16xf32, #tpu.memory_space<vmem>> -> memref<1x1x128x16xf32, #tpu.memory_space<vmem>>
    %dma_start3A_149 = tpu.memref_squeeze %dma_start3A_148 : memref<1x1x128x16xf32, #tpu.memory_space<vmem>> -> memref<128x16xf32, #tpu.memory_space<vmem>>
    %dma_start3A_150 = arith.constant 0 : i32
    %dma_start3A_151 = tpu.memref_slice %arg5[%dma_start3A_142, %dma_start3A_143, %dma_start3A_150] : memref<25x8x128xi32, #tpu.memory_space<vmem>> -> memref<1x1x128xi32, #tpu.memory_space<vmem>>
    %dma_start3A_152 = tpu.memref_squeeze %dma_start3A_151 : memref<1x1x128xi32, #tpu.memory_space<vmem>> -> memref<128xi32, #tpu.memory_space<vmem>>
    %dma_start3A_153 = arith.constant 0 : i32
    %dma_start3A_154 = arith.constant 0 : i32
    %dma_start3A_155 = tpu.memref_slice %arg2[%dma_start3A_153, %dma_start3A_154] : memref<1015808x16xf32, #tpu.memory_space<hbm>> -> memref<1015808x16xf32, #tpu.memory_space<hbm>>
    tpu.enqueue_indirect_dma source(%dma_start3A_155 : memref<1015808x16xf32, #tpu.memory_space<hbm>>) target(%dma_start3A_149 : memref<128x16xf32, #tpu.memory_space<vmem>>) offsets(%dma_start3A_152 : memref<128xi32, #tpu.memory_space<vmem>>) semaphore(%arg8 : memref<!tpu.dma_semaphore, #tpu.memory_space<semaphore_mem>>)
    %dma_start3A_156 = arith.constant 1 : i32
    %dma_start3A_157 = arith.constant 3 : i32
    %dma_start3A_158 = arith.constant 1 : i32
    %dma_start3A_159 = arith.constant 3 : i32
    %dma_start3A_160 = arith.constant 0 : i32
    %dma_start3A_161 = arith.constant 0 : i32
    %dma_start3A_162 = tpu.memref_slice %arg6[%dma_start3A_158, %dma_start3A_159, %dma_start3A_160, %dma_start3A_161] : memref<2x8x128x16xf32, #tpu.memory_space<vmem>> -> memref<1x1x128x16xf32, #tpu.memory_space<vmem>>
    %dma_start3A_163 = tpu.memref_squeeze %dma_start3A_162 : memref<1x1x128x16xf32, #tpu.memory_space<vmem>> -> memref<128x16xf32, #tpu.memory_space<vmem>>
    %dma_start3A_164 = arith.constant 0 : i32
    %dma_start3A_165 = tpu.memref_slice %arg5[%dma_start3A_156, %dma_start3A_157, %dma_start3A_164] : memref<25x8x128xi32, #tpu.memory_space<vmem>> -> memref<1x1x128xi32, #tpu.memory_space<vmem>>
    %dma_start3A_166 = tpu.memref_squeeze %dma_start3A_165 : memref<1x1x128xi32, #tpu.memory_space<vmem>> -> memref<128xi32, #tpu.memory_space<vmem>>
    %dma_start3A_167 = arith.constant 0 : i32
    %dma_start3A_168 = arith.constant 0 : i32
    %dma_start3A_169 = tpu.memref_slice %arg2[%dma_start3A_167, %dma_start3A_168] : memref<1015808x16xf32, #tpu.memory_space<hbm>> -> memref<1015808x16xf32, #tpu.memory_space<hbm>>
    tpu.enqueue_indirect_dma source(%dma_start3A_169 : memref<1015808x16xf32, #tpu.memory_space<hbm>>) target(%dma_start3A_163 : memref<128x16xf32, #tpu.memory_space<vmem>>) offsets(%dma_start3A_166 : memref<128xi32, #tpu.memory_space<vmem>>) semaphore(%arg8 : memref<!tpu.dma_semaphore, #tpu.memory_space<semaphore_mem>>)
    %dma_start3A_170 = arith.constant 1 : i32
    %dma_start3A_171 = arith.constant 4 : i32
    %dma_start3A_172 = arith.constant 1 : i32
    %dma_start3A_173 = arith.constant 4 : i32
    %dma_start3A_174 = arith.constant 0 : i32
    %dma_start3A_175 = arith.constant 0 : i32
    %dma_start3A_176 = tpu.memref_slice %arg6[%dma_start3A_172, %dma_start3A_173, %dma_start3A_174, %dma_start3A_175] : memref<2x8x128x16xf32, #tpu.memory_space<vmem>> -> memref<1x1x128x16xf32, #tpu.memory_space<vmem>>
    %dma_start3A_177 = tpu.memref_squeeze %dma_start3A_176 : memref<1x1x128x16xf32, #tpu.memory_space<vmem>> -> memref<128x16xf32, #tpu.memory_space<vmem>>
    %dma_start3A_178 = arith.constant 0 : i32
    %dma_start3A_179 = tpu.memref_slice %arg5[%dma_start3A_170, %dma_start3A_171, %dma_start3A_178] : memref<25x8x128xi32, #tpu.memory_space<vmem>> -> memref<1x1x128xi32, #tpu.memory_space<vmem>>
    %dma_start3A_180 = tpu.memref_squeeze %dma_start3A_179 : memref<1x1x128xi32, #tpu.memory_space<vmem>> -> memref<128xi32, #tpu.memory_space<vmem>>
    %dma_start3A_181 = arith.constant 0 : i32
    %dma_start3A_182 = arith.constant 0 : i32
    %dma_start3A_183 = tpu.memref_slice %arg2[%dma_start3A_181, %dma_start3A_182] : memref<1015808x16xf32, #tpu.memory_space<hbm>> -> memref<1015808x16xf32, #tpu.memory_space<hbm>>
    tpu.enqueue_indirect_dma source(%dma_start3A_183 : memref<1015808x16xf32, #tpu.memory_space<hbm>>) target(%dma_start3A_177 : memref<128x16xf32, #tpu.memory_space<vmem>>) offsets(%dma_start3A_180 : memref<128xi32, #tpu.memory_space<vmem>>) semaphore(%arg8 : memref<!tpu.dma_semaphore, #tpu.memory_space<semaphore_mem>>)
    %dma_start3A_184 = arith.constant 1 : i32
    %dma_start3A_185 = arith.constant 5 : i32
    %dma_start3A_186 = arith.constant 1 : i32
    %dma_start3A_187 = arith.constant 5 : i32
    %dma_start3A_188 = arith.constant 0 : i32
    %dma_start3A_189 = arith.constant 0 : i32
    %dma_start3A_190 = tpu.memref_slice %arg6[%dma_start3A_186, %dma_start3A_187, %dma_start3A_188, %dma_start3A_189] : memref<2x8x128x16xf32, #tpu.memory_space<vmem>> -> memref<1x1x128x16xf32, #tpu.memory_space<vmem>>
    %dma_start3A_191 = tpu.memref_squeeze %dma_start3A_190 : memref<1x1x128x16xf32, #tpu.memory_space<vmem>> -> memref<128x16xf32, #tpu.memory_space<vmem>>
    %dma_start3A_192 = arith.constant 0 : i32
    %dma_start3A_193 = tpu.memref_slice %arg5[%dma_start3A_184, %dma_start3A_185, %dma_start3A_192] : memref<25x8x128xi32, #tpu.memory_space<vmem>> -> memref<1x1x128xi32, #tpu.memory_space<vmem>>
    %dma_start3A_194 = tpu.memref_squeeze %dma_start3A_193 : memref<1x1x128xi32, #tpu.memory_space<vmem>> -> memref<128xi32, #tpu.memory_space<vmem>>
    %dma_start3A_195 = arith.constant 0 : i32
    %dma_start3A_196 = arith.constant 0 : i32
    %dma_start3A_197 = tpu.memref_slice %arg2[%dma_start3A_195, %dma_start3A_196] : memref<1015808x16xf32, #tpu.memory_space<hbm>> -> memref<1015808x16xf32, #tpu.memory_space<hbm>>
    tpu.enqueue_indirect_dma source(%dma_start3A_197 : memref<1015808x16xf32, #tpu.memory_space<hbm>>) target(%dma_start3A_191 : memref<128x16xf32, #tpu.memory_space<vmem>>) offsets(%dma_start3A_194 : memref<128xi32, #tpu.memory_space<vmem>>) semaphore(%arg8 : memref<!tpu.dma_semaphore, #tpu.memory_space<semaphore_mem>>)
    %dma_start3A_198 = arith.constant 1 : i32
    %dma_start3A_199 = arith.constant 6 : i32
    %dma_start3A_200 = arith.constant 1 : i32
    %dma_start3A_201 = arith.constant 6 : i32
    %dma_start3A_202 = arith.constant 0 : i32
    %dma_start3A_203 = arith.constant 0 : i32
    %dma_start3A_204 = tpu.memref_slice %arg6[%dma_start3A_200, %dma_start3A_201, %dma_start3A_202, %dma_start3A_203] : memref<2x8x128x16xf32, #tpu.memory_space<vmem>> -> memref<1x1x128x16xf32, #tpu.memory_space<vmem>>
    %dma_start3A_205 = tpu.memref_squeeze %dma_start3A_204 : memref<1x1x128x16xf32, #tpu.memory_space<vmem>> -> memref<128x16xf32, #tpu.memory_space<vmem>>
    %dma_start3A_206 = arith.constant 0 : i32
    %dma_start3A_207 = tpu.memref_slice %arg5[%dma_start3A_198, %dma_start3A_199, %dma_start3A_206] : memref<25x8x128xi32, #tpu.memory_space<vmem>> -> memref<1x1x128xi32, #tpu.memory_space<vmem>>
    %dma_start3A_208 = tpu.memref_squeeze %dma_start3A_207 : memref<1x1x128xi32, #tpu.memory_space<vmem>> -> memref<128xi32, #tpu.memory_space<vmem>>
    %dma_start3A_209 = arith.constant 0 : i32
    %dma_start3A_210 = arith.constant 0 : i32
    %dma_start3A_211 = tpu.memref_slice %arg2[%dma_start3A_209, %dma_start3A_210] : memref<1015808x16xf32, #tpu.memory_space<hbm>> -> memref<1015808x16xf32, #tpu.memory_space<hbm>>
    tpu.enqueue_indirect_dma source(%dma_start3A_211 : memref<1015808x16xf32, #tpu.memory_space<hbm>>) target(%dma_start3A_205 : memref<128x16xf32, #tpu.memory_space<vmem>>) offsets(%dma_start3A_208 : memref<128xi32, #tpu.memory_space<vmem>>) semaphore(%arg8 : memref<!tpu.dma_semaphore, #tpu.memory_space<semaphore_mem>>)
    %dma_start3A_212 = arith.constant 1 : i32
    %dma_start3A_213 = arith.constant 7 : i32
    %dma_start3A_214 = arith.constant 1 : i32
    %dma_start3A_215 = arith.constant 7 : i32
    %dma_start3A_216 = arith.constant 0 : i32
    %dma_start3A_217 = arith.constant 0 : i32
    %dma_start3A_218 = tpu.memref_slice %arg6[%dma_start3A_214, %dma_start3A_215, %dma_start3A_216, %dma_start3A_217] : memref<2x8x128x16xf32, #tpu.memory_space<vmem>> -> memref<1x1x128x16xf32, #tpu.memory_space<vmem>>
    %dma_start3A_219 = tpu.memref_squeeze %dma_start3A_218 : memref<1x1x128x16xf32, #tpu.memory_space<vmem>> -> memref<128x16xf32, #tpu.memory_space<vmem>>
    %dma_start3A_220 = arith.constant 0 : i32
    %dma_start3A_221 = tpu.memref_slice %arg5[%dma_start3A_212, %dma_start3A_213, %dma_start3A_220] : memref<25x8x128xi32, #tpu.memory_space<vmem>> -> memref<1x1x128xi32, #tpu.memory_space<vmem>>
    %dma_start3A_222 = tpu.memref_squeeze %dma_start3A_221 : memref<1x1x128xi32, #tpu.memory_space<vmem>> -> memref<128xi32, #tpu.memory_space<vmem>>
    %dma_start3A_223 = arith.constant 0 : i32
    %dma_start3A_224 = arith.constant 0 : i32
    %dma_start3A_225 = tpu.memref_slice %arg2[%dma_start3A_223, %dma_start3A_224] : memref<1015808x16xf32, #tpu.memory_space<hbm>> -> memref<1015808x16xf32, #tpu.memory_space<hbm>>
    tpu.enqueue_indirect_dma source(%dma_start3A_225 : memref<1015808x16xf32, #tpu.memory_space<hbm>>) target(%dma_start3A_219 : memref<128x16xf32, #tpu.memory_space<vmem>>) offsets(%dma_start3A_222 : memref<128xi32, #tpu.memory_space<vmem>>) semaphore(%arg8 : memref<!tpu.dma_semaphore, #tpu.memory_space<semaphore_mem>>)
    %scan3A = arith.constant 0 : i32
    %scan3A_226 = arith.constant 0 : i32
    %scan3A_227 = arith.constant 12 : i32
    %scan3A_228 = arith.addi %scan3A_226, %scan3A_227 : i32
    %scan3A_229 = arith.constant 1 : i32
    scf.for %scan3A_402 = %scan3A_226 to %scan3A_228 step %scan3A_229  : i32 {
      %mul3A_403 = arith.constant 2 : i32
      %mul3A_404 = arith.muli %mul3A_403, %scan3A_402 : i32
      %add3A_405 = arith.constant 0 : i32
      %add3A_406 = arith.addi %mul3A_404, %add3A_405 : i32
      %dma_wait3A_407 = arith.constant 0 : i32
      %dma_wait3A_408 = arith.constant 0 : i32
      %dma_wait3A_409 = arith.constant 0 : i32
      %dma_wait3A_410 = arith.constant 0 : i32
      %dma_wait3A_411 = arith.constant 0 : i32
      %dma_wait3A_412 = arith.constant 0 : i32
      %dma_wait3A_413 = tpu.memref_slice %arg6[%dma_wait3A_409, %dma_wait3A_410, %dma_wait3A_411, %dma_wait3A_412] : memref<2x8x128x16xf32, #tpu.memory_space<vmem>> -> memref<1x1x128x16xf32, #tpu.memory_space<vmem>>
      %dma_wait3A_414 = tpu.memref_squeeze %dma_wait3A_413 : memref<1x1x128x16xf32, #tpu.memory_space<vmem>> -> memref<128x16xf32, #tpu.memory_space<vmem>>
      %dma_wait3A_415 = arith.constant 0 : i32
      %dma_wait3A_416 = tpu.memref_slice %arg5[%dma_wait3A_407, %dma_wait3A_408, %dma_wait3A_415] : memref<25x8x128xi32, #tpu.memory_space<vmem>> -> memref<1x1x128xi32, #tpu.memory_space<vmem>>
      %dma_wait3A_417 = tpu.memref_squeeze %dma_wait3A_416 : memref<1x1x128xi32, #tpu.memory_space<vmem>> -> memref<128xi32, #tpu.memory_space<vmem>>
      %dma_wait3A_418 = arith.constant 0 : i32
      %dma_wait3A_419 = arith.constant 0 : i32
      %dma_wait3A_420 = tpu.memref_slice %arg2[%dma_wait3A_418, %dma_wait3A_419] : memref<1015808x16xf32, #tpu.memory_space<hbm>> -> memref<1015808x16xf32, #tpu.memory_space<hbm>>
      tpu.wait_indirect_dma semaphore(%arg7 : memref<!tpu.dma_semaphore, #tpu.memory_space<semaphore_mem>>) src(%dma_wait3A_420 : memref<1015808x16xf32, #tpu.memory_space<hbm>>) dst(%dma_wait3A_414 : memref<128x16xf32, #tpu.memory_space<vmem>>)
      %dma_wait3A_421 = arith.constant 0 : i32
      %dma_wait3A_422 = arith.constant 1 : i32
      %dma_wait3A_423 = arith.constant 0 : i32
      %dma_wait3A_424 = arith.constant 1 : i32
      %dma_wait3A_425 = arith.constant 0 : i32
      %dma_wait3A_426 = arith.constant 0 : i32
      %dma_wait3A_427 = tpu.memref_slice %arg6[%dma_wait3A_423, %dma_wait3A_424, %dma_wait3A_425, %dma_wait3A_426] : memref<2x8x128x16xf32, #tpu.memory_space<vmem>> -> memref<1x1x128x16xf32, #tpu.memory_space<vmem>>
      %dma_wait3A_428 = tpu.memref_squeeze %dma_wait3A_427 : memref<1x1x128x16xf32, #tpu.memory_space<vmem>> -> memref<128x16xf32, #tpu.memory_space<vmem>>
      %dma_wait3A_429 = arith.constant 0 : i32
      %dma_wait3A_430 = tpu.memref_slice %arg5[%dma_wait3A_421, %dma_wait3A_422, %dma_wait3A_429] : memref<25x8x128xi32, #tpu.memory_space<vmem>> -> memref<1x1x128xi32, #tpu.memory_space<vmem>>
      %dma_wait3A_431 = tpu.memref_squeeze %dma_wait3A_430 : memref<1x1x128xi32, #tpu.memory_space<vmem>> -> memref<128xi32, #tpu.memory_space<vmem>>
      %dma_wait3A_432 = arith.constant 0 : i32
      %dma_wait3A_433 = arith.constant 0 : i32
      %dma_wait3A_434 = tpu.memref_slice %arg2[%dma_wait3A_432, %dma_wait3A_433] : memref<1015808x16xf32, #tpu.memory_space<hbm>> -> memref<1015808x16xf32, #tpu.memory_space<hbm>>
      tpu.wait_indirect_dma semaphore(%arg7 : memref<!tpu.dma_semaphore, #tpu.memory_space<semaphore_mem>>) src(%dma_wait3A_434 : memref<1015808x16xf32, #tpu.memory_space<hbm>>) dst(%dma_wait3A_428 : memref<128x16xf32, #tpu.memory_space<vmem>>)
      %dma_wait3A_435 = arith.constant 0 : i32
      %dma_wait3A_436 = arith.constant 2 : i32
      %dma_wait3A_437 = arith.constant 0 : i32
      %dma_wait3A_438 = arith.constant 2 : i32
      %dma_wait3A_439 = arith.constant 0 : i32
      %dma_wait3A_440 = arith.constant 0 : i32
      %dma_wait3A_441 = tpu.memref_slice %arg6[%dma_wait3A_437, %dma_wait3A_438, %dma_wait3A_439, %dma_wait3A_440] : memref<2x8x128x16xf32, #tpu.memory_space<vmem>> -> memref<1x1x128x16xf32, #tpu.memory_space<vmem>>
      %dma_wait3A_442 = tpu.memref_squeeze %dma_wait3A_441 : memref<1x1x128x16xf32, #tpu.memory_space<vmem>> -> memref<128x16xf32, #tpu.memory_space<vmem>>
      %dma_wait3A_443 = arith.constant 0 : i32
      %dma_wait3A_444 = tpu.memref_slice %arg5[%dma_wait3A_435, %dma_wait3A_436, %dma_wait3A_443] : memref<25x8x128xi32, #tpu.memory_space<vmem>> -> memref<1x1x128xi32, #tpu.memory_space<vmem>>
      %dma_wait3A_445 = tpu.memref_squeeze %dma_wait3A_444 : memref<1x1x128xi32, #tpu.memory_space<vmem>> -> memref<128xi32, #tpu.memory_space<vmem>>
      %dma_wait3A_446 = arith.constant 0 : i32
      %dma_wait3A_447 = arith.constant 0 : i32
      %dma_wait3A_448 = tpu.memref_slice %arg2[%dma_wait3A_446, %dma_wait3A_447] : memref<1015808x16xf32, #tpu.memory_space<hbm>> -> memref<1015808x16xf32, #tpu.memory_space<hbm>>
      tpu.wait_indirect_dma semaphore(%arg7 : memref<!tpu.dma_semaphore, #tpu.memory_space<semaphore_mem>>) src(%dma_wait3A_448 : memref<1015808x16xf32, #tpu.memory_space<hbm>>) dst(%dma_wait3A_442 : memref<128x16xf32, #tpu.memory_space<vmem>>)
      %dma_wait3A_449 = arith.constant 0 : i32
      %dma_wait3A_450 = arith.constant 3 : i32
      %dma_wait3A_451 = arith.constant 0 : i32
      %dma_wait3A_452 = arith.constant 3 : i32
      %dma_wait3A_453 = arith.constant 0 : i32
      %dma_wait3A_454 = arith.constant 0 : i32
      %dma_wait3A_455 = tpu.memref_slice %arg6[%dma_wait3A_451, %dma_wait3A_452, %dma_wait3A_453, %dma_wait3A_454] : memref<2x8x128x16xf32, #tpu.memory_space<vmem>> -> memref<1x1x128x16xf32, #tpu.memory_space<vmem>>
      %dma_wait3A_456 = tpu.memref_squeeze %dma_wait3A_455 : memref<1x1x128x16xf32, #tpu.memory_space<vmem>> -> memref<128x16xf32, #tpu.memory_space<vmem>>
      %dma_wait3A_457 = arith.constant 0 : i32
      %dma_wait3A_458 = tpu.memref_slice %arg5[%dma_wait3A_449, %dma_wait3A_450, %dma_wait3A_457] : memref<25x8x128xi32, #tpu.memory_space<vmem>> -> memref<1x1x128xi32, #tpu.memory_space<vmem>>
      %dma_wait3A_459 = tpu.memref_squeeze %dma_wait3A_458 : memref<1x1x128xi32, #tpu.memory_space<vmem>> -> memref<128xi32, #tpu.memory_space<vmem>>
      %dma_wait3A_460 = arith.constant 0 : i32
      %dma_wait3A_461 = arith.constant 0 : i32
      %dma_wait3A_462 = tpu.memref_slice %arg2[%dma_wait3A_460, %dma_wait3A_461] : memref<1015808x16xf32, #tpu.memory_space<hbm>> -> memref<1015808x16xf32, #tpu.memory_space<hbm>>
      tpu.wait_indirect_dma semaphore(%arg7 : memref<!tpu.dma_semaphore, #tpu.memory_space<semaphore_mem>>) src(%dma_wait3A_462 : memref<1015808x16xf32, #tpu.memory_space<hbm>>) dst(%dma_wait3A_456 : memref<128x16xf32, #tpu.memory_space<vmem>>)
      %dma_wait3A_463 = arith.constant 0 : i32
      %dma_wait3A_464 = arith.constant 4 : i32
      %dma_wait3A_465 = arith.constant 0 : i32
      %dma_wait3A_466 = arith.constant 4 : i32
      %dma_wait3A_467 = arith.constant 0 : i32
      %dma_wait3A_468 = arith.constant 0 : i32
      %dma_wait3A_469 = tpu.memref_slice %arg6[%dma_wait3A_465, %dma_wait3A_466, %dma_wait3A_467, %dma_wait3A_468] : memref<2x8x128x16xf32, #tpu.memory_space<vmem>> -> memref<1x1x128x16xf32, #tpu.memory_space<vmem>>
      %dma_wait3A_470 = tpu.memref_squeeze %dma_wait3A_469 : memref<1x1x128x16xf32, #tpu.memory_space<vmem>> -> memref<128x16xf32, #tpu.memory_space<vmem>>
      %dma_wait3A_471 = arith.constant 0 : i32
      %dma_wait3A_472 = tpu.memref_slice %arg5[%dma_wait3A_463, %dma_wait3A_464, %dma_wait3A_471] : memref<25x8x128xi32, #tpu.memory_space<vmem>> -> memref<1x1x128xi32, #tpu.memory_space<vmem>>
      %dma_wait3A_473 = tpu.memref_squeeze %dma_wait3A_472 : memref<1x1x128xi32, #tpu.memory_space<vmem>> -> memref<128xi32, #tpu.memory_space<vmem>>
      %dma_wait3A_474 = arith.constant 0 : i32
      %dma_wait3A_475 = arith.constant 0 : i32
      %dma_wait3A_476 = tpu.memref_slice %arg2[%dma_wait3A_474, %dma_wait3A_475] : memref<1015808x16xf32, #tpu.memory_space<hbm>> -> memref<1015808x16xf32, #tpu.memory_space<hbm>>
      tpu.wait_indirect_dma semaphore(%arg7 : memref<!tpu.dma_semaphore, #tpu.memory_space<semaphore_mem>>) src(%dma_wait3A_476 : memref<1015808x16xf32, #tpu.memory_space<hbm>>) dst(%dma_wait3A_470 : memref<128x16xf32, #tpu.memory_space<vmem>>)
      %dma_wait3A_477 = arith.constant 0 : i32
      %dma_wait3A_478 = arith.constant 5 : i32
      %dma_wait3A_479 = arith.constant 0 : i32
      %dma_wait3A_480 = arith.constant 5 : i32
      %dma_wait3A_481 = arith.constant 0 : i32
      %dma_wait3A_482 = arith.constant 0 : i32
      %dma_wait3A_483 = tpu.memref_slice %arg6[%dma_wait3A_479, %dma_wait3A_480, %dma_wait3A_481, %dma_wait3A_482] : memref<2x8x128x16xf32, #tpu.memory_space<vmem>> -> memref<1x1x128x16xf32, #tpu.memory_space<vmem>>
      %dma_wait3A_484 = tpu.memref_squeeze %dma_wait3A_483 : memref<1x1x128x16xf32, #tpu.memory_space<vmem>> -> memref<128x16xf32, #tpu.memory_space<vmem>>
      %dma_wait3A_485 = arith.constant 0 : i32
      %dma_wait3A_486 = tpu.memref_slice %arg5[%dma_wait3A_477, %dma_wait3A_478, %dma_wait3A_485] : memref<25x8x128xi32, #tpu.memory_space<vmem>> -> memref<1x1x128xi32, #tpu.memory_space<vmem>>
      %dma_wait3A_487 = tpu.memref_squeeze %dma_wait3A_486 : memref<1x1x128xi32, #tpu.memory_space<vmem>> -> memref<128xi32, #tpu.memory_space<vmem>>
      %dma_wait3A_488 = arith.constant 0 : i32
      %dma_wait3A_489 = arith.constant 0 : i32
      %dma_wait3A_490 = tpu.memref_slice %arg2[%dma_wait3A_488, %dma_wait3A_489] : memref<1015808x16xf32, #tpu.memory_space<hbm>> -> memref<1015808x16xf32, #tpu.memory_space<hbm>>
      tpu.wait_indirect_dma semaphore(%arg7 : memref<!tpu.dma_semaphore, #tpu.memory_space<semaphore_mem>>) src(%dma_wait3A_490 : memref<1015808x16xf32, #tpu.memory_space<hbm>>) dst(%dma_wait3A_484 : memref<128x16xf32, #tpu.memory_space<vmem>>)
      %dma_wait3A_491 = arith.constant 0 : i32
      %dma_wait3A_492 = arith.constant 6 : i32
      %dma_wait3A_493 = arith.constant 0 : i32
      %dma_wait3A_494 = arith.constant 6 : i32
      %dma_wait3A_495 = arith.constant 0 : i32
      %dma_wait3A_496 = arith.constant 0 : i32
      %dma_wait3A_497 = tpu.memref_slice %arg6[%dma_wait3A_493, %dma_wait3A_494, %dma_wait3A_495, %dma_wait3A_496] : memref<2x8x128x16xf32, #tpu.memory_space<vmem>> -> memref<1x1x128x16xf32, #tpu.memory_space<vmem>>
      %dma_wait3A_498 = tpu.memref_squeeze %dma_wait3A_497 : memref<1x1x128x16xf32, #tpu.memory_space<vmem>> -> memref<128x16xf32, #tpu.memory_space<vmem>>
      %dma_wait3A_499 = arith.constant 0 : i32
      %dma_wait3A_500 = tpu.memref_slice %arg5[%dma_wait3A_491, %dma_wait3A_492, %dma_wait3A_499] : memref<25x8x128xi32, #tpu.memory_space<vmem>> -> memref<1x1x128xi32, #tpu.memory_space<vmem>>
      %dma_wait3A_501 = tpu.memref_squeeze %dma_wait3A_500 : memref<1x1x128xi32, #tpu.memory_space<vmem>> -> memref<128xi32, #tpu.memory_space<vmem>>
      %dma_wait3A_502 = arith.constant 0 : i32
      %dma_wait3A_503 = arith.constant 0 : i32
      %dma_wait3A_504 = tpu.memref_slice %arg2[%dma_wait3A_502, %dma_wait3A_503] : memref<1015808x16xf32, #tpu.memory_space<hbm>> -> memref<1015808x16xf32, #tpu.memory_space<hbm>>
      tpu.wait_indirect_dma semaphore(%arg7 : memref<!tpu.dma_semaphore, #tpu.memory_space<semaphore_mem>>) src(%dma_wait3A_504 : memref<1015808x16xf32, #tpu.memory_space<hbm>>) dst(%dma_wait3A_498 : memref<128x16xf32, #tpu.memory_space<vmem>>)
      %dma_wait3A_505 = arith.constant 0 : i32
      %dma_wait3A_506 = arith.constant 7 : i32
      %dma_wait3A_507 = arith.constant 0 : i32
      %dma_wait3A_508 = arith.constant 7 : i32
      %dma_wait3A_509 = arith.constant 0 : i32
      %dma_wait3A_510 = arith.constant 0 : i32
      %dma_wait3A_511 = tpu.memref_slice %arg6[%dma_wait3A_507, %dma_wait3A_508, %dma_wait3A_509, %dma_wait3A_510] : memref<2x8x128x16xf32, #tpu.memory_space<vmem>> -> memref<1x1x128x16xf32, #tpu.memory_space<vmem>>
      %dma_wait3A_512 = tpu.memref_squeeze %dma_wait3A_511 : memref<1x1x128x16xf32, #tpu.memory_space<vmem>> -> memref<128x16xf32, #tpu.memory_space<vmem>>
      %dma_wait3A_513 = arith.constant 0 : i32
      %dma_wait3A_514 = tpu.memref_slice %arg5[%dma_wait3A_505, %dma_wait3A_506, %dma_wait3A_513] : memref<25x8x128xi32, #tpu.memory_space<vmem>> -> memref<1x1x128xi32, #tpu.memory_space<vmem>>
      %dma_wait3A_515 = tpu.memref_squeeze %dma_wait3A_514 : memref<1x1x128xi32, #tpu.memory_space<vmem>> -> memref<128xi32, #tpu.memory_space<vmem>>
      %dma_wait3A_516 = arith.constant 0 : i32
      %dma_wait3A_517 = arith.constant 0 : i32
      %dma_wait3A_518 = tpu.memref_slice %arg2[%dma_wait3A_516, %dma_wait3A_517] : memref<1015808x16xf32, #tpu.memory_space<hbm>> -> memref<1015808x16xf32, #tpu.memory_space<hbm>>
      tpu.wait_indirect_dma semaphore(%arg7 : memref<!tpu.dma_semaphore, #tpu.memory_space<semaphore_mem>>) src(%dma_wait3A_518 : memref<1015808x16xf32, #tpu.memory_space<hbm>>) dst(%dma_wait3A_512 : memref<128x16xf32, #tpu.memory_space<vmem>>)
      %dma_start3A_519 = arith.constant 0 : i32
      %dma_start3A_520 = arith.constant 0 : i32
      %dma_start3A_521 = arith.constant 0 : i32
      %dma_start3A_522 = arith.constant 0 : i32
      %dma_start3A_523 = tpu.memref_slice %arg6[%dma_start3A_519, %dma_start3A_520, %dma_start3A_521, %dma_start3A_522] : memref<2x8x128x16xf32, #tpu.memory_space<vmem>> -> memref<1x8x128x16xf32, #tpu.memory_space<vmem>>
      %dma_start3A_524 = tpu.memref_squeeze %dma_start3A_523 : memref<1x8x128x16xf32, #tpu.memory_space<vmem>> -> memref<8x128x16xf32, #tpu.memory_space<vmem>>
      %dma_start3A_525 = arith.constant 0 : i32
      %dma_start3A_526 = arith.constant 0 : i32
      %dma_start3A_527 = tpu.memref_slice %arg4[%add3A_406, %mul3A_2, %dma_start3A_525, %dma_start3A_526] : memref<25x256x128x16xf32, #tpu.memory_space<hbm>> -> memref<1x8x128x16xf32, #tpu.memory_space<hbm>>
      %dma_start3A_528 = tpu.memref_squeeze %dma_start3A_527 : memref<1x8x128x16xf32, #tpu.memory_space<hbm>> -> memref<8x128x16xf32, #tpu.memory_space<hbm>>
      %dma_start3A_529 = arith.constant 0 : i32
      %dma_start3A_530 = arith.constant 0 : i32
      %dma_start3A_531 = tpu.memref_slice %arg4[%add3A_406, %mul3A_2, %dma_start3A_529, %dma_start3A_530] : memref<25x256x128x16xf32, #tpu.memory_space<hbm>> -> memref<1x8x128x16xf32, #tpu.memory_space<hbm>>
      %dma_start3A_532 = tpu.memref_squeeze %dma_start3A_531 : memref<1x8x128x16xf32, #tpu.memory_space<hbm>> -> memref<8x128x16xf32, #tpu.memory_space<hbm>>
      %dma_start3A_533 = arith.constant 0 : i32
      %dma_start3A_534 = arith.constant 0 : i32
      %dma_start3A_535 = arith.constant 0 : i32
      %dma_start3A_536 = tpu.memref_slice %arg6[%dma_start3A_519, %dma_start3A_533, %dma_start3A_534, %dma_start3A_535] : memref<2x8x128x16xf32, #tpu.memory_space<vmem>> -> memref<1x8x128x16xf32, #tpu.memory_space<vmem>>
      %dma_start3A_537 = tpu.memref_squeeze %dma_start3A_536 : memref<1x8x128x16xf32, #tpu.memory_space<vmem>> -> memref<8x128x16xf32, #tpu.memory_space<vmem>>
      tpu.enqueue_dma source(%dma_start3A_537 : memref<8x128x16xf32, #tpu.memory_space<vmem>>) target(%dma_start3A_532 : memref<8x128x16xf32, #tpu.memory_space<hbm>>) target_semaphore(%arg9 : memref<!tpu.dma_semaphore, #tpu.memory_space<semaphore_mem>>)
      %le3A = arith.constant 22 : i32
      %le3A_538 = arith.cmpi sle, %add3A_406, %le3A : i32
      %convert_element_type3A = arith.extui %le3A_538 : i1 to i32
      %cond3A = arith.constant 0 : i32
      %cond3A_539 = arith.cmpi ne, %convert_element_type3A, %cond3A : i32
      scf.if %cond3A_539 {
        %dma_wait3A_680 = arith.constant 0 : i32
        %dma_wait3A_681 = arith.constant 0 : i32
        %dma_wait3A_682 = arith.constant 0 : i32
        %dma_wait3A_683 = arith.constant 0 : i32
        %dma_wait3A_684 = arith.constant 0 : i32
        %dma_wait3A_685 = tpu.memref_slice %arg6[%dma_wait3A_680, %dma_wait3A_682, %dma_wait3A_683, %dma_wait3A_684] : memref<2x8x128x16xf32, #tpu.memory_space<vmem>> -> memref<1x8x128x16xf32, #tpu.memory_space<vmem>>
        %dma_wait3A_686 = tpu.memref_squeeze %dma_wait3A_685 : memref<1x8x128x16xf32, #tpu.memory_space<vmem>> -> memref<8x128x16xf32, #tpu.memory_space<vmem>>
        %dma_wait3A_687 = arith.constant 0 : i32
        %dma_wait3A_688 = arith.constant 0 : i32
        %dma_wait3A_689 = tpu.memref_slice %arg4[%dma_wait3A_681, %mul3A_2, %dma_wait3A_687, %dma_wait3A_688] : memref<25x256x128x16xf32, #tpu.memory_space<hbm>> -> memref<1x8x128x16xf32, #tpu.memory_space<hbm>>
        %dma_wait3A_690 = tpu.memref_squeeze %dma_wait3A_689 : memref<1x8x128x16xf32, #tpu.memory_space<hbm>> -> memref<8x128x16xf32, #tpu.memory_space<hbm>>
        %dma_wait3A_691 = arith.constant 0 : i32
        %dma_wait3A_692 = arith.constant 0 : i32
        %dma_wait3A_693 = tpu.memref_slice %arg4[%dma_wait3A_681, %mul3A_2, %dma_wait3A_691, %dma_wait3A_692] : memref<25x256x128x16xf32, #tpu.memory_space<hbm>> -> memref<1x8x128x16xf32, #tpu.memory_space<hbm>>
        %dma_wait3A_694 = tpu.memref_squeeze %dma_wait3A_693 : memref<1x8x128x16xf32, #tpu.memory_space<hbm>> -> memref<8x128x16xf32, #tpu.memory_space<hbm>>
        %dma_wait3A_695 = arith.constant 0 : i32
        %dma_wait3A_696 = arith.constant 0 : i32
        %dma_wait3A_697 = arith.constant 0 : i32
        %dma_wait3A_698 = tpu.memref_slice %arg6[%dma_wait3A_680, %dma_wait3A_695, %dma_wait3A_696, %dma_wait3A_697] : memref<2x8x128x16xf32, #tpu.memory_space<vmem>> -> memref<1x8x128x16xf32, #tpu.memory_space<vmem>>
        %dma_wait3A_699 = tpu.memref_squeeze %dma_wait3A_698 : memref<1x8x128x16xf32, #tpu.memory_space<vmem>> -> memref<8x128x16xf32, #tpu.memory_space<vmem>>
        tpu.wait_dma2 semaphore(%arg9 : memref<!tpu.dma_semaphore, #tpu.memory_space<semaphore_mem>>) src(%dma_wait3A_699 : memref<8x128x16xf32, #tpu.memory_space<vmem>>) dst(%dma_wait3A_694 : memref<8x128x16xf32, #tpu.memory_space<hbm>>)
        %add3A_700 = arith.constant 2 : i32
        %add3A_701 = arith.addi %add3A_406, %add3A_700 : i32
        %dma_start3A_702 = arith.constant 0 : i32
        %dma_start3A_703 = arith.constant 0 : i32
        %dma_start3A_704 = arith.constant 0 : i32
        %dma_start3A_705 = arith.constant 0 : i32
        %dma_start3A_706 = arith.constant 0 : i32
        %dma_start3A_707 = tpu.memref_slice %arg6[%dma_start3A_703, %dma_start3A_704, %dma_start3A_705, %dma_start3A_706] : memref<2x8x128x16xf32, #tpu.memory_space<vmem>> -> memref<1x1x128x16xf32, #tpu.memory_space<vmem>>
        %dma_start3A_708 = tpu.memref_squeeze %dma_start3A_707 : memref<1x1x128x16xf32, #tpu.memory_space<vmem>> -> memref<128x16xf32, #tpu.memory_space<vmem>>
        %dma_start3A_709 = arith.constant 0 : i32
        %dma_start3A_710 = tpu.memref_slice %arg5[%add3A_701, %dma_start3A_702, %dma_start3A_709] : memref<25x8x128xi32, #tpu.memory_space<vmem>> -> memref<1x1x128xi32, #tpu.memory_space<vmem>>
        %dma_start3A_711 = tpu.memref_squeeze %dma_start3A_710 : memref<1x1x128xi32, #tpu.memory_space<vmem>> -> memref<128xi32, #tpu.memory_space<vmem>>
        %dma_start3A_712 = arith.constant 0 : i32
        %dma_start3A_713 = arith.constant 0 : i32
        %dma_start3A_714 = tpu.memref_slice %arg2[%dma_start3A_712, %dma_start3A_713] : memref<1015808x16xf32, #tpu.memory_space<hbm>> -> memref<1015808x16xf32, #tpu.memory_space<hbm>>
        tpu.enqueue_indirect_dma source(%dma_start3A_714 : memref<1015808x16xf32, #tpu.memory_space<hbm>>) target(%dma_start3A_708 : memref<128x16xf32, #tpu.memory_space<vmem>>) offsets(%dma_start3A_711 : memref<128xi32, #tpu.memory_space<vmem>>) semaphore(%arg7 : memref<!tpu.dma_semaphore, #tpu.memory_space<semaphore_mem>>)
        %dma_start3A_715 = arith.constant 1 : i32
        %dma_start3A_716 = arith.constant 0 : i32
        %dma_start3A_717 = arith.constant 1 : i32
        %dma_start3A_718 = arith.constant 0 : i32
        %dma_start3A_719 = arith.constant 0 : i32
        %dma_start3A_720 = tpu.memref_slice %arg6[%dma_start3A_716, %dma_start3A_717, %dma_start3A_718, %dma_start3A_719] : memref<2x8x128x16xf32, #tpu.memory_space<vmem>> -> memref<1x1x128x16xf32, #tpu.memory_space<vmem>>
        %dma_start3A_721 = tpu.memref_squeeze %dma_start3A_720 : memref<1x1x128x16xf32, #tpu.memory_space<vmem>> -> memref<128x16xf32, #tpu.memory_space<vmem>>
        %dma_start3A_722 = arith.constant 0 : i32
        %dma_start3A_723 = tpu.memref_slice %arg5[%add3A_701, %dma_start3A_715, %dma_start3A_722] : memref<25x8x128xi32, #tpu.memory_space<vmem>> -> memref<1x1x128xi32, #tpu.memory_space<vmem>>
        %dma_start3A_724 = tpu.memref_squeeze %dma_start3A_723 : memref<1x1x128xi32, #tpu.memory_space<vmem>> -> memref<128xi32, #tpu.memory_space<vmem>>
        %dma_start3A_725 = arith.constant 0 : i32
        %dma_start3A_726 = arith.constant 0 : i32
        %dma_start3A_727 = tpu.memref_slice %arg2[%dma_start3A_725, %dma_start3A_726] : memref<1015808x16xf32, #tpu.memory_space<hbm>> -> memref<1015808x16xf32, #tpu.memory_space<hbm>>
        tpu.enqueue_indirect_dma source(%dma_start3A_727 : memref<1015808x16xf32, #tpu.memory_space<hbm>>) target(%dma_start3A_721 : memref<128x16xf32, #tpu.memory_space<vmem>>) offsets(%dma_start3A_724 : memref<128xi32, #tpu.memory_space<vmem>>) semaphore(%arg7 : memref<!tpu.dma_semaphore, #tpu.memory_space<semaphore_mem>>)
        %dma_start3A_728 = arith.constant 2 : i32
        %dma_start3A_729 = arith.constant 0 : i32
        %dma_start3A_730 = arith.constant 2 : i32
        %dma_start3A_731 = arith.constant 0 : i32
        %dma_start3A_732 = arith.constant 0 : i32
        %dma_start3A_733 = tpu.memref_slice %arg6[%dma_start3A_729, %dma_start3A_730, %dma_start3A_731, %dma_start3A_732] : memref<2x8x128x16xf32, #tpu.memory_space<vmem>> -> memref<1x1x128x16xf32, #tpu.memory_space<vmem>>
        %dma_start3A_734 = tpu.memref_squeeze %dma_start3A_733 : memref<1x1x128x16xf32, #tpu.memory_space<vmem>> -> memref<128x16xf32, #tpu.memory_space<vmem>>
        %dma_start3A_735 = arith.constant 0 : i32
        %dma_start3A_736 = tpu.memref_slice %arg5[%add3A_701, %dma_start3A_728, %dma_start3A_735] : memref<25x8x128xi32, #tpu.memory_space<vmem>> -> memref<1x1x128xi32, #tpu.memory_space<vmem>>
        %dma_start3A_737 = tpu.memref_squeeze %dma_start3A_736 : memref<1x1x128xi32, #tpu.memory_space<vmem>> -> memref<128xi32, #tpu.memory_space<vmem>>
        %dma_start3A_738 = arith.constant 0 : i32
        %dma_start3A_739 = arith.constant 0 : i32
        %dma_start3A_740 = tpu.memref_slice %arg2[%dma_start3A_738, %dma_start3A_739] : memref<1015808x16xf32, #tpu.memory_space<hbm>> -> memref<1015808x16xf32, #tpu.memory_space<hbm>>
        tpu.enqueue_indirect_dma source(%dma_start3A_740 : memref<1015808x16xf32, #tpu.memory_space<hbm>>) target(%dma_start3A_734 : memref<128x16xf32, #tpu.memory_space<vmem>>) offsets(%dma_start3A_737 : memref<128xi32, #tpu.memory_space<vmem>>) semaphore(%arg7 : memref<!tpu.dma_semaphore, #tpu.memory_space<semaphore_mem>>)
        %dma_start3A_741 = arith.constant 3 : i32
        %dma_start3A_742 = arith.constant 0 : i32
        %dma_start3A_743 = arith.constant 3 : i32
        %dma_start3A_744 = arith.constant 0 : i32
        %dma_start3A_745 = arith.constant 0 : i32
        %dma_start3A_746 = tpu.memref_slice %arg6[%dma_start3A_742, %dma_start3A_743, %dma_start3A_744, %dma_start3A_745] : memref<2x8x128x16xf32, #tpu.memory_space<vmem>> -> memref<1x1x128x16xf32, #tpu.memory_space<vmem>>
        %dma_start3A_747 = tpu.memref_squeeze %dma_start3A_746 : memref<1x1x128x16xf32, #tpu.memory_space<vmem>> -> memref<128x16xf32, #tpu.memory_space<vmem>>
        %dma_start3A_748 = arith.constant 0 : i32
        %dma_start3A_749 = tpu.memref_slice %arg5[%add3A_701, %dma_start3A_741, %dma_start3A_748] : memref<25x8x128xi32, #tpu.memory_space<vmem>> -> memref<1x1x128xi32, #tpu.memory_space<vmem>>
        %dma_start3A_750 = tpu.memref_squeeze %dma_start3A_749 : memref<1x1x128xi32, #tpu.memory_space<vmem>> -> memref<128xi32, #tpu.memory_space<vmem>>
        %dma_start3A_751 = arith.constant 0 : i32
        %dma_start3A_752 = arith.constant 0 : i32
        %dma_start3A_753 = tpu.memref_slice %arg2[%dma_start3A_751, %dma_start3A_752] : memref<1015808x16xf32, #tpu.memory_space<hbm>> -> memref<1015808x16xf32, #tpu.memory_space<hbm>>
        tpu.enqueue_indirect_dma source(%dma_start3A_753 : memref<1015808x16xf32, #tpu.memory_space<hbm>>) target(%dma_start3A_747 : memref<128x16xf32, #tpu.memory_space<vmem>>) offsets(%dma_start3A_750 : memref<128xi32, #tpu.memory_space<vmem>>) semaphore(%arg7 : memref<!tpu.dma_semaphore, #tpu.memory_space<semaphore_mem>>)
        %dma_start3A_754 = arith.constant 4 : i32
        %dma_start3A_755 = arith.constant 0 : i32
        %dma_start3A_756 = arith.constant 4 : i32
        %dma_start3A_757 = arith.constant 0 : i32
        %dma_start3A_758 = arith.constant 0 : i32
        %dma_start3A_759 = tpu.memref_slice %arg6[%dma_start3A_755, %dma_start3A_756, %dma_start3A_757, %dma_start3A_758] : memref<2x8x128x16xf32, #tpu.memory_space<vmem>> -> memref<1x1x128x16xf32, #tpu.memory_space<vmem>>
        %dma_start3A_760 = tpu.memref_squeeze %dma_start3A_759 : memref<1x1x128x16xf32, #tpu.memory_space<vmem>> -> memref<128x16xf32, #tpu.memory_space<vmem>>
        %dma_start3A_761 = arith.constant 0 : i32
        %dma_start3A_762 = tpu.memref_slice %arg5[%add3A_701, %dma_start3A_754, %dma_start3A_761] : memref<25x8x128xi32, #tpu.memory_space<vmem>> -> memref<1x1x128xi32, #tpu.memory_space<vmem>>
        %dma_start3A_763 = tpu.memref_squeeze %dma_start3A_762 : memref<1x1x128xi32, #tpu.memory_space<vmem>> -> memref<128xi32, #tpu.memory_space<vmem>>
        %dma_start3A_764 = arith.constant 0 : i32
        %dma_start3A_765 = arith.constant 0 : i32
        %dma_start3A_766 = tpu.memref_slice %arg2[%dma_start3A_764, %dma_start3A_765] : memref<1015808x16xf32, #tpu.memory_space<hbm>> -> memref<1015808x16xf32, #tpu.memory_space<hbm>>
        tpu.enqueue_indirect_dma source(%dma_start3A_766 : memref<1015808x16xf32, #tpu.memory_space<hbm>>) target(%dma_start3A_760 : memref<128x16xf32, #tpu.memory_space<vmem>>) offsets(%dma_start3A_763 : memref<128xi32, #tpu.memory_space<vmem>>) semaphore(%arg7 : memref<!tpu.dma_semaphore, #tpu.memory_space<semaphore_mem>>)
        %dma_start3A_767 = arith.constant 5 : i32
        %dma_start3A_768 = arith.constant 0 : i32
        %dma_start3A_769 = arith.constant 5 : i32
        %dma_start3A_770 = arith.constant 0 : i32
        %dma_start3A_771 = arith.constant 0 : i32
        %dma_start3A_772 = tpu.memref_slice %arg6[%dma_start3A_768, %dma_start3A_769, %dma_start3A_770, %dma_start3A_771] : memref<2x8x128x16xf32, #tpu.memory_space<vmem>> -> memref<1x1x128x16xf32, #tpu.memory_space<vmem>>
        %dma_start3A_773 = tpu.memref_squeeze %dma_start3A_772 : memref<1x1x128x16xf32, #tpu.memory_space<vmem>> -> memref<128x16xf32, #tpu.memory_space<vmem>>
        %dma_start3A_774 = arith.constant 0 : i32
        %dma_start3A_775 = tpu.memref_slice %arg5[%add3A_701, %dma_start3A_767, %dma_start3A_774] : memref<25x8x128xi32, #tpu.memory_space<vmem>> -> memref<1x1x128xi32, #tpu.memory_space<vmem>>
        %dma_start3A_776 = tpu.memref_squeeze %dma_start3A_775 : memref<1x1x128xi32, #tpu.memory_space<vmem>> -> memref<128xi32, #tpu.memory_space<vmem>>
        %dma_start3A_777 = arith.constant 0 : i32
        %dma_start3A_778 = arith.constant 0 : i32
        %dma_start3A_779 = tpu.memref_slice %arg2[%dma_start3A_777, %dma_start3A_778] : memref<1015808x16xf32, #tpu.memory_space<hbm>> -> memref<1015808x16xf32, #tpu.memory_space<hbm>>
        tpu.enqueue_indirect_dma source(%dma_start3A_779 : memref<1015808x16xf32, #tpu.memory_space<hbm>>) target(%dma_start3A_773 : memref<128x16xf32, #tpu.memory_space<vmem>>) offsets(%dma_start3A_776 : memref<128xi32, #tpu.memory_space<vmem>>) semaphore(%arg7 : memref<!tpu.dma_semaphore, #tpu.memory_space<semaphore_mem>>)
        %dma_start3A_780 = arith.constant 6 : i32
        %dma_start3A_781 = arith.constant 0 : i32
        %dma_start3A_782 = arith.constant 6 : i32
        %dma_start3A_783 = arith.constant 0 : i32
        %dma_start3A_784 = arith.constant 0 : i32
        %dma_start3A_785 = tpu.memref_slice %arg6[%dma_start3A_781, %dma_start3A_782, %dma_start3A_783, %dma_start3A_784] : memref<2x8x128x16xf32, #tpu.memory_space<vmem>> -> memref<1x1x128x16xf32, #tpu.memory_space<vmem>>
        %dma_start3A_786 = tpu.memref_squeeze %dma_start3A_785 : memref<1x1x128x16xf32, #tpu.memory_space<vmem>> -> memref<128x16xf32, #tpu.memory_space<vmem>>
        %dma_start3A_787 = arith.constant 0 : i32
        %dma_start3A_788 = tpu.memref_slice %arg5[%add3A_701, %dma_start3A_780, %dma_start3A_787] : memref<25x8x128xi32, #tpu.memory_space<vmem>> -> memref<1x1x128xi32, #tpu.memory_space<vmem>>
        %dma_start3A_789 = tpu.memref_squeeze %dma_start3A_788 : memref<1x1x128xi32, #tpu.memory_space<vmem>> -> memref<128xi32, #tpu.memory_space<vmem>>
        %dma_start3A_790 = arith.constant 0 : i32
        %dma_start3A_791 = arith.constant 0 : i32
        %dma_start3A_792 = tpu.memref_slice %arg2[%dma_start3A_790, %dma_start3A_791] : memref<1015808x16xf32, #tpu.memory_space<hbm>> -> memref<1015808x16xf32, #tpu.memory_space<hbm>>
        tpu.enqueue_indirect_dma source(%dma_start3A_792 : memref<1015808x16xf32, #tpu.memory_space<hbm>>) target(%dma_start3A_786 : memref<128x16xf32, #tpu.memory_space<vmem>>) offsets(%dma_start3A_789 : memref<128xi32, #tpu.memory_space<vmem>>) semaphore(%arg7 : memref<!tpu.dma_semaphore, #tpu.memory_space<semaphore_mem>>)
        %dma_start3A_793 = arith.constant 7 : i32
        %dma_start3A_794 = arith.constant 0 : i32
        %dma_start3A_795 = arith.constant 7 : i32
        %dma_start3A_796 = arith.constant 0 : i32
        %dma_start3A_797 = arith.constant 0 : i32
        %dma_start3A_798 = tpu.memref_slice %arg6[%dma_start3A_794, %dma_start3A_795, %dma_start3A_796, %dma_start3A_797] : memref<2x8x128x16xf32, #tpu.memory_space<vmem>> -> memref<1x1x128x16xf32, #tpu.memory_space<vmem>>
        %dma_start3A_799 = tpu.memref_squeeze %dma_start3A_798 : memref<1x1x128x16xf32, #tpu.memory_space<vmem>> -> memref<128x16xf32, #tpu.memory_space<vmem>>
        %dma_start3A_800 = arith.constant 0 : i32
        %dma_start3A_801 = tpu.memref_slice %arg5[%add3A_701, %dma_start3A_793, %dma_start3A_800] : memref<25x8x128xi32, #tpu.memory_space<vmem>> -> memref<1x1x128xi32, #tpu.memory_space<vmem>>
        %dma_start3A_802 = tpu.memref_squeeze %dma_start3A_801 : memref<1x1x128xi32, #tpu.memory_space<vmem>> -> memref<128xi32, #tpu.memory_space<vmem>>
        %dma_start3A_803 = arith.constant 0 : i32
        %dma_start3A_804 = arith.constant 0 : i32
        %dma_start3A_805 = tpu.memref_slice %arg2[%dma_start3A_803, %dma_start3A_804] : memref<1015808x16xf32, #tpu.memory_space<hbm>> -> memref<1015808x16xf32, #tpu.memory_space<hbm>>
        tpu.enqueue_indirect_dma source(%dma_start3A_805 : memref<1015808x16xf32, #tpu.memory_space<hbm>>) target(%dma_start3A_799 : memref<128x16xf32, #tpu.memory_space<vmem>>) offsets(%dma_start3A_802 : memref<128xi32, #tpu.memory_space<vmem>>) semaphore(%arg7 : memref<!tpu.dma_semaphore, #tpu.memory_space<semaphore_mem>>)
      } else {
      }
      %mul3A_540 = arith.constant 2 : i32
      %mul3A_541 = arith.muli %mul3A_540, %scan3A_402 : i32
      %add3A_542 = arith.constant 1 : i32
      %add3A_543 = arith.addi %mul3A_541, %add3A_542 : i32
      %dma_wait3A_544 = arith.constant 0 : i32
      %dma_wait3A_545 = arith.constant 0 : i32
      %dma_wait3A_546 = arith.constant 1 : i32
      %dma_wait3A_547 = arith.constant 0 : i32
      %dma_wait3A_548 = arith.constant 0 : i32
      %dma_wait3A_549 = arith.constant 0 : i32
      %dma_wait3A_550 = tpu.memref_slice %arg6[%dma_wait3A_546, %dma_wait3A_547, %dma_wait3A_548, %dma_wait3A_549] : memref<2x8x128x16xf32, #tpu.memory_space<vmem>> -> memref<1x1x128x16xf32, #tpu.memory_space<vmem>>
      %dma_wait3A_551 = tpu.memref_squeeze %dma_wait3A_550 : memref<1x1x128x16xf32, #tpu.memory_space<vmem>> -> memref<128x16xf32, #tpu.memory_space<vmem>>
      %dma_wait3A_552 = arith.constant 0 : i32
      %dma_wait3A_553 = tpu.memref_slice %arg5[%dma_wait3A_544, %dma_wait3A_545, %dma_wait3A_552] : memref<25x8x128xi32, #tpu.memory_space<vmem>> -> memref<1x1x128xi32, #tpu.memory_space<vmem>>
      %dma_wait3A_554 = tpu.memref_squeeze %dma_wait3A_553 : memref<1x1x128xi32, #tpu.memory_space<vmem>> -> memref<128xi32, #tpu.memory_space<vmem>>
      %dma_wait3A_555 = arith.constant 0 : i32
      %dma_wait3A_556 = arith.constant 0 : i32
      %dma_wait3A_557 = tpu.memref_slice %arg2[%dma_wait3A_555, %dma_wait3A_556] : memref<1015808x16xf32, #tpu.memory_space<hbm>> -> memref<1015808x16xf32, #tpu.memory_space<hbm>>
      tpu.wait_indirect_dma semaphore(%arg8 : memref<!tpu.dma_semaphore, #tpu.memory_space<semaphore_mem>>) src(%dma_wait3A_557 : memref<1015808x16xf32, #tpu.memory_space<hbm>>) dst(%dma_wait3A_551 : memref<128x16xf32, #tpu.memory_space<vmem>>)
      %dma_wait3A_558 = arith.constant 0 : i32
      %dma_wait3A_559 = arith.constant 1 : i32
      %dma_wait3A_560 = arith.constant 1 : i32
      %dma_wait3A_561 = arith.constant 1 : i32
      %dma_wait3A_562 = arith.constant 0 : i32
      %dma_wait3A_563 = arith.constant 0 : i32
      %dma_wait3A_564 = tpu.memref_slice %arg6[%dma_wait3A_560, %dma_wait3A_561, %dma_wait3A_562, %dma_wait3A_563] : memref<2x8x128x16xf32, #tpu.memory_space<vmem>> -> memref<1x1x128x16xf32, #tpu.memory_space<vmem>>
      %dma_wait3A_565 = tpu.memref_squeeze %dma_wait3A_564 : memref<1x1x128x16xf32, #tpu.memory_space<vmem>> -> memref<128x16xf32, #tpu.memory_space<vmem>>
      %dma_wait3A_566 = arith.constant 0 : i32
      %dma_wait3A_567 = tpu.memref_slice %arg5[%dma_wait3A_558, %dma_wait3A_559, %dma_wait3A_566] : memref<25x8x128xi32, #tpu.memory_space<vmem>> -> memref<1x1x128xi32, #tpu.memory_space<vmem>>
      %dma_wait3A_568 = tpu.memref_squeeze %dma_wait3A_567 : memref<1x1x128xi32, #tpu.memory_space<vmem>> -> memref<128xi32, #tpu.memory_space<vmem>>
      %dma_wait3A_569 = arith.constant 0 : i32
      %dma_wait3A_570 = arith.constant 0 : i32
      %dma_wait3A_571 = tpu.memref_slice %arg2[%dma_wait3A_569, %dma_wait3A_570] : memref<1015808x16xf32, #tpu.memory_space<hbm>> -> memref<1015808x16xf32, #tpu.memory_space<hbm>>
      tpu.wait_indirect_dma semaphore(%arg8 : memref<!tpu.dma_semaphore, #tpu.memory_space<semaphore_mem>>) src(%dma_wait3A_571 : memref<1015808x16xf32, #tpu.memory_space<hbm>>) dst(%dma_wait3A_565 : memref<128x16xf32, #tpu.memory_space<vmem>>)
      %dma_wait3A_572 = arith.constant 0 : i32
      %dma_wait3A_573 = arith.constant 2 : i32
      %dma_wait3A_574 = arith.constant 1 : i32
      %dma_wait3A_575 = arith.constant 2 : i32
      %dma_wait3A_576 = arith.constant 0 : i32
      %dma_wait3A_577 = arith.constant 0 : i32
      %dma_wait3A_578 = tpu.memref_slice %arg6[%dma_wait3A_574, %dma_wait3A_575, %dma_wait3A_576, %dma_wait3A_577] : memref<2x8x128x16xf32, #tpu.memory_space<vmem>> -> memref<1x1x128x16xf32, #tpu.memory_space<vmem>>
      %dma_wait3A_579 = tpu.memref_squeeze %dma_wait3A_578 : memref<1x1x128x16xf32, #tpu.memory_space<vmem>> -> memref<128x16xf32, #tpu.memory_space<vmem>>
      %dma_wait3A_580 = arith.constant 0 : i32
      %dma_wait3A_581 = tpu.memref_slice %arg5[%dma_wait3A_572, %dma_wait3A_573, %dma_wait3A_580] : memref<25x8x128xi32, #tpu.memory_space<vmem>> -> memref<1x1x128xi32, #tpu.memory_space<vmem>>
      %dma_wait3A_582 = tpu.memref_squeeze %dma_wait3A_581 : memref<1x1x128xi32, #tpu.memory_space<vmem>> -> memref<128xi32, #tpu.memory_space<vmem>>
      %dma_wait3A_583 = arith.constant 0 : i32
      %dma_wait3A_584 = arith.constant 0 : i32
      %dma_wait3A_585 = tpu.memref_slice %arg2[%dma_wait3A_583, %dma_wait3A_584] : memref<1015808x16xf32, #tpu.memory_space<hbm>> -> memref<1015808x16xf32, #tpu.memory_space<hbm>>
      tpu.wait_indirect_dma semaphore(%arg8 : memref<!tpu.dma_semaphore, #tpu.memory_space<semaphore_mem>>) src(%dma_wait3A_585 : memref<1015808x16xf32, #tpu.memory_space<hbm>>) dst(%dma_wait3A_579 : memref<128x16xf32, #tpu.memory_space<vmem>>)
      %dma_wait3A_586 = arith.constant 0 : i32
      %dma_wait3A_587 = arith.constant 3 : i32
      %dma_wait3A_588 = arith.constant 1 : i32
      %dma_wait3A_589 = arith.constant 3 : i32
      %dma_wait3A_590 = arith.constant 0 : i32
      %dma_wait3A_591 = arith.constant 0 : i32
      %dma_wait3A_592 = tpu.memref_slice %arg6[%dma_wait3A_588, %dma_wait3A_589, %dma_wait3A_590, %dma_wait3A_591] : memref<2x8x128x16xf32, #tpu.memory_space<vmem>> -> memref<1x1x128x16xf32, #tpu.memory_space<vmem>>
      %dma_wait3A_593 = tpu.memref_squeeze %dma_wait3A_592 : memref<1x1x128x16xf32, #tpu.memory_space<vmem>> -> memref<128x16xf32, #tpu.memory_space<vmem>>
      %dma_wait3A_594 = arith.constant 0 : i32
      %dma_wait3A_595 = tpu.memref_slice %arg5[%dma_wait3A_586, %dma_wait3A_587, %dma_wait3A_594] : memref<25x8x128xi32, #tpu.memory_space<vmem>> -> memref<1x1x128xi32, #tpu.memory_space<vmem>>
      %dma_wait3A_596 = tpu.memref_squeeze %dma_wait3A_595 : memref<1x1x128xi32, #tpu.memory_space<vmem>> -> memref<128xi32, #tpu.memory_space<vmem>>
      %dma_wait3A_597 = arith.constant 0 : i32
      %dma_wait3A_598 = arith.constant 0 : i32
      %dma_wait3A_599 = tpu.memref_slice %arg2[%dma_wait3A_597, %dma_wait3A_598] : memref<1015808x16xf32, #tpu.memory_space<hbm>> -> memref<1015808x16xf32, #tpu.memory_space<hbm>>
      tpu.wait_indirect_dma semaphore(%arg8 : memref<!tpu.dma_semaphore, #tpu.memory_space<semaphore_mem>>) src(%dma_wait3A_599 : memref<1015808x16xf32, #tpu.memory_space<hbm>>) dst(%dma_wait3A_593 : memref<128x16xf32, #tpu.memory_space<vmem>>)
      %dma_wait3A_600 = arith.constant 0 : i32
      %dma_wait3A_601 = arith.constant 4 : i32
      %dma_wait3A_602 = arith.constant 1 : i32
      %dma_wait3A_603 = arith.constant 4 : i32
      %dma_wait3A_604 = arith.constant 0 : i32
      %dma_wait3A_605 = arith.constant 0 : i32
      %dma_wait3A_606 = tpu.memref_slice %arg6[%dma_wait3A_602, %dma_wait3A_603, %dma_wait3A_604, %dma_wait3A_605] : memref<2x8x128x16xf32, #tpu.memory_space<vmem>> -> memref<1x1x128x16xf32, #tpu.memory_space<vmem>>
      %dma_wait3A_607 = tpu.memref_squeeze %dma_wait3A_606 : memref<1x1x128x16xf32, #tpu.memory_space<vmem>> -> memref<128x16xf32, #tpu.memory_space<vmem>>
      %dma_wait3A_608 = arith.constant 0 : i32
      %dma_wait3A_609 = tpu.memref_slice %arg5[%dma_wait3A_600, %dma_wait3A_601, %dma_wait3A_608] : memref<25x8x128xi32, #tpu.memory_space<vmem>> -> memref<1x1x128xi32, #tpu.memory_space<vmem>>
      %dma_wait3A_610 = tpu.memref_squeeze %dma_wait3A_609 : memref<1x1x128xi32, #tpu.memory_space<vmem>> -> memref<128xi32, #tpu.memory_space<vmem>>
      %dma_wait3A_611 = arith.constant 0 : i32
      %dma_wait3A_612 = arith.constant 0 : i32
      %dma_wait3A_613 = tpu.memref_slice %arg2[%dma_wait3A_611, %dma_wait3A_612] : memref<1015808x16xf32, #tpu.memory_space<hbm>> -> memref<1015808x16xf32, #tpu.memory_space<hbm>>
      tpu.wait_indirect_dma semaphore(%arg8 : memref<!tpu.dma_semaphore, #tpu.memory_space<semaphore_mem>>) src(%dma_wait3A_613 : memref<1015808x16xf32, #tpu.memory_space<hbm>>) dst(%dma_wait3A_607 : memref<128x16xf32, #tpu.memory_space<vmem>>)
      %dma_wait3A_614 = arith.constant 0 : i32
      %dma_wait3A_615 = arith.constant 5 : i32
      %dma_wait3A_616 = arith.constant 1 : i32
      %dma_wait3A_617 = arith.constant 5 : i32
      %dma_wait3A_618 = arith.constant 0 : i32
      %dma_wait3A_619 = arith.constant 0 : i32
      %dma_wait3A_620 = tpu.memref_slice %arg6[%dma_wait3A_616, %dma_wait3A_617, %dma_wait3A_618, %dma_wait3A_619] : memref<2x8x128x16xf32, #tpu.memory_space<vmem>> -> memref<1x1x128x16xf32, #tpu.memory_space<vmem>>
      %dma_wait3A_621 = tpu.memref_squeeze %dma_wait3A_620 : memref<1x1x128x16xf32, #tpu.memory_space<vmem>> -> memref<128x16xf32, #tpu.memory_space<vmem>>
      %dma_wait3A_622 = arith.constant 0 : i32
      %dma_wait3A_623 = tpu.memref_slice %arg5[%dma_wait3A_614, %dma_wait3A_615, %dma_wait3A_622] : memref<25x8x128xi32, #tpu.memory_space<vmem>> -> memref<1x1x128xi32, #tpu.memory_space<vmem>>
      %dma_wait3A_624 = tpu.memref_squeeze %dma_wait3A_623 : memref<1x1x128xi32, #tpu.memory_space<vmem>> -> memref<128xi32, #tpu.memory_space<vmem>>
      %dma_wait3A_625 = arith.constant 0 : i32
      %dma_wait3A_626 = arith.constant 0 : i32
      %dma_wait3A_627 = tpu.memref_slice %arg2[%dma_wait3A_625, %dma_wait3A_626] : memref<1015808x16xf32, #tpu.memory_space<hbm>> -> memref<1015808x16xf32, #tpu.memory_space<hbm>>
      tpu.wait_indirect_dma semaphore(%arg8 : memref<!tpu.dma_semaphore, #tpu.memory_space<semaphore_mem>>) src(%dma_wait3A_627 : memref<1015808x16xf32, #tpu.memory_space<hbm>>) dst(%dma_wait3A_621 : memref<128x16xf32, #tpu.memory_space<vmem>>)
      %dma_wait3A_628 = arith.constant 0 : i32
      %dma_wait3A_629 = arith.constant 6 : i32
      %dma_wait3A_630 = arith.constant 1 : i32
      %dma_wait3A_631 = arith.constant 6 : i32
      %dma_wait3A_632 = arith.constant 0 : i32
      %dma_wait3A_633 = arith.constant 0 : i32
      %dma_wait3A_634 = tpu.memref_slice %arg6[%dma_wait3A_630, %dma_wait3A_631, %dma_wait3A_632, %dma_wait3A_633] : memref<2x8x128x16xf32, #tpu.memory_space<vmem>> -> memref<1x1x128x16xf32, #tpu.memory_space<vmem>>
      %dma_wait3A_635 = tpu.memref_squeeze %dma_wait3A_634 : memref<1x1x128x16xf32, #tpu.memory_space<vmem>> -> memref<128x16xf32, #tpu.memory_space<vmem>>
      %dma_wait3A_636 = arith.constant 0 : i32
      %dma_wait3A_637 = tpu.memref_slice %arg5[%dma_wait3A_628, %dma_wait3A_629, %dma_wait3A_636] : memref<25x8x128xi32, #tpu.memory_space<vmem>> -> memref<1x1x128xi32, #tpu.memory_space<vmem>>
      %dma_wait3A_638 = tpu.memref_squeeze %dma_wait3A_637 : memref<1x1x128xi32, #tpu.memory_space<vmem>> -> memref<128xi32, #tpu.memory_space<vmem>>
      %dma_wait3A_639 = arith.constant 0 : i32
      %dma_wait3A_640 = arith.constant 0 : i32
      %dma_wait3A_641 = tpu.memref_slice %arg2[%dma_wait3A_639, %dma_wait3A_640] : memref<1015808x16xf32, #tpu.memory_space<hbm>> -> memref<1015808x16xf32, #tpu.memory_space<hbm>>
      tpu.wait_indirect_dma semaphore(%arg8 : memref<!tpu.dma_semaphore, #tpu.memory_space<semaphore_mem>>) src(%dma_wait3A_641 : memref<1015808x16xf32, #tpu.memory_space<hbm>>) dst(%dma_wait3A_635 : memref<128x16xf32, #tpu.memory_space<vmem>>)
      %dma_wait3A_642 = arith.constant 0 : i32
      %dma_wait3A_643 = arith.constant 7 : i32
      %dma_wait3A_644 = arith.constant 1 : i32
      %dma_wait3A_645 = arith.constant 7 : i32
      %dma_wait3A_646 = arith.constant 0 : i32
      %dma_wait3A_647 = arith.constant 0 : i32
      %dma_wait3A_648 = tpu.memref_slice %arg6[%dma_wait3A_644, %dma_wait3A_645, %dma_wait3A_646, %dma_wait3A_647] : memref<2x8x128x16xf32, #tpu.memory_space<vmem>> -> memref<1x1x128x16xf32, #tpu.memory_space<vmem>>
      %dma_wait3A_649 = tpu.memref_squeeze %dma_wait3A_648 : memref<1x1x128x16xf32, #tpu.memory_space<vmem>> -> memref<128x16xf32, #tpu.memory_space<vmem>>
      %dma_wait3A_650 = arith.constant 0 : i32
      %dma_wait3A_651 = tpu.memref_slice %arg5[%dma_wait3A_642, %dma_wait3A_643, %dma_wait3A_650] : memref<25x8x128xi32, #tpu.memory_space<vmem>> -> memref<1x1x128xi32, #tpu.memory_space<vmem>>
      %dma_wait3A_652 = tpu.memref_squeeze %dma_wait3A_651 : memref<1x1x128xi32, #tpu.memory_space<vmem>> -> memref<128xi32, #tpu.memory_space<vmem>>
      %dma_wait3A_653 = arith.constant 0 : i32
      %dma_wait3A_654 = arith.constant 0 : i32
      %dma_wait3A_655 = tpu.memref_slice %arg2[%dma_wait3A_653, %dma_wait3A_654] : memref<1015808x16xf32, #tpu.memory_space<hbm>> -> memref<1015808x16xf32, #tpu.memory_space<hbm>>
      tpu.wait_indirect_dma semaphore(%arg8 : memref<!tpu.dma_semaphore, #tpu.memory_space<semaphore_mem>>) src(%dma_wait3A_655 : memref<1015808x16xf32, #tpu.memory_space<hbm>>) dst(%dma_wait3A_649 : memref<128x16xf32, #tpu.memory_space<vmem>>)
      %dma_start3A_656 = arith.constant 1 : i32
      %dma_start3A_657 = arith.constant 0 : i32
      %dma_start3A_658 = arith.constant 0 : i32
      %dma_start3A_659 = arith.constant 0 : i32
      %dma_start3A_660 = tpu.memref_slice %arg6[%dma_start3A_656, %dma_start3A_657, %dma_start3A_658, %dma_start3A_659] : memref<2x8x128x16xf32, #tpu.memory_space<vmem>> -> memref<1x8x128x16xf32, #tpu.memory_space<vmem>>
      %dma_start3A_661 = tpu.memref_squeeze %dma_start3A_660 : memref<1x8x128x16xf32, #tpu.memory_space<vmem>> -> memref<8x128x16xf32, #tpu.memory_space<vmem>>
      %dma_start3A_662 = arith.constant 0 : i32
      %dma_start3A_663 = arith.constant 0 : i32
      %dma_start3A_664 = tpu.memref_slice %arg4[%add3A_543, %mul3A_2, %dma_start3A_662, %dma_start3A_663] : memref<25x256x128x16xf32, #tpu.memory_space<hbm>> -> memref<1x8x128x16xf32, #tpu.memory_space<hbm>>
      %dma_start3A_665 = tpu.memref_squeeze %dma_start3A_664 : memref<1x8x128x16xf32, #tpu.memory_space<hbm>> -> memref<8x128x16xf32, #tpu.memory_space<hbm>>
      %dma_start3A_666 = arith.constant 0 : i32
      %dma_start3A_667 = arith.constant 0 : i32
      %dma_start3A_668 = tpu.memref_slice %arg4[%add3A_543, %mul3A_2, %dma_start3A_666, %dma_start3A_667] : memref<25x256x128x16xf32, #tpu.memory_space<hbm>> -> memref<1x8x128x16xf32, #tpu.memory_space<hbm>>
      %dma_start3A_669 = tpu.memref_squeeze %dma_start3A_668 : memref<1x8x128x16xf32, #tpu.memory_space<hbm>> -> memref<8x128x16xf32, #tpu.memory_space<hbm>>
      %dma_start3A_670 = arith.constant 0 : i32
      %dma_start3A_671 = arith.constant 0 : i32
      %dma_start3A_672 = arith.constant 0 : i32
      %dma_start3A_673 = tpu.memref_slice %arg6[%dma_start3A_656, %dma_start3A_670, %dma_start3A_671, %dma_start3A_672] : memref<2x8x128x16xf32, #tpu.memory_space<vmem>> -> memref<1x8x128x16xf32, #tpu.memory_space<vmem>>
      %dma_start3A_674 = tpu.memref_squeeze %dma_start3A_673 : memref<1x8x128x16xf32, #tpu.memory_space<vmem>> -> memref<8x128x16xf32, #tpu.memory_space<vmem>>
      tpu.enqueue_dma source(%dma_start3A_674 : memref<8x128x16xf32, #tpu.memory_space<vmem>>) target(%dma_start3A_669 : memref<8x128x16xf32, #tpu.memory_space<hbm>>) target_semaphore(%arg10 : memref<!tpu.dma_semaphore, #tpu.memory_space<semaphore_mem>>)
      %le3A_675 = arith.constant 22 : i32
      %le3A_676 = arith.cmpi sle, %add3A_543, %le3A_675 : i32
      %convert_element_type3A_677 = arith.extui %le3A_676 : i1 to i32
      %cond3A_678 = arith.constant 0 : i32
      %cond3A_679 = arith.cmpi ne, %convert_element_type3A_677, %cond3A_678 : i32
      scf.if %cond3A_679 {
        %dma_wait3A_680 = arith.constant 1 : i32
        %dma_wait3A_681 = arith.constant 0 : i32
        %dma_wait3A_682 = arith.constant 0 : i32
        %dma_wait3A_683 = arith.constant 0 : i32
        %dma_wait3A_684 = arith.constant 0 : i32
        %dma_wait3A_685 = tpu.memref_slice %arg6[%dma_wait3A_680, %dma_wait3A_682, %dma_wait3A_683, %dma_wait3A_684] : memref<2x8x128x16xf32, #tpu.memory_space<vmem>> -> memref<1x8x128x16xf32, #tpu.memory_space<vmem>>
        %dma_wait3A_686 = tpu.memref_squeeze %dma_wait3A_685 : memref<1x8x128x16xf32, #tpu.memory_space<vmem>> -> memref<8x128x16xf32, #tpu.memory_space<vmem>>
        %dma_wait3A_687 = arith.constant 0 : i32
        %dma_wait3A_688 = arith.constant 0 : i32
        %dma_wait3A_689 = tpu.memref_slice %arg4[%dma_wait3A_681, %mul3A_2, %dma_wait3A_687, %dma_wait3A_688] : memref<25x256x128x16xf32, #tpu.memory_space<hbm>> -> memref<1x8x128x16xf32, #tpu.memory_space<hbm>>
        %dma_wait3A_690 = tpu.memref_squeeze %dma_wait3A_689 : memref<1x8x128x16xf32, #tpu.memory_space<hbm>> -> memref<8x128x16xf32, #tpu.memory_space<hbm>>
        %dma_wait3A_691 = arith.constant 0 : i32
        %dma_wait3A_692 = arith.constant 0 : i32
        %dma_wait3A_693 = tpu.memref_slice %arg4[%dma_wait3A_681, %mul3A_2, %dma_wait3A_691, %dma_wait3A_692] : memref<25x256x128x16xf32, #tpu.memory_space<hbm>> -> memref<1x8x128x16xf32, #tpu.memory_space<hbm>>
        %dma_wait3A_694 = tpu.memref_squeeze %dma_wait3A_693 : memref<1x8x128x16xf32, #tpu.memory_space<hbm>> -> memref<8x128x16xf32, #tpu.memory_space<hbm>>
        %dma_wait3A_695 = arith.constant 0 : i32
        %dma_wait3A_696 = arith.constant 0 : i32
        %dma_wait3A_697 = arith.constant 0 : i32
        %dma_wait3A_698 = tpu.memref_slice %arg6[%dma_wait3A_680, %dma_wait3A_695, %dma_wait3A_696, %dma_wait3A_697] : memref<2x8x128x16xf32, #tpu.memory_space<vmem>> -> memref<1x8x128x16xf32, #tpu.memory_space<vmem>>
        %dma_wait3A_699 = tpu.memref_squeeze %dma_wait3A_698 : memref<1x8x128x16xf32, #tpu.memory_space<vmem>> -> memref<8x128x16xf32, #tpu.memory_space<vmem>>
        tpu.wait_dma2 semaphore(%arg10 : memref<!tpu.dma_semaphore, #tpu.memory_space<semaphore_mem>>) src(%dma_wait3A_699 : memref<8x128x16xf32, #tpu.memory_space<vmem>>) dst(%dma_wait3A_694 : memref<8x128x16xf32, #tpu.memory_space<hbm>>)
        %add3A_700 = arith.constant 2 : i32
        %add3A_701 = arith.addi %add3A_543, %add3A_700 : i32
        %dma_start3A_702 = arith.constant 0 : i32
        %dma_start3A_703 = arith.constant 1 : i32
        %dma_start3A_704 = arith.constant 0 : i32
        %dma_start3A_705 = arith.constant 0 : i32
        %dma_start3A_706 = arith.constant 0 : i32
        %dma_start3A_707 = tpu.memref_slice %arg6[%dma_start3A_703, %dma_start3A_704, %dma_start3A_705, %dma_start3A_706] : memref<2x8x128x16xf32, #tpu.memory_space<vmem>> -> memref<1x1x128x16xf32, #tpu.memory_space<vmem>>
        %dma_start3A_708 = tpu.memref_squeeze %dma_start3A_707 : memref<1x1x128x16xf32, #tpu.memory_space<vmem>> -> memref<128x16xf32, #tpu.memory_space<vmem>>
        %dma_start3A_709 = arith.constant 0 : i32
        %dma_start3A_710 = tpu.memref_slice %arg5[%add3A_701, %dma_start3A_702, %dma_start3A_709] : memref<25x8x128xi32, #tpu.memory_space<vmem>> -> memref<1x1x128xi32, #tpu.memory_space<vmem>>
        %dma_start3A_711 = tpu.memref_squeeze %dma_start3A_710 : memref<1x1x128xi32, #tpu.memory_space<vmem>> -> memref<128xi32, #tpu.memory_space<vmem>>
        %dma_start3A_712 = arith.constant 0 : i32
        %dma_start3A_713 = arith.constant 0 : i32
        %dma_start3A_714 = tpu.memref_slice %arg2[%dma_start3A_712, %dma_start3A_713] : memref<1015808x16xf32, #tpu.memory_space<hbm>> -> memref<1015808x16xf32, #tpu.memory_space<hbm>>
        tpu.enqueue_indirect_dma source(%dma_start3A_714 : memref<1015808x16xf32, #tpu.memory_space<hbm>>) target(%dma_start3A_708 : memref<128x16xf32, #tpu.memory_space<vmem>>) offsets(%dma_start3A_711 : memref<128xi32, #tpu.memory_space<vmem>>) semaphore(%arg8 : memref<!tpu.dma_semaphore, #tpu.memory_space<semaphore_mem>>)
        %dma_start3A_715 = arith.constant 1 : i32
        %dma_start3A_716 = arith.constant 1 : i32
        %dma_start3A_717 = arith.constant 1 : i32
        %dma_start3A_718 = arith.constant 0 : i32
        %dma_start3A_719 = arith.constant 0 : i32
        %dma_start3A_720 = tpu.memref_slice %arg6[%dma_start3A_716, %dma_start3A_717, %dma_start3A_718, %dma_start3A_719] : memref<2x8x128x16xf32, #tpu.memory_space<vmem>> -> memref<1x1x128x16xf32, #tpu.memory_space<vmem>>
        %dma_start3A_721 = tpu.memref_squeeze %dma_start3A_720 : memref<1x1x128x16xf32, #tpu.memory_space<vmem>> -> memref<128x16xf32, #tpu.memory_space<vmem>>
        %dma_start3A_722 = arith.constant 0 : i32
        %dma_start3A_723 = tpu.memref_slice %arg5[%add3A_701, %dma_start3A_715, %dma_start3A_722] : memref<25x8x128xi32, #tpu.memory_space<vmem>> -> memref<1x1x128xi32, #tpu.memory_space<vmem>>
        %dma_start3A_724 = tpu.memref_squeeze %dma_start3A_723 : memref<1x1x128xi32, #tpu.memory_space<vmem>> -> memref<128xi32, #tpu.memory_space<vmem>>
        %dma_start3A_725 = arith.constant 0 : i32
        %dma_start3A_726 = arith.constant 0 : i32
        %dma_start3A_727 = tpu.memref_slice %arg2[%dma_start3A_725, %dma_start3A_726] : memref<1015808x16xf32, #tpu.memory_space<hbm>> -> memref<1015808x16xf32, #tpu.memory_space<hbm>>
        tpu.enqueue_indirect_dma source(%dma_start3A_727 : memref<1015808x16xf32, #tpu.memory_space<hbm>>) target(%dma_start3A_721 : memref<128x16xf32, #tpu.memory_space<vmem>>) offsets(%dma_start3A_724 : memref<128xi32, #tpu.memory_space<vmem>>) semaphore(%arg8 : memref<!tpu.dma_semaphore, #tpu.memory_space<semaphore_mem>>)
        %dma_start3A_728 = arith.constant 2 : i32
        %dma_start3A_729 = arith.constant 1 : i32
        %dma_start3A_730 = arith.constant 2 : i32
        %dma_start3A_731 = arith.constant 0 : i32
        %dma_start3A_732 = arith.constant 0 : i32
        %dma_start3A_733 = tpu.memref_slice %arg6[%dma_start3A_729, %dma_start3A_730, %dma_start3A_731, %dma_start3A_732] : memref<2x8x128x16xf32, #tpu.memory_space<vmem>> -> memref<1x1x128x16xf32, #tpu.memory_space<vmem>>
        %dma_start3A_734 = tpu.memref_squeeze %dma_start3A_733 : memref<1x1x128x16xf32, #tpu.memory_space<vmem>> -> memref<128x16xf32, #tpu.memory_space<vmem>>
        %dma_start3A_735 = arith.constant 0 : i32
        %dma_start3A_736 = tpu.memref_slice %arg5[%add3A_701, %dma_start3A_728, %dma_start3A_735] : memref<25x8x128xi32, #tpu.memory_space<vmem>> -> memref<1x1x128xi32, #tpu.memory_space<vmem>>
        %dma_start3A_737 = tpu.memref_squeeze %dma_start3A_736 : memref<1x1x128xi32, #tpu.memory_space<vmem>> -> memref<128xi32, #tpu.memory_space<vmem>>
        %dma_start3A_738 = arith.constant 0 : i32
        %dma_start3A_739 = arith.constant 0 : i32
        %dma_start3A_740 = tpu.memref_slice %arg2[%dma_start3A_738, %dma_start3A_739] : memref<1015808x16xf32, #tpu.memory_space<hbm>> -> memref<1015808x16xf32, #tpu.memory_space<hbm>>
        tpu.enqueue_indirect_dma source(%dma_start3A_740 : memref<1015808x16xf32, #tpu.memory_space<hbm>>) target(%dma_start3A_734 : memref<128x16xf32, #tpu.memory_space<vmem>>) offsets(%dma_start3A_737 : memref<128xi32, #tpu.memory_space<vmem>>) semaphore(%arg8 : memref<!tpu.dma_semaphore, #tpu.memory_space<semaphore_mem>>)
        %dma_start3A_741 = arith.constant 3 : i32
        %dma_start3A_742 = arith.constant 1 : i32
        %dma_start3A_743 = arith.constant 3 : i32
        %dma_start3A_744 = arith.constant 0 : i32
        %dma_start3A_745 = arith.constant 0 : i32
        %dma_start3A_746 = tpu.memref_slice %arg6[%dma_start3A_742, %dma_start3A_743, %dma_start3A_744, %dma_start3A_745] : memref<2x8x128x16xf32, #tpu.memory_space<vmem>> -> memref<1x1x128x16xf32, #tpu.memory_space<vmem>>
        %dma_start3A_747 = tpu.memref_squeeze %dma_start3A_746 : memref<1x1x128x16xf32, #tpu.memory_space<vmem>> -> memref<128x16xf32, #tpu.memory_space<vmem>>
        %dma_start3A_748 = arith.constant 0 : i32
        %dma_start3A_749 = tpu.memref_slice %arg5[%add3A_701, %dma_start3A_741, %dma_start3A_748] : memref<25x8x128xi32, #tpu.memory_space<vmem>> -> memref<1x1x128xi32, #tpu.memory_space<vmem>>
        %dma_start3A_750 = tpu.memref_squeeze %dma_start3A_749 : memref<1x1x128xi32, #tpu.memory_space<vmem>> -> memref<128xi32, #tpu.memory_space<vmem>>
        %dma_start3A_751 = arith.constant 0 : i32
        %dma_start3A_752 = arith.constant 0 : i32
        %dma_start3A_753 = tpu.memref_slice %arg2[%dma_start3A_751, %dma_start3A_752] : memref<1015808x16xf32, #tpu.memory_space<hbm>> -> memref<1015808x16xf32, #tpu.memory_space<hbm>>
        tpu.enqueue_indirect_dma source(%dma_start3A_753 : memref<1015808x16xf32, #tpu.memory_space<hbm>>) target(%dma_start3A_747 : memref<128x16xf32, #tpu.memory_space<vmem>>) offsets(%dma_start3A_750 : memref<128xi32, #tpu.memory_space<vmem>>) semaphore(%arg8 : memref<!tpu.dma_semaphore, #tpu.memory_space<semaphore_mem>>)
        %dma_start3A_754 = arith.constant 4 : i32
        %dma_start3A_755 = arith.constant 1 : i32
        %dma_start3A_756 = arith.constant 4 : i32
        %dma_start3A_757 = arith.constant 0 : i32
        %dma_start3A_758 = arith.constant 0 : i32
        %dma_start3A_759 = tpu.memref_slice %arg6[%dma_start3A_755, %dma_start3A_756, %dma_start3A_757, %dma_start3A_758] : memref<2x8x128x16xf32, #tpu.memory_space<vmem>> -> memref<1x1x128x16xf32, #tpu.memory_space<vmem>>
        %dma_start3A_760 = tpu.memref_squeeze %dma_start3A_759 : memref<1x1x128x16xf32, #tpu.memory_space<vmem>> -> memref<128x16xf32, #tpu.memory_space<vmem>>
        %dma_start3A_761 = arith.constant 0 : i32
        %dma_start3A_762 = tpu.memref_slice %arg5[%add3A_701, %dma_start3A_754, %dma_start3A_761] : memref<25x8x128xi32, #tpu.memory_space<vmem>> -> memref<1x1x128xi32, #tpu.memory_space<vmem>>
        %dma_start3A_763 = tpu.memref_squeeze %dma_start3A_762 : memref<1x1x128xi32, #tpu.memory_space<vmem>> -> memref<128xi32, #tpu.memory_space<vmem>>
        %dma_start3A_764 = arith.constant 0 : i32
        %dma_start3A_765 = arith.constant 0 : i32
        %dma_start3A_766 = tpu.memref_slice %arg2[%dma_start3A_764, %dma_start3A_765] : memref<1015808x16xf32, #tpu.memory_space<hbm>> -> memref<1015808x16xf32, #tpu.memory_space<hbm>>
        tpu.enqueue_indirect_dma source(%dma_start3A_766 : memref<1015808x16xf32, #tpu.memory_space<hbm>>) target(%dma_start3A_760 : memref<128x16xf32, #tpu.memory_space<vmem>>) offsets(%dma_start3A_763 : memref<128xi32, #tpu.memory_space<vmem>>) semaphore(%arg8 : memref<!tpu.dma_semaphore, #tpu.memory_space<semaphore_mem>>)
        %dma_start3A_767 = arith.constant 5 : i32
        %dma_start3A_768 = arith.constant 1 : i32
        %dma_start3A_769 = arith.constant 5 : i32
        %dma_start3A_770 = arith.constant 0 : i32
        %dma_start3A_771 = arith.constant 0 : i32
        %dma_start3A_772 = tpu.memref_slice %arg6[%dma_start3A_768, %dma_start3A_769, %dma_start3A_770, %dma_start3A_771] : memref<2x8x128x16xf32, #tpu.memory_space<vmem>> -> memref<1x1x128x16xf32, #tpu.memory_space<vmem>>
        %dma_start3A_773 = tpu.memref_squeeze %dma_start3A_772 : memref<1x1x128x16xf32, #tpu.memory_space<vmem>> -> memref<128x16xf32, #tpu.memory_space<vmem>>
        %dma_start3A_774 = arith.constant 0 : i32
        %dma_start3A_775 = tpu.memref_slice %arg5[%add3A_701, %dma_start3A_767, %dma_start3A_774] : memref<25x8x128xi32, #tpu.memory_space<vmem>> -> memref<1x1x128xi32, #tpu.memory_space<vmem>>
        %dma_start3A_776 = tpu.memref_squeeze %dma_start3A_775 : memref<1x1x128xi32, #tpu.memory_space<vmem>> -> memref<128xi32, #tpu.memory_space<vmem>>
        %dma_start3A_777 = arith.constant 0 : i32
        %dma_start3A_778 = arith.constant 0 : i32
        %dma_start3A_779 = tpu.memref_slice %arg2[%dma_start3A_777, %dma_start3A_778] : memref<1015808x16xf32, #tpu.memory_space<hbm>> -> memref<1015808x16xf32, #tpu.memory_space<hbm>>
        tpu.enqueue_indirect_dma source(%dma_start3A_779 : memref<1015808x16xf32, #tpu.memory_space<hbm>>) target(%dma_start3A_773 : memref<128x16xf32, #tpu.memory_space<vmem>>) offsets(%dma_start3A_776 : memref<128xi32, #tpu.memory_space<vmem>>) semaphore(%arg8 : memref<!tpu.dma_semaphore, #tpu.memory_space<semaphore_mem>>)
        %dma_start3A_780 = arith.constant 6 : i32
        %dma_start3A_781 = arith.constant 1 : i32
        %dma_start3A_782 = arith.constant 6 : i32
        %dma_start3A_783 = arith.constant 0 : i32
        %dma_start3A_784 = arith.constant 0 : i32
        %dma_start3A_785 = tpu.memref_slice %arg6[%dma_start3A_781, %dma_start3A_782, %dma_start3A_783, %dma_start3A_784] : memref<2x8x128x16xf32, #tpu.memory_space<vmem>> -> memref<1x1x128x16xf32, #tpu.memory_space<vmem>>
        %dma_start3A_786 = tpu.memref_squeeze %dma_start3A_785 : memref<1x1x128x16xf32, #tpu.memory_space<vmem>> -> memref<128x16xf32, #tpu.memory_space<vmem>>
        %dma_start3A_787 = arith.constant 0 : i32
        %dma_start3A_788 = tpu.memref_slice %arg5[%add3A_701, %dma_start3A_780, %dma_start3A_787] : memref<25x8x128xi32, #tpu.memory_space<vmem>> -> memref<1x1x128xi32, #tpu.memory_space<vmem>>
        %dma_start3A_789 = tpu.memref_squeeze %dma_start3A_788 : memref<1x1x128xi32, #tpu.memory_space<vmem>> -> memref<128xi32, #tpu.memory_space<vmem>>
        %dma_start3A_790 = arith.constant 0 : i32
        %dma_start3A_791 = arith.constant 0 : i32
        %dma_start3A_792 = tpu.memref_slice %arg2[%dma_start3A_790, %dma_start3A_791] : memref<1015808x16xf32, #tpu.memory_space<hbm>> -> memref<1015808x16xf32, #tpu.memory_space<hbm>>
        tpu.enqueue_indirect_dma source(%dma_start3A_792 : memref<1015808x16xf32, #tpu.memory_space<hbm>>) target(%dma_start3A_786 : memref<128x16xf32, #tpu.memory_space<vmem>>) offsets(%dma_start3A_789 : memref<128xi32, #tpu.memory_space<vmem>>) semaphore(%arg8 : memref<!tpu.dma_semaphore, #tpu.memory_space<semaphore_mem>>)
        %dma_start3A_793 = arith.constant 7 : i32
        %dma_start3A_794 = arith.constant 1 : i32
        %dma_start3A_795 = arith.constant 7 : i32
        %dma_start3A_796 = arith.constant 0 : i32
        %dma_start3A_797 = arith.constant 0 : i32
        %dma_start3A_798 = tpu.memref_slice %arg6[%dma_start3A_794, %dma_start3A_795, %dma_start3A_796, %dma_start3A_797] : memref<2x8x128x16xf32, #tpu.memory_space<vmem>> -> memref<1x1x128x16xf32, #tpu.memory_space<vmem>>
        %dma_start3A_799 = tpu.memref_squeeze %dma_start3A_798 : memref<1x1x128x16xf32, #tpu.memory_space<vmem>> -> memref<128x16xf32, #tpu.memory_space<vmem>>
        %dma_start3A_800 = arith.constant 0 : i32
        %dma_start3A_801 = tpu.memref_slice %arg5[%add3A_701, %dma_start3A_793, %dma_start3A_800] : memref<25x8x128xi32, #tpu.memory_space<vmem>> -> memref<1x1x128xi32, #tpu.memory_space<vmem>>
        %dma_start3A_802 = tpu.memref_squeeze %dma_start3A_801 : memref<1x1x128xi32, #tpu.memory_space<vmem>> -> memref<128xi32, #tpu.memory_space<vmem>>
        %dma_start3A_803 = arith.constant 0 : i32
        %dma_start3A_804 = arith.constant 0 : i32
        %dma_start3A_805 = tpu.memref_slice %arg2[%dma_start3A_803, %dma_start3A_804] : memref<1015808x16xf32, #tpu.memory_space<hbm>> -> memref<1015808x16xf32, #tpu.memory_space<hbm>>
        tpu.enqueue_indirect_dma source(%dma_start3A_805 : memref<1015808x16xf32, #tpu.memory_space<hbm>>) target(%dma_start3A_799 : memref<128x16xf32, #tpu.memory_space<vmem>>) offsets(%dma_start3A_802 : memref<128xi32, #tpu.memory_space<vmem>>) semaphore(%arg8 : memref<!tpu.dma_semaphore, #tpu.memory_space<semaphore_mem>>)
      } else {
      }
    }
    %scan3A_230 = arith.constant 12 : i32
    %dma_wait3A = arith.constant 0 : i32
    %dma_wait3A_231 = arith.constant 0 : i32
    %dma_wait3A_232 = arith.constant 0 : i32
    %dma_wait3A_233 = arith.constant 0 : i32
    %dma_wait3A_234 = arith.constant 0 : i32
    %dma_wait3A_235 = arith.constant 0 : i32
    %dma_wait3A_236 = tpu.memref_slice %arg6[%dma_wait3A_232, %dma_wait3A_233, %dma_wait3A_234, %dma_wait3A_235] : memref<2x8x128x16xf32, #tpu.memory_space<vmem>> -> memref<1x1x128x16xf32, #tpu.memory_space<vmem>>
    %dma_wait3A_237 = tpu.memref_squeeze %dma_wait3A_236 : memref<1x1x128x16xf32, #tpu.memory_space<vmem>> -> memref<128x16xf32, #tpu.memory_space<vmem>>
    %dma_wait3A_238 = arith.constant 0 : i32
    %dma_wait3A_239 = tpu.memref_slice %arg5[%dma_wait3A, %dma_wait3A_231, %dma_wait3A_238] : memref<25x8x128xi32, #tpu.memory_space<vmem>> -> memref<1x1x128xi32, #tpu.memory_space<vmem>>
    %dma_wait3A_240 = tpu.memref_squeeze %dma_wait3A_239 : memref<1x1x128xi32, #tpu.memory_space<vmem>> -> memref<128xi32, #tpu.memory_space<vmem>>
    %dma_wait3A_241 = arith.constant 0 : i32
    %dma_wait3A_242 = arith.constant 0 : i32
    %dma_wait3A_243 = tpu.memref_slice %arg2[%dma_wait3A_241, %dma_wait3A_242] : memref<1015808x16xf32, #tpu.memory_space<hbm>> -> memref<1015808x16xf32, #tpu.memory_space<hbm>>
    tpu.wait_indirect_dma semaphore(%arg7 : memref<!tpu.dma_semaphore, #tpu.memory_space<semaphore_mem>>) src(%dma_wait3A_243 : memref<1015808x16xf32, #tpu.memory_space<hbm>>) dst(%dma_wait3A_237 : memref<128x16xf32, #tpu.memory_space<vmem>>)
    %dma_wait3A_244 = arith.constant 0 : i32
    %dma_wait3A_245 = arith.constant 1 : i32
    %dma_wait3A_246 = arith.constant 0 : i32
    %dma_wait3A_247 = arith.constant 1 : i32
    %dma_wait3A_248 = arith.constant 0 : i32
    %dma_wait3A_249 = arith.constant 0 : i32
    %dma_wait3A_250 = tpu.memref_slice %arg6[%dma_wait3A_246, %dma_wait3A_247, %dma_wait3A_248, %dma_wait3A_249] : memref<2x8x128x16xf32, #tpu.memory_space<vmem>> -> memref<1x1x128x16xf32, #tpu.memory_space<vmem>>
    %dma_wait3A_251 = tpu.memref_squeeze %dma_wait3A_250 : memref<1x1x128x16xf32, #tpu.memory_space<vmem>> -> memref<128x16xf32, #tpu.memory_space<vmem>>
    %dma_wait3A_252 = arith.constant 0 : i32
    %dma_wait3A_253 = tpu.memref_slice %arg5[%dma_wait3A_244, %dma_wait3A_245, %dma_wait3A_252] : memref<25x8x128xi32, #tpu.memory_space<vmem>> -> memref<1x1x128xi32, #tpu.memory_space<vmem>>
    %dma_wait3A_254 = tpu.memref_squeeze %dma_wait3A_253 : memref<1x1x128xi32, #tpu.memory_space<vmem>> -> memref<128xi32, #tpu.memory_space<vmem>>
    %dma_wait3A_255 = arith.constant 0 : i32
    %dma_wait3A_256 = arith.constant 0 : i32
    %dma_wait3A_257 = tpu.memref_slice %arg2[%dma_wait3A_255, %dma_wait3A_256] : memref<1015808x16xf32, #tpu.memory_space<hbm>> -> memref<1015808x16xf32, #tpu.memory_space<hbm>>
    tpu.wait_indirect_dma semaphore(%arg7 : memref<!tpu.dma_semaphore, #tpu.memory_space<semaphore_mem>>) src(%dma_wait3A_257 : memref<1015808x16xf32, #tpu.memory_space<hbm>>) dst(%dma_wait3A_251 : memref<128x16xf32, #tpu.memory_space<vmem>>)
    %dma_wait3A_258 = arith.constant 0 : i32
    %dma_wait3A_259 = arith.constant 2 : i32
    %dma_wait3A_260 = arith.constant 0 : i32
    %dma_wait3A_261 = arith.constant 2 : i32
    %dma_wait3A_262 = arith.constant 0 : i32
    %dma_wait3A_263 = arith.constant 0 : i32
    %dma_wait3A_264 = tpu.memref_slice %arg6[%dma_wait3A_260, %dma_wait3A_261, %dma_wait3A_262, %dma_wait3A_263] : memref<2x8x128x16xf32, #tpu.memory_space<vmem>> -> memref<1x1x128x16xf32, #tpu.memory_space<vmem>>
    %dma_wait3A_265 = tpu.memref_squeeze %dma_wait3A_264 : memref<1x1x128x16xf32, #tpu.memory_space<vmem>> -> memref<128x16xf32, #tpu.memory_space<vmem>>
    %dma_wait3A_266 = arith.constant 0 : i32
    %dma_wait3A_267 = tpu.memref_slice %arg5[%dma_wait3A_258, %dma_wait3A_259, %dma_wait3A_266] : memref<25x8x128xi32, #tpu.memory_space<vmem>> -> memref<1x1x128xi32, #tpu.memory_space<vmem>>
    %dma_wait3A_268 = tpu.memref_squeeze %dma_wait3A_267 : memref<1x1x128xi32, #tpu.memory_space<vmem>> -> memref<128xi32, #tpu.memory_space<vmem>>
    %dma_wait3A_269 = arith.constant 0 : i32
    %dma_wait3A_270 = arith.constant 0 : i32
    %dma_wait3A_271 = tpu.memref_slice %arg2[%dma_wait3A_269, %dma_wait3A_270] : memref<1015808x16xf32, #tpu.memory_space<hbm>> -> memref<1015808x16xf32, #tpu.memory_space<hbm>>
    tpu.wait_indirect_dma semaphore(%arg7 : memref<!tpu.dma_semaphore, #tpu.memory_space<semaphore_mem>>) src(%dma_wait3A_271 : memref<1015808x16xf32, #tpu.memory_space<hbm>>) dst(%dma_wait3A_265 : memref<128x16xf32, #tpu.memory_space<vmem>>)
    %dma_wait3A_272 = arith.constant 0 : i32
    %dma_wait3A_273 = arith.constant 3 : i32
    %dma_wait3A_274 = arith.constant 0 : i32
    %dma_wait3A_275 = arith.constant 3 : i32
    %dma_wait3A_276 = arith.constant 0 : i32
    %dma_wait3A_277 = arith.constant 0 : i32
    %dma_wait3A_278 = tpu.memref_slice %arg6[%dma_wait3A_274, %dma_wait3A_275, %dma_wait3A_276, %dma_wait3A_277] : memref<2x8x128x16xf32, #tpu.memory_space<vmem>> -> memref<1x1x128x16xf32, #tpu.memory_space<vmem>>
    %dma_wait3A_279 = tpu.memref_squeeze %dma_wait3A_278 : memref<1x1x128x16xf32, #tpu.memory_space<vmem>> -> memref<128x16xf32, #tpu.memory_space<vmem>>
    %dma_wait3A_280 = arith.constant 0 : i32
    %dma_wait3A_281 = tpu.memref_slice %arg5[%dma_wait3A_272, %dma_wait3A_273, %dma_wait3A_280] : memref<25x8x128xi32, #tpu.memory_space<vmem>> -> memref<1x1x128xi32, #tpu.memory_space<vmem>>
    %dma_wait3A_282 = tpu.memref_squeeze %dma_wait3A_281 : memref<1x1x128xi32, #tpu.memory_space<vmem>> -> memref<128xi32, #tpu.memory_space<vmem>>
    %dma_wait3A_283 = arith.constant 0 : i32
    %dma_wait3A_284 = arith.constant 0 : i32
    %dma_wait3A_285 = tpu.memref_slice %arg2[%dma_wait3A_283, %dma_wait3A_284] : memref<1015808x16xf32, #tpu.memory_space<hbm>> -> memref<1015808x16xf32, #tpu.memory_space<hbm>>
    tpu.wait_indirect_dma semaphore(%arg7 : memref<!tpu.dma_semaphore, #tpu.memory_space<semaphore_mem>>) src(%dma_wait3A_285 : memref<1015808x16xf32, #tpu.memory_space<hbm>>) dst(%dma_wait3A_279 : memref<128x16xf32, #tpu.memory_space<vmem>>)
    %dma_wait3A_286 = arith.constant 0 : i32
    %dma_wait3A_287 = arith.constant 4 : i32
    %dma_wait3A_288 = arith.constant 0 : i32
    %dma_wait3A_289 = arith.constant 4 : i32
    %dma_wait3A_290 = arith.constant 0 : i32
    %dma_wait3A_291 = arith.constant 0 : i32
    %dma_wait3A_292 = tpu.memref_slice %arg6[%dma_wait3A_288, %dma_wait3A_289, %dma_wait3A_290, %dma_wait3A_291] : memref<2x8x128x16xf32, #tpu.memory_space<vmem>> -> memref<1x1x128x16xf32, #tpu.memory_space<vmem>>
    %dma_wait3A_293 = tpu.memref_squeeze %dma_wait3A_292 : memref<1x1x128x16xf32, #tpu.memory_space<vmem>> -> memref<128x16xf32, #tpu.memory_space<vmem>>
    %dma_wait3A_294 = arith.constant 0 : i32
    %dma_wait3A_295 = tpu.memref_slice %arg5[%dma_wait3A_286, %dma_wait3A_287, %dma_wait3A_294] : memref<25x8x128xi32, #tpu.memory_space<vmem>> -> memref<1x1x128xi32, #tpu.memory_space<vmem>>
    %dma_wait3A_296 = tpu.memref_squeeze %dma_wait3A_295 : memref<1x1x128xi32, #tpu.memory_space<vmem>> -> memref<128xi32, #tpu.memory_space<vmem>>
    %dma_wait3A_297 = arith.constant 0 : i32
    %dma_wait3A_298 = arith.constant 0 : i32
    %dma_wait3A_299 = tpu.memref_slice %arg2[%dma_wait3A_297, %dma_wait3A_298] : memref<1015808x16xf32, #tpu.memory_space<hbm>> -> memref<1015808x16xf32, #tpu.memory_space<hbm>>
    tpu.wait_indirect_dma semaphore(%arg7 : memref<!tpu.dma_semaphore, #tpu.memory_space<semaphore_mem>>) src(%dma_wait3A_299 : memref<1015808x16xf32, #tpu.memory_space<hbm>>) dst(%dma_wait3A_293 : memref<128x16xf32, #tpu.memory_space<vmem>>)
    %dma_wait3A_300 = arith.constant 0 : i32
    %dma_wait3A_301 = arith.constant 5 : i32
    %dma_wait3A_302 = arith.constant 0 : i32
    %dma_wait3A_303 = arith.constant 5 : i32
    %dma_wait3A_304 = arith.constant 0 : i32
    %dma_wait3A_305 = arith.constant 0 : i32
    %dma_wait3A_306 = tpu.memref_slice %arg6[%dma_wait3A_302, %dma_wait3A_303, %dma_wait3A_304, %dma_wait3A_305] : memref<2x8x128x16xf32, #tpu.memory_space<vmem>> -> memref<1x1x128x16xf32, #tpu.memory_space<vmem>>
    %dma_wait3A_307 = tpu.memref_squeeze %dma_wait3A_306 : memref<1x1x128x16xf32, #tpu.memory_space<vmem>> -> memref<128x16xf32, #tpu.memory_space<vmem>>
    %dma_wait3A_308 = arith.constant 0 : i32
    %dma_wait3A_309 = tpu.memref_slice %arg5[%dma_wait3A_300, %dma_wait3A_301, %dma_wait3A_308] : memref<25x8x128xi32, #tpu.memory_space<vmem>> -> memref<1x1x128xi32, #tpu.memory_space<vmem>>
    %dma_wait3A_310 = tpu.memref_squeeze %dma_wait3A_309 : memref<1x1x128xi32, #tpu.memory_space<vmem>> -> memref<128xi32, #tpu.memory_space<vmem>>
    %dma_wait3A_311 = arith.constant 0 : i32
    %dma_wait3A_312 = arith.constant 0 : i32
    %dma_wait3A_313 = tpu.memref_slice %arg2[%dma_wait3A_311, %dma_wait3A_312] : memref<1015808x16xf32, #tpu.memory_space<hbm>> -> memref<1015808x16xf32, #tpu.memory_space<hbm>>
    tpu.wait_indirect_dma semaphore(%arg7 : memref<!tpu.dma_semaphore, #tpu.memory_space<semaphore_mem>>) src(%dma_wait3A_313 : memref<1015808x16xf32, #tpu.memory_space<hbm>>) dst(%dma_wait3A_307 : memref<128x16xf32, #tpu.memory_space<vmem>>)
    %dma_wait3A_314 = arith.constant 0 : i32
    %dma_wait3A_315 = arith.constant 6 : i32
    %dma_wait3A_316 = arith.constant 0 : i32
    %dma_wait3A_317 = arith.constant 6 : i32
    %dma_wait3A_318 = arith.constant 0 : i32
    %dma_wait3A_319 = arith.constant 0 : i32
    %dma_wait3A_320 = tpu.memref_slice %arg6[%dma_wait3A_316, %dma_wait3A_317, %dma_wait3A_318, %dma_wait3A_319] : memref<2x8x128x16xf32, #tpu.memory_space<vmem>> -> memref<1x1x128x16xf32, #tpu.memory_space<vmem>>
    %dma_wait3A_321 = tpu.memref_squeeze %dma_wait3A_320 : memref<1x1x128x16xf32, #tpu.memory_space<vmem>> -> memref<128x16xf32, #tpu.memory_space<vmem>>
    %dma_wait3A_322 = arith.constant 0 : i32
    %dma_wait3A_323 = tpu.memref_slice %arg5[%dma_wait3A_314, %dma_wait3A_315, %dma_wait3A_322] : memref<25x8x128xi32, #tpu.memory_space<vmem>> -> memref<1x1x128xi32, #tpu.memory_space<vmem>>
    %dma_wait3A_324 = tpu.memref_squeeze %dma_wait3A_323 : memref<1x1x128xi32, #tpu.memory_space<vmem>> -> memref<128xi32, #tpu.memory_space<vmem>>
    %dma_wait3A_325 = arith.constant 0 : i32
    %dma_wait3A_326 = arith.constant 0 : i32
    %dma_wait3A_327 = tpu.memref_slice %arg2[%dma_wait3A_325, %dma_wait3A_326] : memref<1015808x16xf32, #tpu.memory_space<hbm>> -> memref<1015808x16xf32, #tpu.memory_space<hbm>>
    tpu.wait_indirect_dma semaphore(%arg7 : memref<!tpu.dma_semaphore, #tpu.memory_space<semaphore_mem>>) src(%dma_wait3A_327 : memref<1015808x16xf32, #tpu.memory_space<hbm>>) dst(%dma_wait3A_321 : memref<128x16xf32, #tpu.memory_space<vmem>>)
    %dma_wait3A_328 = arith.constant 0 : i32
    %dma_wait3A_329 = arith.constant 7 : i32
    %dma_wait3A_330 = arith.constant 0 : i32
    %dma_wait3A_331 = arith.constant 7 : i32
    %dma_wait3A_332 = arith.constant 0 : i32
    %dma_wait3A_333 = arith.constant 0 : i32
    %dma_wait3A_334 = tpu.memref_slice %arg6[%dma_wait3A_330, %dma_wait3A_331, %dma_wait3A_332, %dma_wait3A_333] : memref<2x8x128x16xf32, #tpu.memory_space<vmem>> -> memref<1x1x128x16xf32, #tpu.memory_space<vmem>>
    %dma_wait3A_335 = tpu.memref_squeeze %dma_wait3A_334 : memref<1x1x128x16xf32, #tpu.memory_space<vmem>> -> memref<128x16xf32, #tpu.memory_space<vmem>>
    %dma_wait3A_336 = arith.constant 0 : i32
    %dma_wait3A_337 = tpu.memref_slice %arg5[%dma_wait3A_328, %dma_wait3A_329, %dma_wait3A_336] : memref<25x8x128xi32, #tpu.memory_space<vmem>> -> memref<1x1x128xi32, #tpu.memory_space<vmem>>
    %dma_wait3A_338 = tpu.memref_squeeze %dma_wait3A_337 : memref<1x1x128xi32, #tpu.memory_space<vmem>> -> memref<128xi32, #tpu.memory_space<vmem>>
    %dma_wait3A_339 = arith.constant 0 : i32
    %dma_wait3A_340 = arith.constant 0 : i32
    %dma_wait3A_341 = tpu.memref_slice %arg2[%dma_wait3A_339, %dma_wait3A_340] : memref<1015808x16xf32, #tpu.memory_space<hbm>> -> memref<1015808x16xf32, #tpu.memory_space<hbm>>
    tpu.wait_indirect_dma semaphore(%arg7 : memref<!tpu.dma_semaphore, #tpu.memory_space<semaphore_mem>>) src(%dma_wait3A_341 : memref<1015808x16xf32, #tpu.memory_space<hbm>>) dst(%dma_wait3A_335 : memref<128x16xf32, #tpu.memory_space<vmem>>)
    %dma_start3A_342 = arith.constant 0 : i32
    %dma_start3A_343 = arith.constant 24 : i32
    %dma_start3A_344 = arith.constant 0 : i32
    %dma_start3A_345 = arith.constant 0 : i32
    %dma_start3A_346 = arith.constant 0 : i32
    %dma_start3A_347 = tpu.memref_slice %arg6[%dma_start3A_342, %dma_start3A_344, %dma_start3A_345, %dma_start3A_346] : memref<2x8x128x16xf32, #tpu.memory_space<vmem>> -> memref<1x8x128x16xf32, #tpu.memory_space<vmem>>
    %dma_start3A_348 = tpu.memref_squeeze %dma_start3A_347 : memref<1x8x128x16xf32, #tpu.memory_space<vmem>> -> memref<8x128x16xf32, #tpu.memory_space<vmem>>
    %dma_start3A_349 = arith.constant 0 : i32
    %dma_start3A_350 = arith.constant 0 : i32
    %dma_start3A_351 = tpu.memref_slice %arg4[%dma_start3A_343, %mul3A_2, %dma_start3A_349, %dma_start3A_350] : memref<25x256x128x16xf32, #tpu.memory_space<hbm>> -> memref<1x8x128x16xf32, #tpu.memory_space<hbm>>
    %dma_start3A_352 = tpu.memref_squeeze %dma_start3A_351 : memref<1x8x128x16xf32, #tpu.memory_space<hbm>> -> memref<8x128x16xf32, #tpu.memory_space<hbm>>
    %dma_start3A_353 = arith.constant 0 : i32
    %dma_start3A_354 = arith.constant 0 : i32
    %dma_start3A_355 = tpu.memref_slice %arg4[%dma_start3A_343, %mul3A_2, %dma_start3A_353, %dma_start3A_354] : memref<25x256x128x16xf32, #tpu.memory_space<hbm>> -> memref<1x8x128x16xf32, #tpu.memory_space<hbm>>
    %dma_start3A_356 = tpu.memref_squeeze %dma_start3A_355 : memref<1x8x128x16xf32, #tpu.memory_space<hbm>> -> memref<8x128x16xf32, #tpu.memory_space<hbm>>
    %dma_start3A_357 = arith.constant 0 : i32
    %dma_start3A_358 = arith.constant 0 : i32
    %dma_start3A_359 = arith.constant 0 : i32
    %dma_start3A_360 = tpu.memref_slice %arg6[%dma_start3A_342, %dma_start3A_357, %dma_start3A_358, %dma_start3A_359] : memref<2x8x128x16xf32, #tpu.memory_space<vmem>> -> memref<1x8x128x16xf32, #tpu.memory_space<vmem>>
    %dma_start3A_361 = tpu.memref_squeeze %dma_start3A_360 : memref<1x8x128x16xf32, #tpu.memory_space<vmem>> -> memref<8x128x16xf32, #tpu.memory_space<vmem>>
    tpu.enqueue_dma source(%dma_start3A_361 : memref<8x128x16xf32, #tpu.memory_space<vmem>>) target(%dma_start3A_356 : memref<8x128x16xf32, #tpu.memory_space<hbm>>) target_semaphore(%arg9 : memref<!tpu.dma_semaphore, #tpu.memory_space<semaphore_mem>>)
    %dma_wait3A_362 = arith.constant 1 : i32
    %dma_wait3A_363 = arith.constant 0 : i32
    %dma_wait3A_364 = arith.constant 0 : i32
    %dma_wait3A_365 = arith.constant 0 : i32
    %dma_wait3A_366 = arith.constant 0 : i32
    %dma_wait3A_367 = tpu.memref_slice %arg6[%dma_wait3A_362, %dma_wait3A_364, %dma_wait3A_365, %dma_wait3A_366] : memref<2x8x128x16xf32, #tpu.memory_space<vmem>> -> memref<1x8x128x16xf32, #tpu.memory_space<vmem>>
    %dma_wait3A_368 = tpu.memref_squeeze %dma_wait3A_367 : memref<1x8x128x16xf32, #tpu.memory_space<vmem>> -> memref<8x128x16xf32, #tpu.memory_space<vmem>>
    %dma_wait3A_369 = arith.constant 0 : i32
    %dma_wait3A_370 = arith.constant 0 : i32
    %dma_wait3A_371 = tpu.memref_slice %arg4[%dma_wait3A_363, %mul3A_2, %dma_wait3A_369, %dma_wait3A_370] : memref<25x256x128x16xf32, #tpu.memory_space<hbm>> -> memref<1x8x128x16xf32, #tpu.memory_space<hbm>>
    %dma_wait3A_372 = tpu.memref_squeeze %dma_wait3A_371 : memref<1x8x128x16xf32, #tpu.memory_space<hbm>> -> memref<8x128x16xf32, #tpu.memory_space<hbm>>
    %dma_wait3A_373 = arith.constant 0 : i32
    %dma_wait3A_374 = arith.constant 0 : i32
    %dma_wait3A_375 = tpu.memref_slice %arg4[%dma_wait3A_363, %mul3A_2, %dma_wait3A_373, %dma_wait3A_374] : memref<25x256x128x16xf32, #tpu.memory_space<hbm>> -> memref<1x8x128x16xf32, #tpu.memory_space<hbm>>
    %dma_wait3A_376 = tpu.memref_squeeze %dma_wait3A_375 : memref<1x8x128x16xf32, #tpu.memory_space<hbm>> -> memref<8x128x16xf32, #tpu.memory_space<hbm>>
    %dma_wait3A_377 = arith.constant 0 : i32
    %dma_wait3A_378 = arith.constant 0 : i32
    %dma_wait3A_379 = arith.constant 0 : i32
    %dma_wait3A_380 = tpu.memref_slice %arg6[%dma_wait3A_362, %dma_wait3A_377, %dma_wait3A_378, %dma_wait3A_379] : memref<2x8x128x16xf32, #tpu.memory_space<vmem>> -> memref<1x8x128x16xf32, #tpu.memory_space<vmem>>
    %dma_wait3A_381 = tpu.memref_squeeze %dma_wait3A_380 : memref<1x8x128x16xf32, #tpu.memory_space<vmem>> -> memref<8x128x16xf32, #tpu.memory_space<vmem>>
    tpu.wait_dma2 semaphore(%arg10 : memref<!tpu.dma_semaphore, #tpu.memory_space<semaphore_mem>>) src(%dma_wait3A_381 : memref<8x128x16xf32, #tpu.memory_space<vmem>>) dst(%dma_wait3A_376 : memref<8x128x16xf32, #tpu.memory_space<hbm>>)
    %dma_wait3A_382 = arith.constant 0 : i32
    %dma_wait3A_383 = arith.constant 0 : i32
    %dma_wait3A_384 = arith.constant 0 : i32
    %dma_wait3A_385 = arith.constant 0 : i32
    %dma_wait3A_386 = arith.constant 0 : i32
    %dma_wait3A_387 = tpu.memref_slice %arg6[%dma_wait3A_382, %dma_wait3A_384, %dma_wait3A_385, %dma_wait3A_386] : memref<2x8x128x16xf32, #tpu.memory_space<vmem>> -> memref<1x8x128x16xf32, #tpu.memory_space<vmem>>
    %dma_wait3A_388 = tpu.memref_squeeze %dma_wait3A_387 : memref<1x8x128x16xf32, #tpu.memory_space<vmem>> -> memref<8x128x16xf32, #tpu.memory_space<vmem>>
    %dma_wait3A_389 = arith.constant 0 : i32
    %dma_wait3A_390 = arith.constant 0 : i32
    %dma_wait3A_391 = tpu.memref_slice %arg4[%dma_wait3A_383, %mul3A_2, %dma_wait3A_389, %dma_wait3A_390] : memref<25x256x128x16xf32, #tpu.memory_space<hbm>> -> memref<1x8x128x16xf32, #tpu.memory_space<hbm>>
    %dma_wait3A_392 = tpu.memref_squeeze %dma_wait3A_391 : memref<1x8x128x16xf32, #tpu.memory_space<hbm>> -> memref<8x128x16xf32, #tpu.memory_space<hbm>>
    %dma_wait3A_393 = arith.constant 0 : i32
    %dma_wait3A_394 = arith.constant 0 : i32
    %dma_wait3A_395 = tpu.memref_slice %arg4[%dma_wait3A_383, %mul3A_2, %dma_wait3A_393, %dma_wait3A_394] : memref<25x256x128x16xf32, #tpu.memory_space<hbm>> -> memref<1x8x128x16xf32, #tpu.memory_space<hbm>>
    %dma_wait3A_396 = tpu.memref_squeeze %dma_wait3A_395 : memref<1x8x128x16xf32, #tpu.memory_space<hbm>> -> memref<8x128x16xf32, #tpu.memory_space<hbm>>
    %dma_wait3A_397 = arith.constant 0 : i32
    %dma_wait3A_398 = arith.constant 0 : i32
    %dma_wait3A_399 = arith.constant 0 : i32
    %dma_wait3A_400 = tpu.memref_slice %arg6[%dma_wait3A_382, %dma_wait3A_397, %dma_wait3A_398, %dma_wait3A_399] : memref<2x8x128x16xf32, #tpu.memory_space<vmem>> -> memref<1x8x128x16xf32, #tpu.memory_space<vmem>>
    %dma_wait3A_401 = tpu.memref_squeeze %dma_wait3A_400 : memref<1x8x128x16xf32, #tpu.memory_space<vmem>> -> memref<8x128x16xf32, #tpu.memory_space<vmem>>
    tpu.wait_dma2 semaphore(%arg9 : memref<!tpu.dma_semaphore, #tpu.memory_space<semaphore_mem>>) src(%dma_wait3A_401 : memref<8x128x16xf32, #tpu.memory_space<vmem>>) dst(%dma_wait3A_396 : memref<8x128x16xf32, #tpu.memory_space<hbm>>)
    return
  }
}

module attributes {stable_mosaic.version = 14 : i64} {
  func.func @_repack_body(%arg0: i32, %arg1: memref<16x32768xf32, #tpu.memory_space<vmem>>, %arg2: memref<4096x128xf32, #tpu.memory_space<vmem>>) attributes {dimension_semantics = [#tpu.dimension_semantics<arbitrary>], iteration_bounds = array<i64: 31>, scalar_prefetch = 0 : i64, scratch_operands = 0 : i64, tpu.core_type = #tpu.core_type<tc>, window_params = [{transform_indices = @transform_0, window_bounds = array<i64: 16, 32768>}, {transform_indices = @transform_1, window_bounds = array<i64: 4096, 128>}]} {
    %get3A = arith.constant 0 : index
    %get3A_0 = arith.constant 0 : index
    %get3A_1 = vector.load %arg1[%get3A, %get3A_0] : memref<16x32768xf32, #tpu.memory_space<vmem>>, vector<16x32768xf32>
    %slice3A = vector.extract_strided_slice %get3A_1 {offsets = [0, 0], sizes = [16, 4096], strides = [1, 1]} : vector<16x32768xf32> to vector<16x4096xf32>
    %slice3A_2 = vector.extract_strided_slice %get3A_1 {offsets = [0, 4096], sizes = [16, 4096], strides = [1, 1]} : vector<16x32768xf32> to vector<16x4096xf32>
    %slice3A_3 = vector.extract_strided_slice %get3A_1 {offsets = [0, 8192], sizes = [16, 4096], strides = [1, 1]} : vector<16x32768xf32> to vector<16x4096xf32>
    %slice3A_4 = vector.extract_strided_slice %get3A_1 {offsets = [0, 12288], sizes = [16, 4096], strides = [1, 1]} : vector<16x32768xf32> to vector<16x4096xf32>
    %slice3A_5 = vector.extract_strided_slice %get3A_1 {offsets = [0, 16384], sizes = [16, 4096], strides = [1, 1]} : vector<16x32768xf32> to vector<16x4096xf32>
    %slice3A_6 = vector.extract_strided_slice %get3A_1 {offsets = [0, 20480], sizes = [16, 4096], strides = [1, 1]} : vector<16x32768xf32> to vector<16x4096xf32>
    %slice3A_7 = vector.extract_strided_slice %get3A_1 {offsets = [0, 24576], sizes = [16, 4096], strides = [1, 1]} : vector<16x32768xf32> to vector<16x4096xf32>
    %slice3A_8 = vector.extract_strided_slice %get3A_1 {offsets = [0, 28672], sizes = [16, 4096], strides = [1, 1]} : vector<16x32768xf32> to vector<16x4096xf32>
    %concatenate3A = tpu.concatenate %slice3A, %slice3A_2, %slice3A_3, %slice3A_4, %slice3A_5, %slice3A_6, %slice3A_7, %slice3A_8 in 0 : vector<16x4096xf32>, vector<16x4096xf32>, vector<16x4096xf32>, vector<16x4096xf32>, vector<16x4096xf32>, vector<16x4096xf32>, vector<16x4096xf32>, vector<16x4096xf32> -> vector<128x4096xf32>
    %transpose3A = tpu.transpose %concatenate3A, [1, 0] : vector<128x4096xf32> -> vector<4096x128xf32>
    %swap3A = arith.constant 0 : index
    %swap3A_9 = arith.constant 0 : index
    %swap3A_10 = vector.load %arg2[%swap3A, %swap3A_9] : memref<4096x128xf32, #tpu.memory_space<vmem>>, vector<4096x128xf32>
    tpu.vector_store %arg2[%swap3A, %swap3A_9], %transpose3A {strides = array<i32>} : memref<4096x128xf32, #tpu.memory_space<vmem>>, vector<4096x128xf32>,
    return
  }
  func.func @transform_0(%arg0: i32) -> (i32, i32) {
    %c0_i32 = arith.constant 0 : i32
    %c0_i32_0 = arith.constant 0 : i32
    return %c0_i32, %arg0 : i32, i32
  }
  func.func @transform_1(%arg0: i32) -> (i32, i32) {
    %c0_i32 = arith.constant 0 : i32
    %c0_i32_0 = arith.constant 0 : i32
    return %arg0, %c0_i32 : i32, i32
  }
}

module attributes {stable_mosaic.version = 14 : i64} {
  func.func @_tc_matmul_body(%arg0: i32, %arg1: memref<25x512x128xf32, #tpu.memory_space<vmem>>, %arg2: memref<1x3200xf32, #tpu.memory_space<vmem>>, %arg3: memref<3200x16xf32, #tpu.memory_space<vmem>>, %arg4: memref<1x16xf32, #tpu.memory_space<vmem>>, %arg5: memref<16x512xf32, #tpu.memory_space<vmem>>) attributes {dimension_semantics = [#tpu.dimension_semantics<arbitrary>], iteration_bounds = array<i64: 8>, scalar_prefetch = 0 : i64, scratch_operands = 0 : i64, tpu.core_type = #tpu.core_type<tc>, window_params = [{transform_indices = @transform_0, window_bounds = array<i64: 25, 512, 128>}, {pipeline_mode = #tpu.pipeline_mode<synchronous>, transform_indices = @transform_1, window_bounds = array<i64: 1, 3200>}, {pipeline_mode = #tpu.pipeline_mode<synchronous>, transform_indices = @transform_2, window_bounds = array<i64: 3200, 16>}, {pipeline_mode = #tpu.pipeline_mode<synchronous>, transform_indices = @transform_3, window_bounds = array<i64: 1, 16>}, {transform_indices = @transform_4, window_bounds = array<i64: 16, 512>}]} {
    %get3A = arith.constant 0 : index
    %get3A_0 = arith.constant 0 : index
    %get3A_1 = vector.load %arg2[%get3A, %get3A_0] : memref<1x3200xf32, #tpu.memory_space<vmem>>, vector<1x3200xf32>
    %get3A_2 = arith.constant 0 : index
    %get3A_3 = arith.constant 0 : index
    %get3A_4 = vector.load %arg3[%get3A_2, %get3A_3] : memref<3200x16xf32, #tpu.memory_space<vmem>>, vector<3200x16xf32>
    %dot_general3A = arith.constant dense<0.000000e+00> : vector<1x16xf32>
    %dot_general3A_5 = tpu.matmul %get3A_1, %get3A_4, %dot_general3A {dimension_numbers = #tpu.dot_dimension_numbers<[1], [0], [0], [1], [0, 0, 1, 1], [], []>, transpose_lhs_hint = false} : vector<1x3200xf32>, vector<3200x16xf32>, vector<1x16xf32> -> vector<1x16xf32>
    %broadcast_in_dim3A = arith.constant 0.000000e+00 : f32
    %broadcast_in_dim3A_6 = vector.broadcast %broadcast_in_dim3A : f32 to vector<512x16xf32>
    %get3A_7 = arith.constant 0 : index
    %get3A_8 = arith.constant 0 : index
    %get3A_9 = arith.constant 0 : index
    %get3A_10 = vector.load %arg1[%get3A_7, %get3A_8, %get3A_9] : memref<25x512x128xf32, #tpu.memory_space<vmem>>, vector<1x512x128xf32>
    %get3A_11 = vector.shape_cast %get3A_10 : vector<1x512x128xf32> to vector<512x128xf32>
    %get3A_12 = arith.constant 0 : index
    %get3A_13 = arith.constant 0 : index
    %get3A_14 = vector.load %arg3[%get3A_12, %get3A_13] : memref<3200x16xf32, #tpu.memory_space<vmem>>, vector<128x16xf32>
    %dot_general3A_15 = arith.constant dense<0.000000e+00> : vector<512x16xf32>
    %dot_general3A_16 = tpu.matmul %get3A_11, %get3A_14, %dot_general3A_15 {dimension_numbers = #tpu.dot_dimension_numbers<[1], [0], [0], [1], [0, 0, 1, 1], [], []>, transpose_lhs_hint = false} : vector<512x128xf32>, vector<128x16xf32>, vector<512x16xf32> -> vector<512x16xf32>
    %add3A = arith.addf %broadcast_in_dim3A_6, %dot_general3A_16 : vector<512x16xf32>
    %get3A_17 = arith.constant 1 : index
    %get3A_18 = arith.constant 0 : index
    %get3A_19 = arith.constant 0 : index
    %get3A_20 = vector.load %arg1[%get3A_17, %get3A_18, %get3A_19] : memref<25x512x128xf32, #tpu.memory_space<vmem>>, vector<1x512x128xf32>
    %get3A_21 = vector.shape_cast %get3A_20 : vector<1x512x128xf32> to vector<512x128xf32>
    %get3A_22 = arith.constant 128 : index
    %get3A_23 = arith.constant 0 : index
    %get3A_24 = vector.load %arg3[%get3A_22, %get3A_23] : memref<3200x16xf32, #tpu.memory_space<vmem>>, vector<128x16xf32>
    %dot_general3A_25 = arith.constant dense<0.000000e+00> : vector<512x16xf32>
    %dot_general3A_26 = tpu.matmul %get3A_21, %get3A_24, %dot_general3A_25 {dimension_numbers = #tpu.dot_dimension_numbers<[1], [0], [0], [1], [0, 0, 1, 1], [], []>, transpose_lhs_hint = false} : vector<512x128xf32>, vector<128x16xf32>, vector<512x16xf32> -> vector<512x16xf32>
    %add3A_27 = arith.addf %add3A, %dot_general3A_26 : vector<512x16xf32>
    %get3A_28 = arith.constant 2 : index
    %get3A_29 = arith.constant 0 : index
    %get3A_30 = arith.constant 0 : index
    %get3A_31 = vector.load %arg1[%get3A_28, %get3A_29, %get3A_30] : memref<25x512x128xf32, #tpu.memory_space<vmem>>, vector<1x512x128xf32>
    %get3A_32 = vector.shape_cast %get3A_31 : vector<1x512x128xf32> to vector<512x128xf32>
    %get3A_33 = arith.constant 256 : index
    %get3A_34 = arith.constant 0 : index
    %get3A_35 = vector.load %arg3[%get3A_33, %get3A_34] : memref<3200x16xf32, #tpu.memory_space<vmem>>, vector<128x16xf32>
    %dot_general3A_36 = arith.constant dense<0.000000e+00> : vector<512x16xf32>
    %dot_general3A_37 = tpu.matmul %get3A_32, %get3A_35, %dot_general3A_36 {dimension_numbers = #tpu.dot_dimension_numbers<[1], [0], [0], [1], [0, 0, 1, 1], [], []>, transpose_lhs_hint = false} : vector<512x128xf32>, vector<128x16xf32>, vector<512x16xf32> -> vector<512x16xf32>
    %add3A_38 = arith.addf %add3A_27, %dot_general3A_37 : vector<512x16xf32>
    %get3A_39 = arith.constant 3 : index
    %get3A_40 = arith.constant 0 : index
    %get3A_41 = arith.constant 0 : index
    %get3A_42 = vector.load %arg1[%get3A_39, %get3A_40, %get3A_41] : memref<25x512x128xf32, #tpu.memory_space<vmem>>, vector<1x512x128xf32>
    %get3A_43 = vector.shape_cast %get3A_42 : vector<1x512x128xf32> to vector<512x128xf32>
    %get3A_44 = arith.constant 384 : index
    %get3A_45 = arith.constant 0 : index
    %get3A_46 = vector.load %arg3[%get3A_44, %get3A_45] : memref<3200x16xf32, #tpu.memory_space<vmem>>, vector<128x16xf32>
    %dot_general3A_47 = arith.constant dense<0.000000e+00> : vector<512x16xf32>
    %dot_general3A_48 = tpu.matmul %get3A_43, %get3A_46, %dot_general3A_47 {dimension_numbers = #tpu.dot_dimension_numbers<[1], [0], [0], [1], [0, 0, 1, 1], [], []>, transpose_lhs_hint = false} : vector<512x128xf32>, vector<128x16xf32>, vector<512x16xf32> -> vector<512x16xf32>
    %add3A_49 = arith.addf %add3A_38, %dot_general3A_48 : vector<512x16xf32>
    %get3A_50 = arith.constant 4 : index
    %get3A_51 = arith.constant 0 : index
    %get3A_52 = arith.constant 0 : index
    %get3A_53 = vector.load %arg1[%get3A_50, %get3A_51, %get3A_52] : memref<25x512x128xf32, #tpu.memory_space<vmem>>, vector<1x512x128xf32>
    %get3A_54 = vector.shape_cast %get3A_53 : vector<1x512x128xf32> to vector<512x128xf32>
    %get3A_55 = arith.constant 512 : index
    %get3A_56 = arith.constant 0 : index
    %get3A_57 = vector.load %arg3[%get3A_55, %get3A_56] : memref<3200x16xf32, #tpu.memory_space<vmem>>, vector<128x16xf32>
    %dot_general3A_58 = arith.constant dense<0.000000e+00> : vector<512x16xf32>
    %dot_general3A_59 = tpu.matmul %get3A_54, %get3A_57, %dot_general3A_58 {dimension_numbers = #tpu.dot_dimension_numbers<[1], [0], [0], [1], [0, 0, 1, 1], [], []>, transpose_lhs_hint = false} : vector<512x128xf32>, vector<128x16xf32>, vector<512x16xf32> -> vector<512x16xf32>
    %add3A_60 = arith.addf %add3A_49, %dot_general3A_59 : vector<512x16xf32>
    %get3A_61 = arith.constant 5 : index
    %get3A_62 = arith.constant 0 : index
    %get3A_63 = arith.constant 0 : index
    %get3A_64 = vector.load %arg1[%get3A_61, %get3A_62, %get3A_63] : memref<25x512x128xf32, #tpu.memory_space<vmem>>, vector<1x512x128xf32>
    %get3A_65 = vector.shape_cast %get3A_64 : vector<1x512x128xf32> to vector<512x128xf32>
    %get3A_66 = arith.constant 640 : index
    %get3A_67 = arith.constant 0 : index
    %get3A_68 = vector.load %arg3[%get3A_66, %get3A_67] : memref<3200x16xf32, #tpu.memory_space<vmem>>, vector<128x16xf32>
    %dot_general3A_69 = arith.constant dense<0.000000e+00> : vector<512x16xf32>
    %dot_general3A_70 = tpu.matmul %get3A_65, %get3A_68, %dot_general3A_69 {dimension_numbers = #tpu.dot_dimension_numbers<[1], [0], [0], [1], [0, 0, 1, 1], [], []>, transpose_lhs_hint = false} : vector<512x128xf32>, vector<128x16xf32>, vector<512x16xf32> -> vector<512x16xf32>
    %add3A_71 = arith.addf %add3A_60, %dot_general3A_70 : vector<512x16xf32>
    %get3A_72 = arith.constant 6 : index
    %get3A_73 = arith.constant 0 : index
    %get3A_74 = arith.constant 0 : index
    %get3A_75 = vector.load %arg1[%get3A_72, %get3A_73, %get3A_74] : memref<25x512x128xf32, #tpu.memory_space<vmem>>, vector<1x512x128xf32>
    %get3A_76 = vector.shape_cast %get3A_75 : vector<1x512x128xf32> to vector<512x128xf32>
    %get3A_77 = arith.constant 768 : index
    %get3A_78 = arith.constant 0 : index
    %get3A_79 = vector.load %arg3[%get3A_77, %get3A_78] : memref<3200x16xf32, #tpu.memory_space<vmem>>, vector<128x16xf32>
    %dot_general3A_80 = arith.constant dense<0.000000e+00> : vector<512x16xf32>
    %dot_general3A_81 = tpu.matmul %get3A_76, %get3A_79, %dot_general3A_80 {dimension_numbers = #tpu.dot_dimension_numbers<[1], [0], [0], [1], [0, 0, 1, 1], [], []>, transpose_lhs_hint = false} : vector<512x128xf32>, vector<128x16xf32>, vector<512x16xf32> -> vector<512x16xf32>
    %add3A_82 = arith.addf %add3A_71, %dot_general3A_81 : vector<512x16xf32>
    %get3A_83 = arith.constant 7 : index
    %get3A_84 = arith.constant 0 : index
    %get3A_85 = arith.constant 0 : index
    %get3A_86 = vector.load %arg1[%get3A_83, %get3A_84, %get3A_85] : memref<25x512x128xf32, #tpu.memory_space<vmem>>, vector<1x512x128xf32>
    %get3A_87 = vector.shape_cast %get3A_86 : vector<1x512x128xf32> to vector<512x128xf32>
    %get3A_88 = arith.constant 896 : index
    %get3A_89 = arith.constant 0 : index
    %get3A_90 = vector.load %arg3[%get3A_88, %get3A_89] : memref<3200x16xf32, #tpu.memory_space<vmem>>, vector<128x16xf32>
    %dot_general3A_91 = arith.constant dense<0.000000e+00> : vector<512x16xf32>
    %dot_general3A_92 = tpu.matmul %get3A_87, %get3A_90, %dot_general3A_91 {dimension_numbers = #tpu.dot_dimension_numbers<[1], [0], [0], [1], [0, 0, 1, 1], [], []>, transpose_lhs_hint = false} : vector<512x128xf32>, vector<128x16xf32>, vector<512x16xf32> -> vector<512x16xf32>
    %add3A_93 = arith.addf %add3A_82, %dot_general3A_92 : vector<512x16xf32>
    %get3A_94 = arith.constant 8 : index
    %get3A_95 = arith.constant 0 : index
    %get3A_96 = arith.constant 0 : index
    %get3A_97 = vector.load %arg1[%get3A_94, %get3A_95, %get3A_96] : memref<25x512x128xf32, #tpu.memory_space<vmem>>, vector<1x512x128xf32>
    %get3A_98 = vector.shape_cast %get3A_97 : vector<1x512x128xf32> to vector<512x128xf32>
    %get3A_99 = arith.constant 1024 : index
    %get3A_100 = arith.constant 0 : index
    %get3A_101 = vector.load %arg3[%get3A_99, %get3A_100] : memref<3200x16xf32, #tpu.memory_space<vmem>>, vector<128x16xf32>
    %dot_general3A_102 = arith.constant dense<0.000000e+00> : vector<512x16xf32>
    %dot_general3A_103 = tpu.matmul %get3A_98, %get3A_101, %dot_general3A_102 {dimension_numbers = #tpu.dot_dimension_numbers<[1], [0], [0], [1], [0, 0, 1, 1], [], []>, transpose_lhs_hint = false} : vector<512x128xf32>, vector<128x16xf32>, vector<512x16xf32> -> vector<512x16xf32>
    %add3A_104 = arith.addf %add3A_93, %dot_general3A_103 : vector<512x16xf32>
    %get3A_105 = arith.constant 9 : index
    %get3A_106 = arith.constant 0 : index
    %get3A_107 = arith.constant 0 : index
    %get3A_108 = vector.load %arg1[%get3A_105, %get3A_106, %get3A_107] : memref<25x512x128xf32, #tpu.memory_space<vmem>>, vector<1x512x128xf32>
    %get3A_109 = vector.shape_cast %get3A_108 : vector<1x512x128xf32> to vector<512x128xf32>
    %get3A_110 = arith.constant 1152 : index
    %get3A_111 = arith.constant 0 : index
    %get3A_112 = vector.load %arg3[%get3A_110, %get3A_111] : memref<3200x16xf32, #tpu.memory_space<vmem>>, vector<128x16xf32>
    %dot_general3A_113 = arith.constant dense<0.000000e+00> : vector<512x16xf32>
    %dot_general3A_114 = tpu.matmul %get3A_109, %get3A_112, %dot_general3A_113 {dimension_numbers = #tpu.dot_dimension_numbers<[1], [0], [0], [1], [0, 0, 1, 1], [], []>, transpose_lhs_hint = false} : vector<512x128xf32>, vector<128x16xf32>, vector<512x16xf32> -> vector<512x16xf32>
    %add3A_115 = arith.addf %add3A_104, %dot_general3A_114 : vector<512x16xf32>
    %get3A_116 = arith.constant 10 : index
    %get3A_117 = arith.constant 0 : index
    %get3A_118 = arith.constant 0 : index
    %get3A_119 = vector.load %arg1[%get3A_116, %get3A_117, %get3A_118] : memref<25x512x128xf32, #tpu.memory_space<vmem>>, vector<1x512x128xf32>
    %get3A_120 = vector.shape_cast %get3A_119 : vector<1x512x128xf32> to vector<512x128xf32>
    %get3A_121 = arith.constant 1280 : index
    %get3A_122 = arith.constant 0 : index
    %get3A_123 = vector.load %arg3[%get3A_121, %get3A_122] : memref<3200x16xf32, #tpu.memory_space<vmem>>, vector<128x16xf32>
    %dot_general3A_124 = arith.constant dense<0.000000e+00> : vector<512x16xf32>
    %dot_general3A_125 = tpu.matmul %get3A_120, %get3A_123, %dot_general3A_124 {dimension_numbers = #tpu.dot_dimension_numbers<[1], [0], [0], [1], [0, 0, 1, 1], [], []>, transpose_lhs_hint = false} : vector<512x128xf32>, vector<128x16xf32>, vector<512x16xf32> -> vector<512x16xf32>
    %add3A_126 = arith.addf %add3A_115, %dot_general3A_125 : vector<512x16xf32>
    %get3A_127 = arith.constant 11 : index
    %get3A_128 = arith.constant 0 : index
    %get3A_129 = arith.constant 0 : index
    %get3A_130 = vector.load %arg1[%get3A_127, %get3A_128, %get3A_129] : memref<25x512x128xf32, #tpu.memory_space<vmem>>, vector<1x512x128xf32>
    %get3A_131 = vector.shape_cast %get3A_130 : vector<1x512x128xf32> to vector<512x128xf32>
    %get3A_132 = arith.constant 1408 : index
    %get3A_133 = arith.constant 0 : index
    %get3A_134 = vector.load %arg3[%get3A_132, %get3A_133] : memref<3200x16xf32, #tpu.memory_space<vmem>>, vector<128x16xf32>
    %dot_general3A_135 = arith.constant dense<0.000000e+00> : vector<512x16xf32>
    %dot_general3A_136 = tpu.matmul %get3A_131, %get3A_134, %dot_general3A_135 {dimension_numbers = #tpu.dot_dimension_numbers<[1], [0], [0], [1], [0, 0, 1, 1], [], []>, transpose_lhs_hint = false} : vector<512x128xf32>, vector<128x16xf32>, vector<512x16xf32> -> vector<512x16xf32>
    %add3A_137 = arith.addf %add3A_126, %dot_general3A_136 : vector<512x16xf32>
    %get3A_138 = arith.constant 12 : index
    %get3A_139 = arith.constant 0 : index
    %get3A_140 = arith.constant 0 : index
    %get3A_141 = vector.load %arg1[%get3A_138, %get3A_139, %get3A_140] : memref<25x512x128xf32, #tpu.memory_space<vmem>>, vector<1x512x128xf32>
    %get3A_142 = vector.shape_cast %get3A_141 : vector<1x512x128xf32> to vector<512x128xf32>
    %get3A_143 = arith.constant 1536 : index
    %get3A_144 = arith.constant 0 : index
    %get3A_145 = vector.load %arg3[%get3A_143, %get3A_144] : memref<3200x16xf32, #tpu.memory_space<vmem>>, vector<128x16xf32>
    %dot_general3A_146 = arith.constant dense<0.000000e+00> : vector<512x16xf32>
    %dot_general3A_147 = tpu.matmul %get3A_142, %get3A_145, %dot_general3A_146 {dimension_numbers = #tpu.dot_dimension_numbers<[1], [0], [0], [1], [0, 0, 1, 1], [], []>, transpose_lhs_hint = false} : vector<512x128xf32>, vector<128x16xf32>, vector<512x16xf32> -> vector<512x16xf32>
    %add3A_148 = arith.addf %add3A_137, %dot_general3A_147 : vector<512x16xf32>
    %get3A_149 = arith.constant 13 : index
    %get3A_150 = arith.constant 0 : index
    %get3A_151 = arith.constant 0 : index
    %get3A_152 = vector.load %arg1[%get3A_149, %get3A_150, %get3A_151] : memref<25x512x128xf32, #tpu.memory_space<vmem>>, vector<1x512x128xf32>
    %get3A_153 = vector.shape_cast %get3A_152 : vector<1x512x128xf32> to vector<512x128xf32>
    %get3A_154 = arith.constant 1664 : index
    %get3A_155 = arith.constant 0 : index
    %get3A_156 = vector.load %arg3[%get3A_154, %get3A_155] : memref<3200x16xf32, #tpu.memory_space<vmem>>, vector<128x16xf32>
    %dot_general3A_157 = arith.constant dense<0.000000e+00> : vector<512x16xf32>
    %dot_general3A_158 = tpu.matmul %get3A_153, %get3A_156, %dot_general3A_157 {dimension_numbers = #tpu.dot_dimension_numbers<[1], [0], [0], [1], [0, 0, 1, 1], [], []>, transpose_lhs_hint = false} : vector<512x128xf32>, vector<128x16xf32>, vector<512x16xf32> -> vector<512x16xf32>
    %add3A_159 = arith.addf %add3A_148, %dot_general3A_158 : vector<512x16xf32>
    %get3A_160 = arith.constant 14 : index
    %get3A_161 = arith.constant 0 : index
    %get3A_162 = arith.constant 0 : index
    %get3A_163 = vector.load %arg1[%get3A_160, %get3A_161, %get3A_162] : memref<25x512x128xf32, #tpu.memory_space<vmem>>, vector<1x512x128xf32>
    %get3A_164 = vector.shape_cast %get3A_163 : vector<1x512x128xf32> to vector<512x128xf32>
    %get3A_165 = arith.constant 1792 : index
    %get3A_166 = arith.constant 0 : index
    %get3A_167 = vector.load %arg3[%get3A_165, %get3A_166] : memref<3200x16xf32, #tpu.memory_space<vmem>>, vector<128x16xf32>
    %dot_general3A_168 = arith.constant dense<0.000000e+00> : vector<512x16xf32>
    %dot_general3A_169 = tpu.matmul %get3A_164, %get3A_167, %dot_general3A_168 {dimension_numbers = #tpu.dot_dimension_numbers<[1], [0], [0], [1], [0, 0, 1, 1], [], []>, transpose_lhs_hint = false} : vector<512x128xf32>, vector<128x16xf32>, vector<512x16xf32> -> vector<512x16xf32>
    %add3A_170 = arith.addf %add3A_159, %dot_general3A_169 : vector<512x16xf32>
    %get3A_171 = arith.constant 15 : index
    %get3A_172 = arith.constant 0 : index
    %get3A_173 = arith.constant 0 : index
    %get3A_174 = vector.load %arg1[%get3A_171, %get3A_172, %get3A_173] : memref<25x512x128xf32, #tpu.memory_space<vmem>>, vector<1x512x128xf32>
    %get3A_175 = vector.shape_cast %get3A_174 : vector<1x512x128xf32> to vector<512x128xf32>
    %get3A_176 = arith.constant 1920 : index
    %get3A_177 = arith.constant 0 : index
    %get3A_178 = vector.load %arg3[%get3A_176, %get3A_177] : memref<3200x16xf32, #tpu.memory_space<vmem>>, vector<128x16xf32>
    %dot_general3A_179 = arith.constant dense<0.000000e+00> : vector<512x16xf32>
    %dot_general3A_180 = tpu.matmul %get3A_175, %get3A_178, %dot_general3A_179 {dimension_numbers = #tpu.dot_dimension_numbers<[1], [0], [0], [1], [0, 0, 1, 1], [], []>, transpose_lhs_hint = false} : vector<512x128xf32>, vector<128x16xf32>, vector<512x16xf32> -> vector<512x16xf32>
    %add3A_181 = arith.addf %add3A_170, %dot_general3A_180 : vector<512x16xf32>
    %get3A_182 = arith.constant 16 : index
    %get3A_183 = arith.constant 0 : index
    %get3A_184 = arith.constant 0 : index
    %get3A_185 = vector.load %arg1[%get3A_182, %get3A_183, %get3A_184] : memref<25x512x128xf32, #tpu.memory_space<vmem>>, vector<1x512x128xf32>
    %get3A_186 = vector.shape_cast %get3A_185 : vector<1x512x128xf32> to vector<512x128xf32>
    %get3A_187 = arith.constant 2048 : index
    %get3A_188 = arith.constant 0 : index
    %get3A_189 = vector.load %arg3[%get3A_187, %get3A_188] : memref<3200x16xf32, #tpu.memory_space<vmem>>, vector<128x16xf32>
    %dot_general3A_190 = arith.constant dense<0.000000e+00> : vector<512x16xf32>
    %dot_general3A_191 = tpu.matmul %get3A_186, %get3A_189, %dot_general3A_190 {dimension_numbers = #tpu.dot_dimension_numbers<[1], [0], [0], [1], [0, 0, 1, 1], [], []>, transpose_lhs_hint = false} : vector<512x128xf32>, vector<128x16xf32>, vector<512x16xf32> -> vector<512x16xf32>
    %add3A_192 = arith.addf %add3A_181, %dot_general3A_191 : vector<512x16xf32>
    %get3A_193 = arith.constant 17 : index
    %get3A_194 = arith.constant 0 : index
    %get3A_195 = arith.constant 0 : index
    %get3A_196 = vector.load %arg1[%get3A_193, %get3A_194, %get3A_195] : memref<25x512x128xf32, #tpu.memory_space<vmem>>, vector<1x512x128xf32>
    %get3A_197 = vector.shape_cast %get3A_196 : vector<1x512x128xf32> to vector<512x128xf32>
    %get3A_198 = arith.constant 2176 : index
    %get3A_199 = arith.constant 0 : index
    %get3A_200 = vector.load %arg3[%get3A_198, %get3A_199] : memref<3200x16xf32, #tpu.memory_space<vmem>>, vector<128x16xf32>
    %dot_general3A_201 = arith.constant dense<0.000000e+00> : vector<512x16xf32>
    %dot_general3A_202 = tpu.matmul %get3A_197, %get3A_200, %dot_general3A_201 {dimension_numbers = #tpu.dot_dimension_numbers<[1], [0], [0], [1], [0, 0, 1, 1], [], []>, transpose_lhs_hint = false} : vector<512x128xf32>, vector<128x16xf32>, vector<512x16xf32> -> vector<512x16xf32>
    %add3A_203 = arith.addf %add3A_192, %dot_general3A_202 : vector<512x16xf32>
    %get3A_204 = arith.constant 18 : index
    %get3A_205 = arith.constant 0 : index
    %get3A_206 = arith.constant 0 : index
    %get3A_207 = vector.load %arg1[%get3A_204, %get3A_205, %get3A_206] : memref<25x512x128xf32, #tpu.memory_space<vmem>>, vector<1x512x128xf32>
    %get3A_208 = vector.shape_cast %get3A_207 : vector<1x512x128xf32> to vector<512x128xf32>
    %get3A_209 = arith.constant 2304 : index
    %get3A_210 = arith.constant 0 : index
    %get3A_211 = vector.load %arg3[%get3A_209, %get3A_210] : memref<3200x16xf32, #tpu.memory_space<vmem>>, vector<128x16xf32>
    %dot_general3A_212 = arith.constant dense<0.000000e+00> : vector<512x16xf32>
    %dot_general3A_213 = tpu.matmul %get3A_208, %get3A_211, %dot_general3A_212 {dimension_numbers = #tpu.dot_dimension_numbers<[1], [0], [0], [1], [0, 0, 1, 1], [], []>, transpose_lhs_hint = false} : vector<512x128xf32>, vector<128x16xf32>, vector<512x16xf32> -> vector<512x16xf32>
    %add3A_214 = arith.addf %add3A_203, %dot_general3A_213 : vector<512x16xf32>
    %get3A_215 = arith.constant 19 : index
    %get3A_216 = arith.constant 0 : index
    %get3A_217 = arith.constant 0 : index
    %get3A_218 = vector.load %arg1[%get3A_215, %get3A_216, %get3A_217] : memref<25x512x128xf32, #tpu.memory_space<vmem>>, vector<1x512x128xf32>
    %get3A_219 = vector.shape_cast %get3A_218 : vector<1x512x128xf32> to vector<512x128xf32>
    %get3A_220 = arith.constant 2432 : index
    %get3A_221 = arith.constant 0 : index
    %get3A_222 = vector.load %arg3[%get3A_220, %get3A_221] : memref<3200x16xf32, #tpu.memory_space<vmem>>, vector<128x16xf32>
    %dot_general3A_223 = arith.constant dense<0.000000e+00> : vector<512x16xf32>
    %dot_general3A_224 = tpu.matmul %get3A_219, %get3A_222, %dot_general3A_223 {dimension_numbers = #tpu.dot_dimension_numbers<[1], [0], [0], [1], [0, 0, 1, 1], [], []>, transpose_lhs_hint = false} : vector<512x128xf32>, vector<128x16xf32>, vector<512x16xf32> -> vector<512x16xf32>
    %add3A_225 = arith.addf %add3A_214, %dot_general3A_224 : vector<512x16xf32>
    %get3A_226 = arith.constant 20 : index
    %get3A_227 = arith.constant 0 : index
    %get3A_228 = arith.constant 0 : index
    %get3A_229 = vector.load %arg1[%get3A_226, %get3A_227, %get3A_228] : memref<25x512x128xf32, #tpu.memory_space<vmem>>, vector<1x512x128xf32>
    %get3A_230 = vector.shape_cast %get3A_229 : vector<1x512x128xf32> to vector<512x128xf32>
    %get3A_231 = arith.constant 2560 : index
    %get3A_232 = arith.constant 0 : index
    %get3A_233 = vector.load %arg3[%get3A_231, %get3A_232] : memref<3200x16xf32, #tpu.memory_space<vmem>>, vector<128x16xf32>
    %dot_general3A_234 = arith.constant dense<0.000000e+00> : vector<512x16xf32>
    %dot_general3A_235 = tpu.matmul %get3A_230, %get3A_233, %dot_general3A_234 {dimension_numbers = #tpu.dot_dimension_numbers<[1], [0], [0], [1], [0, 0, 1, 1], [], []>, transpose_lhs_hint = false} : vector<512x128xf32>, vector<128x16xf32>, vector<512x16xf32> -> vector<512x16xf32>
    %add3A_236 = arith.addf %add3A_225, %dot_general3A_235 : vector<512x16xf32>
    %get3A_237 = arith.constant 21 : index
    %get3A_238 = arith.constant 0 : index
    %get3A_239 = arith.constant 0 : index
    %get3A_240 = vector.load %arg1[%get3A_237, %get3A_238, %get3A_239] : memref<25x512x128xf32, #tpu.memory_space<vmem>>, vector<1x512x128xf32>
    %get3A_241 = vector.shape_cast %get3A_240 : vector<1x512x128xf32> to vector<512x128xf32>
    %get3A_242 = arith.constant 2688 : index
    %get3A_243 = arith.constant 0 : index
    %get3A_244 = vector.load %arg3[%get3A_242, %get3A_243] : memref<3200x16xf32, #tpu.memory_space<vmem>>, vector<128x16xf32>
    %dot_general3A_245 = arith.constant dense<0.000000e+00> : vector<512x16xf32>
    %dot_general3A_246 = tpu.matmul %get3A_241, %get3A_244, %dot_general3A_245 {dimension_numbers = #tpu.dot_dimension_numbers<[1], [0], [0], [1], [0, 0, 1, 1], [], []>, transpose_lhs_hint = false} : vector<512x128xf32>, vector<128x16xf32>, vector<512x16xf32> -> vector<512x16xf32>
    %add3A_247 = arith.addf %add3A_236, %dot_general3A_246 : vector<512x16xf32>
    %get3A_248 = arith.constant 22 : index
    %get3A_249 = arith.constant 0 : index
    %get3A_250 = arith.constant 0 : index
    %get3A_251 = vector.load %arg1[%get3A_248, %get3A_249, %get3A_250] : memref<25x512x128xf32, #tpu.memory_space<vmem>>, vector<1x512x128xf32>
    %get3A_252 = vector.shape_cast %get3A_251 : vector<1x512x128xf32> to vector<512x128xf32>
    %get3A_253 = arith.constant 2816 : index
    %get3A_254 = arith.constant 0 : index
    %get3A_255 = vector.load %arg3[%get3A_253, %get3A_254] : memref<3200x16xf32, #tpu.memory_space<vmem>>, vector<128x16xf32>
    %dot_general3A_256 = arith.constant dense<0.000000e+00> : vector<512x16xf32>
    %dot_general3A_257 = tpu.matmul %get3A_252, %get3A_255, %dot_general3A_256 {dimension_numbers = #tpu.dot_dimension_numbers<[1], [0], [0], [1], [0, 0, 1, 1], [], []>, transpose_lhs_hint = false} : vector<512x128xf32>, vector<128x16xf32>, vector<512x16xf32> -> vector<512x16xf32>
    %add3A_258 = arith.addf %add3A_247, %dot_general3A_257 : vector<512x16xf32>
    %get3A_259 = arith.constant 23 : index
    %get3A_260 = arith.constant 0 : index
    %get3A_261 = arith.constant 0 : index
    %get3A_262 = vector.load %arg1[%get3A_259, %get3A_260, %get3A_261] : memref<25x512x128xf32, #tpu.memory_space<vmem>>, vector<1x512x128xf32>
    %get3A_263 = vector.shape_cast %get3A_262 : vector<1x512x128xf32> to vector<512x128xf32>
    %get3A_264 = arith.constant 2944 : index
    %get3A_265 = arith.constant 0 : index
    %get3A_266 = vector.load %arg3[%get3A_264, %get3A_265] : memref<3200x16xf32, #tpu.memory_space<vmem>>, vector<128x16xf32>
    %dot_general3A_267 = arith.constant dense<0.000000e+00> : vector<512x16xf32>
    %dot_general3A_268 = tpu.matmul %get3A_263, %get3A_266, %dot_general3A_267 {dimension_numbers = #tpu.dot_dimension_numbers<[1], [0], [0], [1], [0, 0, 1, 1], [], []>, transpose_lhs_hint = false} : vector<512x128xf32>, vector<128x16xf32>, vector<512x16xf32> -> vector<512x16xf32>
    %add3A_269 = arith.addf %add3A_258, %dot_general3A_268 : vector<512x16xf32>
    %get3A_270 = arith.constant 24 : index
    %get3A_271 = arith.constant 0 : index
    %get3A_272 = arith.constant 0 : index
    %get3A_273 = vector.load %arg1[%get3A_270, %get3A_271, %get3A_272] : memref<25x512x128xf32, #tpu.memory_space<vmem>>, vector<1x512x128xf32>
    %get3A_274 = vector.shape_cast %get3A_273 : vector<1x512x128xf32> to vector<512x128xf32>
    %get3A_275 = arith.constant 3072 : index
    %get3A_276 = arith.constant 0 : index
    %get3A_277 = vector.load %arg3[%get3A_275, %get3A_276] : memref<3200x16xf32, #tpu.memory_space<vmem>>, vector<128x16xf32>
    %dot_general3A_278 = arith.constant dense<0.000000e+00> : vector<512x16xf32>
    %dot_general3A_279 = tpu.matmul %get3A_274, %get3A_277, %dot_general3A_278 {dimension_numbers = #tpu.dot_dimension_numbers<[1], [0], [0], [1], [0, 0, 1, 1], [], []>, transpose_lhs_hint = false} : vector<512x128xf32>, vector<128x16xf32>, vector<512x16xf32> -> vector<512x16xf32>
    %add3A_280 = arith.addf %add3A_269, %dot_general3A_279 : vector<512x16xf32>
    %add3A_281 = vector.broadcast %dot_general3A_5 : vector<1x16xf32> to vector<512x16xf32>
    %add3A_282 = arith.addf %add3A_280, %add3A_281 : vector<512x16xf32>
    %get3A_283 = arith.constant 0 : index
    %get3A_284 = arith.constant 0 : index
    %get3A_285 = vector.load %arg4[%get3A_283, %get3A_284] : memref<1x16xf32, #tpu.memory_space<vmem>>, vector<1x16xf32>
    %add3A_286 = vector.broadcast %get3A_285 : vector<1x16xf32> to vector<512x16xf32>
    %add3A_287 = arith.addf %add3A_282, %add3A_286 : vector<512x16xf32>
    %transpose3A = tpu.transpose %add3A_287, [1, 0] : vector<512x16xf32> -> vector<16x512xf32>
    %swap3A = arith.constant 0 : index
    %swap3A_288 = arith.constant 0 : index
    %swap3A_289 = vector.load %arg5[%swap3A, %swap3A_288] : memref<16x512xf32, #tpu.memory_space<vmem>>, vector<16x512xf32>
    tpu.vector_store %arg5[%swap3A, %swap3A_288], %transpose3A {strides = array<i32>} : memref<16x512xf32, #tpu.memory_space<vmem>>, vector<16x512xf32>,
    return
  }
  func.func @transform_0(%arg0: i32) -> (i32, i32, i32) {
    %c0_i32 = arith.constant 0 : i32
    %c0_i32_0 = arith.constant 0 : i32
    %c0_i32_1 = arith.constant 0 : i32
    return %c0_i32, %arg0, %c0_i32_0 : i32, i32, i32
  }
  func.func @transform_1(%arg0: i32) -> (i32, i32) {
    %c0_i32 = arith.constant 0 : i32
    %c0_i32_0 = arith.constant 0 : i32
    %c0_i32_1 = arith.constant 0 : i32
    return %c0_i32, %c0_i32_0 : i32, i32
  }
  func.func @transform_2(%arg0: i32) -> (i32, i32) {
    %c0_i32 = arith.constant 0 : i32
    %c0_i32_0 = arith.constant 0 : i32
    %c0_i32_1 = arith.constant 0 : i32
    return %c0_i32, %c0_i32_0 : i32, i32
  }
  func.func @transform_3(%arg0: i32) -> (i32, i32) {
    %c0_i32 = arith.constant 0 : i32
    %c0_i32_0 = arith.constant 0 : i32
    %c0_i32_1 = arith.constant 0 : i32
    return %c0_i32, %c0_i32_0 : i32, i32
  }
  func.func @transform_4(%arg0: i32) -> (i32, i32) {
    %c0_i32 = arith.constant 0 : i32
    %c0_i32_0 = arith.constant 0 : i32
    return %c0_i32, %arg0 : i32, i32
  }
}

</mosaic_0001>

<sc_bundles>
// kernel: kernel.6.cloned.1.call-start
scs
__scs_entry_jumppad:
0x0: {  	(pc) =	sbr.rel $0x88, $3  }
0x1: {  	(tag) =	ssettag $0x0;
	lr =	simm.s32 $0x1  }
0x2: {  	[smem:$0x3F9C] =	sst lr;
	_ =	strace $0xD0000000  }
0x3: {  	_ = 	snop  }
0x4: {  	_ = 	snop  }
0x5: {  	_ = 	snop  }
0x6: {  	_ = 	snop  }
0x7: {  	_ = 	snop  }
__scs_overlays_trampoline_lowered:
0x8: {  	[smem:$0x3FAB] =	sst s0  }
0x9: {  	[smem:$0x3FAC] =	sst s1  }
0xa: {  	[smem:$0x3FAD] =	sst s2  }
0xb: {  	[smem:$0x3FAE] =	sst s3  }
0xc: {  	[smem:$0x3FAF] =	sst s4  }
0xd: {  	[smem:$0x3FB0] =	sst s5  }
0xe: {  	[smem:$0x3FB1] =	sst s6  }
0xf: {  	[smem:$0x3FB2] =	sst s7  }
0x10: {  	[smem:$0x3FB3] =	sst s8  }
0x11: {  	[smem:$0x3FB4] =	sst s9;
	s0 =	simm.s32 @!p0 $0x0  }
0x12: {  	s1 =	sld [smem:$0x3F9A];
	s0 =	simm.s32 @p0 $0x1  }
0x13: {  	[smem:$0x3FB5] =	sst s0;
	s0 =	simm.s32 @!p1 $0x0  }
0x14: {  	s2 =	sld [smem:$0x3F99];
	s0 =	simm.s32 @p1 $0x1  }
0x15: {  	[smem:$0x3FB6] =	sst s0;
	s0 =	simm.s32 @!p2 $0x0  }
0x16: {  	s3 =	sld [smem:$0x3FDB];
	s0 =	simm.s32 @p2 $0x1  }
0x17: {  	s4 =	simm.s32 $0x1BF5;
	[smem:$0x3FB8] =	sst s0  }
0x18: {  	s0 =	sld [smem:$0x3F9B];
	_ =	swait.ge [sflag:s4], $0x0  }
0x19: {  	s7 =	sld [smem:$0x3F9C]  }
0x1a: {  	s8 =	sadd.s32 $0xFFFFE003, lr  }
0x1b: {  	s9 =	sadd.s32 $0xFFFFFEF7, lr;
	s5 =	simm.s32 $0xFFFFFFFF;
	p2 =	slt.u32 s8, $0xFFFFF086  }
0x1c: {  	p1 =	slt.u32 s9, $0xF7A;
	s5 =	simm.s32 @!p2 $0x0  }
0x1d: {  	s5 =	simm.s32 @p1 $0x1;
	p0 =	seq.s32 s7, s2  }
0x1e: {  	s7 =	smul.u32 @!p0 $0xF7A, s2;
	p2 =	seq.s32 @!p0 s5, $0x0  }
0x1f: {  	s9 =	smul.u32 $0xF7A, s1;
	s8 =	simm.s32 @!p0 $0x1BF5;
	p2 =	por !p2, p0  }
0x20: {  	[sflag:s8] =	ssyncset.s32 @!p0 $0xFFFFF086;
	s6 =	sadd.s32 @!p0 s3, s7;
	s7 =	simm.s32 @!p0 $0x108  }
0x21: {  	s3 =	sadd.s32 s3, s9;
	s6 =	sadd.s32 @!p0 $0x88, s6;
	s7 =	simm.s32 @p2 $0x1082  }
0x22: {  	[simem:s7], [sflag:s8] =	dma.local @!p0 [hbm:s6], $0xF7A  }
0x23: {  	s9 =	sor.u32 $0xD0000000, s2;
	s6 =	simm.s32 $0x108;
	_ =	swait.ge @!p0 [sflag:s8], $0x0  }
0x24: {  	s3 =	sadd.s32 $0x88, s3;
	s6 =	simm.s32 @!p1 $0x1082;
	[sflag:s4] =	ssyncset.s32 $0xFFFFF086  }
0x25: {  	[simem:s6], [sflag:s4] =	dma.local [hbm:s3], $0xF7A  }
0x26: {  	[smem:$0x3F9C] =	sst s1;
	(tag) =	ssettag s2;
	_ =	strace s9  }
0x27: {  	s1 =	sld [smem:$0x3FAC]  }
0x28: {  	s2 =	sld [smem:$0x3FAD]  }
0x29: {  	s4 =	sld [smem:$0x3FAF]  }
0x2a: {  	p0 =	seq.s32 s5, $0x0;
	s5 =	sld [smem:$0x3FB0]  }
0x2b: {  	s6 =	sld [smem:$0x3FB1]  }
0x2c: {  	s7 =	sld [smem:$0x3FB2]  }
0x2d: {  	s3 =	simm.s32 $0x108;
	s8 =	sld [smem:$0x3FB3]  }
0x2e: {  	s3 =	simm.s32 @!p0 $0x1082;
	s9 =	sld [smem:$0x3FB4]  }
0x2f: {  	lr =	sadd.s32 s0, s3;
	s0 =	sld [smem:$0x3FAB]  }
0x30: {  	s3 =	sld [smem:$0x3FAE]  }
0x31: {  	[smem:$0x3FB7] =	sst s10  }
0x32: {  	s10 =	sld [smem:$0x3FB5];
	_ =	sdelay $0x3  }
0x33: {  	p0 =	seq.s32 s10, $0x1;
	s10 =	sld [smem:$0x3FB7];
	_ =	sdelay $0x3  }
0x34: {  	[smem:$0x3FB7] =	sst s10  }
0x35: {  	s10 =	sld [smem:$0x3FB6];
	_ =	sdelay $0x3  }
0x36: {  	p1 =	seq.s32 s10, $0x1;
	s10 =	sld [smem:$0x3FB7];
	_ =	sdelay $0x3  }
0x37: {  	[smem:$0x3FB7] =	sst s10  }
0x38: {  	s10 =	sld [smem:$0x3FB8]  }
0x39: {  	_ = 	snop;
	(pc) =	sbr.ind lr, $3  }
0x3a: {  	_ = 	snop  }
0x3b: {  	_ = 	snop  }
0x3c: {  	p2 =	seq.s32 s10, $0x1;
	s10 =	sld [smem:$0x3FB7]  }
0x3d: {  	_ =	shalt  }
0x3e: {  	_ =	shalt  }
0x3f: {  	_ =	shalt  }
0x40: {  	_ =	shalt  }
0x41: {  	_ =	shalt  }
0x42: {  	_ =	shalt  }
0x43: {  	_ =	shalt  }
0x44: {  	_ =	shalt  }
0x45: {  	_ =	shalt  }
0x46: {  	_ =	shalt  }
0x47: {  	_ =	shalt  }
0x48: {  	_ =	shalt  }
0x49: {  	_ =	shalt  }
0x4a: {  	_ =	shalt  }
0x4b: {  	_ =	shalt  }
0x4c: {  	_ =	shalt  }
0x4d: {  	_ =	shalt  }
0x4e: {  	_ =	shalt  }
0x4f: {  	_ =	shalt  }
0x50: {  	_ =	shalt  }
0x51: {  	_ =	shalt  }
0x52: {  	_ =	shalt  }
0x53: {  	_ =	shalt  }
0x54: {  	_ =	shalt  }
0x55: {  	_ =	shalt  }
0x56: {  	_ =	shalt  }
0x57: {  	_ =	shalt  }
0x58: {  	_ =	shalt  }
0x59: {  	_ =	shalt  }
0x5a: {  	_ =	shalt  }
0x5b: {  	_ =	shalt  }
0x5c: {  	_ =	shalt  }
0x5d: {  	_ =	shalt  }
0x5e: {  	_ =	shalt  }
0x5f: {  	_ =	shalt  }
0x60: {  	_ =	shalt  }
0x61: {  	_ =	shalt  }
0x62: {  	_ =	shalt  }
0x63: {  	_ =	shalt  }
0x64: {  	_ =	shalt  }
0x65: {  	_ =	shalt  }
0x66: {  	_ =	shalt  }
0x67: {  	_ =	shalt  }
0x68: {  	_ =	shalt  }
0x69: {  	_ =	shalt  }
0x6a: {  	_ =	shalt  }
0x6b: {  	_ =	shalt  }
0x6c: {  	_ =	shalt  }
0x6d: {  	_ =	shalt  }
0x6e: {  	_ =	shalt  }
0x6f: {  	_ =	shalt  }
0x70: {  	_ =	shalt  }
0x71: {  	_ =	shalt  }
0x72: {  	_ =	shalt  }
0x73: {  	_ =	shalt  }
0x74: {  	_ =	shalt  }
0x75: {  	_ =	shalt  }
0x76: {  	_ =	shalt  }
0x77: {  	_ =	shalt  }
0x78: {  	_ =	shalt  }
0x79: {  	_ =	shalt  }
0x7a: {  	_ =	shalt  }
0x7b: {  	_ =	shalt  }
0x7c: {  	_ =	shalt  }
0x7d: {  	_ =	shalt  }
0x7e: {  	_ =	shalt  }
0x7f: {  	_ =	shalt  }
0x80: {  	_ =	shalt  }
0x81: {  	_ =	shalt  }
0x82: {  	_ =	shalt  }
0x83: {  	_ =	shalt  }
0x84: {  	_ =	shalt  }
0x85: {  	_ =	shalt  }
0x86: {  	_ =	shalt  }
0x87: {  	_ =	shalt  }
.Lfunc_end0:
.L_simem_size_0:
called_computation_lowered:
.L_overlay_start_0:
0x88: {  	s2 =	sld [smem:$0x3FD9]  }
0x89: {  	s3 =	sld [smem:$0x3FFE];
	_ =	sdelay $0x1  }
0x8a: {  	s1 =	srdreg.scid  }
0x8b: {  	s0 =	sand.u32 $0x1, s1  }
0x8c: {  	s16 =	sshll.u32 s0, $0xA;
	s2 =	sadd.s32 s3, s2  }
0x8d: {  	s2 =	sadd.s32 s2, s16  }
0x8e: {  	[smem:$0x3FC3] =	sst s2  }
0x8f: {  	_ = 	snop  }
0x90: {  	(tm) =	ssettm $0x1  }
0x91: {  	s17 =	sld [smem:$0x3FFB];
	_ =	sdelay $0x3  }
0x92: {  	_ =	strace s17  }
0x93: {  	s2 =	sld [smem:$0x3FFC];
	_ =	sdelay $0x3  }
0x94: {  	_ =	strace s2  }
0x95: {  	s2 =	sld [smem:$0x3FFD];
	_ =	sdelay $0x3  }
0x96: {  	_ =	strace s2  }
0x97: {  	_ =	strace $0x8FFFFFFF  }
0x98: {  	s18 =	sld [smem:$0x3FDB];
	_ =	sdelay $0x1  }
0x99: {  	s19 =	simm.s32 $_scs_section_size  }
0x9a: {  	s4 =	simm.s32 $_size__tile_overlayer_lowered;
	s5 =	simm.s32 $_tile_overlayer_lowered  }
0x9b: {  	s22 =	simm.s32 $0x1BFF;
	s21 =	sshll.u32 s5, $0x1;
	s2 =	sadd.s32 s19, s18  }
0x9c: {  	s6 =	simm.s32 $0x0;
	s20 =	sshll.u32 s4, $0x1;
	s4 =	sadd.s32 s21, s2  }
0x9d: {  	[timem:s6], [sflag:s22] =	dma.local [hbm:s4], s20  }
0x9e: {  	_ =	swait.ge [sflag:s22], s20  }
0x9f: {  	s3 =	ssub.s32 $0x0, s20;
	[sflag:s22] =	ssyncset.done $0x0  }
0xa0: {  	[sflag:s22] =	ssyncadd.s32 s3;
	_ =	sdelay $0x1  }
0xa1: {  	s23 =	simm.s32 $0x1B8B  }
0xa2: {  	_ =	swait.ge [sflag:s23], $0x1  }
0xa3: {  	[sflag:s23] =	ssyncset.done $0x0  }
0xa4: {  	s25 =	simm.s32 $0x1B8E;
	s24 =	sld [smem:$0x3FFE];
	[sflag:s23] =	ssyncadd.s32 $0xFFFFFFFF  }
0xa5: {  	s26 =	simm.s32 $execute0_lowered;
	[smem:$0x3FD2] =	sst s25  }
0xa6: {  	s4 =	sshll.u32 s26, $0x1;
	_ =	strace $0x80000046;
	[dreg:$0x1] =	wrdreg $0xFFFFFFFF  }
0xa7: {  	s28 =	simm.s32 $_size_execute0_lowered;
	s2 =	sadd.s32 s2, s4;
	[dreg:$0x0] =	wrdreg $0x0  }
0xa8: {  	s4 =	sshll.u32 s28, $0x1;
	[dreg:$0x2] =	wrdreg s2  }
0xa9: {  	[dreg:$0x3] =	wrdreg s4  }
0xaa: {  	[dreg:$0x4] =	wrdreg $0xC0  }
0xab: {  	_ =	task [dreg:s6], $0x5FFFF  }
0xac: {  	[dreg:$0x1] =	wrdreg $0xFFFFFFFF  }
0xad: {  	[dreg:$0x0] =	wrdreg $0x60  }
0xae: {  	[dreg:$0x2] =	wrdreg s24  }
0xaf: {  	[dreg:$0x3] =	wrdreg $0x9  }
0xb0: {  	_ =	task.clear_ibuf [dreg:s6], $0x4FFFF;
	_ =	strace $0x90000046  }
0xb1: {  	s29 =	simm.s32 $0x9;
	_ =	strace $0x80000048  }
0xb2: {  	_ =	swait.ge [sflag:s29], $0x1  }
0xb3: {  	[sflag:s29] =	ssyncadd.s32 $0xFFFFFFFF  }
0xb4: {  	_ =	strace $0x90000048  }
0xb5: {  	_ =	sfence  }
0xb6: {  	s30 =	sld [smem:$0x0];
	_ =	sdelay $0x2  }
0xb7: {  	s31 =	sshll.u32 s1, $0xD;
	s1 =	sshrl.u32 s1, $0x2  }
0xb8: {  	s3 =	sand.u32 $0x4000, s31;
	s1 =	sadd.s32 s1, s30  }
0xb9: {  	s0 =	sor.u32 s3, s0;
	s1 =	sshll.u32 s1, $0x11  }
0xba: {  	s0 =	sor.u32 s1, s0  }
0xbb: {  	s0 =	sadd.s32 $0x8F2B, s0  }
0xbc: {  	[sflag:s0] =	ssyncadd.remote.s32 $0x1  }
0xbd: {  	_ =	sfence.sel $0xFFFF  }
0xbe: {  	[dreg:$0x0] =	wrdreg $0xFFFFFFFF;
	(pc) =	sbr.abs _section_cstart, $3  }
0xbf: {  	[dreg:$0x1] =	wrdreg $0xFFFFFFFF  }
0xc0: {  	_ =	task.clear_ibuf [dreg:s6], $0x2FFFF;
	_ =	strace $0x9FFFFFFF  }
0xc1: {  	(tm) =	ssettm $0x7FFFFFFF  }
tec
execute0_lowered:
.L_overlay_start_1:
0x0: {  	(tag) =	ssettag $0x1  }
0x1: {  	v0 =	vlaneseq.u32  }
0x2: {  	v1 =	vand.u32 $0x7, v0;
	v0 =	vshrl.u32 v0, $0x3  }
0x3: {  	v5 =	vmul.u32 $0x80, v1;
	v1 =	vor.u32 $0x4, v0  }
0x4: {  	[tilespmem:$0x1FC40] =	vst v1;
	v1 =	vor.u32 $0x6, v0  }
0x5: {  	[tilespmem:$0x1FC50] =	vst v1;
	v1 =	vor.u32 $0x8, v0  }
0x6: {  	[tilespmem:$0x1FC60] =	vst v1;
	v1 =	vor.u32 $0xA, v0  }
0x7: {  	[tilespmem:$0x1FC70] =	vst v1;
	v1 =	vor.u32 $0xC, v0  }
0x8: {  	[tilespmem:$0x1FC80] =	vst v1;
	v1 =	vor.u32 $0xE, v0  }
0x9: {  	[tilespmem:$0x1FC90] =	vst v1;
	v1 =	vor.u32 $0x10, v0  }
0xa: {  	[tilespmem:$0x1FCA0] =	vst v1;
	v1 =	vor.u32 $0x12, v0  }
0xb: {  	[tilespmem:$0x1FCB0] =	vst v1;
	v1 =	vor.u32 $0x14, v0  }
0xc: {  	[tilespmem:$0x1FCC0] =	vst v1;
	v1 =	vor.u32 $0x16, v0  }
0xd: {  	[tilespmem:$0x1FCD0] =	vst v1;
	v1 =	vor.u32 $0x18, v0  }
0xe: {  	[tilespmem:$0x1FCE0] =	vst v1;
	v1 =	vor.u32 $0x1A, v0  }
0xf: {  	[tilespmem:$0x1FCF0] =	vst v1;
	v1 =	vor.u32 $0x1C, v0  }
0x10: {  	[tilespmem:$0x1FD00] =	vst v1;
	v1 =	vor.u32 $0x1E, v0  }
0x11: {  	[tilespmem:$0x1FD10] =	vst v1;
	v1 =	vor.u32 $0x20, v0  }
0x12: {  	[tilespmem:$0x1FD20] =	vst v1;
	v1 =	vor.u32 $0x22, v0  }
0x13: {  	[tilespmem:$0x1FD30] =	vst v1;
	v1 =	vor.u32 $0x24, v0  }
0x14: {  	[tilespmem:$0x1FD40] =	vst v1;
	v1 =	vor.u32 $0x26, v0  }
0x15: {  	[tilespmem:$0x1FD50] =	vst v1;
	v1 =	vor.u32 $0x28, v0  }
0x16: {  	[tilespmem:$0x1FD60] =	vst v1;
	v1 =	vor.u32 $0x2A, v0  }
0x17: {  	[tilespmem:$0x1FD70] =	vst v1;
	v1 =	vor.u32 $0x2C, v0  }
0x18: {  	[tilespmem:$0x1FD80] =	vst v1;
	v1 =	vor.u32 $0x2E, v0  }
0x19: {  	[tilespmem:$0x1FD90] =	vst v1;
	v1 =	vor.u32 $0x30, v0  }
0x1a: {  	[tilespmem:$0x1FDA0] =	vst v1;
	v1 =	vor.u32 $0x32, v0  }
0x1b: {  	[tilespmem:$0x1FDB0] =	vst v1;
	v1 =	vor.u32 $0x34, v0  }
0x1c: {  	[tilespmem:$0x1FDC0] =	vst v1;
	v1 =	vor.u32 $0x36, v0  }
0x1d: {  	[tilespmem:$0x1FDD0] =	vst v1;
	v1 =	vor.u32 $0x38, v0  }
0x1e: {  	[tilespmem:$0x1FDE0] =	vst v1;
	v1 =	vor.u32 $0x3A, v0  }
0x1f: {  	[tilespmem:$0x1FDF0] =	vst v1;
	v1 =	vor.u32 $0x3C, v0  }
0x20: {  	[tilespmem:$0x1FE00] =	vst v1;
	v1 =	vor.u32 $0x3E, v0  }
0x21: {  	[tilespmem:$0x1FE10] =	vst v1;
	v1 =	vor.u32 $0x40, v0  }
0x22: {  	[tilespmem:$0x1FE20] =	vst v1;
	v1 =	vor.u32 $0x42, v0  }
0x23: {  	[tilespmem:$0x1FE30] =	vst v1;
	v1 =	vor.u32 $0x44, v0  }
0x24: {  	[tilespmem:$0x1FE40] =	vst v1;
	v1 =	vor.u32 $0x46, v0  }
0x25: {  	[tilespmem:$0x1FE50] =	vst v1;
	v1 =	vor.u32 $0x48, v0  }
0x26: {  	[tilespmem:$0x1FE60] =	vst v1;
	v1 =	vor.u32 $0x4A, v0  }
0x27: {  	[tilespmem:$0x1FE70] =	vst v1;
	v1 =	vor.u32 $0x4C, v0  }
0x28: {  	[tilespmem:$0x1FE80] =	vst v1;
	v1 =	vor.u32 $0x4E, v0  }
0x29: {  	[tilespmem:$0x1FE90] =	vst v1;
	v1 =	vor.u32 $0x50, v0  }
0x2a: {  	[tilespmem:$0x1FEA0] =	vst v1;
	v1 =	vor.u32 $0x52, v0  }
0x2b: {  	[tilespmem:$0x1FEB0] =	vst v1;
	v1 =	vor.u32 $0x54, v0  }
0x2c: {  	[tilespmem:$0x1FEC0] =	vst v1;
	v1 =	vor.u32 $0x56, v0  }
0x2d: {  	[tilespmem:$0x1FED0] =	vst v1;
	v1 =	vor.u32 $0x58, v0  }
0x2e: {  	[tilespmem:$0x1FEE0] =	vst v1;
	v1 =	vor.u32 $0x5A, v0  }
0x2f: {  	s3 =	rddreg [dreg:$0x0];
	s2 =	simm.s32 $0x0;
	[tilespmem:$0x1FEF0] =	vst v1;
	v1 =	vor.u32 $0x5C, v0  }
0x30: {  	s1 =	srdreg.scid;
	[smem:$0x7FF] =	sst s2;
	[tilespmem:$0x1FF00] =	vst v1;
	v1 =	vor.u32 $0x5E, v0  }
0x31: {  	s4 =	sand.u32 $0x1, s1;
	s1 =	rddreg [dreg:$0x1];
	_ =	strace $0x80000047;
	[tilespmem:$0x1FF10] =	vst v1;
	v1 =	vor.u32 $0x60, v0  }
0x32: {  	[tilespmem:$0x1FF20] =	vst v1;
	v1 =	vor.u32 $0x62, v0  }
0x33: {  	[tilespmem:$0x1FF30] =	vst v1;
	v1 =	vor.u32 $0x64, v0  }
0x34: {  	[tilespmem:$0x1FF40] =	vst v1;
	v1 =	vor.u32 $0x66, v0  }
0x35: {  	[tilespmem:$0x1FF50] =	vst v1;
	v1 =	vor.u32 $0x68, v0  }
0x36: {  	[tilespmem:$0x1FF60] =	vst v1;
	v1 =	vor.u32 $0x6A, v0  }
0x37: {  	[tilespmem:$0x1FF70] =	vst v1;
	v1 =	vor.u32 $0x6C, v0  }
0x38: {  	[tilespmem:$0x1FF80] =	vst v1;
	v1 =	vor.u32 $0x6E, v0  }
0x39: {  	s0 =	stileid.u32;
	[tilespmem:$0x1FF90] =	vst v1;
	v1 =	vor.u32 $0x70, v0  }
0x3a: {  	s8 =	simm.s32 $0x1;
	s5 =	sshll.u32 s0, $0x1;
	[tilespmem:$0x1FFA0] =	vst v1;
	v1 =	vor.u32 $0x72, v0  }
0x3b: {  	s9 =	simm.s32 $0x6400;
	s5 =	sor.u32 s4, s5;
	s4 =	ssub.s32 $0x2, s4;
	[tilespmem:$0x1FFB0] =	vst v1;
	v1 =	vor.u32 $0x74, v0  }
0x3c: {  	s6 =	smul.u32 $0xC80, s5;
	s5 =	sshll.u32 s5, $0x4;
	s31 =	sshrl.u32 s4, $0x1;
	[tilespmem:$0x1FFC0] =	vst v1;
	v1 =	vor.u32 $0x76, v0  }
0x3d: {  	s10 =	simm.s32 $0x0;
	s5 =	sadd.s32 s5, s3;
	s7 =	ssub.s32 s4, s31;
	[tilespmem:$0x1FFD0] =	vst v1;
	v1 =	vor.u32 $0x78, v0  }
0x3e: {  	s6 =	sadd.s32 s6, s3;
	s3 =	sadd.s32 $0xE00, s5;
	s5 =	smax.u32 s7, $0x1;
	[tilespmem:$0x1FFE0] =	vst v1;
	v1 =	vor.u32 $0x7A, v0  }
0x3f: {  	v6 =	vor.u32 $0x2, v0;
	s7 =	simm.s32 $0x1000;
	s4 =	sadd.s32 $0x19E00, s6;
	s6 =	simm.s32 $0x80;
	[tilespmem:$0x1FFF0] =	vst v1  }
.LBB2_1:
0x40: {  	[tilespmem:s2], [sflag:$0x1] =	stream.strided.gather [hbm4b:s3+s6], $0x6400, s7, s6, $0x38;
	[tilespmem:$0xC800] =	vst v63  }
0x41: {  	_ =	swait.ge [sflag:s8], $0x6400  }
0x42: {  	v11 =	vld [tilespmem:$0x1FC80]  }
0x43: {  	v12 =	vld [tilespmem:$0x1FC90]  }
0x44: {  	v13 =	vld [tilespmem:$0x1FCA0]  }
0x45: {  	v14 =	vld [tilespmem:$0x1FCB0]  }
0x46: {  	v15 =	vld [tilespmem:$0x1FCC0]  }
0x47: {  	v16 =	vld [tilespmem:$0x1FCD0]  }
0x48: {  	v17 =	vld [tilespmem:$0x1FCE0]  }
0x49: {  	v18 =	vld [tilespmem:$0x1FCF0]  }
0x4a: {  	v19 =	vld [tilespmem:$0x1FD00]  }
0x4b: {  	v20 =	vld [tilespmem:$0x1FD10]  }
0x4c: {  	v21 =	vld [tilespmem:$0x1FD20]  }
0x4d: {  	v22 =	vld [tilespmem:$0x1FD30]  }
0x4e: {  	v23 =	vld [tilespmem:$0x1FD40]  }
0x4f: {  	v24 =	vld [tilespmem:$0x1FD50]  }
0x50: {  	v25 =	vld [tilespmem:$0x1FD60]  }
0x51: {  	v26 =	vld [tilespmem:$0x1FD70]  }
0x52: {  	v27 =	vld [tilespmem:$0x1FD80]  }
0x53: {  	v28 =	vld [tilespmem:$0x1FD90]  }
0x54: {  	v29 =	vld [tilespmem:$0x1FDA0]  }
0x55: {  	v30 =	vld [tilespmem:$0x1FDB0]  }
0x56: {  	v31 =	vld [tilespmem:$0x1FDC0]  }
0x57: {  	v32 =	vld [tilespmem:$0x1FDD0]  }
0x58: {  	v33 =	vld [tilespmem:$0x1FDE0]  }
0x59: {  	v34 =	vld [tilespmem:$0x1FDF0]  }
0x5a: {  	v35 =	vld [tilespmem:$0x1FE00]  }
0x5b: {  	v36 =	vld [tilespmem:$0x1FE10]  }
0x5c: {  	v37 =	vld [tilespmem:$0x1FE20]  }
0x5d: {  	v38 =	vld [tilespmem:$0x1FE30]  }
0x5e: {  	v39 =	vld [tilespmem:$0x1FE40]  }
0x5f: {  	v40 =	vld [tilespmem:$0x1FE50]  }
0x60: {  	v41 =	vld [tilespmem:$0x1FE60]  }
0x61: {  	v42 =	vld [tilespmem:$0x1FE70]  }
0x62: {  	v43 =	vld [tilespmem:$0x1FE80]  }
0x63: {  	v44 =	vld [tilespmem:$0x1FE90]  }
0x64: {  	v45 =	vld [tilespmem:$0x1FEA0]  }
0x65: {  	v46 =	vld [tilespmem:$0x1FEB0]  }
0x66: {  	v47 =	vld [tilespmem:$0x1FEC0]  }
0x67: {  	v48 =	vld [tilespmem:$0x1FED0]  }
0x68: {  	v49 =	vld [tilespmem:$0x1FEE0]  }
0x69: {  	v50 =	vld [tilespmem:$0x1FEF0]  }
0x6a: {  	v51 =	vld [tilespmem:$0x1FF00]  }
0x6b: {  	v52 =	vld [tilespmem:$0x1FF10]  }
0x6c: {  	v53 =	vld [tilespmem:$0x1FF20]  }
0x6d: {  	v54 =	vld [tilespmem:$0x1FF30]  }
0x6e: {  	v55 =	vld [tilespmem:$0x1FF40]  }
0x6f: {  	v56 =	vld [tilespmem:$0x1FF50]  }
0x70: {  	v57 =	vld [tilespmem:$0x1FF60]  }
0x71: {  	v58 =	vld [tilespmem:$0x1FF70]  }
0x72: {  	v59 =	vld [tilespmem:$0x1FF80]  }
0x73: {  	v60 =	vld [tilespmem:$0x1FF90]  }
0x74: {  	v61 =	vld [tilespmem:$0x1FFA0]  }
0x75: {  	v62 =	vld [tilespmem:$0x1FFB0]  }
0x76: {  	v7 =	vld [tilespmem:$0x1FFC0]  }
0x77: {  	v8 =	vld [tilespmem:$0x1FFD0]  }
0x78: {  	[sflag:s8] =	ssyncset.done $0x0;
	v9 =	vld [tilespmem:$0x1FFE0]  }
0x79: {  	s11 =	simm.s32 $0x6600;
	s12 =	simm.s32 $0x0;
	v10 =	vld [tilespmem:$0x1FFF0];
	[sflag:s8] =	ssyncadd.s32 $0xFFFF9C00  }
.LBB2_2:
0x7a: {  	v63 =	vmov s12  }
0x7b: {  	v63 =	vshll.u32 v63, $0x7  }
0x7c: {  	v63 =	vor.u32 v5, v63  }
0x7d: {  	v1 =	vor.u32 v0, v63;
	_ =	sdelay $0x4  }
0x7e: {  	v1 =	vld.idx.msk [tilespmem:v1+s2+$0x0], $0xffff;
	_ =	sdelay $0x4  }
0x7f: {  	v3 =	vor.u32 v6, v63;
	v2 =	vshll.u32 v1, $0x3  }
0x80: {  	v4 =	vand.u32 $0xFFFF8000, v1;
	v1 =	vshrl.u32 v1, $0xC;
	v2 =	vand.u32 $0x7FF8, v2  }
0x81: {  	v1 =	vand.u32 $0x7, v1;
	v2 =	vor.u32 v4, v2  }
0x82: {  	v1 =	vor.u32 v1, v2  }
0x83: {  	[tilespmem:s11+$0xFFFFFE00] =	vst v1  }
0x84: {  	v1 =	vld.idx.msk [tilespmem:v3+s2+$0x0], $0xffff  }
0x85: {  	v3 =	vld [tilespmem:$0x1FC40];
	_ =	sdelay $0x4  }
0x86: {  	v2 =	vshll.u32 v1, $0x3;
	v3 =	vor.u32 v3, v63  }
0x87: {  	v4 =	vand.u32 $0xFFFF8000, v1;
	v1 =	vshrl.u32 v1, $0xC;
	v2 =	vand.u32 $0x7FF8, v2  }
0x88: {  	v1 =	vand.u32 $0x7, v1;
	v2 =	vor.u32 v4, v2  }
0x89: {  	v1 =	vor.u32 v1, v2  }
0x8a: {  	[tilespmem:s11+$0xFFFFFE10] =	vst v1  }
0x8b: {  	v1 =	vld.idx.msk [tilespmem:v3+s2+$0x0], $0xffff  }
0x8c: {  	v3 =	vld [tilespmem:$0x1FC50];
	_ =	sdelay $0x4  }
0x8d: {  	v2 =	vshll.u32 v1, $0x3;
	v3 =	vor.u32 v3, v63  }
0x8e: {  	v4 =	vand.u32 $0xFFFF8000, v1;
	v1 =	vshrl.u32 v1, $0xC;
	v2 =	vand.u32 $0x7FF8, v2  }
0x8f: {  	v1 =	vand.u32 $0x7, v1;
	v2 =	vor.u32 v4, v2  }
0x90: {  	v1 =	vor.u32 v1, v2  }
0x91: {  	[tilespmem:s11+$0xFFFFFE20] =	vst v1  }
0x92: {  	v1 =	vld.idx.msk [tilespmem:v3+s2+$0x0], $0xffff  }
0x93: {  	v3 =	vld [tilespmem:$0x1FC60];
	_ =	sdelay $0x4  }
0x94: {  	v2 =	vshll.u32 v1, $0x3;
	v3 =	vor.u32 v3, v63  }
0x95: {  	v4 =	vand.u32 $0xFFFF8000, v1;
	v1 =	vshrl.u32 v1, $0xC;
	v2 =	vand.u32 $0x7FF8, v2  }
0x96: {  	v1 =	vand.u32 $0x7, v1;
	v2 =	vor.u32 v4, v2  }
0x97: {  	v1 =	vor.u32 v1, v2  }
0x98: {  	[tilespmem:s11+$0xFFFFFE30] =	vst v1  }
0x99: {  	v1 =	vld.idx.msk [tilespmem:v3+s2+$0x0], $0xffff  }
0x9a: {  	v3 =	vld [tilespmem:$0x1FC70];
	_ =	sdelay $0x4  }
0x9b: {  	v2 =	vshll.u32 v1, $0x3;
	v3 =	vor.u32 v3, v63  }
0x9c: {  	v4 =	vand.u32 $0xFFFF8000, v1;
	v1 =	vshrl.u32 v1, $0xC;
	v2 =	vand.u32 $0x7FF8, v2  }
0x9d: {  	v1 =	vand.u32 $0x7, v1;
	v2 =	vor.u32 v4, v2  }
0x9e: {  	v1 =	vor.u32 v1, v2  }
0x9f: {  	[tilespmem:s11+$0xFFFFFE40] =	vst v1  }
0xa0: {  	v1 =	vld.idx.msk [tilespmem:v3+s2+$0x0], $0xffff;
	_ =	sdelay $0x4  }
0xa1: {  	v3 =	vor.u32 v11, v63;
	v2 =	vshll.u32 v1, $0x3  }
0xa2: {  	v4 =	vand.u32 $0xFFFF8000, v1;
	v1 =	vshrl.u32 v1, $0xC;
	v2 =	vand.u32 $0x7FF8, v2  }
0xa3: {  	v1 =	vand.u32 $0x7, v1;
	v2 =	vor.u32 v4, v2  }
0xa4: {  	v1 =	vor.u32 v1, v2  }
0xa5: {  	[tilespmem:s11+$0xFFFFFE50] =	vst v1  }
0xa6: {  	v1 =	vld.idx.msk [tilespmem:v3+s2+$0x0], $0xffff;
	_ =	sdelay $0x4  }
0xa7: {  	v3 =	vor.u32 v12, v63;
	v2 =	vshll.u32 v1, $0x3  }
0xa8: {  	v4 =	vand.u32 $0xFFFF8000, v1;
	v1 =	vshrl.u32 v1, $0xC;
	v2 =	vand.u32 $0x7FF8, v2  }
0xa9: {  	v1 =	vand.u32 $0x7, v1;
	v2 =	vor.u32 v4, v2  }
0xaa: {  	v1 =	vor.u32 v1, v2  }
0xab: {  	[tilespmem:s11+$0xFFFFFE60] =	vst v1  }
0xac: {  	v1 =	vld.idx.msk [tilespmem:v3+s2+$0x0], $0xffff;
	_ =	sdelay $0x4  }
0xad: {  	v3 =	vor.u32 v13, v63;
	v2 =	vshll.u32 v1, $0x3  }
0xae: {  	v4 =	vand.u32 $0xFFFF8000, v1;
	v1 =	vshrl.u32 v1, $0xC;
	v2 =	vand.u32 $0x7FF8, v2  }
0xaf: {  	v1 =	vand.u32 $0x7, v1;
	v2 =	vor.u32 v4, v2  }
0xb0: {  	v1 =	vor.u32 v1, v2  }
0xb1: {  	[tilespmem:s11+$0xFFFFFE70] =	vst v1  }
0xb2: {  	v1 =	vld.idx.msk [tilespmem:v3+s2+$0x0], $0xffff;
	_ =	sdelay $0x4  }
0xb3: {  	v3 =	vor.u32 v14, v63;
	v2 =	vshll.u32 v1, $0x3  }
0xb4: {  	v4 =	vand.u32 $0xFFFF8000, v1;
	v1 =	vshrl.u32 v1, $0xC;
	v2 =	vand.u32 $0x7FF8, v2  }
0xb5: {  	v1 =	vand.u32 $0x7, v1;
	v2 =	vor.u32 v4, v2  }
0xb6: {  	v1 =	vor.u32 v1, v2  }
0xb7: {  	[tilespmem:s11+$0xFFFFFE80] =	vst v1  }
0xb8: {  	v1 =	vld.idx.msk [tilespmem:v3+s2+$0x0], $0xffff;
	_ =	sdelay $0x4  }
0xb9: {  	v3 =	vor.u32 v15, v63;
	v2 =	vshll.u32 v1, $0x3  }
0xba: {  	v4 =	vand.u32 $0xFFFF8000, v1;
	v1 =	vshrl.u32 v1, $0xC;
	v2 =	vand.u32 $0x7FF8, v2  }
0xbb: {  	v1 =	vand.u32 $0x7, v1;
	v2 =	vor.u32 v4, v2  }
0xbc: {  	v1 =	vor.u32 v1, v2  }
0xbd: {  	[tilespmem:s11+$0xFFFFFE90] =	vst v1  }
0xbe: {  	v1 =	vld.idx.msk [tilespmem:v3+s2+$0x0], $0xffff;
	_ =	sdelay $0x4  }
0xbf: {  	v3 =	vor.u32 v16, v63;
	v2 =	vshll.u32 v1, $0x3  }
0xc0: {  	v4 =	vand.u32 $0xFFFF8000, v1;
	v1 =	vshrl.u32 v1, $0xC;
	v2 =	vand.u32 $0x7FF8, v2  }
0xc1: {  	v1 =	vand.u32 $0x7, v1;
	v2 =	vor.u32 v4, v2  }
0xc2: {  	v1 =	vor.u32 v1, v2  }
0xc3: {  	[tilespmem:s11+$0xFFFFFEA0] =	vst v1  }
0xc4: {  	v1 =	vld.idx.msk [tilespmem:v3+s2+$0x0], $0xffff;
	_ =	sdelay $0x4  }
0xc5: {  	v3 =	vor.u32 v17, v63;
	v2 =	vshll.u32 v1, $0x3  }
0xc6: {  	v4 =	vand.u32 $0xFFFF8000, v1;
	v1 =	vshrl.u32 v1, $0xC;
	v2 =	vand.u32 $0x7FF8, v2  }
0xc7: {  	v1 =	vand.u32 $0x7, v1;
	v2 =	vor.u32 v4, v2  }
0xc8: {  	v1 =	vor.u32 v1, v2  }
0xc9: {  	[tilespmem:s11+$0xFFFFFEB0] =	vst v1  }
0xca: {  	v1 =	vld.idx.msk [tilespmem:v3+s2+$0x0], $0xffff;
	_ =	sdelay $0x4  }
0xcb: {  	v3 =	vor.u32 v18, v63;
	v2 =	vshll.u32 v1, $0x3  }
0xcc: {  	v4 =	vand.u32 $0xFFFF8000, v1;
	v1 =	vshrl.u32 v1, $0xC;
	v2 =	vand.u32 $0x7FF8, v2  }
0xcd: {  	v1 =	vand.u32 $0x7, v1;
	v2 =	vor.u32 v4, v2  }
0xce: {  	v1 =	vor.u32 v1, v2  }
0xcf: {  	[tilespmem:s11+$0xFFFFFEC0] =	vst v1  }
0xd0: {  	v1 =	vld.idx.msk [tilespmem:v3+s2+$0x0], $0xffff;
	_ =	sdelay $0x4  }
0xd1: {  	v3 =	vor.u32 v19, v63;
	v2 =	vshll.u32 v1, $0x3  }
0xd2: {  	v4 =	vand.u32 $0xFFFF8000, v1;
	v1 =	vshrl.u32 v1, $0xC;
	v2 =	vand.u32 $0x7FF8, v2  }
0xd3: {  	v1 =	vand.u32 $0x7, v1;
	v2 =	vor.u32 v4, v2  }
0xd4: {  	v1 =	vor.u32 v1, v2  }
0xd5: {  	[tilespmem:s11+$0xFFFFFED0] =	vst v1  }
0xd6: {  	v1 =	vld.idx.msk [tilespmem:v3+s2+$0x0], $0xffff;
	_ =	sdelay $0x4  }
0xd7: {  	v3 =	vor.u32 v20, v63;
	v2 =	vshll.u32 v1, $0x3  }
0xd8: {  	v4 =	vand.u32 $0xFFFF8000, v1;
	v1 =	vshrl.u32 v1, $0xC;
	v2 =	vand.u32 $0x7FF8, v2  }
0xd9: {  	v1 =	vand.u32 $0x7, v1;
	v2 =	vor.u32 v4, v2  }
0xda: {  	v1 =	vor.u32 v1, v2  }
0xdb: {  	[tilespmem:s11+$0xFFFFFEE0] =	vst v1  }
0xdc: {  	v1 =	vld.idx.msk [tilespmem:v3+s2+$0x0], $0xffff;
	_ =	sdelay $0x4  }
0xdd: {  	v3 =	vor.u32 v21, v63;
	v2 =	vshll.u32 v1, $0x3  }
0xde: {  	v4 =	vand.u32 $0xFFFF8000, v1;
	v1 =	vshrl.u32 v1, $0xC;
	v2 =	vand.u32 $0x7FF8, v2  }
0xdf: {  	v1 =	vand.u32 $0x7, v1;
	v2 =	vor.u32 v4, v2  }
0xe0: {  	v1 =	vor.u32 v1, v2  }
0xe1: {  	[tilespmem:s11+$0xFFFFFEF0] =	vst v1  }
0xe2: {  	v1 =	vld.idx.msk [tilespmem:v3+s2+$0x0], $0xffff;
	_ =	sdelay $0x4  }
0xe3: {  	v3 =	vor.u32 v22, v63;
	v2 =	vshll.u32 v1, $0x3  }
0xe4: {  	v4 =	vand.u32 $0xFFFF8000, v1;
	v1 =	vshrl.u32 v1, $0xC;
	v2 =	vand.u32 $0x7FF8, v2  }
0xe5: {  	v1 =	vand.u32 $0x7, v1;
	v2 =	vor.u32 v4, v2  }
0xe6: {  	v1 =	vor.u32 v1, v2  }
0xe7: {  	[tilespmem:s11+$0xFFFFFF00] =	vst v1  }
0xe8: {  	v1 =	vld.idx.msk [tilespmem:v3+s2+$0x0], $0xffff;
	_ =	sdelay $0x4  }
0xe9: {  	v3 =	vor.u32 v23, v63;
	v2 =	vshll.u32 v1, $0x3  }
0xea: {  	v4 =	vand.u32 $0xFFFF8000, v1;
	v1 =	vshrl.u32 v1, $0xC;
	v2 =	vand.u32 $0x7FF8, v2  }
0xeb: {  	v1 =	vand.u32 $0x7, v1;
	v2 =	vor.u32 v4, v2  }
0xec: {  	v1 =	vor.u32 v1, v2  }
0xed: {  	[tilespmem:s11+$0xFFFFFF10] =	vst v1  }
0xee: {  	v1 =	vld.idx.msk [tilespmem:v3+s2+$0x0], $0xffff;
	_ =	sdelay $0x4  }
0xef: {  	v3 =	vor.u32 v24, v63;
	v2 =	vshll.u32 v1, $0x3  }
0xf0: {  	v4 =	vand.u32 $0xFFFF8000, v1;
	v1 =	vshrl.u32 v1, $0xC;
	v2 =	vand.u32 $0x7FF8, v2  }
0xf1: {  	v1 =	vand.u32 $0x7, v1;
	v2 =	vor.u32 v4, v2  }
0xf2: {  	v1 =	vor.u32 v1, v2  }
0xf3: {  	[tilespmem:s11+$0xFFFFFF20] =	vst v1  }
0xf4: {  	v1 =	vld.idx.msk [tilespmem:v3+s2+$0x0], $0xffff;
	_ =	sdelay $0x4  }
0xf5: {  	v3 =	vor.u32 v25, v63;
	v2 =	vshll.u32 v1, $0x3  }
0xf6: {  	v4 =	vand.u32 $0xFFFF8000, v1;
	v1 =	vshrl.u32 v1, $0xC;
	v2 =	vand.u32 $0x7FF8, v2  }
0xf7: {  	v1 =	vand.u32 $0x7, v1;
	v2 =	vor.u32 v4, v2  }
0xf8: {  	v1 =	vor.u32 v1, v2  }
0xf9: {  	[tilespmem:s11+$0xFFFFFF30] =	vst v1  }
0xfa: {  	v1 =	vld.idx.msk [tilespmem:v3+s2+$0x0], $0xffff;
	_ =	sdelay $0x4  }
0xfb: {  	v3 =	vor.u32 v26, v63;
	v2 =	vshll.u32 v1, $0x3  }
0xfc: {  	v4 =	vand.u32 $0xFFFF8000, v1;
	v1 =	vshrl.u32 v1, $0xC;
	v2 =	vand.u32 $0x7FF8, v2  }
0xfd: {  	v1 =	vand.u32 $0x7, v1;
	v2 =	vor.u32 v4, v2  }
0xfe: {  	v1 =	vor.u32 v1, v2  }
0xff: {  	[tilespmem:s11+$0xFFFFFF40] =	vst v1  }
0x100: {  	v1 =	vld.idx.msk [tilespmem:v3+s2+$0x0], $0xffff;
	_ =	sdelay $0x4  }
0x101: {  	v3 =	vor.u32 v27, v63;
	v2 =	vshll.u32 v1, $0x3  }
0x102: {  	v4 =	vand.u32 $0xFFFF8000, v1;
	v1 =	vshrl.u32 v1, $0xC;
	v2 =	vand.u32 $0x7FF8, v2  }
0x103: {  	v1 =	vand.u32 $0x7, v1;
	v2 =	vor.u32 v4, v2  }
0x104: {  	v1 =	vor.u32 v1, v2  }
0x105: {  	[tilespmem:s11+$0xFFFFFF50] =	vst v1  }
0x106: {  	v1 =	vld.idx.msk [tilespmem:v3+s2+$0x0], $0xffff;
	_ =	sdelay $0x4  }
0x107: {  	v3 =	vor.u32 v28, v63;
	v2 =	vshll.u32 v1, $0x3  }
0x108: {  	v4 =	vand.u32 $0xFFFF8000, v1;
	v1 =	vshrl.u32 v1, $0xC;
	v2 =	vand.u32 $0x7FF8, v2  }
0x109: {  	v1 =	vand.u32 $0x7, v1;
	v2 =	vor.u32 v4, v2  }
0x10a: {  	v1 =	vor.u32 v1, v2  }
0x10b: {  	[tilespmem:s11+$0xFFFFFF60] =	vst v1  }
0x10c: {  	v1 =	vld.idx.msk [tilespmem:v3+s2+$0x0], $0xffff;
	_ =	sdelay $0x4  }
0x10d: {  	v3 =	vor.u32 v29, v63;
	v2 =	vshll.u32 v1, $0x3  }
0x10e: {  	v4 =	vand.u32 $0xFFFF8000, v1;
	v1 =	vshrl.u32 v1, $0xC;
	v2 =	vand.u32 $0x7FF8, v2  }
0x10f: {  	v1 =	vand.u32 $0x7, v1;
	v2 =	vor.u32 v4, v2  }
0x110: {  	v1 =	vor.u32 v1, v2  }
0x111: {  	[tilespmem:s11+$0xFFFFFF70] =	vst v1  }
0x112: {  	v1 =	vld.idx.msk [tilespmem:v3+s2+$0x0], $0xffff;
	_ =	sdelay $0x4  }
0x113: {  	v3 =	vor.u32 v30, v63;
	v2 =	vshll.u32 v1, $0x3  }
0x114: {  	v4 =	vand.u32 $0xFFFF8000, v1;
	v1 =	vshrl.u32 v1, $0xC;
	v2 =	vand.u32 $0x7FF8, v2  }
0x115: {  	v1 =	vand.u32 $0x7, v1;
	v2 =	vor.u32 v4, v2  }
0x116: {  	v1 =	vor.u32 v1, v2  }
0x117: {  	[tilespmem:s11+$0xFFFFFF80] =	vst v1  }
0x118: {  	v1 =	vld.idx.msk [tilespmem:v3+s2+$0x0], $0xffff;
	_ =	sdelay $0x4  }
0x119: {  	v3 =	vor.u32 v31, v63;
	v2 =	vshll.u32 v1, $0x3  }
0x11a: {  	v4 =	vand.u32 $0xFFFF8000, v1;
	v1 =	vshrl.u32 v1, $0xC;
	v2 =	vand.u32 $0x7FF8, v2  }
0x11b: {  	v1 =	vand.u32 $0x7, v1;
	v2 =	vor.u32 v4, v2  }
0x11c: {  	v1 =	vor.u32 v1, v2  }
0x11d: {  	[tilespmem:s11+$0xFFFFFF90] =	vst v1  }
0x11e: {  	v1 =	vld.idx.msk [tilespmem:v3+s2+$0x0], $0xffff;
	_ =	sdelay $0x4  }
0x11f: {  	v3 =	vor.u32 v32, v63;
	v2 =	vshll.u32 v1, $0x3  }
0x120: {  	v4 =	vand.u32 $0xFFFF8000, v1;
	v1 =	vshrl.u32 v1, $0xC;
	v2 =	vand.u32 $0x7FF8, v2  }
0x121: {  	v1 =	vand.u32 $0x7, v1;
	v2 =	vor.u32 v4, v2  }
0x122: {  	v1 =	vor.u32 v1, v2  }
0x123: {  	[tilespmem:s11+$0xFFFFFFA0] =	vst v1  }
0x124: {  	v1 =	vld.idx.msk [tilespmem:v3+s2+$0x0], $0xffff;
	_ =	sdelay $0x4  }
0x125: {  	v3 =	vor.u32 v33, v63;
	v2 =	vshll.u32 v1, $0x3  }
0x126: {  	v4 =	vand.u32 $0xFFFF8000, v1;
	v1 =	vshrl.u32 v1, $0xC;
	v2 =	vand.u32 $0x7FF8, v2  }
0x127: {  	v1 =	vand.u32 $0x7, v1;
	v2 =	vor.u32 v4, v2  }
0x128: {  	v1 =	vor.u32 v1, v2  }
0x129: {  	[tilespmem:s11+$0xFFFFFFB0] =	vst v1  }
0x12a: {  	v1 =	vld.idx.msk [tilespmem:v3+s2+$0x0], $0xffff;
	_ =	sdelay $0x4  }
0x12b: {  	v3 =	vor.u32 v34, v63;
	v2 =	vshll.u32 v1, $0x3  }
0x12c: {  	v4 =	vand.u32 $0xFFFF8000, v1;
	v1 =	vshrl.u32 v1, $0xC;
	v2 =	vand.u32 $0x7FF8, v2  }
0x12d: {  	v1 =	vand.u32 $0x7, v1;
	v2 =	vor.u32 v4, v2  }
0x12e: {  	v1 =	vor.u32 v1, v2  }
0x12f: {  	[tilespmem:s11+$0xFFFFFFC0] =	vst v1  }
0x130: {  	v1 =	vld.idx.msk [tilespmem:v3+s2+$0x0], $0xffff;
	_ =	sdelay $0x4  }
0x131: {  	v3 =	vor.u32 v35, v63;
	v2 =	vshll.u32 v1, $0x3  }
0x132: {  	v4 =	vand.u32 $0xFFFF8000, v1;
	v1 =	vshrl.u32 v1, $0xC;
	v2 =	vand.u32 $0x7FF8, v2  }
0x133: {  	v1 =	vand.u32 $0x7, v1;
	v2 =	vor.u32 v4, v2  }
0x134: {  	v1 =	vor.u32 v1, v2  }
0x135: {  	[tilespmem:s11+$0xFFFFFFD0] =	vst v1  }
0x136: {  	v1 =	vld.idx.msk [tilespmem:v3+s2+$0x0], $0xffff;
	_ =	sdelay $0x4  }
0x137: {  	v3 =	vor.u32 v36, v63;
	v2 =	vshll.u32 v1, $0x3  }
0x138: {  	v4 =	vand.u32 $0xFFFF8000, v1;
	v1 =	vshrl.u32 v1, $0xC;
	v2 =	vand.u32 $0x7FF8, v2  }
0x139: {  	v1 =	vand.u32 $0x7, v1;
	v2 =	vor.u32 v4, v2  }
0x13a: {  	v1 =	vor.u32 v1, v2  }
0x13b: {  	[tilespmem:s11+$0xFFFFFFE0] =	vst v1  }
0x13c: {  	v1 =	vld.idx.msk [tilespmem:v3+s2+$0x0], $0xffff;
	_ =	sdelay $0x4  }
0x13d: {  	v3 =	vor.u32 v37, v63;
	v2 =	vshll.u32 v1, $0x3  }
0x13e: {  	v4 =	vand.u32 $0xFFFF8000, v1;
	v1 =	vshrl.u32 v1, $0xC;
	v2 =	vand.u32 $0x7FF8, v2  }
0x13f: {  	v1 =	vand.u32 $0x7, v1;
	v2 =	vor.u32 v4, v2  }
0x140: {  	v1 =	vor.u32 v1, v2  }
0x141: {  	[tilespmem:s11+$0xFFFFFFF0] =	vst v1  }
0x142: {  	v1 =	vld.idx.msk [tilespmem:v3+s2+$0x0], $0xffff;
	_ =	sdelay $0x4  }
0x143: {  	v3 =	vor.u32 v38, v63;
	v2 =	vshll.u32 v1, $0x3  }
0x144: {  	v4 =	vand.u32 $0xFFFF8000, v1;
	v1 =	vshrl.u32 v1, $0xC;
	v2 =	vand.u32 $0x7FF8, v2  }
0x145: {  	v1 =	vand.u32 $0x7, v1;
	v2 =	vor.u32 v4, v2  }
0x146: {  	v1 =	vor.u32 v1, v2  }
0x147: {  	[tilespmem:s11+$0x0] =	vst v1  }
0x148: {  	v1 =	vld.idx.msk [tilespmem:v3+s2+$0x0], $0xffff;
	_ =	sdelay $0x4  }
0x149: {  	v3 =	vor.u32 v39, v63;
	v2 =	vshll.u32 v1, $0x3  }
0x14a: {  	v4 =	vand.u32 $0xFFFF8000, v1;
	v1 =	vshrl.u32 v1, $0xC;
	v2 =	vand.u32 $0x7FF8, v2  }
0x14b: {  	v1 =	vand.u32 $0x7, v1;
	v2 =	vor.u32 v4, v2  }
0x14c: {  	v1 =	vor.u32 v1, v2  }
0x14d: {  	[tilespmem:s11+$0x10] =	vst v1  }
0x14e: {  	v1 =	vld.idx.msk [tilespmem:v3+s2+$0x0], $0xffff;
	_ =	sdelay $0x4  }
0x14f: {  	v3 =	vor.u32 v40, v63;
	v2 =	vshll.u32 v1, $0x3  }
0x150: {  	v4 =	vand.u32 $0xFFFF8000, v1;
	v1 =	vshrl.u32 v1, $0xC;
	v2 =	vand.u32 $0x7FF8, v2  }
0x151: {  	v1 =	vand.u32 $0x7, v1;
	v2 =	vor.u32 v4, v2  }
0x152: {  	v1 =	vor.u32 v1, v2  }
0x153: {  	[tilespmem:s11+$0x20] =	vst v1  }
0x154: {  	v1 =	vld.idx.msk [tilespmem:v3+s2+$0x0], $0xffff;
	_ =	sdelay $0x4  }
0x155: {  	v3 =	vor.u32 v41, v63;
	v2 =	vshll.u32 v1, $0x3  }
0x156: {  	v4 =	vand.u32 $0xFFFF8000, v1;
	v1 =	vshrl.u32 v1, $0xC;
	v2 =	vand.u32 $0x7FF8, v2  }
0x157: {  	v1 =	vand.u32 $0x7, v1;
	v2 =	vor.u32 v4, v2  }
0x158: {  	v1 =	vor.u32 v1, v2  }
0x159: {  	[tilespmem:s11+$0x30] =	vst v1  }
0x15a: {  	v1 =	vld.idx.msk [tilespmem:v3+s2+$0x0], $0xffff;
	_ =	sdelay $0x4  }
0x15b: {  	v3 =	vor.u32 v42, v63;
	v2 =	vshll.u32 v1, $0x3  }
0x15c: {  	v4 =	vand.u32 $0xFFFF8000, v1;
	v1 =	vshrl.u32 v1, $0xC;
	v2 =	vand.u32 $0x7FF8, v2  }
0x15d: {  	v1 =	vand.u32 $0x7, v1;
	v2 =	vor.u32 v4, v2  }
0x15e: {  	v1 =	vor.u32 v1, v2  }
0x15f: {  	[tilespmem:s11+$0x40] =	vst v1  }
0x160: {  	v1 =	vld.idx.msk [tilespmem:v3+s2+$0x0], $0xffff;
	_ =	sdelay $0x4  }
0x161: {  	v3 =	vor.u32 v43, v63;
	v2 =	vshll.u32 v1, $0x3  }
0x162: {  	v4 =	vand.u32 $0xFFFF8000, v1;
	v1 =	vshrl.u32 v1, $0xC;
	v2 =	vand.u32 $0x7FF8, v2  }
0x163: {  	v1 =	vand.u32 $0x7, v1;
	v2 =	vor.u32 v4, v2  }
0x164: {  	v1 =	vor.u32 v1, v2  }
0x165: {  	[tilespmem:s11+$0x50] =	vst v1  }
0x166: {  	v1 =	vld.idx.msk [tilespmem:v3+s2+$0x0], $0xffff;
	_ =	sdelay $0x4  }
0x167: {  	v3 =	vor.u32 v44, v63;
	v2 =	vshll.u32 v1, $0x3  }
0x168: {  	v4 =	vand.u32 $0xFFFF8000, v1;
	v1 =	vshrl.u32 v1, $0xC;
	v2 =	vand.u32 $0x7FF8, v2  }
0x169: {  	v1 =	vand.u32 $0x7, v1;
	v2 =	vor.u32 v4, v2  }
0x16a: {  	v1 =	vor.u32 v1, v2  }
0x16b: {  	[tilespmem:s11+$0x60] =	vst v1  }
0x16c: {  	v1 =	vld.idx.msk [tilespmem:v3+s2+$0x0], $0xffff;
	_ =	sdelay $0x4  }
0x16d: {  	v3 =	vor.u32 v45, v63;
	v2 =	vshll.u32 v1, $0x3  }
0x16e: {  	v4 =	vand.u32 $0xFFFF8000, v1;
	v1 =	vshrl.u32 v1, $0xC;
	v2 =	vand.u32 $0x7FF8, v2  }
0x16f: {  	v1 =	vand.u32 $0x7, v1;
	v2 =	vor.u32 v4, v2  }
0x170: {  	v1 =	vor.u32 v1, v2  }
0x171: {  	[tilespmem:s11+$0x70] =	vst v1  }
0x172: {  	v1 =	vld.idx.msk [tilespmem:v3+s2+$0x0], $0xffff;
	_ =	sdelay $0x4  }
0x173: {  	v3 =	vor.u32 v46, v63;
	v2 =	vshll.u32 v1, $0x3  }
0x174: {  	v4 =	vand.u32 $0xFFFF8000, v1;
	v1 =	vshrl.u32 v1, $0xC;
	v2 =	vand.u32 $0x7FF8, v2  }
0x175: {  	v1 =	vand.u32 $0x7, v1;
	v2 =	vor.u32 v4, v2  }
0x176: {  	v1 =	vor.u32 v1, v2  }
0x177: {  	[tilespmem:s11+$0x80] =	vst v1  }
0x178: {  	v1 =	vld.idx.msk [tilespmem:v3+s2+$0x0], $0xffff;
	_ =	sdelay $0x4  }
0x179: {  	v3 =	vor.u32 v47, v63;
	v2 =	vshll.u32 v1, $0x3  }
0x17a: {  	v4 =	vand.u32 $0xFFFF8000, v1;
	v1 =	vshrl.u32 v1, $0xC;
	v2 =	vand.u32 $0x7FF8, v2  }
0x17b: {  	v1 =	vand.u32 $0x7, v1;
	v2 =	vor.u32 v4, v2  }
0x17c: {  	v1 =	vor.u32 v1, v2  }
0x17d: {  	[tilespmem:s11+$0x90] =	vst v1  }
0x17e: {  	v1 =	vld.idx.msk [tilespmem:v3+s2+$0x0], $0xffff;
	_ =	sdelay $0x4  }
0x17f: {  	v3 =	vor.u32 v48, v63;
	v2 =	vshll.u32 v1, $0x3  }
0x180: {  	v4 =	vand.u32 $0xFFFF8000, v1;
	v1 =	vshrl.u32 v1, $0xC;
	v2 =	vand.u32 $0x7FF8, v2  }
0x181: {  	v1 =	vand.u32 $0x7, v1;
	v2 =	vor.u32 v4, v2  }
0x182: {  	v1 =	vor.u32 v1, v2  }
0x183: {  	[tilespmem:s11+$0xA0] =	vst v1  }
0x184: {  	v1 =	vld.idx.msk [tilespmem:v3+s2+$0x0], $0xffff;
	_ =	sdelay $0x4  }
0x185: {  	v3 =	vor.u32 v49, v63;
	v2 =	vshll.u32 v1, $0x3  }
0x186: {  	v4 =	vand.u32 $0xFFFF8000, v1;
	v1 =	vshrl.u32 v1, $0xC;
	v2 =	vand.u32 $0x7FF8, v2  }
0x187: {  	v1 =	vand.u32 $0x7, v1;
	v2 =	vor.u32 v4, v2  }
0x188: {  	v1 =	vor.u32 v1, v2  }
0x189: {  	[tilespmem:s11+$0xB0] =	vst v1  }
0x18a: {  	v1 =	vld.idx.msk [tilespmem:v3+s2+$0x0], $0xffff;
	_ =	sdelay $0x4  }
0x18b: {  	v3 =	vor.u32 v50, v63;
	v2 =	vshll.u32 v1, $0x3  }
0x18c: {  	v4 =	vand.u32 $0xFFFF8000, v1;
	v1 =	vshrl.u32 v1, $0xC;
	v2 =	vand.u32 $0x7FF8, v2  }
0x18d: {  	v1 =	vand.u32 $0x7, v1;
	v2 =	vor.u32 v4, v2  }
0x18e: {  	v1 =	vor.u32 v1, v2  }
0x18f: {  	[tilespmem:s11+$0xC0] =	vst v1  }
0x190: {  	v1 =	vld.idx.msk [tilespmem:v3+s2+$0x0], $0xffff;
	_ =	sdelay $0x4  }
0x191: {  	v3 =	vor.u32 v51, v63;
	v2 =	vshll.u32 v1, $0x3  }
0x192: {  	v4 =	vand.u32 $0xFFFF8000, v1;
	v1 =	vshrl.u32 v1, $0xC;
	v2 =	vand.u32 $0x7FF8, v2  }
0x193: {  	v1 =	vand.u32 $0x7, v1;
	v2 =	vor.u32 v4, v2  }
0x194: {  	v1 =	vor.u32 v1, v2  }
0x195: {  	[tilespmem:s11+$0xD0] =	vst v1  }
0x196: {  	v1 =	vld.idx.msk [tilespmem:v3+s2+$0x0], $0xffff;
	_ =	sdelay $0x4  }
0x197: {  	v3 =	vor.u32 v52, v63;
	v2 =	vshll.u32 v1, $0x3  }
0x198: {  	v4 =	vand.u32 $0xFFFF8000, v1;
	v1 =	vshrl.u32 v1, $0xC;
	v2 =	vand.u32 $0x7FF8, v2  }
0x199: {  	v1 =	vand.u32 $0x7, v1;
	v2 =	vor.u32 v4, v2  }
0x19a: {  	v1 =	vor.u32 v1, v2  }
0x19b: {  	[tilespmem:s11+$0xE0] =	vst v1  }
0x19c: {  	v1 =	vld.idx.msk [tilespmem:v3+s2+$0x0], $0xffff;
	_ =	sdelay $0x4  }
0x19d: {  	v3 =	vor.u32 v53, v63;
	v2 =	vshll.u32 v1, $0x3  }
0x19e: {  	v4 =	vand.u32 $0xFFFF8000, v1;
	v1 =	vshrl.u32 v1, $0xC;
	v2 =	vand.u32 $0x7FF8, v2  }
0x19f: {  	v1 =	vand.u32 $0x7, v1;
	v2 =	vor.u32 v4, v2  }
0x1a0: {  	v1 =	vor.u32 v1, v2  }
0x1a1: {  	[tilespmem:s11+$0xF0] =	vst v1  }
0x1a2: {  	v1 =	vld.idx.msk [tilespmem:v3+s2+$0x0], $0xffff;
	_ =	sdelay $0x4  }
0x1a3: {  	v3 =	vor.u32 v54, v63;
	v2 =	vshll.u32 v1, $0x3  }
0x1a4: {  	v4 =	vand.u32 $0xFFFF8000, v1;
	v1 =	vshrl.u32 v1, $0xC;
	v2 =	vand.u32 $0x7FF8, v2  }
0x1a5: {  	v1 =	vand.u32 $0x7, v1;
	v2 =	vor.u32 v4, v2  }
0x1a6: {  	v1 =	vor.u32 v1, v2  }
0x1a7: {  	[tilespmem:s11+$0x100] =	vst v1  }
0x1a8: {  	v1 =	vld.idx.msk [tilespmem:v3+s2+$0x0], $0xffff;
	_ =	sdelay $0x4  }
0x1a9: {  	v3 =	vor.u32 v55, v63;
	v2 =	vshll.u32 v1, $0x3  }
0x1aa: {  	v4 =	vand.u32 $0xFFFF8000, v1;
	v1 =	vshrl.u32 v1, $0xC;
	v2 =	vand.u32 $0x7FF8, v2  }
0x1ab: {  	v1 =	vand.u32 $0x7, v1;
	v2 =	vor.u32 v4, v2  }
0x1ac: {  	v1 =	vor.u32 v1, v2  }
0x1ad: {  	[tilespmem:s11+$0x110] =	vst v1  }
0x1ae: {  	v1 =	vld.idx.msk [tilespmem:v3+s2+$0x0], $0xffff;
	_ =	sdelay $0x4  }
0x1af: {  	v3 =	vor.u32 v56, v63;
	v2 =	vshll.u32 v1, $0x3  }
0x1b0: {  	v4 =	vand.u32 $0xFFFF8000, v1;
	v1 =	vshrl.u32 v1, $0xC;
	v2 =	vand.u32 $0x7FF8, v2  }
0x1b1: {  	v1 =	vand.u32 $0x7, v1;
	v2 =	vor.u32 v4, v2  }
0x1b2: {  	v1 =	vor.u32 v1, v2  }
0x1b3: {  	[tilespmem:s11+$0x120] =	vst v1  }
0x1b4: {  	v1 =	vld.idx.msk [tilespmem:v3+s2+$0x0], $0xffff;
	_ =	sdelay $0x4  }
0x1b5: {  	v3 =	vor.u32 v57, v63;
	v2 =	vshll.u32 v1, $0x3  }
0x1b6: {  	v4 =	vand.u32 $0xFFFF8000, v1;
	v1 =	vshrl.u32 v1, $0xC;
	v2 =	vand.u32 $0x7FF8, v2  }
0x1b7: {  	v1 =	vand.u32 $0x7, v1;
	v2 =	vor.u32 v4, v2  }
0x1b8: {  	v1 =	vor.u32 v1, v2  }
0x1b9: {  	[tilespmem:s11+$0x130] =	vst v1  }
0x1ba: {  	v1 =	vld.idx.msk [tilespmem:v3+s2+$0x0], $0xffff;
	_ =	sdelay $0x4  }
0x1bb: {  	v3 =	vor.u32 v58, v63;
	v2 =	vshll.u32 v1, $0x3  }
0x1bc: {  	v4 =	vand.u32 $0xFFFF8000, v1;
	v1 =	vshrl.u32 v1, $0xC;
	v2 =	vand.u32 $0x7FF8, v2  }
0x1bd: {  	v1 =	vand.u32 $0x7, v1;
	v2 =	vor.u32 v4, v2  }
0x1be: {  	v1 =	vor.u32 v1, v2  }
0x1bf: {  	[tilespmem:s11+$0x140] =	vst v1  }
0x1c0: {  	v1 =	vld.idx.msk [tilespmem:v3+s2+$0x0], $0xffff;
	_ =	sdelay $0x4  }
0x1c1: {  	v3 =	vor.u32 v59, v63;
	v2 =	vshll.u32 v1, $0x3  }
0x1c2: {  	v4 =	vand.u32 $0xFFFF8000, v1;
	v1 =	vshrl.u32 v1, $0xC;
	v2 =	vand.u32 $0x7FF8, v2  }
0x1c3: {  	v1 =	vand.u32 $0x7, v1;
	v2 =	vor.u32 v4, v2  }
0x1c4: {  	v1 =	vor.u32 v1, v2  }
0x1c5: {  	[tilespmem:s11+$0x150] =	vst v1  }
0x1c6: {  	v1 =	vld.idx.msk [tilespmem:v3+s2+$0x0], $0xffff;
	_ =	sdelay $0x4  }
0x1c7: {  	v3 =	vor.u32 v60, v63;
	v2 =	vshll.u32 v1, $0x3  }
0x1c8: {  	v4 =	vand.u32 $0xFFFF8000, v1;
	v1 =	vshrl.u32 v1, $0xC;
	v2 =	vand.u32 $0x7FF8, v2  }
0x1c9: {  	v1 =	vand.u32 $0x7, v1;
	v2 =	vor.u32 v4, v2  }
0x1ca: {  	v1 =	vor.u32 v1, v2  }
0x1cb: {  	[tilespmem:s11+$0x160] =	vst v1  }
0x1cc: {  	v1 =	vld.idx.msk [tilespmem:v3+s2+$0x0], $0xffff;
	_ =	sdelay $0x4  }
0x1cd: {  	v3 =	vor.u32 v61, v63;
	v2 =	vshll.u32 v1, $0x3  }
0x1ce: {  	v4 =	vand.u32 $0xFFFF8000, v1;
	v1 =	vshrl.u32 v1, $0xC;
	v2 =	vand.u32 $0x7FF8, v2  }
0x1cf: {  	v1 =	vand.u32 $0x7, v1;
	v2 =	vor.u32 v4, v2  }
0x1d0: {  	v1 =	vor.u32 v1, v2  }
0x1d1: {  	[tilespmem:s11+$0x170] =	vst v1  }
0x1d2: {  	v1 =	vld.idx.msk [tilespmem:v3+s2+$0x0], $0xffff;
	_ =	sdelay $0x4  }
0x1d3: {  	v3 =	vor.u32 v62, v63;
	v2 =	vshll.u32 v1, $0x3  }
0x1d4: {  	v4 =	vand.u32 $0xFFFF8000, v1;
	v1 =	vshrl.u32 v1, $0xC;
	v2 =	vand.u32 $0x7FF8, v2  }
0x1d5: {  	v1 =	vand.u32 $0x7, v1;
	v2 =	vor.u32 v4, v2  }
0x1d6: {  	v1 =	vor.u32 v1, v2  }
0x1d7: {  	[tilespmem:s11+$0x180] =	vst v1  }
0x1d8: {  	v1 =	vld.idx.msk [tilespmem:v3+s2+$0x0], $0xffff;
	_ =	sdelay $0x4  }
0x1d9: {  	v3 =	vor.u32 v7, v63;
	v2 =	vshll.u32 v1, $0x3  }
0x1da: {  	v4 =	vand.u32 $0xFFFF8000, v1;
	v1 =	vshrl.u32 v1, $0xC;
	v2 =	vand.u32 $0x7FF8, v2  }
0x1db: {  	v1 =	vand.u32 $0x7, v1;
	v2 =	vor.u32 v4, v2  }
0x1dc: {  	v1 =	vor.u32 v1, v2  }
0x1dd: {  	[tilespmem:s11+$0x190] =	vst v1  }
0x1de: {  	v1 =	vld.idx.msk [tilespmem:v3+s2+$0x0], $0xffff;
	_ =	sdelay $0x4  }
0x1df: {  	v3 =	vor.u32 v8, v63;
	v2 =	vshll.u32 v1, $0x3  }
0x1e0: {  	v4 =	vand.u32 $0xFFFF8000, v1;
	v1 =	vshrl.u32 v1, $0xC;
	v2 =	vand.u32 $0x7FF8, v2  }
0x1e1: {  	v1 =	vand.u32 $0x7, v1;
	v2 =	vor.u32 v4, v2  }
0x1e2: {  	v1 =	vor.u32 v1, v2  }
0x1e3: {  	[tilespmem:s11+$0x1A0] =	vst v1  }
0x1e4: {  	v1 =	vld.idx.msk [tilespmem:v3+s2+$0x0], $0xffff;
	_ =	sdelay $0x4  }
0x1e5: {  	v3 =	vor.u32 v9, v63;
	v2 =	vshll.u32 v1, $0x3  }
0x1e6: {  	v4 =	vand.u32 $0xFFFF8000, v1;
	v1 =	vshrl.u32 v1, $0xC;
	v2 =	vand.u32 $0x7FF8, v2  }
0x1e7: {  	v1 =	vand.u32 $0x7, v1;
	v2 =	vor.u32 v4, v2  }
0x1e8: {  	v1 =	vor.u32 v1, v2  }
0x1e9: {  	[tilespmem:s11+$0x1B0] =	vst v1  }
0x1ea: {  	v1 =	vld.idx.msk [tilespmem:v3+s2+$0x0], $0xffff;
	_ =	sdelay $0x4  }
0x1eb: {  	v3 =	vor.u32 v10, v63;
	v2 =	vshll.u32 v1, $0x3  }
0x1ec: {  	v4 =	vand.u32 $0xFFFF8000, v1;
	v1 =	vshrl.u32 v1, $0xC;
	v2 =	vand.u32 $0x7FF8, v2  }
0x1ed: {  	v1 =	vand.u32 $0x7, v1;
	v2 =	vor.u32 v4, v2  }
0x1ee: {  	v1 =	vor.u32 v1, v2  }
0x1ef: {  	[tilespmem:s11+$0x1C0] =	vst v1  }
0x1f0: {  	v1 =	vld.idx.msk [tilespmem:v3+s2+$0x0], $0xffff;
	_ =	sdelay $0x3  }
0x1f1: {  	v2 =	vor.u32 $0x7C, v0  }
0x1f2: {  	v2 =	vor.u32 v2, v63;
	v3 =	vshll.u32 v1, $0x3  }
0x1f3: {  	v4 =	vand.u32 $0xFFFF8000, v1;
	v1 =	vshrl.u32 v1, $0xC;
	v3 =	vand.u32 $0x7FF8, v3  }
0x1f4: {  	v1 =	vand.u32 $0x7, v1;
	v3 =	vor.u32 v4, v3  }
0x1f5: {  	v1 =	vor.u32 v1, v3  }
0x1f6: {  	[tilespmem:s11+$0x1D0] =	vst v1  }
0x1f7: {  	v1 =	vld.idx.msk [tilespmem:v2+s2+$0x0], $0xffff;
	_ =	sdelay $0x3  }
0x1f8: {  	v2 =	vor.u32 $0x7E, v0  }
0x1f9: {  	v2 =	vor.u32 v2, v63;
	v3 =	vshll.u32 v1, $0x3  }
0x1fa: {  	v4 =	vand.u32 $0xFFFF8000, v1;
	v1 =	vshrl.u32 v1, $0xC;
	v3 =	vand.u32 $0x7FF8, v3  }
0x1fb: {  	v1 =	vand.u32 $0x7, v1;
	v3 =	vor.u32 v4, v3  }
0x1fc: {  	v1 =	vor.u32 v1, v3  }
0x1fd: {  	[tilespmem:s11+$0x1E0] =	vst v1  }
0x1fe: {  	v1 =	vld.idx.msk [tilespmem:v2+s2+$0x0], $0xffff;
	_ =	sdelay $0x3  }
0x1ff: {  	p0 =	sne.s32 s12, $0xC0  }
.Ltmp0:
0x200: {  	v2 =	vshll.u32 v1, $0x3;
	(pc) =	sbr.rel @p0 .LBB2_2-.Ltmp0, $4  }
0x201: {  	v3 =	vand.u32 $0xFFFF8000, v1;
	v1 =	vshrl.u32 v1, $0xC;
	v2 =	vand.u32 $0x7FF8, v2  }
0x202: {  	v1 =	vand.u32 $0x7, v1;
	v2 =	vor.u32 v3, v2  }
0x203: {  	v1 =	vor.u32 v1, v2  }
0x204: {  	s12 =	sadd.s32 $0x8, s12;
	[tilespmem:s11+$0x1F0] =	vst v1;
	s11 =	sadd.s32 $0x400, s11  }
0x205: {  	s10 =	sadd.s32 $0x1, s10  }
0x206: {  	p0 =	sne.s32 s10, s5  }
.Ltmp1:
0x207: {  	_ = 	snop;
	(pc) =	sbr.rel @p0 .LBB2_1-.Ltmp1, $4  }
0x208: {  	[hbm4b:s4+s2] =	stream.linear.scatter [tilespmem:s9], [sflag:$0x1], $0x6400, $0x38;
	[tilespmem:$0xC800] =	vst v63  }
0x209: {  	_ =	swait.ge [sflag:s8], $0x6400  }
0x20a: {  	[sflag:s8] =	ssyncset.done $0x0  }
0x20b: {  	[sflag:s8] =	ssyncadd.s32 $0xFFFF9C00  }
0x20c: {  	_ =	sfence.sel $0x180000  }
0x20d: {  	[bflag:$0x0] =	sbarrier.arrive $0xFFFF  }
0x20e: {  	p0 =	sne.s32 s0, $0x0;
	_ =	strace $0x90000047  }
0x20f: {  	s0 =	sadd.s32 @!p0 $0x100000, s1;
	[bflag:$0x2] =	sbarrier.arrive $0xFFFF  }
0x210: {  	[sflag:s0] =	ssyncadd.tile.s32 @!p0 $0x1;
	_ =	shalt  }
.Lfunc_end2:
_tile_overlayer_lowered:
.L_overlay_start_2:
0x211: {  	(tag) =	ssettag $0x2  }
0x212: {  	s0 =	rddreg [dreg:$0x0];
	s2 =	stileid.u32  }
0x213: {  	s1 =	rddreg [dreg:$0x1];
	p0 =	sne.s32 s2, $0x0  }
0x214: {  	s3 =	rddreg [dreg:$0x2];
	[bflag:$0x3] =	sbarrier.arrive $0xFFFF;
	s2 =	simm.s32 @!p0 $0x1C01  }
0x215: {  	[timem:s3], [sflag:s2] =	dma.local @!p0 [hbm:s0], s1  }
0x216: {  	s0 =	simm.s32 @!p0 $0x1  }
0x217: {  	_ =	swait.ge @!p0 [sflag:s0], s1  }
0x218: {  	s1 =	ssub.s32 @!p0 $0x0, s1;
	[sflag:s0] =	ssyncset.done @!p0 $0x0  }
0x219: {  	[sflag:s0] =	ssyncadd.s32 @!p0 s1  }
0x21a: {  	[bflag:$0x3] =	sbarrier.arrive $0xFFFF  }
0x21b: {  	_ =	shalt  }

// kernel: kernel.9.cloned.1.call-start
scs
__scs_entry_jumppad:
0x0: {  	(pc) =	sbr.rel $0x88, $3  }
0x1: {  	(tag) =	ssettag $0x0;
	lr =	simm.s32 $0x1  }
0x2: {  	[smem:$0x3F9C] =	sst lr;
	_ =	strace $0xD0000000  }
0x3: {  	_ = 	snop  }
0x4: {  	_ = 	snop  }
0x5: {  	_ = 	snop  }
0x6: {  	_ = 	snop  }
0x7: {  	_ = 	snop  }
__scs_overlays_trampoline_lowered:
0x8: {  	[smem:$0x3FAB] =	sst s0  }
0x9: {  	[smem:$0x3FAC] =	sst s1  }
0xa: {  	[smem:$0x3FAD] =	sst s2  }
0xb: {  	[smem:$0x3FAE] =	sst s3  }
0xc: {  	[smem:$0x3FAF] =	sst s4  }
0xd: {  	[smem:$0x3FB0] =	sst s5  }
0xe: {  	[smem:$0x3FB1] =	sst s6  }
0xf: {  	[smem:$0x3FB2] =	sst s7  }
0x10: {  	[smem:$0x3FB3] =	sst s8  }
0x11: {  	[smem:$0x3FB4] =	sst s9;
	s0 =	simm.s32 @!p0 $0x0  }
0x12: {  	s1 =	sld [smem:$0x3F9A];
	s0 =	simm.s32 @p0 $0x1  }
0x13: {  	[smem:$0x3FB5] =	sst s0;
	s0 =	simm.s32 @!p1 $0x0  }
0x14: {  	s2 =	sld [smem:$0x3F99];
	s0 =	simm.s32 @p1 $0x1  }
0x15: {  	[smem:$0x3FB6] =	sst s0;
	s0 =	simm.s32 @!p2 $0x0  }
0x16: {  	s3 =	sld [smem:$0x3FDB];
	s0 =	simm.s32 @p2 $0x1  }
0x17: {  	s4 =	simm.s32 $0x1BF5;
	[smem:$0x3FB8] =	sst s0  }
0x18: {  	s0 =	sld [smem:$0x3F9B];
	_ =	swait.ge [sflag:s4], $0x0  }
0x19: {  	s7 =	sld [smem:$0x3F9C]  }
0x1a: {  	s8 =	sadd.s32 $0xFFFFE003, lr  }
0x1b: {  	s9 =	sadd.s32 $0xFFFFFEF7, lr;
	s5 =	simm.s32 $0xFFFFFFFF;
	p2 =	slt.u32 s8, $0xFFFFF086  }
0x1c: {  	p1 =	slt.u32 s9, $0xF7A;
	s5 =	simm.s32 @!p2 $0x0  }
0x1d: {  	s5 =	simm.s32 @p1 $0x1;
	p0 =	seq.s32 s7, s2  }
0x1e: {  	s7 =	smul.u32 @!p0 $0xF7A, s2;
	p2 =	seq.s32 @!p0 s5, $0x0  }
0x1f: {  	s9 =	smul.u32 $0xF7A, s1;
	s8 =	simm.s32 @!p0 $0x1BF5;
	p2 =	por !p2, p0  }
0x20: {  	[sflag:s8] =	ssyncset.s32 @!p0 $0xFFFFF086;
	s6 =	sadd.s32 @!p0 s3, s7;
	s7 =	simm.s32 @!p0 $0x108  }
0x21: {  	s3 =	sadd.s32 s3, s9;
	s6 =	sadd.s32 @!p0 $0x88, s6;
	s7 =	simm.s32 @p2 $0x1082  }
0x22: {  	[simem:s7], [sflag:s8] =	dma.local @!p0 [hbm:s6], $0xF7A  }
0x23: {  	s9 =	sor.u32 $0xD0000000, s2;
	s6 =	simm.s32 $0x108;
	_ =	swait.ge @!p0 [sflag:s8], $0x0  }
0x24: {  	s3 =	sadd.s32 $0x88, s3;
	s6 =	simm.s32 @!p1 $0x1082;
	[sflag:s4] =	ssyncset.s32 $0xFFFFF086  }
0x25: {  	[simem:s6], [sflag:s4] =	dma.local [hbm:s3], $0xF7A  }
0x26: {  	[smem:$0x3F9C] =	sst s1;
	(tag) =	ssettag s2;
	_ =	strace s9  }
0x27: {  	s1 =	sld [smem:$0x3FAC]  }
0x28: {  	s2 =	sld [smem:$0x3FAD]  }
0x29: {  	s4 =	sld [smem:$0x3FAF]  }
0x2a: {  	p0 =	seq.s32 s5, $0x0;
	s5 =	sld [smem:$0x3FB0]  }
0x2b: {  	s6 =	sld [smem:$0x3FB1]  }
0x2c: {  	s7 =	sld [smem:$0x3FB2]  }
0x2d: {  	s3 =	simm.s32 $0x108;
	s8 =	sld [smem:$0x3FB3]  }
0x2e: {  	s3 =	simm.s32 @!p0 $0x1082;
	s9 =	sld [smem:$0x3FB4]  }
0x2f: {  	lr =	sadd.s32 s0, s3;
	s0 =	sld [smem:$0x3FAB]  }
0x30: {  	s3 =	sld [smem:$0x3FAE]  }
0x31: {  	[smem:$0x3FB7] =	sst s10  }
0x32: {  	s10 =	sld [smem:$0x3FB5];
	_ =	sdelay $0x3  }
0x33: {  	p0 =	seq.s32 s10, $0x1;
	s10 =	sld [smem:$0x3FB7];
	_ =	sdelay $0x3  }
0x34: {  	[smem:$0x3FB7] =	sst s10  }
0x35: {  	s10 =	sld [smem:$0x3FB6];
	_ =	sdelay $0x3  }
0x36: {  	p1 =	seq.s32 s10, $0x1;
	s10 =	sld [smem:$0x3FB7];
	_ =	sdelay $0x3  }
0x37: {  	[smem:$0x3FB7] =	sst s10  }
0x38: {  	s10 =	sld [smem:$0x3FB8]  }
0x39: {  	_ = 	snop;
	(pc) =	sbr.ind lr, $3  }
0x3a: {  	_ = 	snop  }
0x3b: {  	_ = 	snop  }
0x3c: {  	p2 =	seq.s32 s10, $0x1;
	s10 =	sld [smem:$0x3FB7]  }
0x3d: {  	_ =	shalt  }
0x3e: {  	_ =	shalt  }
0x3f: {  	_ =	shalt  }
0x40: {  	_ =	shalt  }
0x41: {  	_ =	shalt  }
0x42: {  	_ =	shalt  }
0x43: {  	_ =	shalt  }
0x44: {  	_ =	shalt  }
0x45: {  	_ =	shalt  }
0x46: {  	_ =	shalt  }
0x47: {  	_ =	shalt  }
0x48: {  	_ =	shalt  }
0x49: {  	_ =	shalt  }
0x4a: {  	_ =	shalt  }
0x4b: {  	_ =	shalt  }
0x4c: {  	_ =	shalt  }
0x4d: {  	_ =	shalt  }
0x4e: {  	_ =	shalt  }
0x4f: {  	_ =	shalt  }
0x50: {  	_ =	shalt  }
0x51: {  	_ =	shalt  }
0x52: {  	_ =	shalt  }
0x53: {  	_ =	shalt  }
0x54: {  	_ =	shalt  }
0x55: {  	_ =	shalt  }
0x56: {  	_ =	shalt  }
0x57: {  	_ =	shalt  }
0x58: {  	_ =	shalt  }
0x59: {  	_ =	shalt  }
0x5a: {  	_ =	shalt  }
0x5b: {  	_ =	shalt  }
0x5c: {  	_ =	shalt  }
0x5d: {  	_ =	shalt  }
0x5e: {  	_ =	shalt  }
0x5f: {  	_ =	shalt  }
0x60: {  	_ =	shalt  }
0x61: {  	_ =	shalt  }
0x62: {  	_ =	shalt  }
0x63: {  	_ =	shalt  }
0x64: {  	_ =	shalt  }
0x65: {  	_ =	shalt  }
0x66: {  	_ =	shalt  }
0x67: {  	_ =	shalt  }
0x68: {  	_ =	shalt  }
0x69: {  	_ =	shalt  }
0x6a: {  	_ =	shalt  }
0x6b: {  	_ =	shalt  }
0x6c: {  	_ =	shalt  }
0x6d: {  	_ =	shalt  }
0x6e: {  	_ =	shalt  }
0x6f: {  	_ =	shalt  }
0x70: {  	_ =	shalt  }
0x71: {  	_ =	shalt  }
0x72: {  	_ =	shalt  }
0x73: {  	_ =	shalt  }
0x74: {  	_ =	shalt  }
0x75: {  	_ =	shalt  }
0x76: {  	_ =	shalt  }
0x77: {  	_ =	shalt  }
0x78: {  	_ =	shalt  }
0x79: {  	_ =	shalt  }
0x7a: {  	_ =	shalt  }
0x7b: {  	_ =	shalt  }
0x7c: {  	_ =	shalt  }
0x7d: {  	_ =	shalt  }
0x7e: {  	_ =	shalt  }
0x7f: {  	_ =	shalt  }
0x80: {  	_ =	shalt  }
0x81: {  	_ =	shalt  }
0x82: {  	_ =	shalt  }
0x83: {  	_ =	shalt  }
0x84: {  	_ =	shalt  }
0x85: {  	_ =	shalt  }
0x86: {  	_ =	shalt  }
0x87: {  	_ =	shalt  }
.Lfunc_end0:
.L_simem_size_0:
called_computation.1_lowered:
.L_overlay_start_0:
0x88: {  	s2 =	sld [smem:$0x3FD9]  }
0x89: {  	s3 =	sld [smem:$0x3FFE];
	_ =	sdelay $0x1  }
0x8a: {  	s1 =	srdreg.scid  }
0x8b: {  	s0 =	sand.u32 $0x1, s1  }
0x8c: {  	s16 =	sshll.u32 s0, $0xA;
	s2 =	sadd.s32 s3, s2  }
0x8d: {  	s2 =	sadd.s32 s2, s16  }
0x8e: {  	[smem:$0x3FC3] =	sst s2  }
0x8f: {  	_ = 	snop  }
0x90: {  	(tm) =	ssettm $0x1  }
0x91: {  	s17 =	sld [smem:$0x3FFB];
	_ =	sdelay $0x3  }
0x92: {  	_ =	strace s17  }
0x93: {  	s2 =	sld [smem:$0x3FFC];
	_ =	sdelay $0x3  }
0x94: {  	_ =	strace s2  }
0x95: {  	s2 =	sld [smem:$0x3FFD];
	_ =	sdelay $0x3  }
0x96: {  	_ =	strace s2  }
0x97: {  	_ =	strace $0x8FFFFFFF  }
0x98: {  	s18 =	sld [smem:$0x3FDB];
	_ =	sdelay $0x1  }
0x99: {  	s19 =	simm.s32 $_scs_section_size  }
0x9a: {  	s4 =	simm.s32 $_size__tile_overlayer_lowered;
	s5 =	simm.s32 $_tile_overlayer_lowered  }
0x9b: {  	s22 =	simm.s32 $0x1BFF;
	s21 =	sshll.u32 s5, $0x1;
	s2 =	sadd.s32 s19, s18  }
0x9c: {  	s6 =	simm.s32 $0x0;
	s20 =	sshll.u32 s4, $0x1;
	s4 =	sadd.s32 s21, s2  }
0x9d: {  	[timem:s6], [sflag:s22] =	dma.local [hbm:s4], s20  }
0x9e: {  	_ =	swait.ge [sflag:s22], s20  }
0x9f: {  	s3 =	ssub.s32 $0x0, s20;
	[sflag:s22] =	ssyncset.done $0x0  }
0xa0: {  	[sflag:s22] =	ssyncadd.s32 s3;
	_ =	sdelay $0x1  }
0xa1: {  	s23 =	simm.s32 $0x1B8B  }
0xa2: {  	_ =	swait.ge [sflag:s23], $0x1  }
0xa3: {  	[sflag:s23] =	ssyncset.done $0x0  }
0xa4: {  	s25 =	simm.s32 $0x1B8E;
	s24 =	sld [smem:$0x3FFE];
	[sflag:s23] =	ssyncadd.s32 $0xFFFFFFFF  }
0xa5: {  	s26 =	simm.s32 $execute0_lowered;
	[smem:$0x3FD2] =	sst s25  }
0xa6: {  	s4 =	sshll.u32 s26, $0x1;
	_ =	strace $0x80000049;
	[dreg:$0x1] =	wrdreg $0xFFFFFFFF  }
0xa7: {  	s28 =	simm.s32 $_size_execute0_lowered;
	s2 =	sadd.s32 s2, s4;
	[dreg:$0x0] =	wrdreg $0x0  }
0xa8: {  	s4 =	sshll.u32 s28, $0x1;
	[dreg:$0x2] =	wrdreg s2  }
0xa9: {  	[dreg:$0x3] =	wrdreg s4  }
0xaa: {  	[dreg:$0x4] =	wrdreg $0xC0  }
0xab: {  	_ =	task [dreg:s6], $0x5FFFF  }
0xac: {  	[dreg:$0x1] =	wrdreg $0xFFFFFFFF  }
0xad: {  	[dreg:$0x0] =	wrdreg $0x60  }
0xae: {  	[dreg:$0x2] =	wrdreg s24  }
0xaf: {  	[dreg:$0x3] =	wrdreg $0x9  }
0xb0: {  	_ =	task.clear_ibuf [dreg:s6], $0x4FFFF;
	_ =	strace $0x90000049  }
0xb1: {  	s29 =	simm.s32 $0x9;
	_ =	strace $0x8000004B  }
0xb2: {  	_ =	swait.ge [sflag:s29], $0x1  }
0xb3: {  	[sflag:s29] =	ssyncadd.s32 $0xFFFFFFFF  }
0xb4: {  	_ =	strace $0x9000004B  }
0xb5: {  	_ =	sfence  }
0xb6: {  	s30 =	sld [smem:$0x0];
	_ =	sdelay $0x2  }
0xb7: {  	s31 =	sshll.u32 s1, $0xD;
	s1 =	sshrl.u32 s1, $0x2  }
0xb8: {  	s3 =	sand.u32 $0x4000, s31;
	s1 =	sadd.s32 s1, s30  }
0xb9: {  	s0 =	sor.u32 s3, s0;
	s1 =	sshll.u32 s1, $0x11  }
0xba: {  	s0 =	sor.u32 s1, s0  }
0xbb: {  	s0 =	sadd.s32 $0x8F2B, s0  }
0xbc: {  	[sflag:s0] =	ssyncadd.remote.s32 $0x1  }
0xbd: {  	_ =	sfence.sel $0xFFFF  }
0xbe: {  	[dreg:$0x0] =	wrdreg $0xFFFFFFFF;
	(pc) =	sbr.abs _section_cstart, $3  }
0xbf: {  	[dreg:$0x1] =	wrdreg $0xFFFFFFFF  }
0xc0: {  	_ =	task.clear_ibuf [dreg:s6], $0x2FFFF;
	_ =	strace $0x9FFFFFFF  }
0xc1: {  	(tm) =	ssettm $0x7FFFFFFF  }
tec
execute0_lowered:
.L_overlay_start_1:
0x0: {  	(tag) =	ssettag $0x1  }
0x1: {  	s0 =	srdreg.scid;
	s8 =	stileid.u32  }
0x2: {  	s1 =	rddreg [dreg:$0x0];
	s2 =	simm.s32 $0x0;
	s10 =	simm.s32 $0x80  }
0x3: {  	s11 =	simm.s32 $0x6400;
	s12 =	simm.s32 $0x6C00;
	s14 =	simm.s32 $0x7400  }
0x4: {  	s16 =	simm.s32 $0x7C00;
	s18 =	simm.s32 $0x8400;
	s20 =	simm.s32 $0x8C00  }
0x5: {  	s29 =	simm.s32 $0x1;
	s30 =	simm.s32 $0x3;
	s31 =	simm.s32 $0x2  }
0x6: {  	s0 =	sand.u32 $0x1, s0;
	s3 =	sshll.u32 s8, $0x1;
	[smem:$0x7FF] =	sst s2  }
0x7: {  	s8 =	sshll.u32 s8, $0xF;
	s4 =	sor.u32 s0, s3;
	_ =	strace $0x8000004A  }
0x8: {  	s3 =	sadd.s32 $0x32E00, s1;
	s6 =	ssub.s32 $0x2, s0;
	s0 =	sshll.u32 s0, $0xE  }
0x9: {  	s5 =	smul.u32 $0xC80, s4;
	s7 =	sshrl.u32 s6, $0x1;
	s0 =	sor.u32 s0, s8  }
0xa: {  	s4 =	sshll.u32 s4, $0xB;
	s6 =	ssub.s32 s6, s7;
	s25 =	sor.u32 $0x80000, s0  }
0xb: {  	s0 =	sshrl.u32 s0, $0x3;
	s5 =	sadd.s32 s5, s1;
	s1 =	sadd.s32 $0x222E00, s1  }
0xc: {  	s26 =	smax.u32 s6, $0x1;
	s7 =	sshrl.u32 s25, $0x3;
	s22 =	sadd.s32 s4, s1  }
0xd: {  	s23 =	sadd.s32 $0x19E00, s5;
	[dreg:$0x4] =	wrdreg s26;
	s17 =	sadd.s32 s0, s1  }
0xe: {  	s28 =	sadd.s32 s7, s1;
	s26 =	simm.s32 $0xA400;
	[dreg:$0x2] =	wrdreg s23  }
0xf: {  	s0 =	simm.s32 $0x0;
	s24 =	sadd.s32 $0x180000, s22;
	[dreg:$0x5] =	wrdreg s28  }
0x10: {  	s22 =	simm.s32 $0x9400;
	[dreg:$0x3] =	wrdreg s24;
	s24 =	simm.s32 $0x9C00  }
.LBB2_1:
0x11: {  	s1 =	rddreg [dreg:$0x2];
	s7 =	simm.s32 $0x5  }
0x12: {  	[tilespmem:s2], [sflag:$0x5] =	stream.linear.gather [hbm4b:s1+s2], $0x6400, $0x38;
	[tilespmem:$0xE400] =	vst v63  }
0x13: {  	_ =	swait.ge [sflag:s7], $0x6400  }
0x14: {  	[sflag:s7] =	ssyncset.done $0x0  }
0x15: {  	[sflag:s7] =	ssyncadd.s32 $0xFFFF9C00  }
0x16: {  	[tilespmem:s11], [sflag:$0x1] =	stream.indirect.gather [hbm4b:s3+s10], $0x10, s2, s10, $0xb8;
	[tilespmem:$0xE400] =	vst v63  }
0x17: {  	_ = 	snop  }
0x18: {  	[tilespmem:s12], [sflag:$0x1] =	stream.indirect.gather [hbm4b:s3+s10], $0x10, s10, s10, $0xb8;
	[tilespmem:$0xE400] =	vst v63  }
0x19: {  	s8 =	simm.s32 $0x100  }
0x1a: {  	[tilespmem:s14], [sflag:$0x1] =	stream.indirect.gather [hbm4b:s3+s10], $0x10, s8, s10, $0xb8;
	[tilespmem:$0xE400] =	vst v63  }
0x1b: {  	s9 =	simm.s32 $0x180  }
0x1c: {  	[tilespmem:s16], [sflag:$0x1] =	stream.indirect.gather [hbm4b:s3+s10], $0x10, s9, s10, $0xb8;
	[tilespmem:$0xE400] =	vst v63  }
0x1d: {  	s13 =	simm.s32 $0x200  }
0x1e: {  	[tilespmem:s18], [sflag:$0x1] =	stream.indirect.gather [hbm4b:s3+s10], $0x10, s13, s10, $0xb8;
	[tilespmem:$0xE400] =	vst v63  }
0x1f: {  	s15 =	simm.s32 $0x280  }
0x20: {  	[tilespmem:s20], [sflag:$0x1] =	stream.indirect.gather [hbm4b:s3+s10], $0x10, s15, s10, $0xb8;
	[tilespmem:$0xE400] =	vst v63  }
0x21: {  	s19 =	simm.s32 $0x300  }
0x22: {  	[tilespmem:s22], [sflag:$0x1] =	stream.indirect.gather [hbm4b:s3+s10], $0x10, s19, s10, $0xb8;
	[tilespmem:$0xE400] =	vst v63  }
0x23: {  	s21 =	simm.s32 $0x380  }
0x24: {  	[tilespmem:s24], [sflag:$0x1] =	stream.indirect.gather [hbm4b:s3+s10], $0x10, s21, s10, $0xb8;
	[tilespmem:$0xE400] =	vst v63  }
0x25: {  	s23 =	simm.s32 $0x400  }
0x26: {  	[tilespmem:s26], [sflag:$0x2] =	stream.indirect.gather [hbm4b:s3+s10], $0x10, s23, s10, $0xb8;
	[tilespmem:$0xE400] =	vst v63  }
0x27: {  	s25 =	simm.s32 $0x480;
	s4 =	simm.s32 $0xAC00  }
0x28: {  	[tilespmem:s4], [sflag:$0x2] =	stream.indirect.gather [hbm4b:s3+s10], $0x10, s25, s10, $0xb8;
	[tilespmem:$0xE400] =	vst v63  }
0x29: {  	s5 =	simm.s32 $0xB400;
	s4 =	simm.s32 $0x500  }
0x2a: {  	[tilespmem:s5], [sflag:$0x2] =	stream.indirect.gather [hbm4b:s3+s10], $0x10, s4, s10, $0xb8;
	[tilespmem:$0xE400] =	vst v63  }
0x2b: {  	s6 =	simm.s32 $0x580;
	s7 =	simm.s32 $0xBC00  }
0x2c: {  	[tilespmem:s7], [sflag:$0x2] =	stream.indirect.gather [hbm4b:s3+s10], $0x10, s6, s10, $0xb8;
	[tilespmem:$0xE400] =	vst v63  }
0x2d: {  	s8 =	simm.s32 $0x600;
	s9 =	simm.s32 $0xC400  }
0x2e: {  	[tilespmem:s9], [sflag:$0x2] =	stream.indirect.gather [hbm4b:s3+s10], $0x10, s8, s10, $0xb8;
	[tilespmem:$0xE400] =	vst v63  }
0x2f: {  	s13 =	simm.s32 $0x680;
	s15 =	simm.s32 $0xCC00  }
0x30: {  	[tilespmem:s15], [sflag:$0x2] =	stream.indirect.gather [hbm4b:s3+s10], $0x10, s13, s10, $0xb8;
	[tilespmem:$0xE400] =	vst v63  }
0x31: {  	s19 =	simm.s32 $0x700;
	s21 =	simm.s32 $0xD400  }
0x32: {  	[tilespmem:s21], [sflag:$0x2] =	stream.indirect.gather [hbm4b:s3+s10], $0x10, s19, s10, $0xb8;
	[tilespmem:$0xE400] =	vst v63  }
0x33: {  	s23 =	simm.s32 $0x780;
	s25 =	simm.s32 $0xDC00  }
0x34: {  	[tilespmem:s25], [sflag:$0x2] =	stream.indirect.gather [hbm4b:s3+s10], $0x10, s23, s10, $0xb8;
	[tilespmem:$0xE400] =	vst v63  }
0x35: {  	_ =	swait.ge [sflag:s29], $0x800  }
0x36: {  	[sflag:s29] =	ssyncset.done $0x0  }
0x37: {  	[sflag:s29] =	ssyncadd.s32 $0xFFFFF800  }
0x38: {  	_ =	swait.ge [sflag:s29], $0x800  }
0x39: {  	[sflag:s29] =	ssyncset.done $0x0  }
0x3a: {  	[sflag:s29] =	ssyncadd.s32 $0xFFFFF800  }
0x3b: {  	_ =	swait.ge [sflag:s29], $0x800  }
0x3c: {  	[sflag:s29] =	ssyncset.done $0x0  }
0x3d: {  	[sflag:s29] =	ssyncadd.s32 $0xFFFFF800  }
0x3e: {  	_ =	swait.ge [sflag:s29], $0x800  }
0x3f: {  	[sflag:s29] =	ssyncset.done $0x0  }
0x40: {  	[sflag:s29] =	ssyncadd.s32 $0xFFFFF800  }
0x41: {  	_ =	swait.ge [sflag:s29], $0x800  }
0x42: {  	[sflag:s29] =	ssyncset.done $0x0  }
0x43: {  	[sflag:s29] =	ssyncadd.s32 $0xFFFFF800  }
0x44: {  	_ =	swait.ge [sflag:s29], $0x800  }
0x45: {  	[sflag:s29] =	ssyncset.done $0x0  }
0x46: {  	[sflag:s29] =	ssyncadd.s32 $0xFFFFF800  }
0x47: {  	_ =	swait.ge [sflag:s29], $0x800  }
0x48: {  	[sflag:s29] =	ssyncset.done $0x0  }
0x49: {  	[sflag:s29] =	ssyncadd.s32 $0xFFFFF800  }
0x4a: {  	_ =	swait.ge [sflag:s29], $0x800  }
0x4b: {  	[sflag:s29] =	ssyncset.done $0x0  }
0x4c: {  	[sflag:s29] =	ssyncadd.s32 $0xFFFFF800  }
0x4d: {  	[hbm4b:s17+s2] =	stream.linear.scatter [tilespmem:s11], [sflag:$0x3], $0x4000, $0x38;
	[tilespmem:$0xE400] =	vst v63  }
0x4e: {  	_ =	swait.ge [sflag:s30], $0x4000  }
0x4f: {  	[sflag:s30] =	ssyncset.done $0x0  }
0x50: {  	s7 =	simm.s32 $0x800;
	[sflag:s30] =	ssyncadd.s32 $0xFFFFC000  }
0x51: {  	[tilespmem:s11], [sflag:$0x1] =	stream.indirect.gather [hbm4b:s3+s10], $0x10, s7, s10, $0xb8;
	[tilespmem:$0xE400] =	vst v63  }
0x52: {  	s5 =	simm.s32 $0x880  }
0x53: {  	[tilespmem:s12], [sflag:$0x1] =	stream.indirect.gather [hbm4b:s3+s10], $0x10, s5, s10, $0xb8;
	[tilespmem:$0xE400] =	vst v63  }
0x54: {  	s6 =	simm.s32 $0x900  }
0x55: {  	[tilespmem:s14], [sflag:$0x1] =	stream.indirect.gather [hbm4b:s3+s10], $0x10, s6, s10, $0xb8;
	[tilespmem:$0xE400] =	vst v63  }
0x56: {  	s8 =	simm.s32 $0x980  }
0x57: {  	[tilespmem:s16], [sflag:$0x1] =	stream.indirect.gather [hbm4b:s3+s10], $0x10, s8, s10, $0xb8;
	[tilespmem:$0xE400] =	vst v63  }
0x58: {  	s9 =	simm.s32 $0xA00  }
0x59: {  	[tilespmem:s18], [sflag:$0x1] =	stream.indirect.gather [hbm4b:s3+s10], $0x10, s9, s10, $0xb8;
	[tilespmem:$0xE400] =	vst v63  }
0x5a: {  	s13 =	simm.s32 $0xA80  }
0x5b: {  	[tilespmem:s20], [sflag:$0x1] =	stream.indirect.gather [hbm4b:s3+s10], $0x10, s13, s10, $0xb8;
	[tilespmem:$0xE400] =	vst v63  }
0x5c: {  	s15 =	simm.s32 $0xB00  }
0x5d: {  	[tilespmem:s22], [sflag:$0x1] =	stream.indirect.gather [hbm4b:s3+s10], $0x10, s15, s10, $0xb8;
	[tilespmem:$0xE400] =	vst v63  }
0x5e: {  	s19 =	simm.s32 $0xB80  }
0x5f: {  	[tilespmem:s24], [sflag:$0x1] =	stream.indirect.gather [hbm4b:s3+s10], $0x10, s19, s10, $0xb8;
	[tilespmem:$0xE400] =	vst v63  }
0x60: {  	_ =	swait.ge [sflag:s31], $0x800  }
0x61: {  	[sflag:s31] =	ssyncset.done $0x0  }
0x62: {  	[sflag:s31] =	ssyncadd.s32 $0xFFFFF800  }
0x63: {  	_ =	swait.ge [sflag:s31], $0x800  }
0x64: {  	[sflag:s31] =	ssyncset.done $0x0  }
0x65: {  	[sflag:s31] =	ssyncadd.s32 $0xFFFFF800  }
0x66: {  	_ =	swait.ge [sflag:s31], $0x800  }
0x67: {  	[sflag:s31] =	ssyncset.done $0x0  }
0x68: {  	[sflag:s31] =	ssyncadd.s32 $0xFFFFF800  }
0x69: {  	_ =	swait.ge [sflag:s31], $0x800  }
0x6a: {  	[sflag:s31] =	ssyncset.done $0x0  }
0x6b: {  	[sflag:s31] =	ssyncadd.s32 $0xFFFFF800  }
0x6c: {  	_ =	swait.ge [sflag:s31], $0x800  }
0x6d: {  	[sflag:s31] =	ssyncset.done $0x0  }
0x6e: {  	[sflag:s31] =	ssyncadd.s32 $0xFFFFF800  }
0x6f: {  	_ =	swait.ge [sflag:s31], $0x800  }
0x70: {  	[sflag:s31] =	ssyncset.done $0x0  }
0x71: {  	[sflag:s31] =	ssyncadd.s32 $0xFFFFF800  }
0x72: {  	_ =	swait.ge [sflag:s31], $0x800  }
0x73: {  	[sflag:s31] =	ssyncset.done $0x0  }
0x74: {  	[sflag:s31] =	ssyncadd.s32 $0xFFFFF800  }
0x75: {  	_ =	swait.ge [sflag:s31], $0x800  }
0x76: {  	p1 =	por $0x0, $0x0;
	[sflag:s31] =	ssyncset.done $0x0  }
0x77: {  	s7 =	simm.s32 @!p1 $0x4;
	s21 =	rddreg [dreg:$0x5];
	[sflag:s31] =	ssyncadd.s32 $0xFFFFF800  }
0x78: {  	[hbm4b:s21+s2] =	stream.linear.scatter [tilespmem:s26], [sflag:$0x4], $0x4000, $0x38;
	[tilespmem:$0xE400] =	vst v63  }
0x79: {  	_ =	swait.ge @!p1 [sflag:s7], $0x4000  }
0x7a: {  	s23 =	simm.s32 @!p1 $0x80;
	[sflag:s7] =	ssyncset.done @!p1 $0x0  }
0x7b: {  	s13 =	simm.s32 @!p1 $0xC00;
	s15 =	simm.s32 @!p1 $0xA400;
	[sflag:s7] =	ssyncadd.s32 @!p1 $0xFFFFC000  }
0x7c: {  	[tilespmem:s15], [sflag:$0x2] =	stream.indirect.gather @!p1 [hbm4b:s3+s23], $0x10, s13, s23, $0xb8;
	[tilespmem:$0xE400] =	vst v63  }
0x7d: {  	s7 =	simm.s32 @!p1 $0xC80;
	s13 =	simm.s32 @!p1 $0xAC00  }
0x7e: {  	[tilespmem:s13], [sflag:$0x2] =	stream.indirect.gather @!p1 [hbm4b:s3+s23], $0x10, s7, s23, $0xb8;
	[tilespmem:$0xE400] =	vst v63  }
0x7f: {  	s7 =	simm.s32 @!p1 $0xD00;
	s13 =	simm.s32 @!p1 $0xB400  }
0x80: {  	[tilespmem:s13], [sflag:$0x2] =	stream.indirect.gather @!p1 [hbm4b:s3+s23], $0x10, s7, s23, $0xb8;
	[tilespmem:$0xE400] =	vst v63  }
0x81: {  	s7 =	simm.s32 @!p1 $0xD80;
	s13 =	simm.s32 @!p1 $0xBC00  }
0x82: {  	[tilespmem:s13], [sflag:$0x2] =	stream.indirect.gather @!p1 [hbm4b:s3+s23], $0x10, s7, s23, $0xb8;
	[tilespmem:$0xE400] =	vst v63  }
0x83: {  	s28 =	simm.s32 @!p1 $0xDC00;
	s7 =	simm.s32 @!p1 $0xE00;
	s13 =	simm.s32 @!p1 $0xC400  }
0x84: {  	[tilespmem:s13], [sflag:$0x2] =	stream.indirect.gather @!p1 [hbm4b:s3+s23], $0x10, s7, s23, $0xb8;
	[tilespmem:$0xE400] =	vst v63  }
0x85: {  	s25 =	simm.s32 @!p1 $0xF80;
	s7 =	simm.s32 @!p1 $0xE80;
	s13 =	simm.s32 @!p1 $0xCC00  }
0x86: {  	[tilespmem:s13], [sflag:$0x2] =	stream.indirect.gather @!p1 [hbm4b:s3+s23], $0x10, s7, s23, $0xb8;
	[tilespmem:$0xE400] =	vst v63  }
0x87: {  	s19 =	simm.s32 $0x1;
	s7 =	simm.s32 @!p1 $0xF00;
	s13 =	simm.s32 @!p1 $0xD400  }
0x88: {  	[tilespmem:s13], [sflag:$0x2] =	stream.indirect.gather @!p1 [hbm4b:s3+s23], $0x10, s7, s23, $0xb8;
	[tilespmem:$0xE400] =	vst v63  }
0x89: {  	s15 =	sadd.s32 $0x20000, s21;
	s13 =	simm.s32 $0x2000;
	s7 =	smov.u32 s17  }
.LBB2_2:
0x8a: {  	s7 =	sadd.s32 $0x20000, s7  }
0x8b: {  	s19 =	sadd.s32 $0x2, s19;
	s21 =	smov.u32 s13;
	s13 =	sadd.s32 $0x2000, s13  }
0x8c: {  	[tilespmem:s28], [sflag:$0x2] =	stream.indirect.gather @!p1 [hbm4b:s3+s23], $0x10, s25, s23, $0xb8;
	[tilespmem:$0xE400] =	vst v63  }
0x8d: {  	p0 =	sne.s32 s13, $0x18000;
	_ =	swait.ge [sflag:s29], $0x800  }
0x8e: {  	[sflag:s29] =	ssyncset.done $0x0  }
0x8f: {  	[sflag:s29] =	ssyncadd.s32 $0xFFFFF800  }
0x90: {  	_ =	swait.ge [sflag:s29], $0x800  }
0x91: {  	[sflag:s29] =	ssyncset.done $0x0  }
0x92: {  	[sflag:s29] =	ssyncadd.s32 $0xFFFFF800  }
0x93: {  	_ =	swait.ge [sflag:s29], $0x800  }
0x94: {  	[sflag:s29] =	ssyncset.done $0x0  }
0x95: {  	[sflag:s29] =	ssyncadd.s32 $0xFFFFF800  }
0x96: {  	_ =	swait.ge [sflag:s29], $0x800  }
0x97: {  	[sflag:s29] =	ssyncset.done $0x0  }
0x98: {  	[sflag:s29] =	ssyncadd.s32 $0xFFFFF800  }
0x99: {  	_ =	swait.ge [sflag:s29], $0x800  }
0x9a: {  	[sflag:s29] =	ssyncset.done $0x0  }
0x9b: {  	[sflag:s29] =	ssyncadd.s32 $0xFFFFF800  }
0x9c: {  	_ =	swait.ge [sflag:s29], $0x800  }
0x9d: {  	[sflag:s29] =	ssyncset.done $0x0  }
0x9e: {  	[sflag:s29] =	ssyncadd.s32 $0xFFFFF800  }
0x9f: {  	_ =	swait.ge [sflag:s29], $0x800  }
0xa0: {  	[sflag:s29] =	ssyncset.done $0x0  }
0xa1: {  	[sflag:s29] =	ssyncadd.s32 $0xFFFFF800  }
0xa2: {  	_ =	swait.ge [sflag:s29], $0x800  }
0xa3: {  	[sflag:s29] =	ssyncset.done $0x0  }
0xa4: {  	[sflag:s29] =	ssyncadd.s32 $0xFFFFF800  }
0xa5: {  	[hbm4b:s7+s2] =	stream.linear.scatter [tilespmem:s11], [sflag:$0x3], $0x4000, $0x38;
	[tilespmem:$0xE400] =	vst v63  }
0xa6: {  	_ =	swait.ge [sflag:s30], $0x4000  }
0xa7: {  	s23 =	sshra.s32 s21, $0x2;
	[sflag:s30] =	ssyncset.done $0x0  }
0xa8: {  	s25 =	sadd.s32 $0x800, s23;
	[sflag:s30] =	ssyncadd.s32 $0xFFFFC000  }
0xa9: {  	[tilespmem:s11], [sflag:$0x1] =	stream.indirect.gather [hbm4b:s3+s10], $0x10, s25, s10, $0xb8;
	[tilespmem:$0xE400] =	vst v63  }
0xaa: {  	s25 =	sadd.s32 $0x880, s23  }
0xab: {  	[tilespmem:s12], [sflag:$0x1] =	stream.indirect.gather [hbm4b:s3+s10], $0x10, s25, s10, $0xb8;
	[tilespmem:$0xE400] =	vst v63  }
0xac: {  	s25 =	sadd.s32 $0x900, s23  }
0xad: {  	[tilespmem:s14], [sflag:$0x1] =	stream.indirect.gather [hbm4b:s3+s10], $0x10, s25, s10, $0xb8;
	[tilespmem:$0xE400] =	vst v63  }
0xae: {  	s25 =	sadd.s32 $0x980, s23  }
0xaf: {  	[tilespmem:s16], [sflag:$0x1] =	stream.indirect.gather [hbm4b:s3+s10], $0x10, s25, s10, $0xb8;
	[tilespmem:$0xE400] =	vst v63  }
0xb0: {  	s25 =	sadd.s32 $0xA00, s23  }
0xb1: {  	[tilespmem:s18], [sflag:$0x1] =	stream.indirect.gather [hbm4b:s3+s10], $0x10, s25, s10, $0xb8;
	[tilespmem:$0xE400] =	vst v63  }
0xb2: {  	s25 =	sadd.s32 $0xA80, s23  }
0xb3: {  	[tilespmem:s20], [sflag:$0x1] =	stream.indirect.gather [hbm4b:s3+s10], $0x10, s25, s10, $0xb8;
	[tilespmem:$0xE400] =	vst v63  }
0xb4: {  	s25 =	sadd.s32 $0xB00, s23  }
0xb5: {  	[tilespmem:s22], [sflag:$0x1] =	stream.indirect.gather [hbm4b:s3+s10], $0x10, s25, s10, $0xb8;
	[tilespmem:$0xE400] =	vst v63  }
0xb6: {  	s23 =	sadd.s32 $0xB80, s23  }
0xb7: {  	[tilespmem:s24], [sflag:$0x1] =	stream.indirect.gather [hbm4b:s3+s10], $0x10, s23, s10, $0xb8;
	[tilespmem:$0xE400] =	vst v63  }
0xb8: {  	_ =	swait.ge [sflag:s31], $0x800  }
0xb9: {  	[sflag:s31] =	ssyncset.done $0x0  }
0xba: {  	[sflag:s31] =	ssyncadd.s32 $0xFFFFF800  }
0xbb: {  	_ =	swait.ge [sflag:s31], $0x800  }
0xbc: {  	[sflag:s31] =	ssyncset.done $0x0  }
0xbd: {  	[sflag:s31] =	ssyncadd.s32 $0xFFFFF800  }
0xbe: {  	_ =	swait.ge [sflag:s31], $0x800  }
0xbf: {  	[sflag:s31] =	ssyncset.done $0x0  }
0xc0: {  	[sflag:s31] =	ssyncadd.s32 $0xFFFFF800  }
0xc1: {  	_ =	swait.ge [sflag:s31], $0x800  }
0xc2: {  	[sflag:s31] =	ssyncset.done $0x0  }
0xc3: {  	[sflag:s31] =	ssyncadd.s32 $0xFFFFF800  }
0xc4: {  	_ =	swait.ge [sflag:s31], $0x800  }
0xc5: {  	[sflag:s31] =	ssyncset.done $0x0  }
0xc6: {  	[sflag:s31] =	ssyncadd.s32 $0xFFFFF800  }
0xc7: {  	_ =	swait.ge [sflag:s31], $0x800  }
0xc8: {  	[sflag:s31] =	ssyncset.done $0x0  }
0xc9: {  	[sflag:s31] =	ssyncadd.s32 $0xFFFFF800  }
0xca: {  	_ =	swait.ge [sflag:s31], $0x800  }
0xcb: {  	[sflag:s31] =	ssyncset.done $0x0  }
0xcc: {  	[sflag:s31] =	ssyncadd.s32 $0xFFFFF800  }
0xcd: {  	_ =	swait.ge [sflag:s31], $0x800  }
0xce: {  	[sflag:s31] =	ssyncset.done $0x0  }
0xcf: {  	p1 =	sgt.u32 s19, $0x16;
	[sflag:s31] =	ssyncadd.s32 $0xFFFFF800  }
0xd0: {  	[hbm4b:s15+s2] =	stream.linear.scatter [tilespmem:s26], [sflag:$0x4], $0x4000, $0x38;
	[tilespmem:$0xE400] =	vst v63  }
0xd1: {  	s21 =	sshra.s32 @!p1 s21, $0x2;
	s25 =	simm.s32 @!p1 $0x4  }
0xd2: {  	s28 =	sadd.s32 @!p1 $0xC00, s21;
	s4 =	sadd.s32 @!p1 $0xC80, s21;
	_ =	swait.ge @!p1 [sflag:s25], $0x4000  }
0xd3: {  	s5 =	simm.s32 @!p1 $0xA400;
	s23 =	simm.s32 @!p1 $0x80;
	[sflag:s25] =	ssyncset.done @!p1 $0x0  }
0xd4: {  	s6 =	sadd.s32 @!p1 $0xD00, s21;
	[sflag:s25] =	ssyncadd.s32 @!p1 $0xFFFFC000;
	s25 =	simm.s32 @!p1 $0xAC00  }
0xd5: {  	[tilespmem:s5], [sflag:$0x2] =	stream.indirect.gather @!p1 [hbm4b:s3+s23], $0x10, s28, s23, $0xb8;
	[tilespmem:$0xE400] =	vst v63  }
0xd6: {  	s9 =	sadd.s32 @!p1 $0xE00, s21;
	s5 =	simm.s32 @!p1 $0xB400;
	s28 =	sadd.s32 @!p1 $0xD80, s21  }
0xd7: {  	[tilespmem:s25], [sflag:$0x2] =	stream.indirect.gather @!p1 [hbm4b:s3+s23], $0x10, s4, s23, $0xb8;
	[tilespmem:$0xE400] =	vst v63  }
0xd8: {  	s1 =	sadd.s32 @!p1 $0xE80, s21;
	s8 =	sadd.s32 @!p1 $0xF00, s21;
	s4 =	simm.s32 @!p1 $0xBC00  }
0xd9: {  	[tilespmem:s5], [sflag:$0x2] =	stream.indirect.gather @!p1 [hbm4b:s3+s23], $0x10, s6, s23, $0xb8;
	[tilespmem:$0xE400] =	vst v63  }
0xda: {  	s25 =	sadd.s32 @!p1 $0xF80, s21;
	s5 =	simm.s32 @!p1 $0xC400  }
0xdb: {  	[tilespmem:s4], [sflag:$0x2] =	stream.indirect.gather @!p1 [hbm4b:s3+s23], $0x10, s28, s23, $0xb8;
	[tilespmem:$0xE400] =	vst v63  }
0xdc: {  	s4 =	simm.s32 @!p1 $0xCC00  }
0xdd: {  	[tilespmem:s5], [sflag:$0x2] =	stream.indirect.gather @!p1 [hbm4b:s3+s23], $0x10, s9, s23, $0xb8;
	[tilespmem:$0xE400] =	vst v63  }
.Ltmp0:
0xde: {  	_ = 	snop;
	(pc) =	sbr.rel @p0 .LBB2_2-.Ltmp0, $4  }
0xdf: {  	s5 =	simm.s32 @!p1 $0xD400  }
0xe0: {  	[tilespmem:s4], [sflag:$0x2] =	stream.indirect.gather @!p1 [hbm4b:s3+s23], $0x10, s1, s23, $0xb8;
	[tilespmem:$0xE400] =	vst v63  }
0xe1: {  	s15 =	sadd.s32 $0x20000, s15;
	s28 =	simm.s32 @!p1 $0xDC00  }
0xe2: {  	[tilespmem:s5], [sflag:$0x2] =	stream.indirect.gather @!p1 [hbm4b:s3+s23], $0x10, s8, s23, $0xb8;
	[tilespmem:$0xE400] =	vst v63  }
0xe3: {  	[tilespmem:s28], [sflag:$0x2] =	stream.indirect.gather @!p1 [hbm4b:s3+s23], $0x10, s25, s23, $0xb8;
	[tilespmem:$0xE400] =	vst v63  }
0xe4: {  	_ =	swait.ge [sflag:s29], $0x800  }
0xe5: {  	[sflag:s29] =	ssyncset.done $0x0  }
0xe6: {  	[sflag:s29] =	ssyncadd.s32 $0xFFFFF800  }
0xe7: {  	_ =	swait.ge [sflag:s29], $0x800  }
0xe8: {  	[sflag:s29] =	ssyncset.done $0x0  }
0xe9: {  	[sflag:s29] =	ssyncadd.s32 $0xFFFFF800  }
0xea: {  	_ =	swait.ge [sflag:s29], $0x800  }
0xeb: {  	[sflag:s29] =	ssyncset.done $0x0  }
0xec: {  	[sflag:s29] =	ssyncadd.s32 $0xFFFFF800  }
0xed: {  	_ =	swait.ge [sflag:s29], $0x800  }
0xee: {  	[sflag:s29] =	ssyncset.done $0x0  }
0xef: {  	[sflag:s29] =	ssyncadd.s32 $0xFFFFF800  }
0xf0: {  	_ =	swait.ge [sflag:s29], $0x800  }
0xf1: {  	[sflag:s29] =	ssyncset.done $0x0  }
0xf2: {  	[sflag:s29] =	ssyncadd.s32 $0xFFFFF800  }
0xf3: {  	_ =	swait.ge [sflag:s29], $0x800  }
0xf4: {  	[sflag:s29] =	ssyncset.done $0x0  }
0xf5: {  	[sflag:s29] =	ssyncadd.s32 $0xFFFFF800  }
0xf6: {  	_ =	swait.ge [sflag:s29], $0x800  }
0xf7: {  	[sflag:s29] =	ssyncset.done $0x0  }
0xf8: {  	[sflag:s29] =	ssyncadd.s32 $0xFFFFF800  }
0xf9: {  	_ =	swait.ge [sflag:s29], $0x800  }
0xfa: {  	[sflag:s29] =	ssyncset.done $0x0  }
0xfb: {  	s25 =	simm.s32 $0x4;
	s1 =	rddreg [dreg:$0x3];
	[sflag:s29] =	ssyncadd.s32 $0xFFFFF800  }
0xfc: {  	[hbm4b:s1+s2] =	stream.linear.scatter [tilespmem:s11], [sflag:$0x3], $0x4000, $0x38;
	[tilespmem:$0xE400] =	vst v63  }
0xfd: {  	_ =	swait.ge [sflag:s25], $0x4000  }
0xfe: {  	[sflag:s25] =	ssyncset.done $0x0  }
0xff: {  	[sflag:s25] =	ssyncadd.s32 $0xFFFFC000  }
0x100: {  	_ =	swait.ge [sflag:s30], $0x4000  }
0x101: {  	s0 =	sadd.s32 $0x1, s0;
	s28 =	rddreg [dreg:$0x4]  }
0x102: {  	p0 =	sne.s32 s0, s28  }
.Ltmp1:
0x103: {  	_ = 	snop;
	(pc) =	sbr.rel @p0 .LBB2_1-.Ltmp1, $3  }
0x104: {  	_ =	sdelay $0x1  }
0x105: {  	[sflag:s30] =	ssyncset.done $0x0  }
0x106: {  	[sflag:s30] =	ssyncadd.s32 $0xFFFFC000  }
0x107: {  	_ =	sfence.sel $0x180000  }
0x108: {  	[bflag:$0x0] =	sbarrier.arrive $0xFFFF  }
0x109: {  	_ =	strace $0x9000004A  }
0x10a: {  	s0 =	stileid.u32;
	[bflag:$0x2] =	sbarrier.arrive $0xFFFF  }
0x10b: {  	p0 =	sne.s32 s0, $0x0;
	s0 =	rddreg [dreg:$0x1]  }
0x10c: {  	s0 =	sadd.s32 @!p0 $0x100000, s0  }
0x10d: {  	[sflag:s0] =	ssyncadd.tile.s32 @!p0 $0x1;
	_ =	shalt  }
.Lfunc_end2:
_tile_overlayer_lowered:
.L_overlay_start_2:
0x10e: {  	(tag) =	ssettag $0x2  }
0x10f: {  	s0 =	rddreg [dreg:$0x0];
	s2 =	stileid.u32  }
0x110: {  	s1 =	rddreg [dreg:$0x1];
	p0 =	sne.s32 s2, $0x0  }
0x111: {  	s3 =	rddreg [dreg:$0x2];
	[bflag:$0x3] =	sbarrier.arrive $0xFFFF;
	s2 =	simm.s32 @!p0 $0x1C05  }
0x112: {  	[timem:s3], [sflag:s2] =	dma.local @!p0 [hbm:s0], s1  }
0x113: {  	s0 =	simm.s32 @!p0 $0x5  }
0x114: {  	_ =	swait.ge @!p0 [sflag:s0], s1  }
0x115: {  	s1 =	ssub.s32 @!p0 $0x0, s1;
	[sflag:s0] =	ssyncset.done @!p0 $0x0  }
0x116: {  	[sflag:s0] =	ssyncadd.s32 @!p0 s1  }
0x117: {  	[bflag:$0x3] =	sbarrier.arrive $0xFFFF  }
0x118: {  	_ =	shalt  }

</sc_bundles>
